<compile_context>
chip_gen: v7x
topology: tpu7x:2x2x1
jax: 0.10.2.dev20260603
libtpu: 0.0.44.dev20260713+nightly
codegen_flags: <defaults>
</compile_context>

<pallas_src>
import functools

import jax
import jax.numpy as jnp
from jax import lax
from jax.experimental import pallas as pl
from jax.experimental.pallas import tpu as pltpu
from jax.experimental.pallas import tpu_sc as plsc

N = 4096
E = 131072
D = 128
NC = 2
NS = 16
L = 16
NW = NC * NS
EPW = E // NW
SCK = 512
NSC = EPW // SCK
NJ = SCK // 128
NPAD = 4608
TPR = NPAD // NS

_mesh = plsc.VectorSubcoreMesh(core_axis_name="c", subcore_axis_name="s")



@functools.partial(
    pl.kernel,
    mesh=_mesh,
    out_type=(
        jax.ShapeDtypeStruct((NC * N,), jnp.float32),
        jax.ShapeDtypeStruct((N * N,), jnp.int32),
    ),
    scratch_types=(
        pltpu.VMEM((SCK,), jnp.int32),
        tuple(pltpu.VMEM((128,), jnp.int32) for _ in range(NJ)),
        tuple(pltpu.VMEM((128,), jnp.int32) for _ in range(NJ)),
        pltpu.VMEM((NJ, 128), jnp.int32),
        pltpu.VMEM((128,), jnp.float32),
        pltpu.VMEM((256,), jnp.float32),
        pltpu.VMEM_SHARED((N,), jnp.float32),
        pltpu.SemaphoreType.DMA,
    ),
)
def _p1(row_hbm, col_hbm, deg_out, table_out,
        row_flat, cols, keys, eidv, ones, zbuf, sdeg, sem):
    c = lax.axis_index("c")
    s = lax.axis_index("s")
    wid = s * NC + c
    lane = lax.iota(jnp.int32, L)
    for g in range(128 // L):
        ones[pl.ds(g * L, L)] = jnp.full((L,), 1.0, jnp.float32)
    for g in range(256 // L):
        zbuf[pl.ds(g * L, L)] = jnp.zeros((L,), jnp.float32)
    pltpu.sync_copy(zbuf, sdeg.at[pl.ds(s * 256, 256)])
    plsc.subcore_barrier()

    ebase = wid * EPW

    def body(i, carry):
        base = ebase + i * SCK
        pltpu.sync_copy(row_hbm.at[pl.ds(base, SCK)], row_flat)
        for j in range(NJ):
            pltpu.sync_copy(col_hbm.at[pl.ds(base + j * 128, 128)], cols[j])
        for j in range(NJ):
            for g in range(128 // L):
                off = j * 128 + g * L
                r = row_flat[pl.ds(off, L)]
                cc = cols[j][pl.ds(g * L, L)]
                keys[j][pl.ds(g * L, L)] = (r << 12) | cc
                eidv[j, pl.ds(g * L, L)] = (base + off) + lane
        cps = []
        for j in range(NJ):
            cps.append(pltpu.async_copy(eidv.at[j], table_out.at[keys[j]], sem))
        for j in range(NJ):
            pltpu.sync_copy(ones, sdeg.at[cols[j]], add=True)
        for cp in cps:
            cp.wait()
        return carry

    lax.fori_loop(0, NSC, body, 0)
    plsc.subcore_barrier()
    pltpu.sync_copy(sdeg.at[pl.ds(s * 256, 256)], zbuf)
    pltpu.sync_copy(zbuf, deg_out.at[pl.ds(c * N + s * 256, 256)])



def _p1b_body(degp_ref, x_ref, y_ref):
    deg = degp_ref[0] + degp_ref[1]
    ok = deg > 0.0
    dis = jnp.where(ok, lax.rsqrt(jnp.where(ok, deg, 1.0)), 0.0)
    y_ref[...] = dis * x_ref[...]


def _p1b(degp, x):
    return pl.pallas_call(
        _p1b_body,
        grid=(N // 128,),
        in_specs=[
            pl.BlockSpec((NC, 128, 1), lambda i: (0, i, 0)),
            pl.BlockSpec((128, D), lambda i: (i, 0)),
        ],
        out_specs=pl.BlockSpec((128, D), lambda i: (i, 0)),
        out_shape=jax.ShapeDtypeStruct((N, D), jnp.float32),
    )(degp, x)



@functools.partial(
    pl.kernel,
    mesh=_mesh,
    out_type=(
        jax.ShapeDtypeStruct((NC, NPAD, D), jnp.float32),
        jax.ShapeDtypeStruct((NC * NPAD,), jnp.float32),
    ),
    scratch_types=(
        pltpu.VMEM((SCK,), jnp.int32),
        pltpu.VMEM((SCK,), jnp.int32),
        pltpu.VMEM((SCK,), jnp.int32),
        pltpu.VMEM((SCK,), jnp.int32),
        tuple(pltpu.VMEM((128,), jnp.int32) for _ in range(NJ)),
        pltpu.VMEM((NJ, 128), jnp.float32),
        pltpu.VMEM((NJ, 128, D), jnp.float32),
        pltpu.VMEM((8, D), jnp.float32),
        pltpu.VMEM((TPR,), jnp.float32),
        pltpu.VMEM((96, D), jnp.float32),
        pltpu.VMEM_SHARED((NPAD, D), jnp.float32),
        pltpu.VMEM_SHARED((NPAD,), jnp.float32),
        pltpu.SemaphoreType.DMA,
        pltpu.SemaphoreType.DMA,
        pltpu.SemaphoreType.DMA,
    ),
)
def _p2(row_hbm, col_hbm, table_hbm, y_hbm, acc_out, self_out,
        row_flat, col_flat, key_flat, tid_flat, row2s, sval, rows4,
        zrows, zvec, obuf, sacc, sself, semA, semB, semC):
    c = lax.axis_index("c")
    s = lax.axis_index("s")
    wid = s * NC + c
    lane = lax.iota(jnp.int32, L)
    for r in range(8):
        for g in range(D // L):
            zrows[r, pl.ds(g * L, L)] = jnp.zeros((L,), jnp.float32)
    for g in range(TPR // L):
        zvec[pl.ds(g * L, L)] = jnp.zeros((L,), jnp.float32)
    for k in range(TPR // 8):
        pltpu.sync_copy(zrows, sacc.at[pl.ds(s * TPR + k * 8, 8)])
    pltpu.sync_copy(zvec, sself.at[pl.ds(s * TPR, TPR)])
    plsc.subcore_barrier()

    ebase = wid * EPW
    junk = 4096 + s * 16

    def body(i, carry):
        base = ebase + i * SCK
        pltpu.sync_copy(row_hbm.at[pl.ds(base, SCK)], row_flat)
        pltpu.sync_copy(col_hbm.at[pl.ds(base, SCK)], col_flat)
        for j in range(NJ):
            for g in range(128 // L):
                off = j * 128 + g * L
                r = row_flat[pl.ds(off, L)]
                cc = col_flat[pl.ds(off, L)]
                key_flat[pl.ds(off, L)] = (r << 12) | cc
        gath = []
        for j in range(NJ):
            gath.append(pltpu.async_copy(
                table_hbm.at[key_flat.at[pl.ds(j * 128, 128)]],
                tid_flat.at[pl.ds(j * 128, 128)], semA))
            gath.append(pltpu.async_copy(
                y_hbm.at[col_flat.at[pl.ds(j * 128, 128)]], rows4.at[j], semB))
        for j in range(NJ):
            gath[2 * j].wait()
            for g in range(128 // L):
                off = j * 128 + g * L
                tid = tid_flat[pl.ds(off, L)]
                eid = (base + off) + lane
                canon = tid == eid
                r = row_flat[pl.ds(off, L)]
                cc = col_flat[pl.ds(off, L)]
                row2s[j][pl.ds(g * L, L)] = jnp.where(canon, r, junk)
                sval[j, pl.ds(g * L, L)] = jnp.where(
                    canon & (r == cc), 1.0, 0.0)
        for j in range(NJ):
            gath[2 * j + 1].wait()
            pltpu.sync_copy(rows4.at[j], sacc.at[row2s[j]], add=True)
            pltpu.sync_copy(sval.at[j], sself.at[row2s[j]], add=True)
        return carry

    lax.fori_loop(0, NSC, body, 0)
    plsc.subcore_barrier()
    for k in range(TPR // 96):
        pltpu.sync_copy(sacc.at[pl.ds(s * TPR + k * 96, 96)], obuf)
        pltpu.sync_copy(obuf, acc_out.at[c, pl.ds(s * TPR + k * 96, 96)])
    pltpu.sync_copy(sself.at[pl.ds(s * TPR, TPR)], zvec)
    pltpu.sync_copy(zvec, self_out.at[pl.ds(c * NPAD + s * TPR, TPR)])



def _p3_body(x_ref, degp_ref, acc_ref, self_ref, w_ref, z1_ref, z2_ref):
    deg = degp_ref[0] + degp_ref[1]
    ok = deg > 0.0
    dis = jnp.where(ok, lax.rsqrt(jnp.where(ok, deg, 1.0)), 0.0)
    a = acc_ref[0] + acc_ref[1]
    sm = self_ref[0] + self_ref[1]
    xb = x_ref[...]
    h2 = dis * a
    h1 = xb - h2 + (sm * dis * dis) * xb
    w = w_ref[...]
    z1_ref[...] = jnp.maximum(
        jnp.dot(h1, w, preferred_element_type=jnp.float32), 0.0)
    z2_ref[...] = jnp.maximum(
        jnp.dot(h2, w, preferred_element_type=jnp.float32), 0.0)


def _p3(x, degp, acc, selfp, W):
    return pl.pallas_call(
        _p3_body,
        grid=(N // 128,),
        in_specs=[
            pl.BlockSpec((128, D), lambda i: (i, 0)),
            pl.BlockSpec((NC, 128, 1), lambda i: (0, i, 0)),
            pl.BlockSpec((NC, 128, D), lambda i: (0, i, 0)),
            pl.BlockSpec((NC, 128, 1), lambda i: (0, i, 0)),
            pl.BlockSpec((D, D), lambda i: (0, 0)),
        ],
        out_specs=[
            pl.BlockSpec((128, D), lambda i: (i, 0)),
            pl.BlockSpec((128, D), lambda i: (i, 0)),
        ],
        out_shape=[
            jax.ShapeDtypeStruct((N, D), jnp.float32),
            jax.ShapeDtypeStruct((N, D), jnp.float32),
        ],
    )(x, degp, acc, selfp, W)



def kernel(x, edge_index, W):
    row = edge_index[0]
    col = edge_index[1]
    deg_part, table = _p1(row, col)
    degp = deg_part.reshape(NC, N, 1)
    y = _p1b(degp, x)
    acc, selfv = _p2(row, col, table, y)
    selfp = selfv.reshape(NC, NPAD)[:, :N].reshape(NC, N, 1)
    z1, z2 = _p3(x, degp, acc, selfp, W)
    return (z2, z1, z2)

# --- scband reference (transcript-rebuilt; emitter-appended) ---
"""Pipeline reference for scband-encoder-42056319762462 (READ-ONLY COPY).

The authoritative reference and input builder live on the scoring server;
editing this copy changes nothing except your own understanding.
"""

import jax, jax.numpy as jnp
import numpy as np

N = 4096
E = 131072
D = 128
H = 128


def setup_inputs(seed: int = 0) -> dict:
    key = jax.random.key(seed)
    k1, k2, k3 = jax.random.split(key, 3)
    x = jax.random.normal(k1, (N, D), dtype=jnp.float32)
    edge_index = jax.random.randint(k2, (2, E), 0, N)
    W = jax.random.normal(k3, (D, H), dtype=jnp.float32) * 0.05
    return {"x": x, "edge_index": edge_index, "W": W}


def _adj_lap(edge_index, n):
    # Faithful dense construction mirroring adj_lap():
    # gcn_norm (no self loops) scattered into dense adj, sym Laplacian into dense lap.
    row, col = edge_index[0], edge_index[1]
    ones = jnp.ones(row.shape[0], dtype=jnp.float32)
    deg = jnp.zeros((n,), dtype=jnp.float32).at[col].add(ones)
    deg_inv_sqrt = jnp.where(deg > 0, jax.lax.rsqrt(jnp.where(deg > 0, deg, 1.0)), 0.0)
    w = deg_inv_sqrt[row] * deg_inv_sqrt[col]
    adj = jnp.zeros((n, n), dtype=jnp.float32).at[row, col].set(w)
    # L_sym = I - D^{-1/2} A D^{-1/2}: off-diagonal -w, self-loop weight 1 written last
    lap = jnp.zeros((n, n), dtype=jnp.float32).at[row, col].set(-w)
    idx = jnp.arange(n)
    lap = lap.at[idx, idx].set(1.0)
    return lap, adj


def _pretrain_model(x, lsym, anorm, band, W):
    # Spectral GNN stand-in: 'high' band propagates with the Laplacian,
    # 'low' band with the normalized adjacency.
    if band == 'high':
        h = lsym @ x
    else:
        h = anorm @ x
    return jax.nn.relu(h @ W)


def reference(x, edge_index, W):
    # identity augmentors (aug(x, ei, None) -> (x, ei, None))
    x1, edge_index1 = x, edge_index
    x2, edge_index2 = x, edge_index
    n = x.shape[0]
    lsym1, anorm1 = _adj_lap(edge_index1, n)
    lsym2, anorm2 = _adj_lap(edge_index2, n)
    z1 = _pretrain_model(x1, lsym1, anorm1, 'high', W)
    z2 = _pretrain_model(x2, lsym2, anorm2, 'low', W)
    z = z2
    return (z, z1, z2)

if __name__ == "__main__":
    import jax
    _d = setup_inputs()
    print(jax.jit(kernel)(*tuple(_d.values())))

</pallas_src>

<mosaic_0001>
#map = affine_map<(d0, d1) -> (0)>
module attributes {stable_mosaic.version = 14 : i64} {
  func.func @_p1(%arg0: i32, %arg1: i32, %arg2: memref<131072xi32, #tpu.memory_space<hbm>>, %arg3: memref<131072xi32, #tpu.memory_space<hbm>>, %arg4: memref<8192xf32, #tpu.memory_space<hbm>>, %arg5: memref<16777216xi32, #tpu.memory_space<hbm>>, %arg6: memref<512xi32, #tpu.memory_space<vmem>>, %arg7: memref<128xi32, #tpu.memory_space<vmem>>, %arg8: memref<128xi32, #tpu.memory_space<vmem>>, %arg9: memref<128xi32, #tpu.memory_space<vmem>>, %arg10: memref<128xi32, #tpu.memory_space<vmem>>, %arg11: memref<128xi32, #tpu.memory_space<vmem>>, %arg12: memref<128xi32, #tpu.memory_space<vmem>>, %arg13: memref<128xi32, #tpu.memory_space<vmem>>, %arg14: memref<128xi32, #tpu.memory_space<vmem>>, %arg15: memref<4x128xi32, #tpu.memory_space<vmem>>, %arg16: memref<128xf32, #tpu.memory_space<vmem>>, %arg17: memref<256xf32, #tpu.memory_space<vmem>>, %arg18: memref<4096xf32, #tpu.memory_space<vmem_shared>>, %arg19: memref<!tpu.dma_semaphore, #tpu.memory_space<semaphore_mem>>) attributes {dimension_semantics = [#tpu.dimension_semantics<core_parallel>, #tpu.dimension_semantics<subcore_parallel>], iteration_bounds = array<i64: 2, 16>, scalar_prefetch = 0 : i64, scratch_operands = 14 : i64, tpu.core_type = #tpu.core_type<sc_vector_subcore>, window_params = [{transform_indices = #map}, {transform_indices = #map}, {transform_indices = #map}, {transform_indices = #map}]} {
    %mul3A = arith.constant 2 : i32
    %mul3A_0 = arith.muli %arg1, %mul3A : i32
    %add3A = arith.addi %mul3A_0, %arg0 : i32
    %iota3A = tpu.iota {dimensions = array<i32: 0>} : vector<16xi32>
    %broadcast_in_dim3A = arith.constant 1.000000e+00 : f32
    %broadcast_in_dim3A_1 = vector.broadcast %broadcast_in_dim3A : f32 to vector<16xf32>
    %swap3A = arith.constant 0 : index
    %swap3A_2 = tpu.vector_load %arg16[%swap3A] {strides = array<i32>} : memref<128xf32, #tpu.memory_space<vmem>>, vector<16xf32>,
    %swap3A_3 = vector.shape_cast %swap3A_2 : vector<16xf32> to vector<16xf32>
    %swap3A_4 = vector.shape_cast %broadcast_in_dim3A_1 : vector<16xf32> to vector<16xf32>
    tpu.vector_store %arg16[%swap3A], %swap3A_4 {strides = array<i32>} : memref<128xf32, #tpu.memory_space<vmem>>, vector<16xf32>,
    %broadcast_in_dim3A_5 = arith.constant 1.000000e+00 : f32
    %broadcast_in_dim3A_6 = vector.broadcast %broadcast_in_dim3A_5 : f32 to vector<16xf32>
    %swap3A_7 = arith.constant 16 : index
    %swap3A_8 = tpu.vector_load %arg16[%swap3A_7] {strides = array<i32>} : memref<128xf32, #tpu.memory_space<vmem>>, vector<16xf32>,
    %swap3A_9 = vector.shape_cast %swap3A_8 : vector<16xf32> to vector<16xf32>
    %swap3A_10 = vector.shape_cast %broadcast_in_dim3A_6 : vector<16xf32> to vector<16xf32>
    tpu.vector_store %arg16[%swap3A_7], %swap3A_10 {strides = array<i32>} : memref<128xf32, #tpu.memory_space<vmem>>, vector<16xf32>,
    %broadcast_in_dim3A_11 = arith.constant 1.000000e+00 : f32
    %broadcast_in_dim3A_12 = vector.broadcast %broadcast_in_dim3A_11 : f32 to vector<16xf32>
    %swap3A_13 = arith.constant 32 : index
    %swap3A_14 = tpu.vector_load %arg16[%swap3A_13] {strides = array<i32>} : memref<128xf32, #tpu.memory_space<vmem>>, vector<16xf32>,
    %swap3A_15 = vector.shape_cast %swap3A_14 : vector<16xf32> to vector<16xf32>
    %swap3A_16 = vector.shape_cast %broadcast_in_dim3A_12 : vector<16xf32> to vector<16xf32>
    tpu.vector_store %arg16[%swap3A_13], %swap3A_16 {strides = array<i32>} : memref<128xf32, #tpu.memory_space<vmem>>, vector<16xf32>,
    %broadcast_in_dim3A_17 = arith.constant 1.000000e+00 : f32
    %broadcast_in_dim3A_18 = vector.broadcast %broadcast_in_dim3A_17 : f32 to vector<16xf32>
    %swap3A_19 = arith.constant 48 : index
    %swap3A_20 = tpu.vector_load %arg16[%swap3A_19] {strides = array<i32>} : memref<128xf32, #tpu.memory_space<vmem>>, vector<16xf32>,
    %swap3A_21 = vector.shape_cast %swap3A_20 : vector<16xf32> to vector<16xf32>
    %swap3A_22 = vector.shape_cast %broadcast_in_dim3A_18 : vector<16xf32> to vector<16xf32>
    tpu.vector_store %arg16[%swap3A_19], %swap3A_22 {strides = array<i32>} : memref<128xf32, #tpu.memory_space<vmem>>, vector<16xf32>,
    %broadcast_in_dim3A_23 = arith.constant 1.000000e+00 : f32
    %broadcast_in_dim3A_24 = vector.broadcast %broadcast_in_dim3A_23 : f32 to vector<16xf32>
    %swap3A_25 = arith.constant 64 : index
    %swap3A_26 = tpu.vector_load %arg16[%swap3A_25] {strides = array<i32>} : memref<128xf32, #tpu.memory_space<vmem>>, vector<16xf32>,
    %swap3A_27 = vector.shape_cast %swap3A_26 : vector<16xf32> to vector<16xf32>
    %swap3A_28 = vector.shape_cast %broadcast_in_dim3A_24 : vector<16xf32> to vector<16xf32>
    tpu.vector_store %arg16[%swap3A_25], %swap3A_28 {strides = array<i32>} : memref<128xf32, #tpu.memory_space<vmem>>, vector<16xf32>,
    %broadcast_in_dim3A_29 = arith.constant 1.000000e+00 : f32
    %broadcast_in_dim3A_30 = vector.broadcast %broadcast_in_dim3A_29 : f32 to vector<16xf32>
    %swap3A_31 = arith.constant 80 : index
    %swap3A_32 = tpu.vector_load %arg16[%swap3A_31] {strides = array<i32>} : memref<128xf32, #tpu.memory_space<vmem>>, vector<16xf32>,
    %swap3A_33 = vector.shape_cast %swap3A_32 : vector<16xf32> to vector<16xf32>
    %swap3A_34 = vector.shape_cast %broadcast_in_dim3A_30 : vector<16xf32> to vector<16xf32>
    tpu.vector_store %arg16[%swap3A_31], %swap3A_34 {strides = array<i32>} : memref<128xf32, #tpu.memory_space<vmem>>, vector<16xf32>,
    %broadcast_in_dim3A_35 = arith.constant 1.000000e+00 : f32
    %broadcast_in_dim3A_36 = vector.broadcast %broadcast_in_dim3A_35 : f32 to vector<16xf32>
    %swap3A_37 = arith.constant 96 : index
    %swap3A_38 = tpu.vector_load %arg16[%swap3A_37] {strides = array<i32>} : memref<128xf32, #tpu.memory_space<vmem>>, vector<16xf32>,
    %swap3A_39 = vector.shape_cast %swap3A_38 : vector<16xf32> to vector<16xf32>
    %swap3A_40 = vector.shape_cast %broadcast_in_dim3A_36 : vector<16xf32> to vector<16xf32>
    tpu.vector_store %arg16[%swap3A_37], %swap3A_40 {strides = array<i32>} : memref<128xf32, #tpu.memory_space<vmem>>, vector<16xf32>,
    %broadcast_in_dim3A_41 = arith.constant 1.000000e+00 : f32
    %broadcast_in_dim3A_42 = vector.broadcast %broadcast_in_dim3A_41 : f32 to vector<16xf32>
    %swap3A_43 = arith.constant 112 : index
    %swap3A_44 = tpu.vector_load %arg16[%swap3A_43] {strides = array<i32>} : memref<128xf32, #tpu.memory_space<vmem>>, vector<16xf32>,
    %swap3A_45 = vector.shape_cast %swap3A_44 : vector<16xf32> to vector<16xf32>
    %swap3A_46 = vector.shape_cast %broadcast_in_dim3A_42 : vector<16xf32> to vector<16xf32>
    tpu.vector_store %arg16[%swap3A_43], %swap3A_46 {strides = array<i32>} : memref<128xf32, #tpu.memory_space<vmem>>, vector<16xf32>,
    %broadcast_in_dim3A_47 = arith.constant 0.000000e+00 : f32
    %broadcast_in_dim3A_48 = vector.broadcast %broadcast_in_dim3A_47 : f32 to vector<16xf32>
    %swap3A_49 = arith.constant 0 : index
    %swap3A_50 = tpu.vector_load %arg17[%swap3A_49] {strides = array<i32>} : memref<256xf32, #tpu.memory_space<vmem>>, vector<16xf32>,
    %swap3A_51 = vector.shape_cast %swap3A_50 : vector<16xf32> to vector<16xf32>
    %swap3A_52 = vector.shape_cast %broadcast_in_dim3A_48 : vector<16xf32> to vector<16xf32>
    tpu.vector_store %arg17[%swap3A_49], %swap3A_52 {strides = array<i32>} : memref<256xf32, #tpu.memory_space<vmem>>, vector<16xf32>,
    %broadcast_in_dim3A_53 = arith.constant 0.000000e+00 : f32
    %broadcast_in_dim3A_54 = vector.broadcast %broadcast_in_dim3A_53 : f32 to vector<16xf32>
    %swap3A_55 = arith.constant 16 : index
    %swap3A_56 = tpu.vector_load %arg17[%swap3A_55] {strides = array<i32>} : memref<256xf32, #tpu.memory_space<vmem>>, vector<16xf32>,
    %swap3A_57 = vector.shape_cast %swap3A_56 : vector<16xf32> to vector<16xf32>
    %swap3A_58 = vector.shape_cast %broadcast_in_dim3A_54 : vector<16xf32> to vector<16xf32>
    tpu.vector_store %arg17[%swap3A_55], %swap3A_58 {strides = array<i32>} : memref<256xf32, #tpu.memory_space<vmem>>, vector<16xf32>,
    %broadcast_in_dim3A_59 = arith.constant 0.000000e+00 : f32
    %broadcast_in_dim3A_60 = vector.broadcast %broadcast_in_dim3A_59 : f32 to vector<16xf32>
    %swap3A_61 = arith.constant 32 : index
    %swap3A_62 = tpu.vector_load %arg17[%swap3A_61] {strides = array<i32>} : memref<256xf32, #tpu.memory_space<vmem>>, vector<16xf32>,
    %swap3A_63 = vector.shape_cast %swap3A_62 : vector<16xf32> to vector<16xf32>
    %swap3A_64 = vector.shape_cast %broadcast_in_dim3A_60 : vector<16xf32> to vector<16xf32>
    tpu.vector_store %arg17[%swap3A_61], %swap3A_64 {strides = array<i32>} : memref<256xf32, #tpu.memory_space<vmem>>, vector<16xf32>,
    %broadcast_in_dim3A_65 = arith.constant 0.000000e+00 : f32
    %broadcast_in_dim3A_66 = vector.broadcast %broadcast_in_dim3A_65 : f32 to vector<16xf32>
    %swap3A_67 = arith.constant 48 : index
    %swap3A_68 = tpu.vector_load %arg17[%swap3A_67] {strides = array<i32>} : memref<256xf32, #tpu.memory_space<vmem>>, vector<16xf32>,
    %swap3A_69 = vector.shape_cast %swap3A_68 : vector<16xf32> to vector<16xf32>
    %swap3A_70 = vector.shape_cast %broadcast_in_dim3A_66 : vector<16xf32> to vector<16xf32>
    tpu.vector_store %arg17[%swap3A_67], %swap3A_70 {strides = array<i32>} : memref<256xf32, #tpu.memory_space<vmem>>, vector<16xf32>,
    %broadcast_in_dim3A_71 = arith.constant 0.000000e+00 : f32
    %broadcast_in_dim3A_72 = vector.broadcast %broadcast_in_dim3A_71 : f32 to vector<16xf32>
    %swap3A_73 = arith.constant 64 : index
    %swap3A_74 = tpu.vector_load %arg17[%swap3A_73] {strides = array<i32>} : memref<256xf32, #tpu.memory_space<vmem>>, vector<16xf32>,
    %swap3A_75 = vector.shape_cast %swap3A_74 : vector<16xf32> to vector<16xf32>
    %swap3A_76 = vector.shape_cast %broadcast_in_dim3A_72 : vector<16xf32> to vector<16xf32>
    tpu.vector_store %arg17[%swap3A_73], %swap3A_76 {strides = array<i32>} : memref<256xf32, #tpu.memory_space<vmem>>, vector<16xf32>,
    %broadcast_in_dim3A_77 = arith.constant 0.000000e+00 : f32
    %broadcast_in_dim3A_78 = vector.broadcast %broadcast_in_dim3A_77 : f32 to vector<16xf32>
    %swap3A_79 = arith.constant 80 : index
    %swap3A_80 = tpu.vector_load %arg17[%swap3A_79] {strides = array<i32>} : memref<256xf32, #tpu.memory_space<vmem>>, vector<16xf32>,
    %swap3A_81 = vector.shape_cast %swap3A_80 : vector<16xf32> to vector<16xf32>
    %swap3A_82 = vector.shape_cast %broadcast_in_dim3A_78 : vector<16xf32> to vector<16xf32>
    tpu.vector_store %arg17[%swap3A_79], %swap3A_82 {strides = array<i32>} : memref<256xf32, #tpu.memory_space<vmem>>, vector<16xf32>,
    %broadcast_in_dim3A_83 = arith.constant 0.000000e+00 : f32
    %broadcast_in_dim3A_84 = vector.broadcast %broadcast_in_dim3A_83 : f32 to vector<16xf32>
    %swap3A_85 = arith.constant 96 : index
    %swap3A_86 = tpu.vector_load %arg17[%swap3A_85] {strides = array<i32>} : memref<256xf32, #tpu.memory_space<vmem>>, vector<16xf32>,
    %swap3A_87 = vector.shape_cast %swap3A_86 : vector<16xf32> to vector<16xf32>
    %swap3A_88 = vector.shape_cast %broadcast_in_dim3A_84 : vector<16xf32> to vector<16xf32>
    tpu.vector_store %arg17[%swap3A_85], %swap3A_88 {strides = array<i32>} : memref<256xf32, #tpu.memory_space<vmem>>, vector<16xf32>,
    %broadcast_in_dim3A_89 = arith.constant 0.000000e+00 : f32
    %broadcast_in_dim3A_90 = vector.broadcast %broadcast_in_dim3A_89 : f32 to vector<16xf32>
    %swap3A_91 = arith.constant 112 : index
    %swap3A_92 = tpu.vector_load %arg17[%swap3A_91] {strides = array<i32>} : memref<256xf32, #tpu.memory_space<vmem>>, vector<16xf32>,
    %swap3A_93 = vector.shape_cast %swap3A_92 : vector<16xf32> to vector<16xf32>
    %swap3A_94 = vector.shape_cast %broadcast_in_dim3A_90 : vector<16xf32> to vector<16xf32>
    tpu.vector_store %arg17[%swap3A_91], %swap3A_94 {strides = array<i32>} : memref<256xf32, #tpu.memory_space<vmem>>, vector<16xf32>,
    %broadcast_in_dim3A_95 = arith.constant 0.000000e+00 : f32
    %broadcast_in_dim3A_96 = vector.broadcast %broadcast_in_dim3A_95 : f32 to vector<16xf32>
    %swap3A_97 = arith.constant 128 : index
    %swap3A_98 = tpu.vector_load %arg17[%swap3A_97] {strides = array<i32>} : memref<256xf32, #tpu.memory_space<vmem>>, vector<16xf32>,
    %swap3A_99 = vector.shape_cast %swap3A_98 : vector<16xf32> to vector<16xf32>
    %swap3A_100 = vector.shape_cast %broadcast_in_dim3A_96 : vector<16xf32> to vector<16xf32>
    tpu.vector_store %arg17[%swap3A_97], %swap3A_100 {strides = array<i32>} : memref<256xf32, #tpu.memory_space<vmem>>, vector<16xf32>,
    %broadcast_in_dim3A_101 = arith.constant 0.000000e+00 : f32
    %broadcast_in_dim3A_102 = vector.broadcast %broadcast_in_dim3A_101 : f32 to vector<16xf32>
    %swap3A_103 = arith.constant 144 : index
    %swap3A_104 = tpu.vector_load %arg17[%swap3A_103] {strides = array<i32>} : memref<256xf32, #tpu.memory_space<vmem>>, vector<16xf32>,
    %swap3A_105 = vector.shape_cast %swap3A_104 : vector<16xf32> to vector<16xf32>
    %swap3A_106 = vector.shape_cast %broadcast_in_dim3A_102 : vector<16xf32> to vector<16xf32>
    tpu.vector_store %arg17[%swap3A_103], %swap3A_106 {strides = array<i32>} : memref<256xf32, #tpu.memory_space<vmem>>, vector<16xf32>,
    %broadcast_in_dim3A_107 = arith.constant 0.000000e+00 : f32
    %broadcast_in_dim3A_108 = vector.broadcast %broadcast_in_dim3A_107 : f32 to vector<16xf32>
    %swap3A_109 = arith.constant 160 : index
    %swap3A_110 = tpu.vector_load %arg17[%swap3A_109] {strides = array<i32>} : memref<256xf32, #tpu.memory_space<vmem>>, vector<16xf32>,
    %swap3A_111 = vector.shape_cast %swap3A_110 : vector<16xf32> to vector<16xf32>
    %swap3A_112 = vector.shape_cast %broadcast_in_dim3A_108 : vector<16xf32> to vector<16xf32>
    tpu.vector_store %arg17[%swap3A_109], %swap3A_112 {strides = array<i32>} : memref<256xf32, #tpu.memory_space<vmem>>, vector<16xf32>,
    %broadcast_in_dim3A_113 = arith.constant 0.000000e+00 : f32
    %broadcast_in_dim3A_114 = vector.broadcast %broadcast_in_dim3A_113 : f32 to vector<16xf32>
    %swap3A_115 = arith.constant 176 : index
    %swap3A_116 = tpu.vector_load %arg17[%swap3A_115] {strides = array<i32>} : memref<256xf32, #tpu.memory_space<vmem>>, vector<16xf32>,
    %swap3A_117 = vector.shape_cast %swap3A_116 : vector<16xf32> to vector<16xf32>
    %swap3A_118 = vector.shape_cast %broadcast_in_dim3A_114 : vector<16xf32> to vector<16xf32>
    tpu.vector_store %arg17[%swap3A_115], %swap3A_118 {strides = array<i32>} : memref<256xf32, #tpu.memory_space<vmem>>, vector<16xf32>,
    %broadcast_in_dim3A_119 = arith.constant 0.000000e+00 : f32
    %broadcast_in_dim3A_120 = vector.broadcast %broadcast_in_dim3A_119 : f32 to vector<16xf32>
    %swap3A_121 = arith.constant 192 : index
    %swap3A_122 = tpu.vector_load %arg17[%swap3A_121] {strides = array<i32>} : memref<256xf32, #tpu.memory_space<vmem>>, vector<16xf32>,
    %swap3A_123 = vector.shape_cast %swap3A_122 : vector<16xf32> to vector<16xf32>
    %swap3A_124 = vector.shape_cast %broadcast_in_dim3A_120 : vector<16xf32> to vector<16xf32>
    tpu.vector_store %arg17[%swap3A_121], %swap3A_124 {strides = array<i32>} : memref<256xf32, #tpu.memory_space<vmem>>, vector<16xf32>,
    %broadcast_in_dim3A_125 = arith.constant 0.000000e+00 : f32
    %broadcast_in_dim3A_126 = vector.broadcast %broadcast_in_dim3A_125 : f32 to vector<16xf32>
    %swap3A_127 = arith.constant 208 : index
    %swap3A_128 = tpu.vector_load %arg17[%swap3A_127] {strides = array<i32>} : memref<256xf32, #tpu.memory_space<vmem>>, vector<16xf32>,
    %swap3A_129 = vector.shape_cast %swap3A_128 : vector<16xf32> to vector<16xf32>
    %swap3A_130 = vector.shape_cast %broadcast_in_dim3A_126 : vector<16xf32> to vector<16xf32>
    tpu.vector_store %arg17[%swap3A_127], %swap3A_130 {strides = array<i32>} : memref<256xf32, #tpu.memory_space<vmem>>, vector<16xf32>,
    %broadcast_in_dim3A_131 = arith.constant 0.000000e+00 : f32
    %broadcast_in_dim3A_132 = vector.broadcast %broadcast_in_dim3A_131 : f32 to vector<16xf32>
    %swap3A_133 = arith.constant 224 : index
    %swap3A_134 = tpu.vector_load %arg17[%swap3A_133] {strides = array<i32>} : memref<256xf32, #tpu.memory_space<vmem>>, vector<16xf32>,
    %swap3A_135 = vector.shape_cast %swap3A_134 : vector<16xf32> to vector<16xf32>
    %swap3A_136 = vector.shape_cast %broadcast_in_dim3A_132 : vector<16xf32> to vector<16xf32>
    tpu.vector_store %arg17[%swap3A_133], %swap3A_136 {strides = array<i32>} : memref<256xf32, #tpu.memory_space<vmem>>, vector<16xf32>,
    %broadcast_in_dim3A_137 = arith.constant 0.000000e+00 : f32
    %broadcast_in_dim3A_138 = vector.broadcast %broadcast_in_dim3A_137 : f32 to vector<16xf32>
    %swap3A_139 = arith.constant 240 : index
    %swap3A_140 = tpu.vector_load %arg17[%swap3A_139] {strides = array<i32>} : memref<256xf32, #tpu.memory_space<vmem>>, vector<16xf32>,
    %swap3A_141 = vector.shape_cast %swap3A_140 : vector<16xf32> to vector<16xf32>
    %swap3A_142 = vector.shape_cast %broadcast_in_dim3A_138 : vector<16xf32> to vector<16xf32>
    tpu.vector_store %arg17[%swap3A_139], %swap3A_142 {strides = array<i32>} : memref<256xf32, #tpu.memory_space<vmem>>, vector<16xf32>,
    %mul3A_143 = arith.constant 256 : i32
    %mul3A_144 = arith.muli %arg1, %mul3A_143 : i32
    "tpu.region"() ({
      %run_scoped3A = tpu.sem_alloc : memref<!tpu.dma_semaphore, #tpu.memory_space<semaphore_mem>>
      %dma_start3A = tpu.memref_slice %arg18[%mul3A_144] : memref<4096xf32, #tpu.memory_space<vmem_shared>> -> memref<256xf32, #tpu.memory_space<vmem_shared>>
      %dma_start3A_160 = tpu.memref_slice %arg18[%mul3A_144] : memref<4096xf32, #tpu.memory_space<vmem_shared>> -> memref<256xf32, #tpu.memory_space<vmem_shared>>
      tpu.enqueue_dma source(%arg17 : memref<256xf32, #tpu.memory_space<vmem>>) target(%dma_start3A_160 : memref<256xf32, #tpu.memory_space<vmem_shared>>) target_semaphore(%run_scoped3A : memref<!tpu.dma_semaphore, #tpu.memory_space<semaphore_mem>>)
      %dma_wait3A = tpu.memref_slice %arg18[%mul3A_144] : memref<4096xf32, #tpu.memory_space<vmem_shared>> -> memref<256xf32, #tpu.memory_space<vmem_shared>>
      %dma_wait3A_161 = tpu.memref_slice %arg18[%mul3A_144] : memref<4096xf32, #tpu.memory_space<vmem_shared>> -> memref<256xf32, #tpu.memory_space<vmem_shared>>
      tpu.wait_dma2 semaphore(%run_scoped3A : memref<!tpu.dma_semaphore, #tpu.memory_space<semaphore_mem>>) src(%arg17 : memref<256xf32, #tpu.memory_space<vmem>>) dst(%dma_wait3A_161 : memref<256xf32, #tpu.memory_space<vmem_shared>>)
      tpu.yield
    }) : () -> ()
    %barrier3A = arith.constant 0 : index
    tpu.barrier barrier_id(%barrier3A)
    %mul3A_145 = arith.constant 4096 : i32
    %mul3A_146 = arith.muli %add3A, %mul3A_145 : i32
    %scan3A = arith.constant 0 : i32
    %scan3A_147 = arith.constant 0 : i32
    %scan3A_148 = arith.constant 8 : i32
    %scan3A_149 = arith.addi %scan3A_147, %scan3A_148 : i32
    %scan3A_150 = arith.constant 1 : i32
    scf.for %scan3A_160 = %scan3A_147 to %scan3A_149 step %scan3A_150  : i32 {
      %mul3A_161 = arith.constant 512 : i32
      %mul3A_162 = arith.muli %scan3A_160, %mul3A_161 : i32
      %add3A_163 = arith.addi %mul3A_146, %mul3A_162 : i32
      "tpu.region"() ({
        %run_scoped3A = tpu.sem_alloc : memref<!tpu.dma_semaphore, #tpu.memory_space<semaphore_mem>>
        %dma_start3A_983 = tpu.memref_slice %arg2[%add3A_163] : memref<131072xi32, #tpu.memory_space<hbm>> -> memref<512xi32, #tpu.memory_space<hbm>>
        %dma_start3A_984 = tpu.memref_slice %arg2[%add3A_163] : memref<131072xi32, #tpu.memory_space<hbm>> -> memref<512xi32, #tpu.memory_space<hbm>>
        tpu.enqueue_dma source(%dma_start3A_984 : memref<512xi32, #tpu.memory_space<hbm>>) target(%arg6 : memref<512xi32, #tpu.memory_space<vmem>>) target_semaphore(%run_scoped3A : memref<!tpu.dma_semaphore, #tpu.memory_space<semaphore_mem>>)
        %dma_wait3A_985 = tpu.memref_slice %arg2[%add3A_163] : memref<131072xi32, #tpu.memory_space<hbm>> -> memref<512xi32, #tpu.memory_space<hbm>>
        %dma_wait3A_986 = tpu.memref_slice %arg2[%add3A_163] : memref<131072xi32, #tpu.memory_space<hbm>> -> memref<512xi32, #tpu.memory_space<hbm>>
        tpu.wait_dma2 semaphore(%run_scoped3A : memref<!tpu.dma_semaphore, #tpu.memory_space<semaphore_mem>>) src(%dma_wait3A_986 : memref<512xi32, #tpu.memory_space<hbm>>) dst(%arg6 : memref<512xi32, #tpu.memory_space<vmem>>)
        tpu.yield
      }) : () -> ()
      %add3A_164 = arith.constant 0 : i32
      %add3A_165 = arith.addi %add3A_163, %add3A_164 : i32
      "tpu.region"() ({
        %run_scoped3A = tpu.sem_alloc : memref<!tpu.dma_semaphore, #tpu.memory_space<semaphore_mem>>
        %dma_start3A_983 = tpu.memref_slice %arg3[%add3A_165] : memref<131072xi32, #tpu.memory_space<hbm>> -> memref<128xi32, #tpu.memory_space<hbm>>
        %dma_start3A_984 = tpu.memref_slice %arg3[%add3A_165] : memref<131072xi32, #tpu.memory_space<hbm>> -> memref<128xi32, #tpu.memory_space<hbm>>
        tpu.enqueue_dma source(%dma_start3A_984 : memref<128xi32, #tpu.memory_space<hbm>>) target(%arg7 : memref<128xi32, #tpu.memory_space<vmem>>) target_semaphore(%run_scoped3A : memref<!tpu.dma_semaphore, #tpu.memory_space<semaphore_mem>>)
        %dma_wait3A_985 = tpu.memref_slice %arg3[%add3A_165] : memref<131072xi32, #tpu.memory_space<hbm>> -> memref<128xi32, #tpu.memory_space<hbm>>
        %dma_wait3A_986 = tpu.memref_slice %arg3[%add3A_165] : memref<131072xi32, #tpu.memory_space<hbm>> -> memref<128xi32, #tpu.memory_space<hbm>>
        tpu.wait_dma2 semaphore(%run_scoped3A : memref<!tpu.dma_semaphore, #tpu.memory_space<semaphore_mem>>) src(%dma_wait3A_986 : memref<128xi32, #tpu.memory_space<hbm>>) dst(%arg7 : memref<128xi32, #tpu.memory_space<vmem>>)
        tpu.yield
      }) : () -> ()
      %add3A_166 = arith.constant 128 : i32
      %add3A_167 = arith.addi %add3A_163, %add3A_166 : i32
      "tpu.region"() ({
        %run_scoped3A = tpu.sem_alloc : memref<!tpu.dma_semaphore, #tpu.memory_space<semaphore_mem>>
        %dma_start3A_983 = tpu.memref_slice %arg3[%add3A_167] : memref<131072xi32, #tpu.memory_space<hbm>> -> memref<128xi32, #tpu.memory_space<hbm>>
        %dma_start3A_984 = tpu.memref_slice %arg3[%add3A_167] : memref<131072xi32, #tpu.memory_space<hbm>> -> memref<128xi32, #tpu.memory_space<hbm>>
        tpu.enqueue_dma source(%dma_start3A_984 : memref<128xi32, #tpu.memory_space<hbm>>) target(%arg8 : memref<128xi32, #tpu.memory_space<vmem>>) target_semaphore(%run_scoped3A : memref<!tpu.dma_semaphore, #tpu.memory_space<semaphore_mem>>)
        %dma_wait3A_985 = tpu.memref_slice %arg3[%add3A_167] : memref<131072xi32, #tpu.memory_space<hbm>> -> memref<128xi32, #tpu.memory_space<hbm>>
        %dma_wait3A_986 = tpu.memref_slice %arg3[%add3A_167] : memref<131072xi32, #tpu.memory_space<hbm>> -> memref<128xi32, #tpu.memory_space<hbm>>
        tpu.wait_dma2 semaphore(%run_scoped3A : memref<!tpu.dma_semaphore, #tpu.memory_space<semaphore_mem>>) src(%dma_wait3A_986 : memref<128xi32, #tpu.memory_space<hbm>>) dst(%arg8 : memref<128xi32, #tpu.memory_space<vmem>>)
        tpu.yield
      }) : () -> ()
      %add3A_168 = arith.constant 256 : i32
      %add3A_169 = arith.addi %add3A_163, %add3A_168 : i32
      "tpu.region"() ({
        %run_scoped3A = tpu.sem_alloc : memref<!tpu.dma_semaphore, #tpu.memory_space<semaphore_mem>>
        %dma_start3A_983 = tpu.memref_slice %arg3[%add3A_169] : memref<131072xi32, #tpu.memory_space<hbm>> -> memref<128xi32, #tpu.memory_space<hbm>>
        %dma_start3A_984 = tpu.memref_slice %arg3[%add3A_169] : memref<131072xi32, #tpu.memory_space<hbm>> -> memref<128xi32, #tpu.memory_space<hbm>>
        tpu.enqueue_dma source(%dma_start3A_984 : memref<128xi32, #tpu.memory_space<hbm>>) target(%arg9 : memref<128xi32, #tpu.memory_space<vmem>>) target_semaphore(%run_scoped3A : memref<!tpu.dma_semaphore, #tpu.memory_space<semaphore_mem>>)
        %dma_wait3A_985 = tpu.memref_slice %arg3[%add3A_169] : memref<131072xi32, #tpu.memory_space<hbm>> -> memref<128xi32, #tpu.memory_space<hbm>>
        %dma_wait3A_986 = tpu.memref_slice %arg3[%add3A_169] : memref<131072xi32, #tpu.memory_space<hbm>> -> memref<128xi32, #tpu.memory_space<hbm>>
        tpu.wait_dma2 semaphore(%run_scoped3A : memref<!tpu.dma_semaphore, #tpu.memory_space<semaphore_mem>>) src(%dma_wait3A_986 : memref<128xi32, #tpu.memory_space<hbm>>) dst(%arg9 : memref<128xi32, #tpu.memory_space<vmem>>)
        tpu.yield
      }) : () -> ()
      %add3A_170 = arith.constant 384 : i32
      %add3A_171 = arith.addi %add3A_163, %add3A_170 : i32
      "tpu.region"() ({
        %run_scoped3A = tpu.sem_alloc : memref<!tpu.dma_semaphore, #tpu.memory_space<semaphore_mem>>
        %dma_start3A_983 = tpu.memref_slice %arg3[%add3A_171] : memref<131072xi32, #tpu.memory_space<hbm>> -> memref<128xi32, #tpu.memory_space<hbm>>
        %dma_start3A_984 = tpu.memref_slice %arg3[%add3A_171] : memref<131072xi32, #tpu.memory_space<hbm>> -> memref<128xi32, #tpu.memory_space<hbm>>
        tpu.enqueue_dma source(%dma_start3A_984 : memref<128xi32, #tpu.memory_space<hbm>>) target(%arg10 : memref<128xi32, #tpu.memory_space<vmem>>) target_semaphore(%run_scoped3A : memref<!tpu.dma_semaphore, #tpu.memory_space<semaphore_mem>>)
        %dma_wait3A_985 = tpu.memref_slice %arg3[%add3A_171] : memref<131072xi32, #tpu.memory_space<hbm>> -> memref<128xi32, #tpu.memory_space<hbm>>
        %dma_wait3A_986 = tpu.memref_slice %arg3[%add3A_171] : memref<131072xi32, #tpu.memory_space<hbm>> -> memref<128xi32, #tpu.memory_space<hbm>>
        tpu.wait_dma2 semaphore(%run_scoped3A : memref<!tpu.dma_semaphore, #tpu.memory_space<semaphore_mem>>) src(%dma_wait3A_986 : memref<128xi32, #tpu.memory_space<hbm>>) dst(%arg10 : memref<128xi32, #tpu.memory_space<vmem>>)
        tpu.yield
      }) : () -> ()
      %get3A = arith.constant 0 : index
      %get3A_172 = tpu.vector_load %arg6[%get3A] {strides = array<i32>} : memref<512xi32, #tpu.memory_space<vmem>>, vector<16xi32>,
      %get3A_173 = vector.shape_cast %get3A_172 : vector<16xi32> to vector<16xi32>
      %get3A_174 = arith.constant 0 : index
      %get3A_175 = tpu.vector_load %arg7[%get3A_174] {strides = array<i32>} : memref<128xi32, #tpu.memory_space<vmem>>, vector<16xi32>,
      %get3A_176 = vector.shape_cast %get3A_175 : vector<16xi32> to vector<16xi32>
      %shift_left3A = arith.constant 12 : i32
      %shift_left3A_177 = vector.broadcast %shift_left3A : i32 to vector<16xi32>
      %shift_left3A_178 = arith.shli %get3A_173, %shift_left3A_177 : vector<16xi32>
      %or3A = arith.ori %shift_left3A_178, %get3A_176 : vector<16xi32>
      %swap3A_179 = arith.constant 0 : index
      %swap3A_180 = tpu.vector_load %arg11[%swap3A_179] {strides = array<i32>} : memref<128xi32, #tpu.memory_space<vmem>>, vector<16xi32>,
      %swap3A_181 = vector.shape_cast %swap3A_180 : vector<16xi32> to vector<16xi32>
      %swap3A_182 = vector.shape_cast %or3A : vector<16xi32> to vector<16xi32>
      tpu.vector_store %arg11[%swap3A_179], %swap3A_182 {strides = array<i32>} : memref<128xi32, #tpu.memory_space<vmem>>, vector<16xi32>,
      %add3A_183 = arith.constant 0 : i32
      %add3A_184 = arith.addi %add3A_163, %add3A_183 : i32
      %add3A_185 = vector.broadcast %add3A_184 : i32 to vector<16xi32>
      %add3A_186 = arith.addi %add3A_185, %iota3A : vector<16xi32>
      %swap3A_187 = arith.constant 0 : i32
      %swap3A_188 = arith.index_cast %swap3A_187 : i32 to index
      %swap3A_189 = arith.constant 0 : index
      %swap3A_190 = tpu.vector_load %arg15[%swap3A_188, %swap3A_189] {strides = array<i32>} : memref<4x128xi32, #tpu.memory_space<vmem>>, vector<1x16xi32>,
      %swap3A_191 = vector.shape_cast %swap3A_190 : vector<1x16xi32> to vector<16xi32>
      %swap3A_192 = vector.shape_cast %add3A_186 : vector<16xi32> to vector<1x16xi32>
      tpu.vector_store %arg15[%swap3A_188, %swap3A_189], %swap3A_192 {strides = array<i32>} : memref<4x128xi32, #tpu.memory_space<vmem>>, vector<1x16xi32>,
      %get3A_193 = arith.constant 16 : index
      %get3A_194 = tpu.vector_load %arg6[%get3A_193] {strides = array<i32>} : memref<512xi32, #tpu.memory_space<vmem>>, vector<16xi32>,
      %get3A_195 = vector.shape_cast %get3A_194 : vector<16xi32> to vector<16xi32>
      %get3A_196 = arith.constant 16 : index
      %get3A_197 = tpu.vector_load %arg7[%get3A_196] {strides = array<i32>} : memref<128xi32, #tpu.memory_space<vmem>>, vector<16xi32>,
      %get3A_198 = vector.shape_cast %get3A_197 : vector<16xi32> to vector<16xi32>
      %shift_left3A_199 = arith.constant 12 : i32
      %shift_left3A_200 = vector.broadcast %shift_left3A_199 : i32 to vector<16xi32>
      %shift_left3A_201 = arith.shli %get3A_195, %shift_left3A_200 : vector<16xi32>
      %or3A_202 = arith.ori %shift_left3A_201, %get3A_198 : vector<16xi32>
      %swap3A_203 = arith.constant 16 : index
      %swap3A_204 = tpu.vector_load %arg11[%swap3A_203] {strides = array<i32>} : memref<128xi32, #tpu.memory_space<vmem>>, vector<16xi32>,
      %swap3A_205 = vector.shape_cast %swap3A_204 : vector<16xi32> to vector<16xi32>
      %swap3A_206 = vector.shape_cast %or3A_202 : vector<16xi32> to vector<16xi32>
      tpu.vector_store %arg11[%swap3A_203], %swap3A_206 {strides = array<i32>} : memref<128xi32, #tpu.memory_space<vmem>>, vector<16xi32>,
      %add3A_207 = arith.constant 16 : i32
      %add3A_208 = arith.addi %add3A_163, %add3A_207 : i32
      %add3A_209 = vector.broadcast %add3A_208 : i32 to vector<16xi32>
      %add3A_210 = arith.addi %add3A_209, %iota3A : vector<16xi32>
      %swap3A_211 = arith.constant 0 : i32
      %swap3A_212 = arith.index_cast %swap3A_211 : i32 to index
      %swap3A_213 = arith.constant 16 : index
      %swap3A_214 = tpu.vector_load %arg15[%swap3A_212, %swap3A_213] {strides = array<i32>} : memref<4x128xi32, #tpu.memory_space<vmem>>, vector<1x16xi32>,
      %swap3A_215 = vector.shape_cast %swap3A_214 : vector<1x16xi32> to vector<16xi32>
      %swap3A_216 = vector.shape_cast %add3A_210 : vector<16xi32> to vector<1x16xi32>
      tpu.vector_store %arg15[%swap3A_212, %swap3A_213], %swap3A_216 {strides = array<i32>} : memref<4x128xi32, #tpu.memory_space<vmem>>, vector<1x16xi32>,
      %get3A_217 = arith.constant 32 : index
      %get3A_218 = tpu.vector_load %arg6[%get3A_217] {strides = array<i32>} : memref<512xi32, #tpu.memory_space<vmem>>, vector<16xi32>,
      %get3A_219 = vector.shape_cast %get3A_218 : vector<16xi32> to vector<16xi32>
      %get3A_220 = arith.constant 32 : index
      %get3A_221 = tpu.vector_load %arg7[%get3A_220] {strides = array<i32>} : memref<128xi32, #tpu.memory_space<vmem>>, vector<16xi32>,
      %get3A_222 = vector.shape_cast %get3A_221 : vector<16xi32> to vector<16xi32>
      %shift_left3A_223 = arith.constant 12 : i32
      %shift_left3A_224 = vector.broadcast %shift_left3A_223 : i32 to vector<16xi32>
      %shift_left3A_225 = arith.shli %get3A_219, %shift_left3A_224 : vector<16xi32>
      %or3A_226 = arith.ori %shift_left3A_225, %get3A_222 : vector<16xi32>
      %swap3A_227 = arith.constant 32 : index
      %swap3A_228 = tpu.vector_load %arg11[%swap3A_227] {strides = array<i32>} : memref<128xi32, #tpu.memory_space<vmem>>, vector<16xi32>,
      %swap3A_229 = vector.shape_cast %swap3A_228 : vector<16xi32> to vector<16xi32>
      %swap3A_230 = vector.shape_cast %or3A_226 : vector<16xi32> to vector<16xi32>
      tpu.vector_store %arg11[%swap3A_227], %swap3A_230 {strides = array<i32>} : memref<128xi32, #tpu.memory_space<vmem>>, vector<16xi32>,
      %add3A_231 = arith.constant 32 : i32
      %add3A_232 = arith.addi %add3A_163, %add3A_231 : i32
      %add3A_233 = vector.broadcast %add3A_232 : i32 to vector<16xi32>
      %add3A_234 = arith.addi %add3A_233, %iota3A : vector<16xi32>
      %swap3A_235 = arith.constant 0 : i32
      %swap3A_236 = arith.index_cast %swap3A_235 : i32 to index
      %swap3A_237 = arith.constant 32 : index
      %swap3A_238 = tpu.vector_load %arg15[%swap3A_236, %swap3A_237] {strides = array<i32>} : memref<4x128xi32, #tpu.memory_space<vmem>>, vector<1x16xi32>,
      %swap3A_239 = vector.shape_cast %swap3A_238 : vector<1x16xi32> to vector<16xi32>
      %swap3A_240 = vector.shape_cast %add3A_234 : vector<16xi32> to vector<1x16xi32>
      tpu.vector_store %arg15[%swap3A_236, %swap3A_237], %swap3A_240 {strides = array<i32>} : memref<4x128xi32, #tpu.memory_space<vmem>>, vector<1x16xi32>,
      %get3A_241 = arith.constant 48 : index
      %get3A_242 = tpu.vector_load %arg6[%get3A_241] {strides = array<i32>} : memref<512xi32, #tpu.memory_space<vmem>>, vector<16xi32>,
      %get3A_243 = vector.shape_cast %get3A_242 : vector<16xi32> to vector<16xi32>
      %get3A_244 = arith.constant 48 : index
      %get3A_245 = tpu.vector_load %arg7[%get3A_244] {strides = array<i32>} : memref<128xi32, #tpu.memory_space<vmem>>, vector<16xi32>,
      %get3A_246 = vector.shape_cast %get3A_245 : vector<16xi32> to vector<16xi32>
      %shift_left3A_247 = arith.constant 12 : i32
      %shift_left3A_248 = vector.broadcast %shift_left3A_247 : i32 to vector<16xi32>
      %shift_left3A_249 = arith.shli %get3A_243, %shift_left3A_248 : vector<16xi32>
      %or3A_250 = arith.ori %shift_left3A_249, %get3A_246 : vector<16xi32>
      %swap3A_251 = arith.constant 48 : index
      %swap3A_252 = tpu.vector_load %arg11[%swap3A_251] {strides = array<i32>} : memref<128xi32, #tpu.memory_space<vmem>>, vector<16xi32>,
      %swap3A_253 = vector.shape_cast %swap3A_252 : vector<16xi32> to vector<16xi32>
      %swap3A_254 = vector.shape_cast %or3A_250 : vector<16xi32> to vector<16xi32>
      tpu.vector_store %arg11[%swap3A_251], %swap3A_254 {strides = array<i32>} : memref<128xi32, #tpu.memory_space<vmem>>, vector<16xi32>,
      %add3A_255 = arith.constant 48 : i32
      %add3A_256 = arith.addi %add3A_163, %add3A_255 : i32
      %add3A_257 = vector.broadcast %add3A_256 : i32 to vector<16xi32>
      %add3A_258 = arith.addi %add3A_257, %iota3A : vector<16xi32>
      %swap3A_259 = arith.constant 0 : i32
      %swap3A_260 = arith.index_cast %swap3A_259 : i32 to index
      %swap3A_261 = arith.constant 48 : index
      %swap3A_262 = tpu.vector_load %arg15[%swap3A_260, %swap3A_261] {strides = array<i32>} : memref<4x128xi32, #tpu.memory_space<vmem>>, vector<1x16xi32>,
      %swap3A_263 = vector.shape_cast %swap3A_262 : vector<1x16xi32> to vector<16xi32>
      %swap3A_264 = vector.shape_cast %add3A_258 : vector<16xi32> to vector<1x16xi32>
      tpu.vector_store %arg15[%swap3A_260, %swap3A_261], %swap3A_264 {strides = array<i32>} : memref<4x128xi32, #tpu.memory_space<vmem>>, vector<1x16xi32>,
      %get3A_265 = arith.constant 64 : index
      %get3A_266 = tpu.vector_load %arg6[%get3A_265] {strides = array<i32>} : memref<512xi32, #tpu.memory_space<vmem>>, vector<16xi32>,
      %get3A_267 = vector.shape_cast %get3A_266 : vector<16xi32> to vector<16xi32>
      %get3A_268 = arith.constant 64 : index
      %get3A_269 = tpu.vector_load %arg7[%get3A_268] {strides = array<i32>} : memref<128xi32, #tpu.memory_space<vmem>>, vector<16xi32>,
      %get3A_270 = vector.shape_cast %get3A_269 : vector<16xi32> to vector<16xi32>
      %shift_left3A_271 = arith.constant 12 : i32
      %shift_left3A_272 = vector.broadcast %shift_left3A_271 : i32 to vector<16xi32>
      %shift_left3A_273 = arith.shli %get3A_267, %shift_left3A_272 : vector<16xi32>
      %or3A_274 = arith.ori %shift_left3A_273, %get3A_270 : vector<16xi32>
      %swap3A_275 = arith.constant 64 : index
      %swap3A_276 = tpu.vector_load %arg11[%swap3A_275] {strides = array<i32>} : memref<128xi32, #tpu.memory_space<vmem>>, vector<16xi32>,
      %swap3A_277 = vector.shape_cast %swap3A_276 : vector<16xi32> to vector<16xi32>
      %swap3A_278 = vector.shape_cast %or3A_274 : vector<16xi32> to vector<16xi32>
      tpu.vector_store %arg11[%swap3A_275], %swap3A_278 {strides = array<i32>} : memref<128xi32, #tpu.memory_space<vmem>>, vector<16xi32>,
      %add3A_279 = arith.constant 64 : i32
      %add3A_280 = arith.addi %add3A_163, %add3A_279 : i32
      %add3A_281 = vector.broadcast %add3A_280 : i32 to vector<16xi32>
      %add3A_282 = arith.addi %add3A_281, %iota3A : vector<16xi32>
      %swap3A_283 = arith.constant 0 : i32
      %swap3A_284 = arith.index_cast %swap3A_283 : i32 to index
      %swap3A_285 = arith.constant 64 : index
      %swap3A_286 = tpu.vector_load %arg15[%swap3A_284, %swap3A_285] {strides = array<i32>} : memref<4x128xi32, #tpu.memory_space<vmem>>, vector<1x16xi32>,
      %swap3A_287 = vector.shape_cast %swap3A_286 : vector<1x16xi32> to vector<16xi32>
      %swap3A_288 = vector.shape_cast %add3A_282 : vector<16xi32> to vector<1x16xi32>
      tpu.vector_store %arg15[%swap3A_284, %swap3A_285], %swap3A_288 {strides = array<i32>} : memref<4x128xi32, #tpu.memory_space<vmem>>, vector<1x16xi32>,
      %get3A_289 = arith.constant 80 : index
      %get3A_290 = tpu.vector_load %arg6[%get3A_289] {strides = array<i32>} : memref<512xi32, #tpu.memory_space<vmem>>, vector<16xi32>,
      %get3A_291 = vector.shape_cast %get3A_290 : vector<16xi32> to vector<16xi32>
      %get3A_292 = arith.constant 80 : index
      %get3A_293 = tpu.vector_load %arg7[%get3A_292] {strides = array<i32>} : memref<128xi32, #tpu.memory_space<vmem>>, vector<16xi32>,
      %get3A_294 = vector.shape_cast %get3A_293 : vector<16xi32> to vector<16xi32>
      %shift_left3A_295 = arith.constant 12 : i32
      %shift_left3A_296 = vector.broadcast %shift_left3A_295 : i32 to vector<16xi32>
      %shift_left3A_297 = arith.shli %get3A_291, %shift_left3A_296 : vector<16xi32>
      %or3A_298 = arith.ori %shift_left3A_297, %get3A_294 : vector<16xi32>
      %swap3A_299 = arith.constant 80 : index
      %swap3A_300 = tpu.vector_load %arg11[%swap3A_299] {strides = array<i32>} : memref<128xi32, #tpu.memory_space<vmem>>, vector<16xi32>,
      %swap3A_301 = vector.shape_cast %swap3A_300 : vector<16xi32> to vector<16xi32>
      %swap3A_302 = vector.shape_cast %or3A_298 : vector<16xi32> to vector<16xi32>
      tpu.vector_store %arg11[%swap3A_299], %swap3A_302 {strides = array<i32>} : memref<128xi32, #tpu.memory_space<vmem>>, vector<16xi32>,
      %add3A_303 = arith.constant 80 : i32
      %add3A_304 = arith.addi %add3A_163, %add3A_303 : i32
      %add3A_305 = vector.broadcast %add3A_304 : i32 to vector<16xi32>
      %add3A_306 = arith.addi %add3A_305, %iota3A : vector<16xi32>
      %swap3A_307 = arith.constant 0 : i32
      %swap3A_308 = arith.index_cast %swap3A_307 : i32 to index
      %swap3A_309 = arith.constant 80 : index
      %swap3A_310 = tpu.vector_load %arg15[%swap3A_308, %swap3A_309] {strides = array<i32>} : memref<4x128xi32, #tpu.memory_space<vmem>>, vector<1x16xi32>,
      %swap3A_311 = vector.shape_cast %swap3A_310 : vector<1x16xi32> to vector<16xi32>
      %swap3A_312 = vector.shape_cast %add3A_306 : vector<16xi32> to vector<1x16xi32>
      tpu.vector_store %arg15[%swap3A_308, %swap3A_309], %swap3A_312 {strides = array<i32>} : memref<4x128xi32, #tpu.memory_space<vmem>>, vector<1x16xi32>,
      %get3A_313 = arith.constant 96 : index
      %get3A_314 = tpu.vector_load %arg6[%get3A_313] {strides = array<i32>} : memref<512xi32, #tpu.memory_space<vmem>>, vector<16xi32>,
      %get3A_315 = vector.shape_cast %get3A_314 : vector<16xi32> to vector<16xi32>
      %get3A_316 = arith.constant 96 : index
      %get3A_317 = tpu.vector_load %arg7[%get3A_316] {strides = array<i32>} : memref<128xi32, #tpu.memory_space<vmem>>, vector<16xi32>,
      %get3A_318 = vector.shape_cast %get3A_317 : vector<16xi32> to vector<16xi32>
      %shift_left3A_319 = arith.constant 12 : i32
      %shift_left3A_320 = vector.broadcast %shift_left3A_319 : i32 to vector<16xi32>
      %shift_left3A_321 = arith.shli %get3A_315, %shift_left3A_320 : vector<16xi32>
      %or3A_322 = arith.ori %shift_left3A_321, %get3A_318 : vector<16xi32>
      %swap3A_323 = arith.constant 96 : index
      %swap3A_324 = tpu.vector_load %arg11[%swap3A_323] {strides = array<i32>} : memref<128xi32, #tpu.memory_space<vmem>>, vector<16xi32>,
      %swap3A_325 = vector.shape_cast %swap3A_324 : vector<16xi32> to vector<16xi32>
      %swap3A_326 = vector.shape_cast %or3A_322 : vector<16xi32> to vector<16xi32>
      tpu.vector_store %arg11[%swap3A_323], %swap3A_326 {strides = array<i32>} : memref<128xi32, #tpu.memory_space<vmem>>, vector<16xi32>,
      %add3A_327 = arith.constant 96 : i32
      %add3A_328 = arith.addi %add3A_163, %add3A_327 : i32
      %add3A_329 = vector.broadcast %add3A_328 : i32 to vector<16xi32>
      %add3A_330 = arith.addi %add3A_329, %iota3A : vector<16xi32>
      %swap3A_331 = arith.constant 0 : i32
      %swap3A_332 = arith.index_cast %swap3A_331 : i32 to index
      %swap3A_333 = arith.constant 96 : index
      %swap3A_334 = tpu.vector_load %arg15[%swap3A_332, %swap3A_333] {strides = array<i32>} : memref<4x128xi32, #tpu.memory_space<vmem>>, vector<1x16xi32>,
      %swap3A_335 = vector.shape_cast %swap3A_334 : vector<1x16xi32> to vector<16xi32>
      %swap3A_336 = vector.shape_cast %add3A_330 : vector<16xi32> to vector<1x16xi32>
      tpu.vector_store %arg15[%swap3A_332, %swap3A_333], %swap3A_336 {strides = array<i32>} : memref<4x128xi32, #tpu.memory_space<vmem>>, vector<1x16xi32>,
      %get3A_337 = arith.constant 112 : index
      %get3A_338 = tpu.vector_load %arg6[%get3A_337] {strides = array<i32>} : memref<512xi32, #tpu.memory_space<vmem>>, vector<16xi32>,
      %get3A_339 = vector.shape_cast %get3A_338 : vector<16xi32> to vector<16xi32>
      %get3A_340 = arith.constant 112 : index
      %get3A_341 = tpu.vector_load %arg7[%get3A_340] {strides = array<i32>} : memref<128xi32, #tpu.memory_space<vmem>>, vector<16xi32>,
      %get3A_342 = vector.shape_cast %get3A_341 : vector<16xi32> to vector<16xi32>
      %shift_left3A_343 = arith.constant 12 : i32
      %shift_left3A_344 = vector.broadcast %shift_left3A_343 : i32 to vector<16xi32>
      %shift_left3A_345 = arith.shli %get3A_339, %shift_left3A_344 : vector<16xi32>
      %or3A_346 = arith.ori %shift_left3A_345, %get3A_342 : vector<16xi32>
      %swap3A_347 = arith.constant 112 : index
      %swap3A_348 = tpu.vector_load %arg11[%swap3A_347] {strides = array<i32>} : memref<128xi32, #tpu.memory_space<vmem>>, vector<16xi32>,
      %swap3A_349 = vector.shape_cast %swap3A_348 : vector<16xi32> to vector<16xi32>
      %swap3A_350 = vector.shape_cast %or3A_346 : vector<16xi32> to vector<16xi32>
      tpu.vector_store %arg11[%swap3A_347], %swap3A_350 {strides = array<i32>} : memref<128xi32, #tpu.memory_space<vmem>>, vector<16xi32>,
      %add3A_351 = arith.constant 112 : i32
      %add3A_352 = arith.addi %add3A_163, %add3A_351 : i32
      %add3A_353 = vector.broadcast %add3A_352 : i32 to vector<16xi32>
      %add3A_354 = arith.addi %add3A_353, %iota3A : vector<16xi32>
      %swap3A_355 = arith.constant 0 : i32
      %swap3A_356 = arith.index_cast %swap3A_355 : i32 to index
      %swap3A_357 = arith.constant 112 : index
      %swap3A_358 = tpu.vector_load %arg15[%swap3A_356, %swap3A_357] {strides = array<i32>} : memref<4x128xi32, #tpu.memory_space<vmem>>, vector<1x16xi32>,
      %swap3A_359 = vector.shape_cast %swap3A_358 : vector<1x16xi32> to vector<16xi32>
      %swap3A_360 = vector.shape_cast %add3A_354 : vector<16xi32> to vector<1x16xi32>
      tpu.vector_store %arg15[%swap3A_356, %swap3A_357], %swap3A_360 {strides = array<i32>} : memref<4x128xi32, #tpu.memory_space<vmem>>, vector<1x16xi32>,
      %get3A_361 = arith.constant 128 : index
      %get3A_362 = tpu.vector_load %arg6[%get3A_361] {strides = array<i32>} : memref<512xi32, #tpu.memory_space<vmem>>, vector<16xi32>,
      %get3A_363 = vector.shape_cast %get3A_362 : vector<16xi32> to vector<16xi32>
      %get3A_364 = arith.constant 0 : index
      %get3A_365 = tpu.vector_load %arg8[%get3A_364] {strides = array<i32>} : memref<128xi32, #tpu.memory_space<vmem>>, vector<16xi32>,
      %get3A_366 = vector.shape_cast %get3A_365 : vector<16xi32> to vector<16xi32>
      %shift_left3A_367 = arith.constant 12 : i32
      %shift_left3A_368 = vector.broadcast %shift_left3A_367 : i32 to vector<16xi32>
      %shift_left3A_369 = arith.shli %get3A_363, %shift_left3A_368 : vector<16xi32>
      %or3A_370 = arith.ori %shift_left3A_369, %get3A_366 : vector<16xi32>
      %swap3A_371 = arith.constant 0 : index
      %swap3A_372 = tpu.vector_load %arg12[%swap3A_371] {strides = array<i32>} : memref<128xi32, #tpu.memory_space<vmem>>, vector<16xi32>,
      %swap3A_373 = vector.shape_cast %swap3A_372 : vector<16xi32> to vector<16xi32>
      %swap3A_374 = vector.shape_cast %or3A_370 : vector<16xi32> to vector<16xi32>
      tpu.vector_store %arg12[%swap3A_371], %swap3A_374 {strides = array<i32>} : memref<128xi32, #tpu.memory_space<vmem>>, vector<16xi32>,
      %add3A_375 = arith.constant 128 : i32
      %add3A_376 = arith.addi %add3A_163, %add3A_375 : i32
      %add3A_377 = vector.broadcast %add3A_376 : i32 to vector<16xi32>
      %add3A_378 = arith.addi %add3A_377, %iota3A : vector<16xi32>
      %swap3A_379 = arith.constant 1 : i32
      %swap3A_380 = arith.index_cast %swap3A_379 : i32 to index
      %swap3A_381 = arith.constant 0 : index
      %swap3A_382 = tpu.vector_load %arg15[%swap3A_380, %swap3A_381] {strides = array<i32>} : memref<4x128xi32, #tpu.memory_space<vmem>>, vector<1x16xi32>,
      %swap3A_383 = vector.shape_cast %swap3A_382 : vector<1x16xi32> to vector<16xi32>
      %swap3A_384 = vector.shape_cast %add3A_378 : vector<16xi32> to vector<1x16xi32>
      tpu.vector_store %arg15[%swap3A_380, %swap3A_381], %swap3A_384 {strides = array<i32>} : memref<4x128xi32, #tpu.memory_space<vmem>>, vector<1x16xi32>,
      %get3A_385 = arith.constant 144 : index
      %get3A_386 = tpu.vector_load %arg6[%get3A_385] {strides = array<i32>} : memref<512xi32, #tpu.memory_space<vmem>>, vector<16xi32>,
      %get3A_387 = vector.shape_cast %get3A_386 : vector<16xi32> to vector<16xi32>
      %get3A_388 = arith.constant 16 : index
      %get3A_389 = tpu.vector_load %arg8[%get3A_388] {strides = array<i32>} : memref<128xi32, #tpu.memory_space<vmem>>, vector<16xi32>,
      %get3A_390 = vector.shape_cast %get3A_389 : vector<16xi32> to vector<16xi32>
      %shift_left3A_391 = arith.constant 12 : i32
      %shift_left3A_392 = vector.broadcast %shift_left3A_391 : i32 to vector<16xi32>
      %shift_left3A_393 = arith.shli %get3A_387, %shift_left3A_392 : vector<16xi32>
      %or3A_394 = arith.ori %shift_left3A_393, %get3A_390 : vector<16xi32>
      %swap3A_395 = arith.constant 16 : index
      %swap3A_396 = tpu.vector_load %arg12[%swap3A_395] {strides = array<i32>} : memref<128xi32, #tpu.memory_space<vmem>>, vector<16xi32>,
      %swap3A_397 = vector.shape_cast %swap3A_396 : vector<16xi32> to vector<16xi32>
      %swap3A_398 = vector.shape_cast %or3A_394 : vector<16xi32> to vector<16xi32>
      tpu.vector_store %arg12[%swap3A_395], %swap3A_398 {strides = array<i32>} : memref<128xi32, #tpu.memory_space<vmem>>, vector<16xi32>,
      %add3A_399 = arith.constant 144 : i32
      %add3A_400 = arith.addi %add3A_163, %add3A_399 : i32
      %add3A_401 = vector.broadcast %add3A_400 : i32 to vector<16xi32>
      %add3A_402 = arith.addi %add3A_401, %iota3A : vector<16xi32>
      %swap3A_403 = arith.constant 1 : i32
      %swap3A_404 = arith.index_cast %swap3A_403 : i32 to index
      %swap3A_405 = arith.constant 16 : index
      %swap3A_406 = tpu.vector_load %arg15[%swap3A_404, %swap3A_405] {strides = array<i32>} : memref<4x128xi32, #tpu.memory_space<vmem>>, vector<1x16xi32>,
      %swap3A_407 = vector.shape_cast %swap3A_406 : vector<1x16xi32> to vector<16xi32>
      %swap3A_408 = vector.shape_cast %add3A_402 : vector<16xi32> to vector<1x16xi32>
      tpu.vector_store %arg15[%swap3A_404, %swap3A_405], %swap3A_408 {strides = array<i32>} : memref<4x128xi32, #tpu.memory_space<vmem>>, vector<1x16xi32>,
      %get3A_409 = arith.constant 160 : index
      %get3A_410 = tpu.vector_load %arg6[%get3A_409] {strides = array<i32>} : memref<512xi32, #tpu.memory_space<vmem>>, vector<16xi32>,
      %get3A_411 = vector.shape_cast %get3A_410 : vector<16xi32> to vector<16xi32>
      %get3A_412 = arith.constant 32 : index
      %get3A_413 = tpu.vector_load %arg8[%get3A_412] {strides = array<i32>} : memref<128xi32, #tpu.memory_space<vmem>>, vector<16xi32>,
      %get3A_414 = vector.shape_cast %get3A_413 : vector<16xi32> to vector<16xi32>
      %shift_left3A_415 = arith.constant 12 : i32
      %shift_left3A_416 = vector.broadcast %shift_left3A_415 : i32 to vector<16xi32>
      %shift_left3A_417 = arith.shli %get3A_411, %shift_left3A_416 : vector<16xi32>
      %or3A_418 = arith.ori %shift_left3A_417, %get3A_414 : vector<16xi32>
      %swap3A_419 = arith.constant 32 : index
      %swap3A_420 = tpu.vector_load %arg12[%swap3A_419] {strides = array<i32>} : memref<128xi32, #tpu.memory_space<vmem>>, vector<16xi32>,
      %swap3A_421 = vector.shape_cast %swap3A_420 : vector<16xi32> to vector<16xi32>
      %swap3A_422 = vector.shape_cast %or3A_418 : vector<16xi32> to vector<16xi32>
      tpu.vector_store %arg12[%swap3A_419], %swap3A_422 {strides = array<i32>} : memref<128xi32, #tpu.memory_space<vmem>>, vector<16xi32>,
      %add3A_423 = arith.constant 160 : i32
      %add3A_424 = arith.addi %add3A_163, %add3A_423 : i32
      %add3A_425 = vector.broadcast %add3A_424 : i32 to vector<16xi32>
      %add3A_426 = arith.addi %add3A_425, %iota3A : vector<16xi32>
      %swap3A_427 = arith.constant 1 : i32
      %swap3A_428 = arith.index_cast %swap3A_427 : i32 to index
      %swap3A_429 = arith.constant 32 : index
      %swap3A_430 = tpu.vector_load %arg15[%swap3A_428, %swap3A_429] {strides = array<i32>} : memref<4x128xi32, #tpu.memory_space<vmem>>, vector<1x16xi32>,
      %swap3A_431 = vector.shape_cast %swap3A_430 : vector<1x16xi32> to vector<16xi32>
      %swap3A_432 = vector.shape_cast %add3A_426 : vector<16xi32> to vector<1x16xi32>
      tpu.vector_store %arg15[%swap3A_428, %swap3A_429], %swap3A_432 {strides = array<i32>} : memref<4x128xi32, #tpu.memory_space<vmem>>, vector<1x16xi32>,
      %get3A_433 = arith.constant 176 : index
      %get3A_434 = tpu.vector_load %arg6[%get3A_433] {strides = array<i32>} : memref<512xi32, #tpu.memory_space<vmem>>, vector<16xi32>,
      %get3A_435 = vector.shape_cast %get3A_434 : vector<16xi32> to vector<16xi32>
      %get3A_436 = arith.constant 48 : index
      %get3A_437 = tpu.vector_load %arg8[%get3A_436] {strides = array<i32>} : memref<128xi32, #tpu.memory_space<vmem>>, vector<16xi32>,
      %get3A_438 = vector.shape_cast %get3A_437 : vector<16xi32> to vector<16xi32>
      %shift_left3A_439 = arith.constant 12 : i32
      %shift_left3A_440 = vector.broadcast %shift_left3A_439 : i32 to vector<16xi32>
      %shift_left3A_441 = arith.shli %get3A_435, %shift_left3A_440 : vector<16xi32>
      %or3A_442 = arith.ori %shift_left3A_441, %get3A_438 : vector<16xi32>
      %swap3A_443 = arith.constant 48 : index
      %swap3A_444 = tpu.vector_load %arg12[%swap3A_443] {strides = array<i32>} : memref<128xi32, #tpu.memory_space<vmem>>, vector<16xi32>,
      %swap3A_445 = vector.shape_cast %swap3A_444 : vector<16xi32> to vector<16xi32>
      %swap3A_446 = vector.shape_cast %or3A_442 : vector<16xi32> to vector<16xi32>
      tpu.vector_store %arg12[%swap3A_443], %swap3A_446 {strides = array<i32>} : memref<128xi32, #tpu.memory_space<vmem>>, vector<16xi32>,
      %add3A_447 = arith.constant 176 : i32
      %add3A_448 = arith.addi %add3A_163, %add3A_447 : i32
      %add3A_449 = vector.broadcast %add3A_448 : i32 to vector<16xi32>
      %add3A_450 = arith.addi %add3A_449, %iota3A : vector<16xi32>
      %swap3A_451 = arith.constant 1 : i32
      %swap3A_452 = arith.index_cast %swap3A_451 : i32 to index
      %swap3A_453 = arith.constant 48 : index
      %swap3A_454 = tpu.vector_load %arg15[%swap3A_452, %swap3A_453] {strides = array<i32>} : memref<4x128xi32, #tpu.memory_space<vmem>>, vector<1x16xi32>,
      %swap3A_455 = vector.shape_cast %swap3A_454 : vector<1x16xi32> to vector<16xi32>
      %swap3A_456 = vector.shape_cast %add3A_450 : vector<16xi32> to vector<1x16xi32>
      tpu.vector_store %arg15[%swap3A_452, %swap3A_453], %swap3A_456 {strides = array<i32>} : memref<4x128xi32, #tpu.memory_space<vmem>>, vector<1x16xi32>,
      %get3A_457 = arith.constant 192 : index
      %get3A_458 = tpu.vector_load %arg6[%get3A_457] {strides = array<i32>} : memref<512xi32, #tpu.memory_space<vmem>>, vector<16xi32>,
      %get3A_459 = vector.shape_cast %get3A_458 : vector<16xi32> to vector<16xi32>
      %get3A_460 = arith.constant 64 : index
      %get3A_461 = tpu.vector_load %arg8[%get3A_460] {strides = array<i32>} : memref<128xi32, #tpu.memory_space<vmem>>, vector<16xi32>,
      %get3A_462 = vector.shape_cast %get3A_461 : vector<16xi32> to vector<16xi32>
      %shift_left3A_463 = arith.constant 12 : i32
      %shift_left3A_464 = vector.broadcast %shift_left3A_463 : i32 to vector<16xi32>
      %shift_left3A_465 = arith.shli %get3A_459, %shift_left3A_464 : vector<16xi32>
      %or3A_466 = arith.ori %shift_left3A_465, %get3A_462 : vector<16xi32>
      %swap3A_467 = arith.constant 64 : index
      %swap3A_468 = tpu.vector_load %arg12[%swap3A_467] {strides = array<i32>} : memref<128xi32, #tpu.memory_space<vmem>>, vector<16xi32>,
      %swap3A_469 = vector.shape_cast %swap3A_468 : vector<16xi32> to vector<16xi32>
      %swap3A_470 = vector.shape_cast %or3A_466 : vector<16xi32> to vector<16xi32>
      tpu.vector_store %arg12[%swap3A_467], %swap3A_470 {strides = array<i32>} : memref<128xi32, #tpu.memory_space<vmem>>, vector<16xi32>,
      %add3A_471 = arith.constant 192 : i32
      %add3A_472 = arith.addi %add3A_163, %add3A_471 : i32
      %add3A_473 = vector.broadcast %add3A_472 : i32 to vector<16xi32>
      %add3A_474 = arith.addi %add3A_473, %iota3A : vector<16xi32>
      %swap3A_475 = arith.constant 1 : i32
      %swap3A_476 = arith.index_cast %swap3A_475 : i32 to index
      %swap3A_477 = arith.constant 64 : index
      %swap3A_478 = tpu.vector_load %arg15[%swap3A_476, %swap3A_477] {strides = array<i32>} : memref<4x128xi32, #tpu.memory_space<vmem>>, vector<1x16xi32>,
      %swap3A_479 = vector.shape_cast %swap3A_478 : vector<1x16xi32> to vector<16xi32>
      %swap3A_480 = vector.shape_cast %add3A_474 : vector<16xi32> to vector<1x16xi32>
      tpu.vector_store %arg15[%swap3A_476, %swap3A_477], %swap3A_480 {strides = array<i32>} : memref<4x128xi32, #tpu.memory_space<vmem>>, vector<1x16xi32>,
      %get3A_481 = arith.constant 208 : index
      %get3A_482 = tpu.vector_load %arg6[%get3A_481] {strides = array<i32>} : memref<512xi32, #tpu.memory_space<vmem>>, vector<16xi32>,
      %get3A_483 = vector.shape_cast %get3A_482 : vector<16xi32> to vector<16xi32>
      %get3A_484 = arith.constant 80 : index
      %get3A_485 = tpu.vector_load %arg8[%get3A_484] {strides = array<i32>} : memref<128xi32, #tpu.memory_space<vmem>>, vector<16xi32>,
      %get3A_486 = vector.shape_cast %get3A_485 : vector<16xi32> to vector<16xi32>
      %shift_left3A_487 = arith.constant 12 : i32
      %shift_left3A_488 = vector.broadcast %shift_left3A_487 : i32 to vector<16xi32>
      %shift_left3A_489 = arith.shli %get3A_483, %shift_left3A_488 : vector<16xi32>
      %or3A_490 = arith.ori %shift_left3A_489, %get3A_486 : vector<16xi32>
      %swap3A_491 = arith.constant 80 : index
      %swap3A_492 = tpu.vector_load %arg12[%swap3A_491] {strides = array<i32>} : memref<128xi32, #tpu.memory_space<vmem>>, vector<16xi32>,
      %swap3A_493 = vector.shape_cast %swap3A_492 : vector<16xi32> to vector<16xi32>
      %swap3A_494 = vector.shape_cast %or3A_490 : vector<16xi32> to vector<16xi32>
      tpu.vector_store %arg12[%swap3A_491], %swap3A_494 {strides = array<i32>} : memref<128xi32, #tpu.memory_space<vmem>>, vector<16xi32>,
      %add3A_495 = arith.constant 208 : i32
      %add3A_496 = arith.addi %add3A_163, %add3A_495 : i32
      %add3A_497 = vector.broadcast %add3A_496 : i32 to vector<16xi32>
      %add3A_498 = arith.addi %add3A_497, %iota3A : vector<16xi32>
      %swap3A_499 = arith.constant 1 : i32
      %swap3A_500 = arith.index_cast %swap3A_499 : i32 to index
      %swap3A_501 = arith.constant 80 : index
      %swap3A_502 = tpu.vector_load %arg15[%swap3A_500, %swap3A_501] {strides = array<i32>} : memref<4x128xi32, #tpu.memory_space<vmem>>, vector<1x16xi32>,
      %swap3A_503 = vector.shape_cast %swap3A_502 : vector<1x16xi32> to vector<16xi32>
      %swap3A_504 = vector.shape_cast %add3A_498 : vector<16xi32> to vector<1x16xi32>
      tpu.vector_store %arg15[%swap3A_500, %swap3A_501], %swap3A_504 {strides = array<i32>} : memref<4x128xi32, #tpu.memory_space<vmem>>, vector<1x16xi32>,
      %get3A_505 = arith.constant 224 : index
      %get3A_506 = tpu.vector_load %arg6[%get3A_505] {strides = array<i32>} : memref<512xi32, #tpu.memory_space<vmem>>, vector<16xi32>,
      %get3A_507 = vector.shape_cast %get3A_506 : vector<16xi32> to vector<16xi32>
      %get3A_508 = arith.constant 96 : index
      %get3A_509 = tpu.vector_load %arg8[%get3A_508] {strides = array<i32>} : memref<128xi32, #tpu.memory_space<vmem>>, vector<16xi32>,
      %get3A_510 = vector.shape_cast %get3A_509 : vector<16xi32> to vector<16xi32>
      %shift_left3A_511 = arith.constant 12 : i32
      %shift_left3A_512 = vector.broadcast %shift_left3A_511 : i32 to vector<16xi32>
      %shift_left3A_513 = arith.shli %get3A_507, %shift_left3A_512 : vector<16xi32>
      %or3A_514 = arith.ori %shift_left3A_513, %get3A_510 : vector<16xi32>
      %swap3A_515 = arith.constant 96 : index
      %swap3A_516 = tpu.vector_load %arg12[%swap3A_515] {strides = array<i32>} : memref<128xi32, #tpu.memory_space<vmem>>, vector<16xi32>,
      %swap3A_517 = vector.shape_cast %swap3A_516 : vector<16xi32> to vector<16xi32>
      %swap3A_518 = vector.shape_cast %or3A_514 : vector<16xi32> to vector<16xi32>
      tpu.vector_store %arg12[%swap3A_515], %swap3A_518 {strides = array<i32>} : memref<128xi32, #tpu.memory_space<vmem>>, vector<16xi32>,
      %add3A_519 = arith.constant 224 : i32
      %add3A_520 = arith.addi %add3A_163, %add3A_519 : i32
      %add3A_521 = vector.broadcast %add3A_520 : i32 to vector<16xi32>
      %add3A_522 = arith.addi %add3A_521, %iota3A : vector<16xi32>
      %swap3A_523 = arith.constant 1 : i32
      %swap3A_524 = arith.index_cast %swap3A_523 : i32 to index
      %swap3A_525 = arith.constant 96 : index
      %swap3A_526 = tpu.vector_load %arg15[%swap3A_524, %swap3A_525] {strides = array<i32>} : memref<4x128xi32, #tpu.memory_space<vmem>>, vector<1x16xi32>,
      %swap3A_527 = vector.shape_cast %swap3A_526 : vector<1x16xi32> to vector<16xi32>
      %swap3A_528 = vector.shape_cast %add3A_522 : vector<16xi32> to vector<1x16xi32>
      tpu.vector_store %arg15[%swap3A_524, %swap3A_525], %swap3A_528 {strides = array<i32>} : memref<4x128xi32, #tpu.memory_space<vmem>>, vector<1x16xi32>,
      %get3A_529 = arith.constant 240 : index
      %get3A_530 = tpu.vector_load %arg6[%get3A_529] {strides = array<i32>} : memref<512xi32, #tpu.memory_space<vmem>>, vector<16xi32>,
      %get3A_531 = vector.shape_cast %get3A_530 : vector<16xi32> to vector<16xi32>
      %get3A_532 = arith.constant 112 : index
      %get3A_533 = tpu.vector_load %arg8[%get3A_532] {strides = array<i32>} : memref<128xi32, #tpu.memory_space<vmem>>, vector<16xi32>,
      %get3A_534 = vector.shape_cast %get3A_533 : vector<16xi32> to vector<16xi32>
      %shift_left3A_535 = arith.constant 12 : i32
      %shift_left3A_536 = vector.broadcast %shift_left3A_535 : i32 to vector<16xi32>
      %shift_left3A_537 = arith.shli %get3A_531, %shift_left3A_536 : vector<16xi32>
      %or3A_538 = arith.ori %shift_left3A_537, %get3A_534 : vector<16xi32>
      %swap3A_539 = arith.constant 112 : index
      %swap3A_540 = tpu.vector_load %arg12[%swap3A_539] {strides = array<i32>} : memref<128xi32, #tpu.memory_space<vmem>>, vector<16xi32>,
      %swap3A_541 = vector.shape_cast %swap3A_540 : vector<16xi32> to vector<16xi32>
      %swap3A_542 = vector.shape_cast %or3A_538 : vector<16xi32> to vector<16xi32>
      tpu.vector_store %arg12[%swap3A_539], %swap3A_542 {strides = array<i32>} : memref<128xi32, #tpu.memory_space<vmem>>, vector<16xi32>,
      %add3A_543 = arith.constant 240 : i32
      %add3A_544 = arith.addi %add3A_163, %add3A_543 : i32
      %add3A_545 = vector.broadcast %add3A_544 : i32 to vector<16xi32>
      %add3A_546 = arith.addi %add3A_545, %iota3A : vector<16xi32>
      %swap3A_547 = arith.constant 1 : i32
      %swap3A_548 = arith.index_cast %swap3A_547 : i32 to index
      %swap3A_549 = arith.constant 112 : index
      %swap3A_550 = tpu.vector_load %arg15[%swap3A_548, %swap3A_549] {strides = array<i32>} : memref<4x128xi32, #tpu.memory_space<vmem>>, vector<1x16xi32>,
      %swap3A_551 = vector.shape_cast %swap3A_550 : vector<1x16xi32> to vector<16xi32>
      %swap3A_552 = vector.shape_cast %add3A_546 : vector<16xi32> to vector<1x16xi32>
      tpu.vector_store %arg15[%swap3A_548, %swap3A_549], %swap3A_552 {strides = array<i32>} : memref<4x128xi32, #tpu.memory_space<vmem>>, vector<1x16xi32>,
      %get3A_553 = arith.constant 256 : index
      %get3A_554 = tpu.vector_load %arg6[%get3A_553] {strides = array<i32>} : memref<512xi32, #tpu.memory_space<vmem>>, vector<16xi32>,
      %get3A_555 = vector.shape_cast %get3A_554 : vector<16xi32> to vector<16xi32>
      %get3A_556 = arith.constant 0 : index
      %get3A_557 = tpu.vector_load %arg9[%get3A_556] {strides = array<i32>} : memref<128xi32, #tpu.memory_space<vmem>>, vector<16xi32>,
      %get3A_558 = vector.shape_cast %get3A_557 : vector<16xi32> to vector<16xi32>
      %shift_left3A_559 = arith.constant 12 : i32
      %shift_left3A_560 = vector.broadcast %shift_left3A_559 : i32 to vector<16xi32>
      %shift_left3A_561 = arith.shli %get3A_555, %shift_left3A_560 : vector<16xi32>
      %or3A_562 = arith.ori %shift_left3A_561, %get3A_558 : vector<16xi32>
      %swap3A_563 = arith.constant 0 : index
      %swap3A_564 = tpu.vector_load %arg13[%swap3A_563] {strides = array<i32>} : memref<128xi32, #tpu.memory_space<vmem>>, vector<16xi32>,
      %swap3A_565 = vector.shape_cast %swap3A_564 : vector<16xi32> to vector<16xi32>
      %swap3A_566 = vector.shape_cast %or3A_562 : vector<16xi32> to vector<16xi32>
      tpu.vector_store %arg13[%swap3A_563], %swap3A_566 {strides = array<i32>} : memref<128xi32, #tpu.memory_space<vmem>>, vector<16xi32>,
      %add3A_567 = arith.constant 256 : i32
      %add3A_568 = arith.addi %add3A_163, %add3A_567 : i32
      %add3A_569 = vector.broadcast %add3A_568 : i32 to vector<16xi32>
      %add3A_570 = arith.addi %add3A_569, %iota3A : vector<16xi32>
      %swap3A_571 = arith.constant 2 : i32
      %swap3A_572 = arith.index_cast %swap3A_571 : i32 to index
      %swap3A_573 = arith.constant 0 : index
      %swap3A_574 = tpu.vector_load %arg15[%swap3A_572, %swap3A_573] {strides = array<i32>} : memref<4x128xi32, #tpu.memory_space<vmem>>, vector<1x16xi32>,
      %swap3A_575 = vector.shape_cast %swap3A_574 : vector<1x16xi32> to vector<16xi32>
      %swap3A_576 = vector.shape_cast %add3A_570 : vector<16xi32> to vector<1x16xi32>
      tpu.vector_store %arg15[%swap3A_572, %swap3A_573], %swap3A_576 {strides = array<i32>} : memref<4x128xi32, #tpu.memory_space<vmem>>, vector<1x16xi32>,
      %get3A_577 = arith.constant 272 : index
      %get3A_578 = tpu.vector_load %arg6[%get3A_577] {strides = array<i32>} : memref<512xi32, #tpu.memory_space<vmem>>, vector<16xi32>,
      %get3A_579 = vector.shape_cast %get3A_578 : vector<16xi32> to vector<16xi32>
      %get3A_580 = arith.constant 16 : index
      %get3A_581 = tpu.vector_load %arg9[%get3A_580] {strides = array<i32>} : memref<128xi32, #tpu.memory_space<vmem>>, vector<16xi32>,
      %get3A_582 = vector.shape_cast %get3A_581 : vector<16xi32> to vector<16xi32>
      %shift_left3A_583 = arith.constant 12 : i32
      %shift_left3A_584 = vector.broadcast %shift_left3A_583 : i32 to vector<16xi32>
      %shift_left3A_585 = arith.shli %get3A_579, %shift_left3A_584 : vector<16xi32>
      %or3A_586 = arith.ori %shift_left3A_585, %get3A_582 : vector<16xi32>
      %swap3A_587 = arith.constant 16 : index
      %swap3A_588 = tpu.vector_load %arg13[%swap3A_587] {strides = array<i32>} : memref<128xi32, #tpu.memory_space<vmem>>, vector<16xi32>,
      %swap3A_589 = vector.shape_cast %swap3A_588 : vector<16xi32> to vector<16xi32>
      %swap3A_590 = vector.shape_cast %or3A_586 : vector<16xi32> to vector<16xi32>
      tpu.vector_store %arg13[%swap3A_587], %swap3A_590 {strides = array<i32>} : memref<128xi32, #tpu.memory_space<vmem>>, vector<16xi32>,
      %add3A_591 = arith.constant 272 : i32
      %add3A_592 = arith.addi %add3A_163, %add3A_591 : i32
      %add3A_593 = vector.broadcast %add3A_592 : i32 to vector<16xi32>
      %add3A_594 = arith.addi %add3A_593, %iota3A : vector<16xi32>
      %swap3A_595 = arith.constant 2 : i32
      %swap3A_596 = arith.index_cast %swap3A_595 : i32 to index
      %swap3A_597 = arith.constant 16 : index
      %swap3A_598 = tpu.vector_load %arg15[%swap3A_596, %swap3A_597] {strides = array<i32>} : memref<4x128xi32, #tpu.memory_space<vmem>>, vector<1x16xi32>,
      %swap3A_599 = vector.shape_cast %swap3A_598 : vector<1x16xi32> to vector<16xi32>
      %swap3A_600 = vector.shape_cast %add3A_594 : vector<16xi32> to vector<1x16xi32>
      tpu.vector_store %arg15[%swap3A_596, %swap3A_597], %swap3A_600 {strides = array<i32>} : memref<4x128xi32, #tpu.memory_space<vmem>>, vector<1x16xi32>,
      %get3A_601 = arith.constant 288 : index
      %get3A_602 = tpu.vector_load %arg6[%get3A_601] {strides = array<i32>} : memref<512xi32, #tpu.memory_space<vmem>>, vector<16xi32>,
      %get3A_603 = vector.shape_cast %get3A_602 : vector<16xi32> to vector<16xi32>
      %get3A_604 = arith.constant 32 : index
      %get3A_605 = tpu.vector_load %arg9[%get3A_604] {strides = array<i32>} : memref<128xi32, #tpu.memory_space<vmem>>, vector<16xi32>,
      %get3A_606 = vector.shape_cast %get3A_605 : vector<16xi32> to vector<16xi32>
      %shift_left3A_607 = arith.constant 12 : i32
      %shift_left3A_608 = vector.broadcast %shift_left3A_607 : i32 to vector<16xi32>
      %shift_left3A_609 = arith.shli %get3A_603, %shift_left3A_608 : vector<16xi32>
      %or3A_610 = arith.ori %shift_left3A_609, %get3A_606 : vector<16xi32>
      %swap3A_611 = arith.constant 32 : index
      %swap3A_612 = tpu.vector_load %arg13[%swap3A_611] {strides = array<i32>} : memref<128xi32, #tpu.memory_space<vmem>>, vector<16xi32>,
      %swap3A_613 = vector.shape_cast %swap3A_612 : vector<16xi32> to vector<16xi32>
      %swap3A_614 = vector.shape_cast %or3A_610 : vector<16xi32> to vector<16xi32>
      tpu.vector_store %arg13[%swap3A_611], %swap3A_614 {strides = array<i32>} : memref<128xi32, #tpu.memory_space<vmem>>, vector<16xi32>,
      %add3A_615 = arith.constant 288 : i32
      %add3A_616 = arith.addi %add3A_163, %add3A_615 : i32
      %add3A_617 = vector.broadcast %add3A_616 : i32 to vector<16xi32>
      %add3A_618 = arith.addi %add3A_617, %iota3A : vector<16xi32>
      %swap3A_619 = arith.constant 2 : i32
      %swap3A_620 = arith.index_cast %swap3A_619 : i32 to index
      %swap3A_621 = arith.constant 32 : index
      %swap3A_622 = tpu.vector_load %arg15[%swap3A_620, %swap3A_621] {strides = array<i32>} : memref<4x128xi32, #tpu.memory_space<vmem>>, vector<1x16xi32>,
      %swap3A_623 = vector.shape_cast %swap3A_622 : vector<1x16xi32> to vector<16xi32>
      %swap3A_624 = vector.shape_cast %add3A_618 : vector<16xi32> to vector<1x16xi32>
      tpu.vector_store %arg15[%swap3A_620, %swap3A_621], %swap3A_624 {strides = array<i32>} : memref<4x128xi32, #tpu.memory_space<vmem>>, vector<1x16xi32>,
      %get3A_625 = arith.constant 304 : index
      %get3A_626 = tpu.vector_load %arg6[%get3A_625] {strides = array<i32>} : memref<512xi32, #tpu.memory_space<vmem>>, vector<16xi32>,
      %get3A_627 = vector.shape_cast %get3A_626 : vector<16xi32> to vector<16xi32>
      %get3A_628 = arith.constant 48 : index
      %get3A_629 = tpu.vector_load %arg9[%get3A_628] {strides = array<i32>} : memref<128xi32, #tpu.memory_space<vmem>>, vector<16xi32>,
      %get3A_630 = vector.shape_cast %get3A_629 : vector<16xi32> to vector<16xi32>
      %shift_left3A_631 = arith.constant 12 : i32
      %shift_left3A_632 = vector.broadcast %shift_left3A_631 : i32 to vector<16xi32>
      %shift_left3A_633 = arith.shli %get3A_627, %shift_left3A_632 : vector<16xi32>
      %or3A_634 = arith.ori %shift_left3A_633, %get3A_630 : vector<16xi32>
      %swap3A_635 = arith.constant 48 : index
      %swap3A_636 = tpu.vector_load %arg13[%swap3A_635] {strides = array<i32>} : memref<128xi32, #tpu.memory_space<vmem>>, vector<16xi32>,
      %swap3A_637 = vector.shape_cast %swap3A_636 : vector<16xi32> to vector<16xi32>
      %swap3A_638 = vector.shape_cast %or3A_634 : vector<16xi32> to vector<16xi32>
      tpu.vector_store %arg13[%swap3A_635], %swap3A_638 {strides = array<i32>} : memref<128xi32, #tpu.memory_space<vmem>>, vector<16xi32>,
      %add3A_639 = arith.constant 304 : i32
      %add3A_640 = arith.addi %add3A_163, %add3A_639 : i32
      %add3A_641 = vector.broadcast %add3A_640 : i32 to vector<16xi32>
      %add3A_642 = arith.addi %add3A_641, %iota3A : vector<16xi32>
      %swap3A_643 = arith.constant 2 : i32
      %swap3A_644 = arith.index_cast %swap3A_643 : i32 to index
      %swap3A_645 = arith.constant 48 : index
      %swap3A_646 = tpu.vector_load %arg15[%swap3A_644, %swap3A_645] {strides = array<i32>} : memref<4x128xi32, #tpu.memory_space<vmem>>, vector<1x16xi32>,
      %swap3A_647 = vector.shape_cast %swap3A_646 : vector<1x16xi32> to vector<16xi32>
      %swap3A_648 = vector.shape_cast %add3A_642 : vector<16xi32> to vector<1x16xi32>
      tpu.vector_store %arg15[%swap3A_644, %swap3A_645], %swap3A_648 {strides = array<i32>} : memref<4x128xi32, #tpu.memory_space<vmem>>, vector<1x16xi32>,
      %get3A_649 = arith.constant 320 : index
      %get3A_650 = tpu.vector_load %arg6[%get3A_649] {strides = array<i32>} : memref<512xi32, #tpu.memory_space<vmem>>, vector<16xi32>,
      %get3A_651 = vector.shape_cast %get3A_650 : vector<16xi32> to vector<16xi32>
      %get3A_652 = arith.constant 64 : index
      %get3A_653 = tpu.vector_load %arg9[%get3A_652] {strides = array<i32>} : memref<128xi32, #tpu.memory_space<vmem>>, vector<16xi32>,
      %get3A_654 = vector.shape_cast %get3A_653 : vector<16xi32> to vector<16xi32>
      %shift_left3A_655 = arith.constant 12 : i32
      %shift_left3A_656 = vector.broadcast %shift_left3A_655 : i32 to vector<16xi32>
      %shift_left3A_657 = arith.shli %get3A_651, %shift_left3A_656 : vector<16xi32>
      %or3A_658 = arith.ori %shift_left3A_657, %get3A_654 : vector<16xi32>
      %swap3A_659 = arith.constant 64 : index
      %swap3A_660 = tpu.vector_load %arg13[%swap3A_659] {strides = array<i32>} : memref<128xi32, #tpu.memory_space<vmem>>, vector<16xi32>,
      %swap3A_661 = vector.shape_cast %swap3A_660 : vector<16xi32> to vector<16xi32>
      %swap3A_662 = vector.shape_cast %or3A_658 : vector<16xi32> to vector<16xi32>
      tpu.vector_store %arg13[%swap3A_659], %swap3A_662 {strides = array<i32>} : memref<128xi32, #tpu.memory_space<vmem>>, vector<16xi32>,
      %add3A_663 = arith.constant 320 : i32
      %add3A_664 = arith.addi %add3A_163, %add3A_663 : i32
      %add3A_665 = vector.broadcast %add3A_664 : i32 to vector<16xi32>
      %add3A_666 = arith.addi %add3A_665, %iota3A : vector<16xi32>
      %swap3A_667 = arith.constant 2 : i32
      %swap3A_668 = arith.index_cast %swap3A_667 : i32 to index
      %swap3A_669 = arith.constant 64 : index
      %swap3A_670 = tpu.vector_load %arg15[%swap3A_668, %swap3A_669] {strides = array<i32>} : memref<4x128xi32, #tpu.memory_space<vmem>>, vector<1x16xi32>,
      %swap3A_671 = vector.shape_cast %swap3A_670 : vector<1x16xi32> to vector<16xi32>
      %swap3A_672 = vector.shape_cast %add3A_666 : vector<16xi32> to vector<1x16xi32>
      tpu.vector_store %arg15[%swap3A_668, %swap3A_669], %swap3A_672 {strides = array<i32>} : memref<4x128xi32, #tpu.memory_space<vmem>>, vector<1x16xi32>,
      %get3A_673 = arith.constant 336 : index
      %get3A_674 = tpu.vector_load %arg6[%get3A_673] {strides = array<i32>} : memref<512xi32, #tpu.memory_space<vmem>>, vector<16xi32>,
      %get3A_675 = vector.shape_cast %get3A_674 : vector<16xi32> to vector<16xi32>
      %get3A_676 = arith.constant 80 : index
      %get3A_677 = tpu.vector_load %arg9[%get3A_676] {strides = array<i32>} : memref<128xi32, #tpu.memory_space<vmem>>, vector<16xi32>,
      %get3A_678 = vector.shape_cast %get3A_677 : vector<16xi32> to vector<16xi32>
      %shift_left3A_679 = arith.constant 12 : i32
      %shift_left3A_680 = vector.broadcast %shift_left3A_679 : i32 to vector<16xi32>
      %shift_left3A_681 = arith.shli %get3A_675, %shift_left3A_680 : vector<16xi32>
      %or3A_682 = arith.ori %shift_left3A_681, %get3A_678 : vector<16xi32>
      %swap3A_683 = arith.constant 80 : index
      %swap3A_684 = tpu.vector_load %arg13[%swap3A_683] {strides = array<i32>} : memref<128xi32, #tpu.memory_space<vmem>>, vector<16xi32>,
      %swap3A_685 = vector.shape_cast %swap3A_684 : vector<16xi32> to vector<16xi32>
      %swap3A_686 = vector.shape_cast %or3A_682 : vector<16xi32> to vector<16xi32>
      tpu.vector_store %arg13[%swap3A_683], %swap3A_686 {strides = array<i32>} : memref<128xi32, #tpu.memory_space<vmem>>, vector<16xi32>,
      %add3A_687 = arith.constant 336 : i32
      %add3A_688 = arith.addi %add3A_163, %add3A_687 : i32
      %add3A_689 = vector.broadcast %add3A_688 : i32 to vector<16xi32>
      %add3A_690 = arith.addi %add3A_689, %iota3A : vector<16xi32>
      %swap3A_691 = arith.constant 2 : i32
      %swap3A_692 = arith.index_cast %swap3A_691 : i32 to index
      %swap3A_693 = arith.constant 80 : index
      %swap3A_694 = tpu.vector_load %arg15[%swap3A_692, %swap3A_693] {strides = array<i32>} : memref<4x128xi32, #tpu.memory_space<vmem>>, vector<1x16xi32>,
      %swap3A_695 = vector.shape_cast %swap3A_694 : vector<1x16xi32> to vector<16xi32>
      %swap3A_696 = vector.shape_cast %add3A_690 : vector<16xi32> to vector<1x16xi32>
      tpu.vector_store %arg15[%swap3A_692, %swap3A_693], %swap3A_696 {strides = array<i32>} : memref<4x128xi32, #tpu.memory_space<vmem>>, vector<1x16xi32>,
      %get3A_697 = arith.constant 352 : index
      %get3A_698 = tpu.vector_load %arg6[%get3A_697] {strides = array<i32>} : memref<512xi32, #tpu.memory_space<vmem>>, vector<16xi32>,
      %get3A_699 = vector.shape_cast %get3A_698 : vector<16xi32> to vector<16xi32>
      %get3A_700 = arith.constant 96 : index
      %get3A_701 = tpu.vector_load %arg9[%get3A_700] {strides = array<i32>} : memref<128xi32, #tpu.memory_space<vmem>>, vector<16xi32>,
      %get3A_702 = vector.shape_cast %get3A_701 : vector<16xi32> to vector<16xi32>
      %shift_left3A_703 = arith.constant 12 : i32
      %shift_left3A_704 = vector.broadcast %shift_left3A_703 : i32 to vector<16xi32>
      %shift_left3A_705 = arith.shli %get3A_699, %shift_left3A_704 : vector<16xi32>
      %or3A_706 = arith.ori %shift_left3A_705, %get3A_702 : vector<16xi32>
      %swap3A_707 = arith.constant 96 : index
      %swap3A_708 = tpu.vector_load %arg13[%swap3A_707] {strides = array<i32>} : memref<128xi32, #tpu.memory_space<vmem>>, vector<16xi32>,
      %swap3A_709 = vector.shape_cast %swap3A_708 : vector<16xi32> to vector<16xi32>
      %swap3A_710 = vector.shape_cast %or3A_706 : vector<16xi32> to vector<16xi32>
      tpu.vector_store %arg13[%swap3A_707], %swap3A_710 {strides = array<i32>} : memref<128xi32, #tpu.memory_space<vmem>>, vector<16xi32>,
      %add3A_711 = arith.constant 352 : i32
      %add3A_712 = arith.addi %add3A_163, %add3A_711 : i32
      %add3A_713 = vector.broadcast %add3A_712 : i32 to vector<16xi32>
      %add3A_714 = arith.addi %add3A_713, %iota3A : vector<16xi32>
      %swap3A_715 = arith.constant 2 : i32
      %swap3A_716 = arith.index_cast %swap3A_715 : i32 to index
      %swap3A_717 = arith.constant 96 : index
      %swap3A_718 = tpu.vector_load %arg15[%swap3A_716, %swap3A_717] {strides = array<i32>} : memref<4x128xi32, #tpu.memory_space<vmem>>, vector<1x16xi32>,
      %swap3A_719 = vector.shape_cast %swap3A_718 : vector<1x16xi32> to vector<16xi32>
      %swap3A_720 = vector.shape_cast %add3A_714 : vector<16xi32> to vector<1x16xi32>
      tpu.vector_store %arg15[%swap3A_716, %swap3A_717], %swap3A_720 {strides = array<i32>} : memref<4x128xi32, #tpu.memory_space<vmem>>, vector<1x16xi32>,
      %get3A_721 = arith.constant 368 : index
      %get3A_722 = tpu.vector_load %arg6[%get3A_721] {strides = array<i32>} : memref<512xi32, #tpu.memory_space<vmem>>, vector<16xi32>,
      %get3A_723 = vector.shape_cast %get3A_722 : vector<16xi32> to vector<16xi32>
      %get3A_724 = arith.constant 112 : index
      %get3A_725 = tpu.vector_load %arg9[%get3A_724] {strides = array<i32>} : memref<128xi32, #tpu.memory_space<vmem>>, vector<16xi32>,
      %get3A_726 = vector.shape_cast %get3A_725 : vector<16xi32> to vector<16xi32>
      %shift_left3A_727 = arith.constant 12 : i32
      %shift_left3A_728 = vector.broadcast %shift_left3A_727 : i32 to vector<16xi32>
      %shift_left3A_729 = arith.shli %get3A_723, %shift_left3A_728 : vector<16xi32>
      %or3A_730 = arith.ori %shift_left3A_729, %get3A_726 : vector<16xi32>
      %swap3A_731 = arith.constant 112 : index
      %swap3A_732 = tpu.vector_load %arg13[%swap3A_731] {strides = array<i32>} : memref<128xi32, #tpu.memory_space<vmem>>, vector<16xi32>,
      %swap3A_733 = vector.shape_cast %swap3A_732 : vector<16xi32> to vector<16xi32>
      %swap3A_734 = vector.shape_cast %or3A_730 : vector<16xi32> to vector<16xi32>
      tpu.vector_store %arg13[%swap3A_731], %swap3A_734 {strides = array<i32>} : memref<128xi32, #tpu.memory_space<vmem>>, vector<16xi32>,
      %add3A_735 = arith.constant 368 : i32
      %add3A_736 = arith.addi %add3A_163, %add3A_735 : i32
      %add3A_737 = vector.broadcast %add3A_736 : i32 to vector<16xi32>
      %add3A_738 = arith.addi %add3A_737, %iota3A : vector<16xi32>
      %swap3A_739 = arith.constant 2 : i32
      %swap3A_740 = arith.index_cast %swap3A_739 : i32 to index
      %swap3A_741 = arith.constant 112 : index
      %swap3A_742 = tpu.vector_load %arg15[%swap3A_740, %swap3A_741] {strides = array<i32>} : memref<4x128xi32, #tpu.memory_space<vmem>>, vector<1x16xi32>,
      %swap3A_743 = vector.shape_cast %swap3A_742 : vector<1x16xi32> to vector<16xi32>
      %swap3A_744 = vector.shape_cast %add3A_738 : vector<16xi32> to vector<1x16xi32>
      tpu.vector_store %arg15[%swap3A_740, %swap3A_741], %swap3A_744 {strides = array<i32>} : memref<4x128xi32, #tpu.memory_space<vmem>>, vector<1x16xi32>,
      %get3A_745 = arith.constant 384 : index
      %get3A_746 = tpu.vector_load %arg6[%get3A_745] {strides = array<i32>} : memref<512xi32, #tpu.memory_space<vmem>>, vector<16xi32>,
      %get3A_747 = vector.shape_cast %get3A_746 : vector<16xi32> to vector<16xi32>
      %get3A_748 = arith.constant 0 : index
      %get3A_749 = tpu.vector_load %arg10[%get3A_748] {strides = array<i32>} : memref<128xi32, #tpu.memory_space<vmem>>, vector<16xi32>,
      %get3A_750 = vector.shape_cast %get3A_749 : vector<16xi32> to vector<16xi32>
      %shift_left3A_751 = arith.constant 12 : i32
      %shift_left3A_752 = vector.broadcast %shift_left3A_751 : i32 to vector<16xi32>
      %shift_left3A_753 = arith.shli %get3A_747, %shift_left3A_752 : vector<16xi32>
      %or3A_754 = arith.ori %shift_left3A_753, %get3A_750 : vector<16xi32>
      %swap3A_755 = arith.constant 0 : index
      %swap3A_756 = tpu.vector_load %arg14[%swap3A_755] {strides = array<i32>} : memref<128xi32, #tpu.memory_space<vmem>>, vector<16xi32>,
      %swap3A_757 = vector.shape_cast %swap3A_756 : vector<16xi32> to vector<16xi32>
      %swap3A_758 = vector.shape_cast %or3A_754 : vector<16xi32> to vector<16xi32>
      tpu.vector_store %arg14[%swap3A_755], %swap3A_758 {strides = array<i32>} : memref<128xi32, #tpu.memory_space<vmem>>, vector<16xi32>,
      %add3A_759 = arith.constant 384 : i32
      %add3A_760 = arith.addi %add3A_163, %add3A_759 : i32
      %add3A_761 = vector.broadcast %add3A_760 : i32 to vector<16xi32>
      %add3A_762 = arith.addi %add3A_761, %iota3A : vector<16xi32>
      %swap3A_763 = arith.constant 3 : i32
      %swap3A_764 = arith.index_cast %swap3A_763 : i32 to index
      %swap3A_765 = arith.constant 0 : index
      %swap3A_766 = tpu.vector_load %arg15[%swap3A_764, %swap3A_765] {strides = array<i32>} : memref<4x128xi32, #tpu.memory_space<vmem>>, vector<1x16xi32>,
      %swap3A_767 = vector.shape_cast %swap3A_766 : vector<1x16xi32> to vector<16xi32>
      %swap3A_768 = vector.shape_cast %add3A_762 : vector<16xi32> to vector<1x16xi32>
      tpu.vector_store %arg15[%swap3A_764, %swap3A_765], %swap3A_768 {strides = array<i32>} : memref<4x128xi32, #tpu.memory_space<vmem>>, vector<1x16xi32>,
      %get3A_769 = arith.constant 400 : index
      %get3A_770 = tpu.vector_load %arg6[%get3A_769] {strides = array<i32>} : memref<512xi32, #tpu.memory_space<vmem>>, vector<16xi32>,
      %get3A_771 = vector.shape_cast %get3A_770 : vector<16xi32> to vector<16xi32>
      %get3A_772 = arith.constant 16 : index
      %get3A_773 = tpu.vector_load %arg10[%get3A_772] {strides = array<i32>} : memref<128xi32, #tpu.memory_space<vmem>>, vector<16xi32>,
      %get3A_774 = vector.shape_cast %get3A_773 : vector<16xi32> to vector<16xi32>
      %shift_left3A_775 = arith.constant 12 : i32
      %shift_left3A_776 = vector.broadcast %shift_left3A_775 : i32 to vector<16xi32>
      %shift_left3A_777 = arith.shli %get3A_771, %shift_left3A_776 : vector<16xi32>
      %or3A_778 = arith.ori %shift_left3A_777, %get3A_774 : vector<16xi32>
      %swap3A_779 = arith.constant 16 : index
      %swap3A_780 = tpu.vector_load %arg14[%swap3A_779] {strides = array<i32>} : memref<128xi32, #tpu.memory_space<vmem>>, vector<16xi32>,
      %swap3A_781 = vector.shape_cast %swap3A_780 : vector<16xi32> to vector<16xi32>
      %swap3A_782 = vector.shape_cast %or3A_778 : vector<16xi32> to vector<16xi32>
      tpu.vector_store %arg14[%swap3A_779], %swap3A_782 {strides = array<i32>} : memref<128xi32, #tpu.memory_space<vmem>>, vector<16xi32>,
      %add3A_783 = arith.constant 400 : i32
      %add3A_784 = arith.addi %add3A_163, %add3A_783 : i32
      %add3A_785 = vector.broadcast %add3A_784 : i32 to vector<16xi32>
      %add3A_786 = arith.addi %add3A_785, %iota3A : vector<16xi32>
      %swap3A_787 = arith.constant 3 : i32
      %swap3A_788 = arith.index_cast %swap3A_787 : i32 to index
      %swap3A_789 = arith.constant 16 : index
      %swap3A_790 = tpu.vector_load %arg15[%swap3A_788, %swap3A_789] {strides = array<i32>} : memref<4x128xi32, #tpu.memory_space<vmem>>, vector<1x16xi32>,
      %swap3A_791 = vector.shape_cast %swap3A_790 : vector<1x16xi32> to vector<16xi32>
      %swap3A_792 = vector.shape_cast %add3A_786 : vector<16xi32> to vector<1x16xi32>
      tpu.vector_store %arg15[%swap3A_788, %swap3A_789], %swap3A_792 {strides = array<i32>} : memref<4x128xi32, #tpu.memory_space<vmem>>, vector<1x16xi32>,
      %get3A_793 = arith.constant 416 : index
      %get3A_794 = tpu.vector_load %arg6[%get3A_793] {strides = array<i32>} : memref<512xi32, #tpu.memory_space<vmem>>, vector<16xi32>,
      %get3A_795 = vector.shape_cast %get3A_794 : vector<16xi32> to vector<16xi32>
      %get3A_796 = arith.constant 32 : index
      %get3A_797 = tpu.vector_load %arg10[%get3A_796] {strides = array<i32>} : memref<128xi32, #tpu.memory_space<vmem>>, vector<16xi32>,
      %get3A_798 = vector.shape_cast %get3A_797 : vector<16xi32> to vector<16xi32>
      %shift_left3A_799 = arith.constant 12 : i32
      %shift_left3A_800 = vector.broadcast %shift_left3A_799 : i32 to vector<16xi32>
      %shift_left3A_801 = arith.shli %get3A_795, %shift_left3A_800 : vector<16xi32>
      %or3A_802 = arith.ori %shift_left3A_801, %get3A_798 : vector<16xi32>
      %swap3A_803 = arith.constant 32 : index
      %swap3A_804 = tpu.vector_load %arg14[%swap3A_803] {strides = array<i32>} : memref<128xi32, #tpu.memory_space<vmem>>, vector<16xi32>,
      %swap3A_805 = vector.shape_cast %swap3A_804 : vector<16xi32> to vector<16xi32>
      %swap3A_806 = vector.shape_cast %or3A_802 : vector<16xi32> to vector<16xi32>
      tpu.vector_store %arg14[%swap3A_803], %swap3A_806 {strides = array<i32>} : memref<128xi32, #tpu.memory_space<vmem>>, vector<16xi32>,
      %add3A_807 = arith.constant 416 : i32
      %add3A_808 = arith.addi %add3A_163, %add3A_807 : i32
      %add3A_809 = vector.broadcast %add3A_808 : i32 to vector<16xi32>
      %add3A_810 = arith.addi %add3A_809, %iota3A : vector<16xi32>
      %swap3A_811 = arith.constant 3 : i32
      %swap3A_812 = arith.index_cast %swap3A_811 : i32 to index
      %swap3A_813 = arith.constant 32 : index
      %swap3A_814 = tpu.vector_load %arg15[%swap3A_812, %swap3A_813] {strides = array<i32>} : memref<4x128xi32, #tpu.memory_space<vmem>>, vector<1x16xi32>,
      %swap3A_815 = vector.shape_cast %swap3A_814 : vector<1x16xi32> to vector<16xi32>
      %swap3A_816 = vector.shape_cast %add3A_810 : vector<16xi32> to vector<1x16xi32>
      tpu.vector_store %arg15[%swap3A_812, %swap3A_813], %swap3A_816 {strides = array<i32>} : memref<4x128xi32, #tpu.memory_space<vmem>>, vector<1x16xi32>,
      %get3A_817 = arith.constant 432 : index
      %get3A_818 = tpu.vector_load %arg6[%get3A_817] {strides = array<i32>} : memref<512xi32, #tpu.memory_space<vmem>>, vector<16xi32>,
      %get3A_819 = vector.shape_cast %get3A_818 : vector<16xi32> to vector<16xi32>
      %get3A_820 = arith.constant 48 : index
      %get3A_821 = tpu.vector_load %arg10[%get3A_820] {strides = array<i32>} : memref<128xi32, #tpu.memory_space<vmem>>, vector<16xi32>,
      %get3A_822 = vector.shape_cast %get3A_821 : vector<16xi32> to vector<16xi32>
      %shift_left3A_823 = arith.constant 12 : i32
      %shift_left3A_824 = vector.broadcast %shift_left3A_823 : i32 to vector<16xi32>
      %shift_left3A_825 = arith.shli %get3A_819, %shift_left3A_824 : vector<16xi32>
      %or3A_826 = arith.ori %shift_left3A_825, %get3A_822 : vector<16xi32>
      %swap3A_827 = arith.constant 48 : index
      %swap3A_828 = tpu.vector_load %arg14[%swap3A_827] {strides = array<i32>} : memref<128xi32, #tpu.memory_space<vmem>>, vector<16xi32>,
      %swap3A_829 = vector.shape_cast %swap3A_828 : vector<16xi32> to vector<16xi32>
      %swap3A_830 = vector.shape_cast %or3A_826 : vector<16xi32> to vector<16xi32>
      tpu.vector_store %arg14[%swap3A_827], %swap3A_830 {strides = array<i32>} : memref<128xi32, #tpu.memory_space<vmem>>, vector<16xi32>,
      %add3A_831 = arith.constant 432 : i32
      %add3A_832 = arith.addi %add3A_163, %add3A_831 : i32
      %add3A_833 = vector.broadcast %add3A_832 : i32 to vector<16xi32>
      %add3A_834 = arith.addi %add3A_833, %iota3A : vector<16xi32>
      %swap3A_835 = arith.constant 3 : i32
      %swap3A_836 = arith.index_cast %swap3A_835 : i32 to index
      %swap3A_837 = arith.constant 48 : index
      %swap3A_838 = tpu.vector_load %arg15[%swap3A_836, %swap3A_837] {strides = array<i32>} : memref<4x128xi32, #tpu.memory_space<vmem>>, vector<1x16xi32>,
      %swap3A_839 = vector.shape_cast %swap3A_838 : vector<1x16xi32> to vector<16xi32>
      %swap3A_840 = vector.shape_cast %add3A_834 : vector<16xi32> to vector<1x16xi32>
      tpu.vector_store %arg15[%swap3A_836, %swap3A_837], %swap3A_840 {strides = array<i32>} : memref<4x128xi32, #tpu.memory_space<vmem>>, vector<1x16xi32>,
      %get3A_841 = arith.constant 448 : index
      %get3A_842 = tpu.vector_load %arg6[%get3A_841] {strides = array<i32>} : memref<512xi32, #tpu.memory_space<vmem>>, vector<16xi32>,
      %get3A_843 = vector.shape_cast %get3A_842 : vector<16xi32> to vector<16xi32>
      %get3A_844 = arith.constant 64 : index
      %get3A_845 = tpu.vector_load %arg10[%get3A_844] {strides = array<i32>} : memref<128xi32, #tpu.memory_space<vmem>>, vector<16xi32>,
      %get3A_846 = vector.shape_cast %get3A_845 : vector<16xi32> to vector<16xi32>
      %shift_left3A_847 = arith.constant 12 : i32
      %shift_left3A_848 = vector.broadcast %shift_left3A_847 : i32 to vector<16xi32>
      %shift_left3A_849 = arith.shli %get3A_843, %shift_left3A_848 : vector<16xi32>
      %or3A_850 = arith.ori %shift_left3A_849, %get3A_846 : vector<16xi32>
      %swap3A_851 = arith.constant 64 : index
      %swap3A_852 = tpu.vector_load %arg14[%swap3A_851] {strides = array<i32>} : memref<128xi32, #tpu.memory_space<vmem>>, vector<16xi32>,
      %swap3A_853 = vector.shape_cast %swap3A_852 : vector<16xi32> to vector<16xi32>
      %swap3A_854 = vector.shape_cast %or3A_850 : vector<16xi32> to vector<16xi32>
      tpu.vector_store %arg14[%swap3A_851], %swap3A_854 {strides = array<i32>} : memref<128xi32, #tpu.memory_space<vmem>>, vector<16xi32>,
      %add3A_855 = arith.constant 448 : i32
      %add3A_856 = arith.addi %add3A_163, %add3A_855 : i32
      %add3A_857 = vector.broadcast %add3A_856 : i32 to vector<16xi32>
      %add3A_858 = arith.addi %add3A_857, %iota3A : vector<16xi32>
      %swap3A_859 = arith.constant 3 : i32
      %swap3A_860 = arith.index_cast %swap3A_859 : i32 to index
      %swap3A_861 = arith.constant 64 : index
      %swap3A_862 = tpu.vector_load %arg15[%swap3A_860, %swap3A_861] {strides = array<i32>} : memref<4x128xi32, #tpu.memory_space<vmem>>, vector<1x16xi32>,
      %swap3A_863 = vector.shape_cast %swap3A_862 : vector<1x16xi32> to vector<16xi32>
      %swap3A_864 = vector.shape_cast %add3A_858 : vector<16xi32> to vector<1x16xi32>
      tpu.vector_store %arg15[%swap3A_860, %swap3A_861], %swap3A_864 {strides = array<i32>} : memref<4x128xi32, #tpu.memory_space<vmem>>, vector<1x16xi32>,
      %get3A_865 = arith.constant 464 : index
      %get3A_866 = tpu.vector_load %arg6[%get3A_865] {strides = array<i32>} : memref<512xi32, #tpu.memory_space<vmem>>, vector<16xi32>,
      %get3A_867 = vector.shape_cast %get3A_866 : vector<16xi32> to vector<16xi32>
      %get3A_868 = arith.constant 80 : index
      %get3A_869 = tpu.vector_load %arg10[%get3A_868] {strides = array<i32>} : memref<128xi32, #tpu.memory_space<vmem>>, vector<16xi32>,
      %get3A_870 = vector.shape_cast %get3A_869 : vector<16xi32> to vector<16xi32>
      %shift_left3A_871 = arith.constant 12 : i32
      %shift_left3A_872 = vector.broadcast %shift_left3A_871 : i32 to vector<16xi32>
      %shift_left3A_873 = arith.shli %get3A_867, %shift_left3A_872 : vector<16xi32>
      %or3A_874 = arith.ori %shift_left3A_873, %get3A_870 : vector<16xi32>
      %swap3A_875 = arith.constant 80 : index
      %swap3A_876 = tpu.vector_load %arg14[%swap3A_875] {strides = array<i32>} : memref<128xi32, #tpu.memory_space<vmem>>, vector<16xi32>,
      %swap3A_877 = vector.shape_cast %swap3A_876 : vector<16xi32> to vector<16xi32>
      %swap3A_878 = vector.shape_cast %or3A_874 : vector<16xi32> to vector<16xi32>
      tpu.vector_store %arg14[%swap3A_875], %swap3A_878 {strides = array<i32>} : memref<128xi32, #tpu.memory_space<vmem>>, vector<16xi32>,
      %add3A_879 = arith.constant 464 : i32
      %add3A_880 = arith.addi %add3A_163, %add3A_879 : i32
      %add3A_881 = vector.broadcast %add3A_880 : i32 to vector<16xi32>
      %add3A_882 = arith.addi %add3A_881, %iota3A : vector<16xi32>
      %swap3A_883 = arith.constant 3 : i32
      %swap3A_884 = arith.index_cast %swap3A_883 : i32 to index
      %swap3A_885 = arith.constant 80 : index
      %swap3A_886 = tpu.vector_load %arg15[%swap3A_884, %swap3A_885] {strides = array<i32>} : memref<4x128xi32, #tpu.memory_space<vmem>>, vector<1x16xi32>,
      %swap3A_887 = vector.shape_cast %swap3A_886 : vector<1x16xi32> to vector<16xi32>
      %swap3A_888 = vector.shape_cast %add3A_882 : vector<16xi32> to vector<1x16xi32>
      tpu.vector_store %arg15[%swap3A_884, %swap3A_885], %swap3A_888 {strides = array<i32>} : memref<4x128xi32, #tpu.memory_space<vmem>>, vector<1x16xi32>,
      %get3A_889 = arith.constant 480 : index
      %get3A_890 = tpu.vector_load %arg6[%get3A_889] {strides = array<i32>} : memref<512xi32, #tpu.memory_space<vmem>>, vector<16xi32>,
      %get3A_891 = vector.shape_cast %get3A_890 : vector<16xi32> to vector<16xi32>
      %get3A_892 = arith.constant 96 : index
      %get3A_893 = tpu.vector_load %arg10[%get3A_892] {strides = array<i32>} : memref<128xi32, #tpu.memory_space<vmem>>, vector<16xi32>,
      %get3A_894 = vector.shape_cast %get3A_893 : vector<16xi32> to vector<16xi32>
      %shift_left3A_895 = arith.constant 12 : i32
      %shift_left3A_896 = vector.broadcast %shift_left3A_895 : i32 to vector<16xi32>
      %shift_left3A_897 = arith.shli %get3A_891, %shift_left3A_896 : vector<16xi32>
      %or3A_898 = arith.ori %shift_left3A_897, %get3A_894 : vector<16xi32>
      %swap3A_899 = arith.constant 96 : index
      %swap3A_900 = tpu.vector_load %arg14[%swap3A_899] {strides = array<i32>} : memref<128xi32, #tpu.memory_space<vmem>>, vector<16xi32>,
      %swap3A_901 = vector.shape_cast %swap3A_900 : vector<16xi32> to vector<16xi32>
      %swap3A_902 = vector.shape_cast %or3A_898 : vector<16xi32> to vector<16xi32>
      tpu.vector_store %arg14[%swap3A_899], %swap3A_902 {strides = array<i32>} : memref<128xi32, #tpu.memory_space<vmem>>, vector<16xi32>,
      %add3A_903 = arith.constant 480 : i32
      %add3A_904 = arith.addi %add3A_163, %add3A_903 : i32
      %add3A_905 = vector.broadcast %add3A_904 : i32 to vector<16xi32>
      %add3A_906 = arith.addi %add3A_905, %iota3A : vector<16xi32>
      %swap3A_907 = arith.constant 3 : i32
      %swap3A_908 = arith.index_cast %swap3A_907 : i32 to index
      %swap3A_909 = arith.constant 96 : index
      %swap3A_910 = tpu.vector_load %arg15[%swap3A_908, %swap3A_909] {strides = array<i32>} : memref<4x128xi32, #tpu.memory_space<vmem>>, vector<1x16xi32>,
      %swap3A_911 = vector.shape_cast %swap3A_910 : vector<1x16xi32> to vector<16xi32>
      %swap3A_912 = vector.shape_cast %add3A_906 : vector<16xi32> to vector<1x16xi32>
      tpu.vector_store %arg15[%swap3A_908, %swap3A_909], %swap3A_912 {strides = array<i32>} : memref<4x128xi32, #tpu.memory_space<vmem>>, vector<1x16xi32>,
      %get3A_913 = arith.constant 496 : index
      %get3A_914 = tpu.vector_load %arg6[%get3A_913] {strides = array<i32>} : memref<512xi32, #tpu.memory_space<vmem>>, vector<16xi32>,
      %get3A_915 = vector.shape_cast %get3A_914 : vector<16xi32> to vector<16xi32>
      %get3A_916 = arith.constant 112 : index
      %get3A_917 = tpu.vector_load %arg10[%get3A_916] {strides = array<i32>} : memref<128xi32, #tpu.memory_space<vmem>>, vector<16xi32>,
      %get3A_918 = vector.shape_cast %get3A_917 : vector<16xi32> to vector<16xi32>
      %shift_left3A_919 = arith.constant 12 : i32
      %shift_left3A_920 = vector.broadcast %shift_left3A_919 : i32 to vector<16xi32>
      %shift_left3A_921 = arith.shli %get3A_915, %shift_left3A_920 : vector<16xi32>
      %or3A_922 = arith.ori %shift_left3A_921, %get3A_918 : vector<16xi32>
      %swap3A_923 = arith.constant 112 : index
      %swap3A_924 = tpu.vector_load %arg14[%swap3A_923] {strides = array<i32>} : memref<128xi32, #tpu.memory_space<vmem>>, vector<16xi32>,
      %swap3A_925 = vector.shape_cast %swap3A_924 : vector<16xi32> to vector<16xi32>
      %swap3A_926 = vector.shape_cast %or3A_922 : vector<16xi32> to vector<16xi32>
      tpu.vector_store %arg14[%swap3A_923], %swap3A_926 {strides = array<i32>} : memref<128xi32, #tpu.memory_space<vmem>>, vector<16xi32>,
      %add3A_927 = arith.constant 496 : i32
      %add3A_928 = arith.addi %add3A_163, %add3A_927 : i32
      %add3A_929 = vector.broadcast %add3A_928 : i32 to vector<16xi32>
      %add3A_930 = arith.addi %add3A_929, %iota3A : vector<16xi32>
      %swap3A_931 = arith.constant 3 : i32
      %swap3A_932 = arith.index_cast %swap3A_931 : i32 to index
      %swap3A_933 = arith.constant 112 : index
      %swap3A_934 = tpu.vector_load %arg15[%swap3A_932, %swap3A_933] {strides = array<i32>} : memref<4x128xi32, #tpu.memory_space<vmem>>, vector<1x16xi32>,
      %swap3A_935 = vector.shape_cast %swap3A_934 : vector<1x16xi32> to vector<16xi32>
      %swap3A_936 = vector.shape_cast %add3A_930 : vector<16xi32> to vector<1x16xi32>
      tpu.vector_store %arg15[%swap3A_932, %swap3A_933], %swap3A_936 {strides = array<i32>} : memref<4x128xi32, #tpu.memory_space<vmem>>, vector<1x16xi32>,
      %dma_start3A = arith.constant 0 : i32
      %dma_start3A_937 = arith.constant 0 : i32
      %dma_start3A_938 = tpu.memref_slice %arg15[%dma_start3A, %dma_start3A_937] : memref<4x128xi32, #tpu.memory_space<vmem>> -> memref<1x128xi32, #tpu.memory_space<vmem>>
      %dma_start3A_939 = tpu.memref_squeeze %dma_start3A_938 : memref<1x128xi32, #tpu.memory_space<vmem>> -> memref<128xi32, #tpu.memory_space<vmem>>
      %dma_start3A_940 = arith.constant 0 : i32
      %dma_start3A_941 = tpu.memref_slice %arg5[%dma_start3A_940] : memref<16777216xi32, #tpu.memory_space<hbm>> -> memref<16777216xi32, #tpu.memory_space<hbm>>
      tpu.enqueue_indirect_dma source(%dma_start3A_939 : memref<128xi32, #tpu.memory_space<vmem>>) target(%dma_start3A_941 : memref<16777216xi32, #tpu.memory_space<hbm>>) offsets(%arg11 : memref<128xi32, #tpu.memory_space<vmem>>) semaphore(%arg19 : memref<!tpu.dma_semaphore, #tpu.memory_space<semaphore_mem>>)
      %dma_start3A_942 = arith.constant 1 : i32
      %dma_start3A_943 = arith.constant 0 : i32
      %dma_start3A_944 = tpu.memref_slice %arg15[%dma_start3A_942, %dma_start3A_943] : memref<4x128xi32, #tpu.memory_space<vmem>> -> memref<1x128xi32, #tpu.memory_space<vmem>>
      %dma_start3A_945 = tpu.memref_squeeze %dma_start3A_944 : memref<1x128xi32, #tpu.memory_space<vmem>> -> memref<128xi32, #tpu.memory_space<vmem>>
      %dma_start3A_946 = arith.constant 0 : i32
      %dma_start3A_947 = tpu.memref_slice %arg5[%dma_start3A_946] : memref<16777216xi32, #tpu.memory_space<hbm>> -> memref<16777216xi32, #tpu.memory_space<hbm>>
      tpu.enqueue_indirect_dma source(%dma_start3A_945 : memref<128xi32, #tpu.memory_space<vmem>>) target(%dma_start3A_947 : memref<16777216xi32, #tpu.memory_space<hbm>>) offsets(%arg12 : memref<128xi32, #tpu.memory_space<vmem>>) semaphore(%arg19 : memref<!tpu.dma_semaphore, #tpu.memory_space<semaphore_mem>>)
      %dma_start3A_948 = arith.constant 2 : i32
      %dma_start3A_949 = arith.constant 0 : i32
      %dma_start3A_950 = tpu.memref_slice %arg15[%dma_start3A_948, %dma_start3A_949] : memref<4x128xi32, #tpu.memory_space<vmem>> -> memref<1x128xi32, #tpu.memory_space<vmem>>
      %dma_start3A_951 = tpu.memref_squeeze %dma_start3A_950 : memref<1x128xi32, #tpu.memory_space<vmem>> -> memref<128xi32, #tpu.memory_space<vmem>>
      %dma_start3A_952 = arith.constant 0 : i32
      %dma_start3A_953 = tpu.memref_slice %arg5[%dma_start3A_952] : memref<16777216xi32, #tpu.memory_space<hbm>> -> memref<16777216xi32, #tpu.memory_space<hbm>>
      tpu.enqueue_indirect_dma source(%dma_start3A_951 : memref<128xi32, #tpu.memory_space<vmem>>) target(%dma_start3A_953 : memref<16777216xi32, #tpu.memory_space<hbm>>) offsets(%arg13 : memref<128xi32, #tpu.memory_space<vmem>>) semaphore(%arg19 : memref<!tpu.dma_semaphore, #tpu.memory_space<semaphore_mem>>)
      %dma_start3A_954 = arith.constant 3 : i32
      %dma_start3A_955 = arith.constant 0 : i32
      %dma_start3A_956 = tpu.memref_slice %arg15[%dma_start3A_954, %dma_start3A_955] : memref<4x128xi32, #tpu.memory_space<vmem>> -> memref<1x128xi32, #tpu.memory_space<vmem>>
      %dma_start3A_957 = tpu.memref_squeeze %dma_start3A_956 : memref<1x128xi32, #tpu.memory_space<vmem>> -> memref<128xi32, #tpu.memory_space<vmem>>
      %dma_start3A_958 = arith.constant 0 : i32
      %dma_start3A_959 = tpu.memref_slice %arg5[%dma_start3A_958] : memref<16777216xi32, #tpu.memory_space<hbm>> -> memref<16777216xi32, #tpu.memory_space<hbm>>
      tpu.enqueue_indirect_dma source(%dma_start3A_957 : memref<128xi32, #tpu.memory_space<vmem>>) target(%dma_start3A_959 : memref<16777216xi32, #tpu.memory_space<hbm>>) offsets(%arg14 : memref<128xi32, #tpu.memory_space<vmem>>) semaphore(%arg19 : memref<!tpu.dma_semaphore, #tpu.memory_space<semaphore_mem>>)
      "tpu.region"() ({
        %run_scoped3A = tpu.sem_alloc : memref<!tpu.dma_semaphore, #tpu.memory_space<semaphore_mem>>
        %dma_start3A_983 = arith.constant 0 : i32
        %dma_start3A_984 = tpu.memref_slice %arg18[%dma_start3A_983] : memref<4096xf32, #tpu.memory_space<vmem_shared>> -> memref<4096xf32, #tpu.memory_space<vmem_shared>>
        tpu.enqueue_indirect_dma source(%arg16 : memref<128xf32, #tpu.memory_space<vmem>>) target(%dma_start3A_984 : memref<4096xf32, #tpu.memory_space<vmem_shared>>) offsets(%arg7 : memref<128xi32, #tpu.memory_space<vmem>>) semaphore(%run_scoped3A : memref<!tpu.dma_semaphore, #tpu.memory_space<semaphore_mem>>) {add = true}
        %dma_wait3A_985 = arith.constant 0 : i32
        %dma_wait3A_986 = tpu.memref_slice %arg18[%dma_wait3A_985] : memref<4096xf32, #tpu.memory_space<vmem_shared>> -> memref<4096xf32, #tpu.memory_space<vmem_shared>>
        tpu.wait_indirect_dma semaphore(%run_scoped3A : memref<!tpu.dma_semaphore, #tpu.memory_space<semaphore_mem>>) src(%arg16 : memref<128xf32, #tpu.memory_space<vmem>>) dst(%dma_wait3A_986 : memref<4096xf32, #tpu.memory_space<vmem_shared>>)
        tpu.yield
      }) : () -> ()
      "tpu.region"() ({
        %run_scoped3A = tpu.sem_alloc : memref<!tpu.dma_semaphore, #tpu.memory_space<semaphore_mem>>
        %dma_start3A_983 = arith.constant 0 : i32
        %dma_start3A_984 = tpu.memref_slice %arg18[%dma_start3A_983] : memref<4096xf32, #tpu.memory_space<vmem_shared>> -> memref<4096xf32, #tpu.memory_space<vmem_shared>>
        tpu.enqueue_indirect_dma source(%arg16 : memref<128xf32, #tpu.memory_space<vmem>>) target(%dma_start3A_984 : memref<4096xf32, #tpu.memory_space<vmem_shared>>) offsets(%arg8 : memref<128xi32, #tpu.memory_space<vmem>>) semaphore(%run_scoped3A : memref<!tpu.dma_semaphore, #tpu.memory_space<semaphore_mem>>) {add = true}
        %dma_wait3A_985 = arith.constant 0 : i32
        %dma_wait3A_986 = tpu.memref_slice %arg18[%dma_wait3A_985] : memref<4096xf32, #tpu.memory_space<vmem_shared>> -> memref<4096xf32, #tpu.memory_space<vmem_shared>>
        tpu.wait_indirect_dma semaphore(%run_scoped3A : memref<!tpu.dma_semaphore, #tpu.memory_space<semaphore_mem>>) src(%arg16 : memref<128xf32, #tpu.memory_space<vmem>>) dst(%dma_wait3A_986 : memref<4096xf32, #tpu.memory_space<vmem_shared>>)
        tpu.yield
      }) : () -> ()
      "tpu.region"() ({
        %run_scoped3A = tpu.sem_alloc : memref<!tpu.dma_semaphore, #tpu.memory_space<semaphore_mem>>
        %dma_start3A_983 = arith.constant 0 : i32
        %dma_start3A_984 = tpu.memref_slice %arg18[%dma_start3A_983] : memref<4096xf32, #tpu.memory_space<vmem_shared>> -> memref<4096xf32, #tpu.memory_space<vmem_shared>>
        tpu.enqueue_indirect_dma source(%arg16 : memref<128xf32, #tpu.memory_space<vmem>>) target(%dma_start3A_984 : memref<4096xf32, #tpu.memory_space<vmem_shared>>) offsets(%arg9 : memref<128xi32, #tpu.memory_space<vmem>>) semaphore(%run_scoped3A : memref<!tpu.dma_semaphore, #tpu.memory_space<semaphore_mem>>) {add = true}
        %dma_wait3A_985 = arith.constant 0 : i32
        %dma_wait3A_986 = tpu.memref_slice %arg18[%dma_wait3A_985] : memref<4096xf32, #tpu.memory_space<vmem_shared>> -> memref<4096xf32, #tpu.memory_space<vmem_shared>>
        tpu.wait_indirect_dma semaphore(%run_scoped3A : memref<!tpu.dma_semaphore, #tpu.memory_space<semaphore_mem>>) src(%arg16 : memref<128xf32, #tpu.memory_space<vmem>>) dst(%dma_wait3A_986 : memref<4096xf32, #tpu.memory_space<vmem_shared>>)
        tpu.yield
      }) : () -> ()
      "tpu.region"() ({
        %run_scoped3A = tpu.sem_alloc : memref<!tpu.dma_semaphore, #tpu.memory_space<semaphore_mem>>
        %dma_start3A_983 = arith.constant 0 : i32
        %dma_start3A_984 = tpu.memref_slice %arg18[%dma_start3A_983] : memref<4096xf32, #tpu.memory_space<vmem_shared>> -> memref<4096xf32, #tpu.memory_space<vmem_shared>>
        tpu.enqueue_indirect_dma source(%arg16 : memref<128xf32, #tpu.memory_space<vmem>>) target(%dma_start3A_984 : memref<4096xf32, #tpu.memory_space<vmem_shared>>) offsets(%arg10 : memref<128xi32, #tpu.memory_space<vmem>>) semaphore(%run_scoped3A : memref<!tpu.dma_semaphore, #tpu.memory_space<semaphore_mem>>) {add = true}
        %dma_wait3A_985 = arith.constant 0 : i32
        %dma_wait3A_986 = tpu.memref_slice %arg18[%dma_wait3A_985] : memref<4096xf32, #tpu.memory_space<vmem_shared>> -> memref<4096xf32, #tpu.memory_space<vmem_shared>>
        tpu.wait_indirect_dma semaphore(%run_scoped3A : memref<!tpu.dma_semaphore, #tpu.memory_space<semaphore_mem>>) src(%arg16 : memref<128xf32, #tpu.memory_space<vmem>>) dst(%dma_wait3A_986 : memref<4096xf32, #tpu.memory_space<vmem_shared>>)
        tpu.yield
      }) : () -> ()
      %dma_wait3A = arith.constant 0 : i32
      %dma_wait3A_960 = arith.constant 0 : i32
      %dma_wait3A_961 = tpu.memref_slice %arg15[%dma_wait3A, %dma_wait3A_960] : memref<4x128xi32, #tpu.memory_space<vmem>> -> memref<1x128xi32, #tpu.memory_space<vmem>>
      %dma_wait3A_962 = tpu.memref_squeeze %dma_wait3A_961 : memref<1x128xi32, #tpu.memory_space<vmem>> -> memref<128xi32, #tpu.memory_space<vmem>>
      %dma_wait3A_963 = arith.constant 0 : i32
      %dma_wait3A_964 = tpu.memref_slice %arg5[%dma_wait3A_963] : memref<16777216xi32, #tpu.memory_space<hbm>> -> memref<16777216xi32, #tpu.memory_space<hbm>>
      tpu.wait_indirect_dma semaphore(%arg19 : memref<!tpu.dma_semaphore, #tpu.memory_space<semaphore_mem>>) src(%dma_wait3A_962 : memref<128xi32, #tpu.memory_space<vmem>>) dst(%dma_wait3A_964 : memref<16777216xi32, #tpu.memory_space<hbm>>)
      %dma_wait3A_965 = arith.constant 1 : i32
      %dma_wait3A_966 = arith.constant 0 : i32
      %dma_wait3A_967 = tpu.memref_slice %arg15[%dma_wait3A_965, %dma_wait3A_966] : memref<4x128xi32, #tpu.memory_space<vmem>> -> memref<1x128xi32, #tpu.memory_space<vmem>>
      %dma_wait3A_968 = tpu.memref_squeeze %dma_wait3A_967 : memref<1x128xi32, #tpu.memory_space<vmem>> -> memref<128xi32, #tpu.memory_space<vmem>>
      %dma_wait3A_969 = arith.constant 0 : i32
      %dma_wait3A_970 = tpu.memref_slice %arg5[%dma_wait3A_969] : memref<16777216xi32, #tpu.memory_space<hbm>> -> memref<16777216xi32, #tpu.memory_space<hbm>>
      tpu.wait_indirect_dma semaphore(%arg19 : memref<!tpu.dma_semaphore, #tpu.memory_space<semaphore_mem>>) src(%dma_wait3A_968 : memref<128xi32, #tpu.memory_space<vmem>>) dst(%dma_wait3A_970 : memref<16777216xi32, #tpu.memory_space<hbm>>)
      %dma_wait3A_971 = arith.constant 2 : i32
      %dma_wait3A_972 = arith.constant 0 : i32
      %dma_wait3A_973 = tpu.memref_slice %arg15[%dma_wait3A_971, %dma_wait3A_972] : memref<4x128xi32, #tpu.memory_space<vmem>> -> memref<1x128xi32, #tpu.memory_space<vmem>>
      %dma_wait3A_974 = tpu.memref_squeeze %dma_wait3A_973 : memref<1x128xi32, #tpu.memory_space<vmem>> -> memref<128xi32, #tpu.memory_space<vmem>>
      %dma_wait3A_975 = arith.constant 0 : i32
      %dma_wait3A_976 = tpu.memref_slice %arg5[%dma_wait3A_975] : memref<16777216xi32, #tpu.memory_space<hbm>> -> memref<16777216xi32, #tpu.memory_space<hbm>>
      tpu.wait_indirect_dma semaphore(%arg19 : memref<!tpu.dma_semaphore, #tpu.memory_space<semaphore_mem>>) src(%dma_wait3A_974 : memref<128xi32, #tpu.memory_space<vmem>>) dst(%dma_wait3A_976 : memref<16777216xi32, #tpu.memory_space<hbm>>)
      %dma_wait3A_977 = arith.constant 3 : i32
      %dma_wait3A_978 = arith.constant 0 : i32
      %dma_wait3A_979 = tpu.memref_slice %arg15[%dma_wait3A_977, %dma_wait3A_978] : memref<4x128xi32, #tpu.memory_space<vmem>> -> memref<1x128xi32, #tpu.memory_space<vmem>>
      %dma_wait3A_980 = tpu.memref_squeeze %dma_wait3A_979 : memref<1x128xi32, #tpu.memory_space<vmem>> -> memref<128xi32, #tpu.memory_space<vmem>>
      %dma_wait3A_981 = arith.constant 0 : i32
      %dma_wait3A_982 = tpu.memref_slice %arg5[%dma_wait3A_981] : memref<16777216xi32, #tpu.memory_space<hbm>> -> memref<16777216xi32, #tpu.memory_space<hbm>>
      tpu.wait_indirect_dma semaphore(%arg19 : memref<!tpu.dma_semaphore, #tpu.memory_space<semaphore_mem>>) src(%dma_wait3A_980 : memref<128xi32, #tpu.memory_space<vmem>>) dst(%dma_wait3A_982 : memref<16777216xi32, #tpu.memory_space<hbm>>)
    }
    %scan3A_151 = arith.constant 8 : i32
    %barrier3A_152 = arith.constant 0 : index
    tpu.barrier barrier_id(%barrier3A_152)
    %mul3A_153 = arith.constant 256 : i32
    %mul3A_154 = arith.muli %arg1, %mul3A_153 : i32
    "tpu.region"() ({
      %run_scoped3A = tpu.sem_alloc : memref<!tpu.dma_semaphore, #tpu.memory_space<semaphore_mem>>
      %dma_start3A = tpu.memref_slice %arg18[%mul3A_154] : memref<4096xf32, #tpu.memory_space<vmem_shared>> -> memref<256xf32, #tpu.memory_space<vmem_shared>>
      %dma_start3A_160 = tpu.memref_slice %arg18[%mul3A_154] : memref<4096xf32, #tpu.memory_space<vmem_shared>> -> memref<256xf32, #tpu.memory_space<vmem_shared>>
      tpu.enqueue_dma source(%dma_start3A_160 : memref<256xf32, #tpu.memory_space<vmem_shared>>) target(%arg17 : memref<256xf32, #tpu.memory_space<vmem>>) target_semaphore(%run_scoped3A : memref<!tpu.dma_semaphore, #tpu.memory_space<semaphore_mem>>)
      %dma_wait3A = tpu.memref_slice %arg18[%mul3A_154] : memref<4096xf32, #tpu.memory_space<vmem_shared>> -> memref<256xf32, #tpu.memory_space<vmem_shared>>
      %dma_wait3A_161 = tpu.memref_slice %arg18[%mul3A_154] : memref<4096xf32, #tpu.memory_space<vmem_shared>> -> memref<256xf32, #tpu.memory_space<vmem_shared>>
      tpu.wait_dma2 semaphore(%run_scoped3A : memref<!tpu.dma_semaphore, #tpu.memory_space<semaphore_mem>>) src(%dma_wait3A_161 : memref<256xf32, #tpu.memory_space<vmem_shared>>) dst(%arg17 : memref<256xf32, #tpu.memory_space<vmem>>)
      tpu.yield
    }) : () -> ()
    %mul3A_155 = arith.constant 4096 : i32
    %mul3A_156 = arith.muli %arg0, %mul3A_155 : i32
    %mul3A_157 = arith.constant 256 : i32
    %mul3A_158 = arith.muli %arg1, %mul3A_157 : i32
    %add3A_159 = arith.addi %mul3A_156, %mul3A_158 : i32
    "tpu.region"() ({
      %run_scoped3A = tpu.sem_alloc : memref<!tpu.dma_semaphore, #tpu.memory_space<semaphore_mem>>
      %dma_start3A = tpu.memref_slice %arg4[%add3A_159] : memref<8192xf32, #tpu.memory_space<hbm>> -> memref<256xf32, #tpu.memory_space<hbm>>
      %dma_start3A_160 = tpu.memref_slice %arg4[%add3A_159] : memref<8192xf32, #tpu.memory_space<hbm>> -> memref<256xf32, #tpu.memory_space<hbm>>
      tpu.enqueue_dma source(%arg17 : memref<256xf32, #tpu.memory_space<vmem>>) target(%dma_start3A_160 : memref<256xf32, #tpu.memory_space<hbm>>) target_semaphore(%run_scoped3A : memref<!tpu.dma_semaphore, #tpu.memory_space<semaphore_mem>>)
      %dma_wait3A = tpu.memref_slice %arg4[%add3A_159] : memref<8192xf32, #tpu.memory_space<hbm>> -> memref<256xf32, #tpu.memory_space<hbm>>
      %dma_wait3A_161 = tpu.memref_slice %arg4[%add3A_159] : memref<8192xf32, #tpu.memory_space<hbm>> -> memref<256xf32, #tpu.memory_space<hbm>>
      tpu.wait_dma2 semaphore(%run_scoped3A : memref<!tpu.dma_semaphore, #tpu.memory_space<semaphore_mem>>) src(%arg17 : memref<256xf32, #tpu.memory_space<vmem>>) dst(%dma_wait3A_161 : memref<256xf32, #tpu.memory_space<hbm>>)
      tpu.yield
    }) : () -> ()
    return
  }
}

#map = affine_map<(d0, d1) -> (0)>
#map1 = affine_map<(d0, d1) -> (0, 0)>
#map2 = affine_map<(d0, d1) -> (0, 0, 0)>
module attributes {stable_mosaic.version = 14 : i64} {
  func.func @_p2(%arg0: i32, %arg1: i32, %arg2: memref<131072xi32, #tpu.memory_space<hbm>>, %arg3: memref<131072xi32, #tpu.memory_space<hbm>>, %arg4: memref<16777216xi32, #tpu.memory_space<hbm>>, %arg5: memref<4096x128xf32, #tpu.memory_space<hbm>>, %arg6: memref<2x4608x128xf32, #tpu.memory_space<hbm>>, %arg7: memref<9216xf32, #tpu.memory_space<hbm>>, %arg8: memref<512xi32, #tpu.memory_space<vmem>>, %arg9: memref<512xi32, #tpu.memory_space<vmem>>, %arg10: memref<512xi32, #tpu.memory_space<vmem>>, %arg11: memref<512xi32, #tpu.memory_space<vmem>>, %arg12: memref<128xi32, #tpu.memory_space<vmem>>, %arg13: memref<128xi32, #tpu.memory_space<vmem>>, %arg14: memref<128xi32, #tpu.memory_space<vmem>>, %arg15: memref<128xi32, #tpu.memory_space<vmem>>, %arg16: memref<4x128xf32, #tpu.memory_space<vmem>>, %arg17: memref<4x128x128xf32, #tpu.memory_space<vmem>>, %arg18: memref<8x128xf32, #tpu.memory_space<vmem>>, %arg19: memref<288xf32, #tpu.memory_space<vmem>>, %arg20: memref<96x128xf32, #tpu.memory_space<vmem>>, %arg21: memref<4608x128xf32, #tpu.memory_space<vmem_shared>>, %arg22: memref<4608xf32, #tpu.memory_space<vmem_shared>>, %arg23: memref<!tpu.dma_semaphore, #tpu.memory_space<semaphore_mem>>, %arg24: memref<!tpu.dma_semaphore, #tpu.memory_space<semaphore_mem>>, %arg25: memref<!tpu.dma_semaphore, #tpu.memory_space<semaphore_mem>>) attributes {dimension_semantics = [#tpu.dimension_semantics<core_parallel>, #tpu.dimension_semantics<subcore_parallel>], iteration_bounds = array<i64: 2, 16>, scalar_prefetch = 0 : i64, scratch_operands = 18 : i64, tpu.core_type = #tpu.core_type<sc_vector_subcore>, window_params = [{transform_indices = #map}, {transform_indices = #map}, {transform_indices = #map}, {transform_indices = #map1}, {transform_indices = #map2}, {transform_indices = #map}]} {
    %mul3A = arith.constant 2 : i32
    %mul3A_0 = arith.muli %arg1, %mul3A : i32
    %add3A = arith.addi %mul3A_0, %arg0 : i32
    %iota3A = tpu.iota {dimensions = array<i32: 0>} : vector<16xi32>
    %broadcast_in_dim3A = arith.constant 0.000000e+00 : f32
    %broadcast_in_dim3A_1 = vector.broadcast %broadcast_in_dim3A : f32 to vector<16xf32>
    %swap3A = arith.constant 0 : i32
    %swap3A_2 = arith.index_cast %swap3A : i32 to index
    %swap3A_3 = arith.constant 0 : index
    %swap3A_4 = tpu.vector_load %arg18[%swap3A_2, %swap3A_3] {strides = array<i32>} : memref<8x128xf32, #tpu.memory_space<vmem>>, vector<1x16xf32>,
    %swap3A_5 = vector.shape_cast %swap3A_4 : vector<1x16xf32> to vector<16xf32>
    %swap3A_6 = vector.shape_cast %broadcast_in_dim3A_1 : vector<16xf32> to vector<1x16xf32>
    tpu.vector_store %arg18[%swap3A_2, %swap3A_3], %swap3A_6 {strides = array<i32>} : memref<8x128xf32, #tpu.memory_space<vmem>>, vector<1x16xf32>,
    %broadcast_in_dim3A_7 = arith.constant 0.000000e+00 : f32
    %broadcast_in_dim3A_8 = vector.broadcast %broadcast_in_dim3A_7 : f32 to vector<16xf32>
    %swap3A_9 = arith.constant 0 : i32
    %swap3A_10 = arith.index_cast %swap3A_9 : i32 to index
    %swap3A_11 = arith.constant 16 : index
    %swap3A_12 = tpu.vector_load %arg18[%swap3A_10, %swap3A_11] {strides = array<i32>} : memref<8x128xf32, #tpu.memory_space<vmem>>, vector<1x16xf32>,
    %swap3A_13 = vector.shape_cast %swap3A_12 : vector<1x16xf32> to vector<16xf32>
    %swap3A_14 = vector.shape_cast %broadcast_in_dim3A_8 : vector<16xf32> to vector<1x16xf32>
    tpu.vector_store %arg18[%swap3A_10, %swap3A_11], %swap3A_14 {strides = array<i32>} : memref<8x128xf32, #tpu.memory_space<vmem>>, vector<1x16xf32>,
    %broadcast_in_dim3A_15 = arith.constant 0.000000e+00 : f32
    %broadcast_in_dim3A_16 = vector.broadcast %broadcast_in_dim3A_15 : f32 to vector<16xf32>
    %swap3A_17 = arith.constant 0 : i32
    %swap3A_18 = arith.index_cast %swap3A_17 : i32 to index
    %swap3A_19 = arith.constant 32 : index
    %swap3A_20 = tpu.vector_load %arg18[%swap3A_18, %swap3A_19] {strides = array<i32>} : memref<8x128xf32, #tpu.memory_space<vmem>>, vector<1x16xf32>,
    %swap3A_21 = vector.shape_cast %swap3A_20 : vector<1x16xf32> to vector<16xf32>
    %swap3A_22 = vector.shape_cast %broadcast_in_dim3A_16 : vector<16xf32> to vector<1x16xf32>
    tpu.vector_store %arg18[%swap3A_18, %swap3A_19], %swap3A_22 {strides = array<i32>} : memref<8x128xf32, #tpu.memory_space<vmem>>, vector<1x16xf32>,
    %broadcast_in_dim3A_23 = arith.constant 0.000000e+00 : f32
    %broadcast_in_dim3A_24 = vector.broadcast %broadcast_in_dim3A_23 : f32 to vector<16xf32>
    %swap3A_25 = arith.constant 0 : i32
    %swap3A_26 = arith.index_cast %swap3A_25 : i32 to index
    %swap3A_27 = arith.constant 48 : index
    %swap3A_28 = tpu.vector_load %arg18[%swap3A_26, %swap3A_27] {strides = array<i32>} : memref<8x128xf32, #tpu.memory_space<vmem>>, vector<1x16xf32>,
    %swap3A_29 = vector.shape_cast %swap3A_28 : vector<1x16xf32> to vector<16xf32>
    %swap3A_30 = vector.shape_cast %broadcast_in_dim3A_24 : vector<16xf32> to vector<1x16xf32>
    tpu.vector_store %arg18[%swap3A_26, %swap3A_27], %swap3A_30 {strides = array<i32>} : memref<8x128xf32, #tpu.memory_space<vmem>>, vector<1x16xf32>,
    %broadcast_in_dim3A_31 = arith.constant 0.000000e+00 : f32
    %broadcast_in_dim3A_32 = vector.broadcast %broadcast_in_dim3A_31 : f32 to vector<16xf32>
    %swap3A_33 = arith.constant 0 : i32
    %swap3A_34 = arith.index_cast %swap3A_33 : i32 to index
    %swap3A_35 = arith.constant 64 : index
    %swap3A_36 = tpu.vector_load %arg18[%swap3A_34, %swap3A_35] {strides = array<i32>} : memref<8x128xf32, #tpu.memory_space<vmem>>, vector<1x16xf32>,
    %swap3A_37 = vector.shape_cast %swap3A_36 : vector<1x16xf32> to vector<16xf32>
    %swap3A_38 = vector.shape_cast %broadcast_in_dim3A_32 : vector<16xf32> to vector<1x16xf32>
    tpu.vector_store %arg18[%swap3A_34, %swap3A_35], %swap3A_38 {strides = array<i32>} : memref<8x128xf32, #tpu.memory_space<vmem>>, vector<1x16xf32>,
    %broadcast_in_dim3A_39 = arith.constant 0.000000e+00 : f32
    %broadcast_in_dim3A_40 = vector.broadcast %broadcast_in_dim3A_39 : f32 to vector<16xf32>
    %swap3A_41 = arith.constant 0 : i32
    %swap3A_42 = arith.index_cast %swap3A_41 : i32 to index
    %swap3A_43 = arith.constant 80 : index
    %swap3A_44 = tpu.vector_load %arg18[%swap3A_42, %swap3A_43] {strides = array<i32>} : memref<8x128xf32, #tpu.memory_space<vmem>>, vector<1x16xf32>,
    %swap3A_45 = vector.shape_cast %swap3A_44 : vector<1x16xf32> to vector<16xf32>
    %swap3A_46 = vector.shape_cast %broadcast_in_dim3A_40 : vector<16xf32> to vector<1x16xf32>
    tpu.vector_store %arg18[%swap3A_42, %swap3A_43], %swap3A_46 {strides = array<i32>} : memref<8x128xf32, #tpu.memory_space<vmem>>, vector<1x16xf32>,
    %broadcast_in_dim3A_47 = arith.constant 0.000000e+00 : f32
    %broadcast_in_dim3A_48 = vector.broadcast %broadcast_in_dim3A_47 : f32 to vector<16xf32>
    %swap3A_49 = arith.constant 0 : i32
    %swap3A_50 = arith.index_cast %swap3A_49 : i32 to index
    %swap3A_51 = arith.constant 96 : index
    %swap3A_52 = tpu.vector_load %arg18[%swap3A_50, %swap3A_51] {strides = array<i32>} : memref<8x128xf32, #tpu.memory_space<vmem>>, vector<1x16xf32>,
    %swap3A_53 = vector.shape_cast %swap3A_52 : vector<1x16xf32> to vector<16xf32>
    %swap3A_54 = vector.shape_cast %broadcast_in_dim3A_48 : vector<16xf32> to vector<1x16xf32>
    tpu.vector_store %arg18[%swap3A_50, %swap3A_51], %swap3A_54 {strides = array<i32>} : memref<8x128xf32, #tpu.memory_space<vmem>>, vector<1x16xf32>,
    %broadcast_in_dim3A_55 = arith.constant 0.000000e+00 : f32
    %broadcast_in_dim3A_56 = vector.broadcast %broadcast_in_dim3A_55 : f32 to vector<16xf32>
    %swap3A_57 = arith.constant 0 : i32
    %swap3A_58 = arith.index_cast %swap3A_57 : i32 to index
    %swap3A_59 = arith.constant 112 : index
    %swap3A_60 = tpu.vector_load %arg18[%swap3A_58, %swap3A_59] {strides = array<i32>} : memref<8x128xf32, #tpu.memory_space<vmem>>, vector<1x16xf32>,
    %swap3A_61 = vector.shape_cast %swap3A_60 : vector<1x16xf32> to vector<16xf32>
    %swap3A_62 = vector.shape_cast %broadcast_in_dim3A_56 : vector<16xf32> to vector<1x16xf32>
    tpu.vector_store %arg18[%swap3A_58, %swap3A_59], %swap3A_62 {strides = array<i32>} : memref<8x128xf32, #tpu.memory_space<vmem>>, vector<1x16xf32>,
    %broadcast_in_dim3A_63 = arith.constant 0.000000e+00 : f32
    %broadcast_in_dim3A_64 = vector.broadcast %broadcast_in_dim3A_63 : f32 to vector<16xf32>
    %swap3A_65 = arith.constant 1 : i32
    %swap3A_66 = arith.index_cast %swap3A_65 : i32 to index
    %swap3A_67 = arith.constant 0 : index
    %swap3A_68 = tpu.vector_load %arg18[%swap3A_66, %swap3A_67] {strides = array<i32>} : memref<8x128xf32, #tpu.memory_space<vmem>>, vector<1x16xf32>,
    %swap3A_69 = vector.shape_cast %swap3A_68 : vector<1x16xf32> to vector<16xf32>
    %swap3A_70 = vector.shape_cast %broadcast_in_dim3A_64 : vector<16xf32> to vector<1x16xf32>
    tpu.vector_store %arg18[%swap3A_66, %swap3A_67], %swap3A_70 {strides = array<i32>} : memref<8x128xf32, #tpu.memory_space<vmem>>, vector<1x16xf32>,
    %broadcast_in_dim3A_71 = arith.constant 0.000000e+00 : f32
    %broadcast_in_dim3A_72 = vector.broadcast %broadcast_in_dim3A_71 : f32 to vector<16xf32>
    %swap3A_73 = arith.constant 1 : i32
    %swap3A_74 = arith.index_cast %swap3A_73 : i32 to index
    %swap3A_75 = arith.constant 16 : index
    %swap3A_76 = tpu.vector_load %arg18[%swap3A_74, %swap3A_75] {strides = array<i32>} : memref<8x128xf32, #tpu.memory_space<vmem>>, vector<1x16xf32>,
    %swap3A_77 = vector.shape_cast %swap3A_76 : vector<1x16xf32> to vector<16xf32>
    %swap3A_78 = vector.shape_cast %broadcast_in_dim3A_72 : vector<16xf32> to vector<1x16xf32>
    tpu.vector_store %arg18[%swap3A_74, %swap3A_75], %swap3A_78 {strides = array<i32>} : memref<8x128xf32, #tpu.memory_space<vmem>>, vector<1x16xf32>,
    %broadcast_in_dim3A_79 = arith.constant 0.000000e+00 : f32
    %broadcast_in_dim3A_80 = vector.broadcast %broadcast_in_dim3A_79 : f32 to vector<16xf32>
    %swap3A_81 = arith.constant 1 : i32
    %swap3A_82 = arith.index_cast %swap3A_81 : i32 to index
    %swap3A_83 = arith.constant 32 : index
    %swap3A_84 = tpu.vector_load %arg18[%swap3A_82, %swap3A_83] {strides = array<i32>} : memref<8x128xf32, #tpu.memory_space<vmem>>, vector<1x16xf32>,
    %swap3A_85 = vector.shape_cast %swap3A_84 : vector<1x16xf32> to vector<16xf32>
    %swap3A_86 = vector.shape_cast %broadcast_in_dim3A_80 : vector<16xf32> to vector<1x16xf32>
    tpu.vector_store %arg18[%swap3A_82, %swap3A_83], %swap3A_86 {strides = array<i32>} : memref<8x128xf32, #tpu.memory_space<vmem>>, vector<1x16xf32>,
    %broadcast_in_dim3A_87 = arith.constant 0.000000e+00 : f32
    %broadcast_in_dim3A_88 = vector.broadcast %broadcast_in_dim3A_87 : f32 to vector<16xf32>
    %swap3A_89 = arith.constant 1 : i32
    %swap3A_90 = arith.index_cast %swap3A_89 : i32 to index
    %swap3A_91 = arith.constant 48 : index
    %swap3A_92 = tpu.vector_load %arg18[%swap3A_90, %swap3A_91] {strides = array<i32>} : memref<8x128xf32, #tpu.memory_space<vmem>>, vector<1x16xf32>,
    %swap3A_93 = vector.shape_cast %swap3A_92 : vector<1x16xf32> to vector<16xf32>
    %swap3A_94 = vector.shape_cast %broadcast_in_dim3A_88 : vector<16xf32> to vector<1x16xf32>
    tpu.vector_store %arg18[%swap3A_90, %swap3A_91], %swap3A_94 {strides = array<i32>} : memref<8x128xf32, #tpu.memory_space<vmem>>, vector<1x16xf32>,
    %broadcast_in_dim3A_95 = arith.constant 0.000000e+00 : f32
    %broadcast_in_dim3A_96 = vector.broadcast %broadcast_in_dim3A_95 : f32 to vector<16xf32>
    %swap3A_97 = arith.constant 1 : i32
    %swap3A_98 = arith.index_cast %swap3A_97 : i32 to index
    %swap3A_99 = arith.constant 64 : index
    %swap3A_100 = tpu.vector_load %arg18[%swap3A_98, %swap3A_99] {strides = array<i32>} : memref<8x128xf32, #tpu.memory_space<vmem>>, vector<1x16xf32>,
    %swap3A_101 = vector.shape_cast %swap3A_100 : vector<1x16xf32> to vector<16xf32>
    %swap3A_102 = vector.shape_cast %broadcast_in_dim3A_96 : vector<16xf32> to vector<1x16xf32>
    tpu.vector_store %arg18[%swap3A_98, %swap3A_99], %swap3A_102 {strides = array<i32>} : memref<8x128xf32, #tpu.memory_space<vmem>>, vector<1x16xf32>,
    %broadcast_in_dim3A_103 = arith.constant 0.000000e+00 : f32
    %broadcast_in_dim3A_104 = vector.broadcast %broadcast_in_dim3A_103 : f32 to vector<16xf32>
    %swap3A_105 = arith.constant 1 : i32
    %swap3A_106 = arith.index_cast %swap3A_105 : i32 to index
    %swap3A_107 = arith.constant 80 : index
    %swap3A_108 = tpu.vector_load %arg18[%swap3A_106, %swap3A_107] {strides = array<i32>} : memref<8x128xf32, #tpu.memory_space<vmem>>, vector<1x16xf32>,
    %swap3A_109 = vector.shape_cast %swap3A_108 : vector<1x16xf32> to vector<16xf32>
    %swap3A_110 = vector.shape_cast %broadcast_in_dim3A_104 : vector<16xf32> to vector<1x16xf32>
    tpu.vector_store %arg18[%swap3A_106, %swap3A_107], %swap3A_110 {strides = array<i32>} : memref<8x128xf32, #tpu.memory_space<vmem>>, vector<1x16xf32>,
    %broadcast_in_dim3A_111 = arith.constant 0.000000e+00 : f32
    %broadcast_in_dim3A_112 = vector.broadcast %broadcast_in_dim3A_111 : f32 to vector<16xf32>
    %swap3A_113 = arith.constant 1 : i32
    %swap3A_114 = arith.index_cast %swap3A_113 : i32 to index
    %swap3A_115 = arith.constant 96 : index
    %swap3A_116 = tpu.vector_load %arg18[%swap3A_114, %swap3A_115] {strides = array<i32>} : memref<8x128xf32, #tpu.memory_space<vmem>>, vector<1x16xf32>,
    %swap3A_117 = vector.shape_cast %swap3A_116 : vector<1x16xf32> to vector<16xf32>
    %swap3A_118 = vector.shape_cast %broadcast_in_dim3A_112 : vector<16xf32> to vector<1x16xf32>
    tpu.vector_store %arg18[%swap3A_114, %swap3A_115], %swap3A_118 {strides = array<i32>} : memref<8x128xf32, #tpu.memory_space<vmem>>, vector<1x16xf32>,
    %broadcast_in_dim3A_119 = arith.constant 0.000000e+00 : f32
    %broadcast_in_dim3A_120 = vector.broadcast %broadcast_in_dim3A_119 : f32 to vector<16xf32>
    %swap3A_121 = arith.constant 1 : i32
    %swap3A_122 = arith.index_cast %swap3A_121 : i32 to index
    %swap3A_123 = arith.constant 112 : index
    %swap3A_124 = tpu.vector_load %arg18[%swap3A_122, %swap3A_123] {strides = array<i32>} : memref<8x128xf32, #tpu.memory_space<vmem>>, vector<1x16xf32>,
    %swap3A_125 = vector.shape_cast %swap3A_124 : vector<1x16xf32> to vector<16xf32>
    %swap3A_126 = vector.shape_cast %broadcast_in_dim3A_120 : vector<16xf32> to vector<1x16xf32>
    tpu.vector_store %arg18[%swap3A_122, %swap3A_123], %swap3A_126 {strides = array<i32>} : memref<8x128xf32, #tpu.memory_space<vmem>>, vector<1x16xf32>,
    %broadcast_in_dim3A_127 = arith.constant 0.000000e+00 : f32
    %broadcast_in_dim3A_128 = vector.broadcast %broadcast_in_dim3A_127 : f32 to vector<16xf32>
    %swap3A_129 = arith.constant 2 : i32
    %swap3A_130 = arith.index_cast %swap3A_129 : i32 to index
    %swap3A_131 = arith.constant 0 : index
    %swap3A_132 = tpu.vector_load %arg18[%swap3A_130, %swap3A_131] {strides = array<i32>} : memref<8x128xf32, #tpu.memory_space<vmem>>, vector<1x16xf32>,
    %swap3A_133 = vector.shape_cast %swap3A_132 : vector<1x16xf32> to vector<16xf32>
    %swap3A_134 = vector.shape_cast %broadcast_in_dim3A_128 : vector<16xf32> to vector<1x16xf32>
    tpu.vector_store %arg18[%swap3A_130, %swap3A_131], %swap3A_134 {strides = array<i32>} : memref<8x128xf32, #tpu.memory_space<vmem>>, vector<1x16xf32>,
    %broadcast_in_dim3A_135 = arith.constant 0.000000e+00 : f32
    %broadcast_in_dim3A_136 = vector.broadcast %broadcast_in_dim3A_135 : f32 to vector<16xf32>
    %swap3A_137 = arith.constant 2 : i32
    %swap3A_138 = arith.index_cast %swap3A_137 : i32 to index
    %swap3A_139 = arith.constant 16 : index
    %swap3A_140 = tpu.vector_load %arg18[%swap3A_138, %swap3A_139] {strides = array<i32>} : memref<8x128xf32, #tpu.memory_space<vmem>>, vector<1x16xf32>,
    %swap3A_141 = vector.shape_cast %swap3A_140 : vector<1x16xf32> to vector<16xf32>
    %swap3A_142 = vector.shape_cast %broadcast_in_dim3A_136 : vector<16xf32> to vector<1x16xf32>
    tpu.vector_store %arg18[%swap3A_138, %swap3A_139], %swap3A_142 {strides = array<i32>} : memref<8x128xf32, #tpu.memory_space<vmem>>, vector<1x16xf32>,
    %broadcast_in_dim3A_143 = arith.constant 0.000000e+00 : f32
    %broadcast_in_dim3A_144 = vector.broadcast %broadcast_in_dim3A_143 : f32 to vector<16xf32>
    %swap3A_145 = arith.constant 2 : i32
    %swap3A_146 = arith.index_cast %swap3A_145 : i32 to index
    %swap3A_147 = arith.constant 32 : index
    %swap3A_148 = tpu.vector_load %arg18[%swap3A_146, %swap3A_147] {strides = array<i32>} : memref<8x128xf32, #tpu.memory_space<vmem>>, vector<1x16xf32>,
    %swap3A_149 = vector.shape_cast %swap3A_148 : vector<1x16xf32> to vector<16xf32>
    %swap3A_150 = vector.shape_cast %broadcast_in_dim3A_144 : vector<16xf32> to vector<1x16xf32>
    tpu.vector_store %arg18[%swap3A_146, %swap3A_147], %swap3A_150 {strides = array<i32>} : memref<8x128xf32, #tpu.memory_space<vmem>>, vector<1x16xf32>,
    %broadcast_in_dim3A_151 = arith.constant 0.000000e+00 : f32
    %broadcast_in_dim3A_152 = vector.broadcast %broadcast_in_dim3A_151 : f32 to vector<16xf32>
    %swap3A_153 = arith.constant 2 : i32
    %swap3A_154 = arith.index_cast %swap3A_153 : i32 to index
    %swap3A_155 = arith.constant 48 : index
    %swap3A_156 = tpu.vector_load %arg18[%swap3A_154, %swap3A_155] {strides = array<i32>} : memref<8x128xf32, #tpu.memory_space<vmem>>, vector<1x16xf32>,
    %swap3A_157 = vector.shape_cast %swap3A_156 : vector<1x16xf32> to vector<16xf32>
    %swap3A_158 = vector.shape_cast %broadcast_in_dim3A_152 : vector<16xf32> to vector<1x16xf32>
    tpu.vector_store %arg18[%swap3A_154, %swap3A_155], %swap3A_158 {strides = array<i32>} : memref<8x128xf32, #tpu.memory_space<vmem>>, vector<1x16xf32>,
    %broadcast_in_dim3A_159 = arith.constant 0.000000e+00 : f32
    %broadcast_in_dim3A_160 = vector.broadcast %broadcast_in_dim3A_159 : f32 to vector<16xf32>
    %swap3A_161 = arith.constant 2 : i32
    %swap3A_162 = arith.index_cast %swap3A_161 : i32 to index
    %swap3A_163 = arith.constant 64 : index
    %swap3A_164 = tpu.vector_load %arg18[%swap3A_162, %swap3A_163] {strides = array<i32>} : memref<8x128xf32, #tpu.memory_space<vmem>>, vector<1x16xf32>,
    %swap3A_165 = vector.shape_cast %swap3A_164 : vector<1x16xf32> to vector<16xf32>
    %swap3A_166 = vector.shape_cast %broadcast_in_dim3A_160 : vector<16xf32> to vector<1x16xf32>
    tpu.vector_store %arg18[%swap3A_162, %swap3A_163], %swap3A_166 {strides = array<i32>} : memref<8x128xf32, #tpu.memory_space<vmem>>, vector<1x16xf32>,
    %broadcast_in_dim3A_167 = arith.constant 0.000000e+00 : f32
    %broadcast_in_dim3A_168 = vector.broadcast %broadcast_in_dim3A_167 : f32 to vector<16xf32>
    %swap3A_169 = arith.constant 2 : i32
    %swap3A_170 = arith.index_cast %swap3A_169 : i32 to index
    %swap3A_171 = arith.constant 80 : index
    %swap3A_172 = tpu.vector_load %arg18[%swap3A_170, %swap3A_171] {strides = array<i32>} : memref<8x128xf32, #tpu.memory_space<vmem>>, vector<1x16xf32>,
    %swap3A_173 = vector.shape_cast %swap3A_172 : vector<1x16xf32> to vector<16xf32>
    %swap3A_174 = vector.shape_cast %broadcast_in_dim3A_168 : vector<16xf32> to vector<1x16xf32>
    tpu.vector_store %arg18[%swap3A_170, %swap3A_171], %swap3A_174 {strides = array<i32>} : memref<8x128xf32, #tpu.memory_space<vmem>>, vector<1x16xf32>,
    %broadcast_in_dim3A_175 = arith.constant 0.000000e+00 : f32
    %broadcast_in_dim3A_176 = vector.broadcast %broadcast_in_dim3A_175 : f32 to vector<16xf32>
    %swap3A_177 = arith.constant 2 : i32
    %swap3A_178 = arith.index_cast %swap3A_177 : i32 to index
    %swap3A_179 = arith.constant 96 : index
    %swap3A_180 = tpu.vector_load %arg18[%swap3A_178, %swap3A_179] {strides = array<i32>} : memref<8x128xf32, #tpu.memory_space<vmem>>, vector<1x16xf32>,
    %swap3A_181 = vector.shape_cast %swap3A_180 : vector<1x16xf32> to vector<16xf32>
    %swap3A_182 = vector.shape_cast %broadcast_in_dim3A_176 : vector<16xf32> to vector<1x16xf32>
    tpu.vector_store %arg18[%swap3A_178, %swap3A_179], %swap3A_182 {strides = array<i32>} : memref<8x128xf32, #tpu.memory_space<vmem>>, vector<1x16xf32>,
    %broadcast_in_dim3A_183 = arith.constant 0.000000e+00 : f32
    %broadcast_in_dim3A_184 = vector.broadcast %broadcast_in_dim3A_183 : f32 to vector<16xf32>
    %swap3A_185 = arith.constant 2 : i32
    %swap3A_186 = arith.index_cast %swap3A_185 : i32 to index
    %swap3A_187 = arith.constant 112 : index
    %swap3A_188 = tpu.vector_load %arg18[%swap3A_186, %swap3A_187] {strides = array<i32>} : memref<8x128xf32, #tpu.memory_space<vmem>>, vector<1x16xf32>,
    %swap3A_189 = vector.shape_cast %swap3A_188 : vector<1x16xf32> to vector<16xf32>
    %swap3A_190 = vector.shape_cast %broadcast_in_dim3A_184 : vector<16xf32> to vector<1x16xf32>
    tpu.vector_store %arg18[%swap3A_186, %swap3A_187], %swap3A_190 {strides = array<i32>} : memref<8x128xf32, #tpu.memory_space<vmem>>, vector<1x16xf32>,
    %broadcast_in_dim3A_191 = arith.constant 0.000000e+00 : f32
    %broadcast_in_dim3A_192 = vector.broadcast %broadcast_in_dim3A_191 : f32 to vector<16xf32>
    %swap3A_193 = arith.constant 3 : i32
    %swap3A_194 = arith.index_cast %swap3A_193 : i32 to index
    %swap3A_195 = arith.constant 0 : index
    %swap3A_196 = tpu.vector_load %arg18[%swap3A_194, %swap3A_195] {strides = array<i32>} : memref<8x128xf32, #tpu.memory_space<vmem>>, vector<1x16xf32>,
    %swap3A_197 = vector.shape_cast %swap3A_196 : vector<1x16xf32> to vector<16xf32>
    %swap3A_198 = vector.shape_cast %broadcast_in_dim3A_192 : vector<16xf32> to vector<1x16xf32>
    tpu.vector_store %arg18[%swap3A_194, %swap3A_195], %swap3A_198 {strides = array<i32>} : memref<8x128xf32, #tpu.memory_space<vmem>>, vector<1x16xf32>,
    %broadcast_in_dim3A_199 = arith.constant 0.000000e+00 : f32
    %broadcast_in_dim3A_200 = vector.broadcast %broadcast_in_dim3A_199 : f32 to vector<16xf32>
    %swap3A_201 = arith.constant 3 : i32
    %swap3A_202 = arith.index_cast %swap3A_201 : i32 to index
    %swap3A_203 = arith.constant 16 : index
    %swap3A_204 = tpu.vector_load %arg18[%swap3A_202, %swap3A_203] {strides = array<i32>} : memref<8x128xf32, #tpu.memory_space<vmem>>, vector<1x16xf32>,
    %swap3A_205 = vector.shape_cast %swap3A_204 : vector<1x16xf32> to vector<16xf32>
    %swap3A_206 = vector.shape_cast %broadcast_in_dim3A_200 : vector<16xf32> to vector<1x16xf32>
    tpu.vector_store %arg18[%swap3A_202, %swap3A_203], %swap3A_206 {strides = array<i32>} : memref<8x128xf32, #tpu.memory_space<vmem>>, vector<1x16xf32>,
    %broadcast_in_dim3A_207 = arith.constant 0.000000e+00 : f32
    %broadcast_in_dim3A_208 = vector.broadcast %broadcast_in_dim3A_207 : f32 to vector<16xf32>
    %swap3A_209 = arith.constant 3 : i32
    %swap3A_210 = arith.index_cast %swap3A_209 : i32 to index
    %swap3A_211 = arith.constant 32 : index
    %swap3A_212 = tpu.vector_load %arg18[%swap3A_210, %swap3A_211] {strides = array<i32>} : memref<8x128xf32, #tpu.memory_space<vmem>>, vector<1x16xf32>,
    %swap3A_213 = vector.shape_cast %swap3A_212 : vector<1x16xf32> to vector<16xf32>
    %swap3A_214 = vector.shape_cast %broadcast_in_dim3A_208 : vector<16xf32> to vector<1x16xf32>
    tpu.vector_store %arg18[%swap3A_210, %swap3A_211], %swap3A_214 {strides = array<i32>} : memref<8x128xf32, #tpu.memory_space<vmem>>, vector<1x16xf32>,
    %broadcast_in_dim3A_215 = arith.constant 0.000000e+00 : f32
    %broadcast_in_dim3A_216 = vector.broadcast %broadcast_in_dim3A_215 : f32 to vector<16xf32>
    %swap3A_217 = arith.constant 3 : i32
    %swap3A_218 = arith.index_cast %swap3A_217 : i32 to index
    %swap3A_219 = arith.constant 48 : index
    %swap3A_220 = tpu.vector_load %arg18[%swap3A_218, %swap3A_219] {strides = array<i32>} : memref<8x128xf32, #tpu.memory_space<vmem>>, vector<1x16xf32>,
    %swap3A_221 = vector.shape_cast %swap3A_220 : vector<1x16xf32> to vector<16xf32>
    %swap3A_222 = vector.shape_cast %broadcast_in_dim3A_216 : vector<16xf32> to vector<1x16xf32>
    tpu.vector_store %arg18[%swap3A_218, %swap3A_219], %swap3A_222 {strides = array<i32>} : memref<8x128xf32, #tpu.memory_space<vmem>>, vector<1x16xf32>,
    %broadcast_in_dim3A_223 = arith.constant 0.000000e+00 : f32
    %broadcast_in_dim3A_224 = vector.broadcast %broadcast_in_dim3A_223 : f32 to vector<16xf32>
    %swap3A_225 = arith.constant 3 : i32
    %swap3A_226 = arith.index_cast %swap3A_225 : i32 to index
    %swap3A_227 = arith.constant 64 : index
    %swap3A_228 = tpu.vector_load %arg18[%swap3A_226, %swap3A_227] {strides = array<i32>} : memref<8x128xf32, #tpu.memory_space<vmem>>, vector<1x16xf32>,
    %swap3A_229 = vector.shape_cast %swap3A_228 : vector<1x16xf32> to vector<16xf32>
    %swap3A_230 = vector.shape_cast %broadcast_in_dim3A_224 : vector<16xf32> to vector<1x16xf32>
    tpu.vector_store %arg18[%swap3A_226, %swap3A_227], %swap3A_230 {strides = array<i32>} : memref<8x128xf32, #tpu.memory_space<vmem>>, vector<1x16xf32>,
    %broadcast_in_dim3A_231 = arith.constant 0.000000e+00 : f32
    %broadcast_in_dim3A_232 = vector.broadcast %broadcast_in_dim3A_231 : f32 to vector<16xf32>
    %swap3A_233 = arith.constant 3 : i32
    %swap3A_234 = arith.index_cast %swap3A_233 : i32 to index
    %swap3A_235 = arith.constant 80 : index
    %swap3A_236 = tpu.vector_load %arg18[%swap3A_234, %swap3A_235] {strides = array<i32>} : memref<8x128xf32, #tpu.memory_space<vmem>>, vector<1x16xf32>,
    %swap3A_237 = vector.shape_cast %swap3A_236 : vector<1x16xf32> to vector<16xf32>
    %swap3A_238 = vector.shape_cast %broadcast_in_dim3A_232 : vector<16xf32> to vector<1x16xf32>
    tpu.vector_store %arg18[%swap3A_234, %swap3A_235], %swap3A_238 {strides = array<i32>} : memref<8x128xf32, #tpu.memory_space<vmem>>, vector<1x16xf32>,
    %broadcast_in_dim3A_239 = arith.constant 0.000000e+00 : f32
    %broadcast_in_dim3A_240 = vector.broadcast %broadcast_in_dim3A_239 : f32 to vector<16xf32>
    %swap3A_241 = arith.constant 3 : i32
    %swap3A_242 = arith.index_cast %swap3A_241 : i32 to index
    %swap3A_243 = arith.constant 96 : index
    %swap3A_244 = tpu.vector_load %arg18[%swap3A_242, %swap3A_243] {strides = array<i32>} : memref<8x128xf32, #tpu.memory_space<vmem>>, vector<1x16xf32>,
    %swap3A_245 = vector.shape_cast %swap3A_244 : vector<1x16xf32> to vector<16xf32>
    %swap3A_246 = vector.shape_cast %broadcast_in_dim3A_240 : vector<16xf32> to vector<1x16xf32>
    tpu.vector_store %arg18[%swap3A_242, %swap3A_243], %swap3A_246 {strides = array<i32>} : memref<8x128xf32, #tpu.memory_space<vmem>>, vector<1x16xf32>,
    %broadcast_in_dim3A_247 = arith.constant 0.000000e+00 : f32
    %broadcast_in_dim3A_248 = vector.broadcast %broadcast_in_dim3A_247 : f32 to vector<16xf32>
    %swap3A_249 = arith.constant 3 : i32
    %swap3A_250 = arith.index_cast %swap3A_249 : i32 to index
    %swap3A_251 = arith.constant 112 : index
    %swap3A_252 = tpu.vector_load %arg18[%swap3A_250, %swap3A_251] {strides = array<i32>} : memref<8x128xf32, #tpu.memory_space<vmem>>, vector<1x16xf32>,
    %swap3A_253 = vector.shape_cast %swap3A_252 : vector<1x16xf32> to vector<16xf32>
    %swap3A_254 = vector.shape_cast %broadcast_in_dim3A_248 : vector<16xf32> to vector<1x16xf32>
    tpu.vector_store %arg18[%swap3A_250, %swap3A_251], %swap3A_254 {strides = array<i32>} : memref<8x128xf32, #tpu.memory_space<vmem>>, vector<1x16xf32>,
    %broadcast_in_dim3A_255 = arith.constant 0.000000e+00 : f32
    %broadcast_in_dim3A_256 = vector.broadcast %broadcast_in_dim3A_255 : f32 to vector<16xf32>
    %swap3A_257 = arith.constant 4 : i32
    %swap3A_258 = arith.index_cast %swap3A_257 : i32 to index
    %swap3A_259 = arith.constant 0 : index
    %swap3A_260 = tpu.vector_load %arg18[%swap3A_258, %swap3A_259] {strides = array<i32>} : memref<8x128xf32, #tpu.memory_space<vmem>>, vector<1x16xf32>,
    %swap3A_261 = vector.shape_cast %swap3A_260 : vector<1x16xf32> to vector<16xf32>
    %swap3A_262 = vector.shape_cast %broadcast_in_dim3A_256 : vector<16xf32> to vector<1x16xf32>
    tpu.vector_store %arg18[%swap3A_258, %swap3A_259], %swap3A_262 {strides = array<i32>} : memref<8x128xf32, #tpu.memory_space<vmem>>, vector<1x16xf32>,
    %broadcast_in_dim3A_263 = arith.constant 0.000000e+00 : f32
    %broadcast_in_dim3A_264 = vector.broadcast %broadcast_in_dim3A_263 : f32 to vector<16xf32>
    %swap3A_265 = arith.constant 4 : i32
    %swap3A_266 = arith.index_cast %swap3A_265 : i32 to index
    %swap3A_267 = arith.constant 16 : index
    %swap3A_268 = tpu.vector_load %arg18[%swap3A_266, %swap3A_267] {strides = array<i32>} : memref<8x128xf32, #tpu.memory_space<vmem>>, vector<1x16xf32>,
    %swap3A_269 = vector.shape_cast %swap3A_268 : vector<1x16xf32> to vector<16xf32>
    %swap3A_270 = vector.shape_cast %broadcast_in_dim3A_264 : vector<16xf32> to vector<1x16xf32>
    tpu.vector_store %arg18[%swap3A_266, %swap3A_267], %swap3A_270 {strides = array<i32>} : memref<8x128xf32, #tpu.memory_space<vmem>>, vector<1x16xf32>,
    %broadcast_in_dim3A_271 = arith.constant 0.000000e+00 : f32
    %broadcast_in_dim3A_272 = vector.broadcast %broadcast_in_dim3A_271 : f32 to vector<16xf32>
    %swap3A_273 = arith.constant 4 : i32
    %swap3A_274 = arith.index_cast %swap3A_273 : i32 to index
    %swap3A_275 = arith.constant 32 : index
    %swap3A_276 = tpu.vector_load %arg18[%swap3A_274, %swap3A_275] {strides = array<i32>} : memref<8x128xf32, #tpu.memory_space<vmem>>, vector<1x16xf32>,
    %swap3A_277 = vector.shape_cast %swap3A_276 : vector<1x16xf32> to vector<16xf32>
    %swap3A_278 = vector.shape_cast %broadcast_in_dim3A_272 : vector<16xf32> to vector<1x16xf32>
    tpu.vector_store %arg18[%swap3A_274, %swap3A_275], %swap3A_278 {strides = array<i32>} : memref<8x128xf32, #tpu.memory_space<vmem>>, vector<1x16xf32>,
    %broadcast_in_dim3A_279 = arith.constant 0.000000e+00 : f32
    %broadcast_in_dim3A_280 = vector.broadcast %broadcast_in_dim3A_279 : f32 to vector<16xf32>
    %swap3A_281 = arith.constant 4 : i32
    %swap3A_282 = arith.index_cast %swap3A_281 : i32 to index
    %swap3A_283 = arith.constant 48 : index
    %swap3A_284 = tpu.vector_load %arg18[%swap3A_282, %swap3A_283] {strides = array<i32>} : memref<8x128xf32, #tpu.memory_space<vmem>>, vector<1x16xf32>,
    %swap3A_285 = vector.shape_cast %swap3A_284 : vector<1x16xf32> to vector<16xf32>
    %swap3A_286 = vector.shape_cast %broadcast_in_dim3A_280 : vector<16xf32> to vector<1x16xf32>
    tpu.vector_store %arg18[%swap3A_282, %swap3A_283], %swap3A_286 {strides = array<i32>} : memref<8x128xf32, #tpu.memory_space<vmem>>, vector<1x16xf32>,
    %broadcast_in_dim3A_287 = arith.constant 0.000000e+00 : f32
    %broadcast_in_dim3A_288 = vector.broadcast %broadcast_in_dim3A_287 : f32 to vector<16xf32>
    %swap3A_289 = arith.constant 4 : i32
    %swap3A_290 = arith.index_cast %swap3A_289 : i32 to index
    %swap3A_291 = arith.constant 64 : index
    %swap3A_292 = tpu.vector_load %arg18[%swap3A_290, %swap3A_291] {strides = array<i32>} : memref<8x128xf32, #tpu.memory_space<vmem>>, vector<1x16xf32>,
    %swap3A_293 = vector.shape_cast %swap3A_292 : vector<1x16xf32> to vector<16xf32>
    %swap3A_294 = vector.shape_cast %broadcast_in_dim3A_288 : vector<16xf32> to vector<1x16xf32>
    tpu.vector_store %arg18[%swap3A_290, %swap3A_291], %swap3A_294 {strides = array<i32>} : memref<8x128xf32, #tpu.memory_space<vmem>>, vector<1x16xf32>,
    %broadcast_in_dim3A_295 = arith.constant 0.000000e+00 : f32
    %broadcast_in_dim3A_296 = vector.broadcast %broadcast_in_dim3A_295 : f32 to vector<16xf32>
    %swap3A_297 = arith.constant 4 : i32
    %swap3A_298 = arith.index_cast %swap3A_297 : i32 to index
    %swap3A_299 = arith.constant 80 : index
    %swap3A_300 = tpu.vector_load %arg18[%swap3A_298, %swap3A_299] {strides = array<i32>} : memref<8x128xf32, #tpu.memory_space<vmem>>, vector<1x16xf32>,
    %swap3A_301 = vector.shape_cast %swap3A_300 : vector<1x16xf32> to vector<16xf32>
    %swap3A_302 = vector.shape_cast %broadcast_in_dim3A_296 : vector<16xf32> to vector<1x16xf32>
    tpu.vector_store %arg18[%swap3A_298, %swap3A_299], %swap3A_302 {strides = array<i32>} : memref<8x128xf32, #tpu.memory_space<vmem>>, vector<1x16xf32>,
    %broadcast_in_dim3A_303 = arith.constant 0.000000e+00 : f32
    %broadcast_in_dim3A_304 = vector.broadcast %broadcast_in_dim3A_303 : f32 to vector<16xf32>
    %swap3A_305 = arith.constant 4 : i32
    %swap3A_306 = arith.index_cast %swap3A_305 : i32 to index
    %swap3A_307 = arith.constant 96 : index
    %swap3A_308 = tpu.vector_load %arg18[%swap3A_306, %swap3A_307] {strides = array<i32>} : memref<8x128xf32, #tpu.memory_space<vmem>>, vector<1x16xf32>,
    %swap3A_309 = vector.shape_cast %swap3A_308 : vector<1x16xf32> to vector<16xf32>
    %swap3A_310 = vector.shape_cast %broadcast_in_dim3A_304 : vector<16xf32> to vector<1x16xf32>
    tpu.vector_store %arg18[%swap3A_306, %swap3A_307], %swap3A_310 {strides = array<i32>} : memref<8x128xf32, #tpu.memory_space<vmem>>, vector<1x16xf32>,
    %broadcast_in_dim3A_311 = arith.constant 0.000000e+00 : f32
    %broadcast_in_dim3A_312 = vector.broadcast %broadcast_in_dim3A_311 : f32 to vector<16xf32>
    %swap3A_313 = arith.constant 4 : i32
    %swap3A_314 = arith.index_cast %swap3A_313 : i32 to index
    %swap3A_315 = arith.constant 112 : index
    %swap3A_316 = tpu.vector_load %arg18[%swap3A_314, %swap3A_315] {strides = array<i32>} : memref<8x128xf32, #tpu.memory_space<vmem>>, vector<1x16xf32>,
    %swap3A_317 = vector.shape_cast %swap3A_316 : vector<1x16xf32> to vector<16xf32>
    %swap3A_318 = vector.shape_cast %broadcast_in_dim3A_312 : vector<16xf32> to vector<1x16xf32>
    tpu.vector_store %arg18[%swap3A_314, %swap3A_315], %swap3A_318 {strides = array<i32>} : memref<8x128xf32, #tpu.memory_space<vmem>>, vector<1x16xf32>,
    %broadcast_in_dim3A_319 = arith.constant 0.000000e+00 : f32
    %broadcast_in_dim3A_320 = vector.broadcast %broadcast_in_dim3A_319 : f32 to vector<16xf32>
    %swap3A_321 = arith.constant 5 : i32
    %swap3A_322 = arith.index_cast %swap3A_321 : i32 to index
    %swap3A_323 = arith.constant 0 : index
    %swap3A_324 = tpu.vector_load %arg18[%swap3A_322, %swap3A_323] {strides = array<i32>} : memref<8x128xf32, #tpu.memory_space<vmem>>, vector<1x16xf32>,
    %swap3A_325 = vector.shape_cast %swap3A_324 : vector<1x16xf32> to vector<16xf32>
    %swap3A_326 = vector.shape_cast %broadcast_in_dim3A_320 : vector<16xf32> to vector<1x16xf32>
    tpu.vector_store %arg18[%swap3A_322, %swap3A_323], %swap3A_326 {strides = array<i32>} : memref<8x128xf32, #tpu.memory_space<vmem>>, vector<1x16xf32>,
    %broadcast_in_dim3A_327 = arith.constant 0.000000e+00 : f32
    %broadcast_in_dim3A_328 = vector.broadcast %broadcast_in_dim3A_327 : f32 to vector<16xf32>
    %swap3A_329 = arith.constant 5 : i32
    %swap3A_330 = arith.index_cast %swap3A_329 : i32 to index
    %swap3A_331 = arith.constant 16 : index
    %swap3A_332 = tpu.vector_load %arg18[%swap3A_330, %swap3A_331] {strides = array<i32>} : memref<8x128xf32, #tpu.memory_space<vmem>>, vector<1x16xf32>,
    %swap3A_333 = vector.shape_cast %swap3A_332 : vector<1x16xf32> to vector<16xf32>
    %swap3A_334 = vector.shape_cast %broadcast_in_dim3A_328 : vector<16xf32> to vector<1x16xf32>
    tpu.vector_store %arg18[%swap3A_330, %swap3A_331], %swap3A_334 {strides = array<i32>} : memref<8x128xf32, #tpu.memory_space<vmem>>, vector<1x16xf32>,
    %broadcast_in_dim3A_335 = arith.constant 0.000000e+00 : f32
    %broadcast_in_dim3A_336 = vector.broadcast %broadcast_in_dim3A_335 : f32 to vector<16xf32>
    %swap3A_337 = arith.constant 5 : i32
    %swap3A_338 = arith.index_cast %swap3A_337 : i32 to index
    %swap3A_339 = arith.constant 32 : index
    %swap3A_340 = tpu.vector_load %arg18[%swap3A_338, %swap3A_339] {strides = array<i32>} : memref<8x128xf32, #tpu.memory_space<vmem>>, vector<1x16xf32>,
    %swap3A_341 = vector.shape_cast %swap3A_340 : vector<1x16xf32> to vector<16xf32>
    %swap3A_342 = vector.shape_cast %broadcast_in_dim3A_336 : vector<16xf32> to vector<1x16xf32>
    tpu.vector_store %arg18[%swap3A_338, %swap3A_339], %swap3A_342 {strides = array<i32>} : memref<8x128xf32, #tpu.memory_space<vmem>>, vector<1x16xf32>,
    %broadcast_in_dim3A_343 = arith.constant 0.000000e+00 : f32
    %broadcast_in_dim3A_344 = vector.broadcast %broadcast_in_dim3A_343 : f32 to vector<16xf32>
    %swap3A_345 = arith.constant 5 : i32
    %swap3A_346 = arith.index_cast %swap3A_345 : i32 to index
    %swap3A_347 = arith.constant 48 : index
    %swap3A_348 = tpu.vector_load %arg18[%swap3A_346, %swap3A_347] {strides = array<i32>} : memref<8x128xf32, #tpu.memory_space<vmem>>, vector<1x16xf32>,
    %swap3A_349 = vector.shape_cast %swap3A_348 : vector<1x16xf32> to vector<16xf32>
    %swap3A_350 = vector.shape_cast %broadcast_in_dim3A_344 : vector<16xf32> to vector<1x16xf32>
    tpu.vector_store %arg18[%swap3A_346, %swap3A_347], %swap3A_350 {strides = array<i32>} : memref<8x128xf32, #tpu.memory_space<vmem>>, vector<1x16xf32>,
    %broadcast_in_dim3A_351 = arith.constant 0.000000e+00 : f32
    %broadcast_in_dim3A_352 = vector.broadcast %broadcast_in_dim3A_351 : f32 to vector<16xf32>
    %swap3A_353 = arith.constant 5 : i32
    %swap3A_354 = arith.index_cast %swap3A_353 : i32 to index
    %swap3A_355 = arith.constant 64 : index
    %swap3A_356 = tpu.vector_load %arg18[%swap3A_354, %swap3A_355] {strides = array<i32>} : memref<8x128xf32, #tpu.memory_space<vmem>>, vector<1x16xf32>,
    %swap3A_357 = vector.shape_cast %swap3A_356 : vector<1x16xf32> to vector<16xf32>
    %swap3A_358 = vector.shape_cast %broadcast_in_dim3A_352 : vector<16xf32> to vector<1x16xf32>
    tpu.vector_store %arg18[%swap3A_354, %swap3A_355], %swap3A_358 {strides = array<i32>} : memref<8x128xf32, #tpu.memory_space<vmem>>, vector<1x16xf32>,
    %broadcast_in_dim3A_359 = arith.constant 0.000000e+00 : f32
    %broadcast_in_dim3A_360 = vector.broadcast %broadcast_in_dim3A_359 : f32 to vector<16xf32>
    %swap3A_361 = arith.constant 5 : i32
    %swap3A_362 = arith.index_cast %swap3A_361 : i32 to index
    %swap3A_363 = arith.constant 80 : index
    %swap3A_364 = tpu.vector_load %arg18[%swap3A_362, %swap3A_363] {strides = array<i32>} : memref<8x128xf32, #tpu.memory_space<vmem>>, vector<1x16xf32>,
    %swap3A_365 = vector.shape_cast %swap3A_364 : vector<1x16xf32> to vector<16xf32>
    %swap3A_366 = vector.shape_cast %broadcast_in_dim3A_360 : vector<16xf32> to vector<1x16xf32>
    tpu.vector_store %arg18[%swap3A_362, %swap3A_363], %swap3A_366 {strides = array<i32>} : memref<8x128xf32, #tpu.memory_space<vmem>>, vector<1x16xf32>,
    %broadcast_in_dim3A_367 = arith.constant 0.000000e+00 : f32
    %broadcast_in_dim3A_368 = vector.broadcast %broadcast_in_dim3A_367 : f32 to vector<16xf32>
    %swap3A_369 = arith.constant 5 : i32
    %swap3A_370 = arith.index_cast %swap3A_369 : i32 to index
    %swap3A_371 = arith.constant 96 : index
    %swap3A_372 = tpu.vector_load %arg18[%swap3A_370, %swap3A_371] {strides = array<i32>} : memref<8x128xf32, #tpu.memory_space<vmem>>, vector<1x16xf32>,
    %swap3A_373 = vector.shape_cast %swap3A_372 : vector<1x16xf32> to vector<16xf32>
    %swap3A_374 = vector.shape_cast %broadcast_in_dim3A_368 : vector<16xf32> to vector<1x16xf32>
    tpu.vector_store %arg18[%swap3A_370, %swap3A_371], %swap3A_374 {strides = array<i32>} : memref<8x128xf32, #tpu.memory_space<vmem>>, vector<1x16xf32>,
    %broadcast_in_dim3A_375 = arith.constant 0.000000e+00 : f32
    %broadcast_in_dim3A_376 = vector.broadcast %broadcast_in_dim3A_375 : f32 to vector<16xf32>
    %swap3A_377 = arith.constant 5 : i32
    %swap3A_378 = arith.index_cast %swap3A_377 : i32 to index
    %swap3A_379 = arith.constant 112 : index
    %swap3A_380 = tpu.vector_load %arg18[%swap3A_378, %swap3A_379] {strides = array<i32>} : memref<8x128xf32, #tpu.memory_space<vmem>>, vector<1x16xf32>,
    %swap3A_381 = vector.shape_cast %swap3A_380 : vector<1x16xf32> to vector<16xf32>
    %swap3A_382 = vector.shape_cast %broadcast_in_dim3A_376 : vector<16xf32> to vector<1x16xf32>
    tpu.vector_store %arg18[%swap3A_378, %swap3A_379], %swap3A_382 {strides = array<i32>} : memref<8x128xf32, #tpu.memory_space<vmem>>, vector<1x16xf32>,
    %broadcast_in_dim3A_383 = arith.constant 0.000000e+00 : f32
    %broadcast_in_dim3A_384 = vector.broadcast %broadcast_in_dim3A_383 : f32 to vector<16xf32>
    %swap3A_385 = arith.constant 6 : i32
    %swap3A_386 = arith.index_cast %swap3A_385 : i32 to index
    %swap3A_387 = arith.constant 0 : index
    %swap3A_388 = tpu.vector_load %arg18[%swap3A_386, %swap3A_387] {strides = array<i32>} : memref<8x128xf32, #tpu.memory_space<vmem>>, vector<1x16xf32>,
    %swap3A_389 = vector.shape_cast %swap3A_388 : vector<1x16xf32> to vector<16xf32>
    %swap3A_390 = vector.shape_cast %broadcast_in_dim3A_384 : vector<16xf32> to vector<1x16xf32>
    tpu.vector_store %arg18[%swap3A_386, %swap3A_387], %swap3A_390 {strides = array<i32>} : memref<8x128xf32, #tpu.memory_space<vmem>>, vector<1x16xf32>,
    %broadcast_in_dim3A_391 = arith.constant 0.000000e+00 : f32
    %broadcast_in_dim3A_392 = vector.broadcast %broadcast_in_dim3A_391 : f32 to vector<16xf32>
    %swap3A_393 = arith.constant 6 : i32
    %swap3A_394 = arith.index_cast %swap3A_393 : i32 to index
    %swap3A_395 = arith.constant 16 : index
    %swap3A_396 = tpu.vector_load %arg18[%swap3A_394, %swap3A_395] {strides = array<i32>} : memref<8x128xf32, #tpu.memory_space<vmem>>, vector<1x16xf32>,
    %swap3A_397 = vector.shape_cast %swap3A_396 : vector<1x16xf32> to vector<16xf32>
    %swap3A_398 = vector.shape_cast %broadcast_in_dim3A_392 : vector<16xf32> to vector<1x16xf32>
    tpu.vector_store %arg18[%swap3A_394, %swap3A_395], %swap3A_398 {strides = array<i32>} : memref<8x128xf32, #tpu.memory_space<vmem>>, vector<1x16xf32>,
    %broadcast_in_dim3A_399 = arith.constant 0.000000e+00 : f32
    %broadcast_in_dim3A_400 = vector.broadcast %broadcast_in_dim3A_399 : f32 to vector<16xf32>
    %swap3A_401 = arith.constant 6 : i32
    %swap3A_402 = arith.index_cast %swap3A_401 : i32 to index
    %swap3A_403 = arith.constant 32 : index
    %swap3A_404 = tpu.vector_load %arg18[%swap3A_402, %swap3A_403] {strides = array<i32>} : memref<8x128xf32, #tpu.memory_space<vmem>>, vector<1x16xf32>,
    %swap3A_405 = vector.shape_cast %swap3A_404 : vector<1x16xf32> to vector<16xf32>
    %swap3A_406 = vector.shape_cast %broadcast_in_dim3A_400 : vector<16xf32> to vector<1x16xf32>
    tpu.vector_store %arg18[%swap3A_402, %swap3A_403], %swap3A_406 {strides = array<i32>} : memref<8x128xf32, #tpu.memory_space<vmem>>, vector<1x16xf32>,
    %broadcast_in_dim3A_407 = arith.constant 0.000000e+00 : f32
    %broadcast_in_dim3A_408 = vector.broadcast %broadcast_in_dim3A_407 : f32 to vector<16xf32>
    %swap3A_409 = arith.constant 6 : i32
    %swap3A_410 = arith.index_cast %swap3A_409 : i32 to index
    %swap3A_411 = arith.constant 48 : index
    %swap3A_412 = tpu.vector_load %arg18[%swap3A_410, %swap3A_411] {strides = array<i32>} : memref<8x128xf32, #tpu.memory_space<vmem>>, vector<1x16xf32>,
    %swap3A_413 = vector.shape_cast %swap3A_412 : vector<1x16xf32> to vector<16xf32>
    %swap3A_414 = vector.shape_cast %broadcast_in_dim3A_408 : vector<16xf32> to vector<1x16xf32>
    tpu.vector_store %arg18[%swap3A_410, %swap3A_411], %swap3A_414 {strides = array<i32>} : memref<8x128xf32, #tpu.memory_space<vmem>>, vector<1x16xf32>,
    %broadcast_in_dim3A_415 = arith.constant 0.000000e+00 : f32
    %broadcast_in_dim3A_416 = vector.broadcast %broadcast_in_dim3A_415 : f32 to vector<16xf32>
    %swap3A_417 = arith.constant 6 : i32
    %swap3A_418 = arith.index_cast %swap3A_417 : i32 to index
    %swap3A_419 = arith.constant 64 : index
    %swap3A_420 = tpu.vector_load %arg18[%swap3A_418, %swap3A_419] {strides = array<i32>} : memref<8x128xf32, #tpu.memory_space<vmem>>, vector<1x16xf32>,
    %swap3A_421 = vector.shape_cast %swap3A_420 : vector<1x16xf32> to vector<16xf32>
    %swap3A_422 = vector.shape_cast %broadcast_in_dim3A_416 : vector<16xf32> to vector<1x16xf32>
    tpu.vector_store %arg18[%swap3A_418, %swap3A_419], %swap3A_422 {strides = array<i32>} : memref<8x128xf32, #tpu.memory_space<vmem>>, vector<1x16xf32>,
    %broadcast_in_dim3A_423 = arith.constant 0.000000e+00 : f32
    %broadcast_in_dim3A_424 = vector.broadcast %broadcast_in_dim3A_423 : f32 to vector<16xf32>
    %swap3A_425 = arith.constant 6 : i32
    %swap3A_426 = arith.index_cast %swap3A_425 : i32 to index
    %swap3A_427 = arith.constant 80 : index
    %swap3A_428 = tpu.vector_load %arg18[%swap3A_426, %swap3A_427] {strides = array<i32>} : memref<8x128xf32, #tpu.memory_space<vmem>>, vector<1x16xf32>,
    %swap3A_429 = vector.shape_cast %swap3A_428 : vector<1x16xf32> to vector<16xf32>
    %swap3A_430 = vector.shape_cast %broadcast_in_dim3A_424 : vector<16xf32> to vector<1x16xf32>
    tpu.vector_store %arg18[%swap3A_426, %swap3A_427], %swap3A_430 {strides = array<i32>} : memref<8x128xf32, #tpu.memory_space<vmem>>, vector<1x16xf32>,
    %broadcast_in_dim3A_431 = arith.constant 0.000000e+00 : f32
    %broadcast_in_dim3A_432 = vector.broadcast %broadcast_in_dim3A_431 : f32 to vector<16xf32>
    %swap3A_433 = arith.constant 6 : i32
    %swap3A_434 = arith.index_cast %swap3A_433 : i32 to index
    %swap3A_435 = arith.constant 96 : index
    %swap3A_436 = tpu.vector_load %arg18[%swap3A_434, %swap3A_435] {strides = array<i32>} : memref<8x128xf32, #tpu.memory_space<vmem>>, vector<1x16xf32>,
    %swap3A_437 = vector.shape_cast %swap3A_436 : vector<1x16xf32> to vector<16xf32>
    %swap3A_438 = vector.shape_cast %broadcast_in_dim3A_432 : vector<16xf32> to vector<1x16xf32>
    tpu.vector_store %arg18[%swap3A_434, %swap3A_435], %swap3A_438 {strides = array<i32>} : memref<8x128xf32, #tpu.memory_space<vmem>>, vector<1x16xf32>,
    %broadcast_in_dim3A_439 = arith.constant 0.000000e+00 : f32
    %broadcast_in_dim3A_440 = vector.broadcast %broadcast_in_dim3A_439 : f32 to vector<16xf32>
    %swap3A_441 = arith.constant 6 : i32
    %swap3A_442 = arith.index_cast %swap3A_441 : i32 to index
    %swap3A_443 = arith.constant 112 : index
    %swap3A_444 = tpu.vector_load %arg18[%swap3A_442, %swap3A_443] {strides = array<i32>} : memref<8x128xf32, #tpu.memory_space<vmem>>, vector<1x16xf32>,
    %swap3A_445 = vector.shape_cast %swap3A_444 : vector<1x16xf32> to vector<16xf32>
    %swap3A_446 = vector.shape_cast %broadcast_in_dim3A_440 : vector<16xf32> to vector<1x16xf32>
    tpu.vector_store %arg18[%swap3A_442, %swap3A_443], %swap3A_446 {strides = array<i32>} : memref<8x128xf32, #tpu.memory_space<vmem>>, vector<1x16xf32>,
    %broadcast_in_dim3A_447 = arith.constant 0.000000e+00 : f32
    %broadcast_in_dim3A_448 = vector.broadcast %broadcast_in_dim3A_447 : f32 to vector<16xf32>
    %swap3A_449 = arith.constant 7 : i32
    %swap3A_450 = arith.index_cast %swap3A_449 : i32 to index
    %swap3A_451 = arith.constant 0 : index
    %swap3A_452 = tpu.vector_load %arg18[%swap3A_450, %swap3A_451] {strides = array<i32>} : memref<8x128xf32, #tpu.memory_space<vmem>>, vector<1x16xf32>,
    %swap3A_453 = vector.shape_cast %swap3A_452 : vector<1x16xf32> to vector<16xf32>
    %swap3A_454 = vector.shape_cast %broadcast_in_dim3A_448 : vector<16xf32> to vector<1x16xf32>
    tpu.vector_store %arg18[%swap3A_450, %swap3A_451], %swap3A_454 {strides = array<i32>} : memref<8x128xf32, #tpu.memory_space<vmem>>, vector<1x16xf32>,
    %broadcast_in_dim3A_455 = arith.constant 0.000000e+00 : f32
    %broadcast_in_dim3A_456 = vector.broadcast %broadcast_in_dim3A_455 : f32 to vector<16xf32>
    %swap3A_457 = arith.constant 7 : i32
    %swap3A_458 = arith.index_cast %swap3A_457 : i32 to index
    %swap3A_459 = arith.constant 16 : index
    %swap3A_460 = tpu.vector_load %arg18[%swap3A_458, %swap3A_459] {strides = array<i32>} : memref<8x128xf32, #tpu.memory_space<vmem>>, vector<1x16xf32>,
    %swap3A_461 = vector.shape_cast %swap3A_460 : vector<1x16xf32> to vector<16xf32>
    %swap3A_462 = vector.shape_cast %broadcast_in_dim3A_456 : vector<16xf32> to vector<1x16xf32>
    tpu.vector_store %arg18[%swap3A_458, %swap3A_459], %swap3A_462 {strides = array<i32>} : memref<8x128xf32, #tpu.memory_space<vmem>>, vector<1x16xf32>,
    %broadcast_in_dim3A_463 = arith.constant 0.000000e+00 : f32
    %broadcast_in_dim3A_464 = vector.broadcast %broadcast_in_dim3A_463 : f32 to vector<16xf32>
    %swap3A_465 = arith.constant 7 : i32
    %swap3A_466 = arith.index_cast %swap3A_465 : i32 to index
    %swap3A_467 = arith.constant 32 : index
    %swap3A_468 = tpu.vector_load %arg18[%swap3A_466, %swap3A_467] {strides = array<i32>} : memref<8x128xf32, #tpu.memory_space<vmem>>, vector<1x16xf32>,
    %swap3A_469 = vector.shape_cast %swap3A_468 : vector<1x16xf32> to vector<16xf32>
    %swap3A_470 = vector.shape_cast %broadcast_in_dim3A_464 : vector<16xf32> to vector<1x16xf32>
    tpu.vector_store %arg18[%swap3A_466, %swap3A_467], %swap3A_470 {strides = array<i32>} : memref<8x128xf32, #tpu.memory_space<vmem>>, vector<1x16xf32>,
    %broadcast_in_dim3A_471 = arith.constant 0.000000e+00 : f32
    %broadcast_in_dim3A_472 = vector.broadcast %broadcast_in_dim3A_471 : f32 to vector<16xf32>
    %swap3A_473 = arith.constant 7 : i32
    %swap3A_474 = arith.index_cast %swap3A_473 : i32 to index
    %swap3A_475 = arith.constant 48 : index
    %swap3A_476 = tpu.vector_load %arg18[%swap3A_474, %swap3A_475] {strides = array<i32>} : memref<8x128xf32, #tpu.memory_space<vmem>>, vector<1x16xf32>,
    %swap3A_477 = vector.shape_cast %swap3A_476 : vector<1x16xf32> to vector<16xf32>
    %swap3A_478 = vector.shape_cast %broadcast_in_dim3A_472 : vector<16xf32> to vector<1x16xf32>
    tpu.vector_store %arg18[%swap3A_474, %swap3A_475], %swap3A_478 {strides = array<i32>} : memref<8x128xf32, #tpu.memory_space<vmem>>, vector<1x16xf32>,
    %broadcast_in_dim3A_479 = arith.constant 0.000000e+00 : f32
    %broadcast_in_dim3A_480 = vector.broadcast %broadcast_in_dim3A_479 : f32 to vector<16xf32>
    %swap3A_481 = arith.constant 7 : i32
    %swap3A_482 = arith.index_cast %swap3A_481 : i32 to index
    %swap3A_483 = arith.constant 64 : index
    %swap3A_484 = tpu.vector_load %arg18[%swap3A_482, %swap3A_483] {strides = array<i32>} : memref<8x128xf32, #tpu.memory_space<vmem>>, vector<1x16xf32>,
    %swap3A_485 = vector.shape_cast %swap3A_484 : vector<1x16xf32> to vector<16xf32>
    %swap3A_486 = vector.shape_cast %broadcast_in_dim3A_480 : vector<16xf32> to vector<1x16xf32>
    tpu.vector_store %arg18[%swap3A_482, %swap3A_483], %swap3A_486 {strides = array<i32>} : memref<8x128xf32, #tpu.memory_space<vmem>>, vector<1x16xf32>,
    %broadcast_in_dim3A_487 = arith.constant 0.000000e+00 : f32
    %broadcast_in_dim3A_488 = vector.broadcast %broadcast_in_dim3A_487 : f32 to vector<16xf32>
    %swap3A_489 = arith.constant 7 : i32
    %swap3A_490 = arith.index_cast %swap3A_489 : i32 to index
    %swap3A_491 = arith.constant 80 : index
    %swap3A_492 = tpu.vector_load %arg18[%swap3A_490, %swap3A_491] {strides = array<i32>} : memref<8x128xf32, #tpu.memory_space<vmem>>, vector<1x16xf32>,
    %swap3A_493 = vector.shape_cast %swap3A_492 : vector<1x16xf32> to vector<16xf32>
    %swap3A_494 = vector.shape_cast %broadcast_in_dim3A_488 : vector<16xf32> to vector<1x16xf32>
    tpu.vector_store %arg18[%swap3A_490, %swap3A_491], %swap3A_494 {strides = array<i32>} : memref<8x128xf32, #tpu.memory_space<vmem>>, vector<1x16xf32>,
    %broadcast_in_dim3A_495 = arith.constant 0.000000e+00 : f32
    %broadcast_in_dim3A_496 = vector.broadcast %broadcast_in_dim3A_495 : f32 to vector<16xf32>
    %swap3A_497 = arith.constant 7 : i32
    %swap3A_498 = arith.index_cast %swap3A_497 : i32 to index
    %swap3A_499 = arith.constant 96 : index
    %swap3A_500 = tpu.vector_load %arg18[%swap3A_498, %swap3A_499] {strides = array<i32>} : memref<8x128xf32, #tpu.memory_space<vmem>>, vector<1x16xf32>,
    %swap3A_501 = vector.shape_cast %swap3A_500 : vector<1x16xf32> to vector<16xf32>
    %swap3A_502 = vector.shape_cast %broadcast_in_dim3A_496 : vector<16xf32> to vector<1x16xf32>
    tpu.vector_store %arg18[%swap3A_498, %swap3A_499], %swap3A_502 {strides = array<i32>} : memref<8x128xf32, #tpu.memory_space<vmem>>, vector<1x16xf32>,
    %broadcast_in_dim3A_503 = arith.constant 0.000000e+00 : f32
    %broadcast_in_dim3A_504 = vector.broadcast %broadcast_in_dim3A_503 : f32 to vector<16xf32>
    %swap3A_505 = arith.constant 7 : i32
    %swap3A_506 = arith.index_cast %swap3A_505 : i32 to index
    %swap3A_507 = arith.constant 112 : index
    %swap3A_508 = tpu.vector_load %arg18[%swap3A_506, %swap3A_507] {strides = array<i32>} : memref<8x128xf32, #tpu.memory_space<vmem>>, vector<1x16xf32>,
    %swap3A_509 = vector.shape_cast %swap3A_508 : vector<1x16xf32> to vector<16xf32>
    %swap3A_510 = vector.shape_cast %broadcast_in_dim3A_504 : vector<16xf32> to vector<1x16xf32>
    tpu.vector_store %arg18[%swap3A_506, %swap3A_507], %swap3A_510 {strides = array<i32>} : memref<8x128xf32, #tpu.memory_space<vmem>>, vector<1x16xf32>,
    %broadcast_in_dim3A_511 = arith.constant 0.000000e+00 : f32
    %broadcast_in_dim3A_512 = vector.broadcast %broadcast_in_dim3A_511 : f32 to vector<16xf32>
    %swap3A_513 = arith.constant 0 : index
    %swap3A_514 = tpu.vector_load %arg19[%swap3A_513] {strides = array<i32>} : memref<288xf32, #tpu.memory_space<vmem>>, vector<16xf32>,
    %swap3A_515 = vector.shape_cast %swap3A_514 : vector<16xf32> to vector<16xf32>
    %swap3A_516 = vector.shape_cast %broadcast_in_dim3A_512 : vector<16xf32> to vector<16xf32>
    tpu.vector_store %arg19[%swap3A_513], %swap3A_516 {strides = array<i32>} : memref<288xf32, #tpu.memory_space<vmem>>, vector<16xf32>,
    %broadcast_in_dim3A_517 = arith.constant 0.000000e+00 : f32
    %broadcast_in_dim3A_518 = vector.broadcast %broadcast_in_dim3A_517 : f32 to vector<16xf32>
    %swap3A_519 = arith.constant 16 : index
    %swap3A_520 = tpu.vector_load %arg19[%swap3A_519] {strides = array<i32>} : memref<288xf32, #tpu.memory_space<vmem>>, vector<16xf32>,
    %swap3A_521 = vector.shape_cast %swap3A_520 : vector<16xf32> to vector<16xf32>
    %swap3A_522 = vector.shape_cast %broadcast_in_dim3A_518 : vector<16xf32> to vector<16xf32>
    tpu.vector_store %arg19[%swap3A_519], %swap3A_522 {strides = array<i32>} : memref<288xf32, #tpu.memory_space<vmem>>, vector<16xf32>,
    %broadcast_in_dim3A_523 = arith.constant 0.000000e+00 : f32
    %broadcast_in_dim3A_524 = vector.broadcast %broadcast_in_dim3A_523 : f32 to vector<16xf32>
    %swap3A_525 = arith.constant 32 : index
    %swap3A_526 = tpu.vector_load %arg19[%swap3A_525] {strides = array<i32>} : memref<288xf32, #tpu.memory_space<vmem>>, vector<16xf32>,
    %swap3A_527 = vector.shape_cast %swap3A_526 : vector<16xf32> to vector<16xf32>
    %swap3A_528 = vector.shape_cast %broadcast_in_dim3A_524 : vector<16xf32> to vector<16xf32>
    tpu.vector_store %arg19[%swap3A_525], %swap3A_528 {strides = array<i32>} : memref<288xf32, #tpu.memory_space<vmem>>, vector<16xf32>,
    %broadcast_in_dim3A_529 = arith.constant 0.000000e+00 : f32
    %broadcast_in_dim3A_530 = vector.broadcast %broadcast_in_dim3A_529 : f32 to vector<16xf32>
    %swap3A_531 = arith.constant 48 : index
    %swap3A_532 = tpu.vector_load %arg19[%swap3A_531] {strides = array<i32>} : memref<288xf32, #tpu.memory_space<vmem>>, vector<16xf32>,
    %swap3A_533 = vector.shape_cast %swap3A_532 : vector<16xf32> to vector<16xf32>
    %swap3A_534 = vector.shape_cast %broadcast_in_dim3A_530 : vector<16xf32> to vector<16xf32>
    tpu.vector_store %arg19[%swap3A_531], %swap3A_534 {strides = array<i32>} : memref<288xf32, #tpu.memory_space<vmem>>, vector<16xf32>,
    %broadcast_in_dim3A_535 = arith.constant 0.000000e+00 : f32
    %broadcast_in_dim3A_536 = vector.broadcast %broadcast_in_dim3A_535 : f32 to vector<16xf32>
    %swap3A_537 = arith.constant 64 : index
    %swap3A_538 = tpu.vector_load %arg19[%swap3A_537] {strides = array<i32>} : memref<288xf32, #tpu.memory_space<vmem>>, vector<16xf32>,
    %swap3A_539 = vector.shape_cast %swap3A_538 : vector<16xf32> to vector<16xf32>
    %swap3A_540 = vector.shape_cast %broadcast_in_dim3A_536 : vector<16xf32> to vector<16xf32>
    tpu.vector_store %arg19[%swap3A_537], %swap3A_540 {strides = array<i32>} : memref<288xf32, #tpu.memory_space<vmem>>, vector<16xf32>,
    %broadcast_in_dim3A_541 = arith.constant 0.000000e+00 : f32
    %broadcast_in_dim3A_542 = vector.broadcast %broadcast_in_dim3A_541 : f32 to vector<16xf32>
    %swap3A_543 = arith.constant 80 : index
    %swap3A_544 = tpu.vector_load %arg19[%swap3A_543] {strides = array<i32>} : memref<288xf32, #tpu.memory_space<vmem>>, vector<16xf32>,
    %swap3A_545 = vector.shape_cast %swap3A_544 : vector<16xf32> to vector<16xf32>
    %swap3A_546 = vector.shape_cast %broadcast_in_dim3A_542 : vector<16xf32> to vector<16xf32>
    tpu.vector_store %arg19[%swap3A_543], %swap3A_546 {strides = array<i32>} : memref<288xf32, #tpu.memory_space<vmem>>, vector<16xf32>,
    %broadcast_in_dim3A_547 = arith.constant 0.000000e+00 : f32
    %broadcast_in_dim3A_548 = vector.broadcast %broadcast_in_dim3A_547 : f32 to vector<16xf32>
    %swap3A_549 = arith.constant 96 : index
    %swap3A_550 = tpu.vector_load %arg19[%swap3A_549] {strides = array<i32>} : memref<288xf32, #tpu.memory_space<vmem>>, vector<16xf32>,
    %swap3A_551 = vector.shape_cast %swap3A_550 : vector<16xf32> to vector<16xf32>
    %swap3A_552 = vector.shape_cast %broadcast_in_dim3A_548 : vector<16xf32> to vector<16xf32>
    tpu.vector_store %arg19[%swap3A_549], %swap3A_552 {strides = array<i32>} : memref<288xf32, #tpu.memory_space<vmem>>, vector<16xf32>,
    %broadcast_in_dim3A_553 = arith.constant 0.000000e+00 : f32
    %broadcast_in_dim3A_554 = vector.broadcast %broadcast_in_dim3A_553 : f32 to vector<16xf32>
    %swap3A_555 = arith.constant 112 : index
    %swap3A_556 = tpu.vector_load %arg19[%swap3A_555] {strides = array<i32>} : memref<288xf32, #tpu.memory_space<vmem>>, vector<16xf32>,
    %swap3A_557 = vector.shape_cast %swap3A_556 : vector<16xf32> to vector<16xf32>
    %swap3A_558 = vector.shape_cast %broadcast_in_dim3A_554 : vector<16xf32> to vector<16xf32>
    tpu.vector_store %arg19[%swap3A_555], %swap3A_558 {strides = array<i32>} : memref<288xf32, #tpu.memory_space<vmem>>, vector<16xf32>,
    %broadcast_in_dim3A_559 = arith.constant 0.000000e+00 : f32
    %broadcast_in_dim3A_560 = vector.broadcast %broadcast_in_dim3A_559 : f32 to vector<16xf32>
    %swap3A_561 = arith.constant 128 : index
    %swap3A_562 = tpu.vector_load %arg19[%swap3A_561] {strides = array<i32>} : memref<288xf32, #tpu.memory_space<vmem>>, vector<16xf32>,
    %swap3A_563 = vector.shape_cast %swap3A_562 : vector<16xf32> to vector<16xf32>
    %swap3A_564 = vector.shape_cast %broadcast_in_dim3A_560 : vector<16xf32> to vector<16xf32>
    tpu.vector_store %arg19[%swap3A_561], %swap3A_564 {strides = array<i32>} : memref<288xf32, #tpu.memory_space<vmem>>, vector<16xf32>,
    %broadcast_in_dim3A_565 = arith.constant 0.000000e+00 : f32
    %broadcast_in_dim3A_566 = vector.broadcast %broadcast_in_dim3A_565 : f32 to vector<16xf32>
    %swap3A_567 = arith.constant 144 : index
    %swap3A_568 = tpu.vector_load %arg19[%swap3A_567] {strides = array<i32>} : memref<288xf32, #tpu.memory_space<vmem>>, vector<16xf32>,
    %swap3A_569 = vector.shape_cast %swap3A_568 : vector<16xf32> to vector<16xf32>
    %swap3A_570 = vector.shape_cast %broadcast_in_dim3A_566 : vector<16xf32> to vector<16xf32>
    tpu.vector_store %arg19[%swap3A_567], %swap3A_570 {strides = array<i32>} : memref<288xf32, #tpu.memory_space<vmem>>, vector<16xf32>,
    %broadcast_in_dim3A_571 = arith.constant 0.000000e+00 : f32
    %broadcast_in_dim3A_572 = vector.broadcast %broadcast_in_dim3A_571 : f32 to vector<16xf32>
    %swap3A_573 = arith.constant 160 : index
    %swap3A_574 = tpu.vector_load %arg19[%swap3A_573] {strides = array<i32>} : memref<288xf32, #tpu.memory_space<vmem>>, vector<16xf32>,
    %swap3A_575 = vector.shape_cast %swap3A_574 : vector<16xf32> to vector<16xf32>
    %swap3A_576 = vector.shape_cast %broadcast_in_dim3A_572 : vector<16xf32> to vector<16xf32>
    tpu.vector_store %arg19[%swap3A_573], %swap3A_576 {strides = array<i32>} : memref<288xf32, #tpu.memory_space<vmem>>, vector<16xf32>,
    %broadcast_in_dim3A_577 = arith.constant 0.000000e+00 : f32
    %broadcast_in_dim3A_578 = vector.broadcast %broadcast_in_dim3A_577 : f32 to vector<16xf32>
    %swap3A_579 = arith.constant 176 : index
    %swap3A_580 = tpu.vector_load %arg19[%swap3A_579] {strides = array<i32>} : memref<288xf32, #tpu.memory_space<vmem>>, vector<16xf32>,
    %swap3A_581 = vector.shape_cast %swap3A_580 : vector<16xf32> to vector<16xf32>
    %swap3A_582 = vector.shape_cast %broadcast_in_dim3A_578 : vector<16xf32> to vector<16xf32>
    tpu.vector_store %arg19[%swap3A_579], %swap3A_582 {strides = array<i32>} : memref<288xf32, #tpu.memory_space<vmem>>, vector<16xf32>,
    %broadcast_in_dim3A_583 = arith.constant 0.000000e+00 : f32
    %broadcast_in_dim3A_584 = vector.broadcast %broadcast_in_dim3A_583 : f32 to vector<16xf32>
    %swap3A_585 = arith.constant 192 : index
    %swap3A_586 = tpu.vector_load %arg19[%swap3A_585] {strides = array<i32>} : memref<288xf32, #tpu.memory_space<vmem>>, vector<16xf32>,
    %swap3A_587 = vector.shape_cast %swap3A_586 : vector<16xf32> to vector<16xf32>
    %swap3A_588 = vector.shape_cast %broadcast_in_dim3A_584 : vector<16xf32> to vector<16xf32>
    tpu.vector_store %arg19[%swap3A_585], %swap3A_588 {strides = array<i32>} : memref<288xf32, #tpu.memory_space<vmem>>, vector<16xf32>,
    %broadcast_in_dim3A_589 = arith.constant 0.000000e+00 : f32
    %broadcast_in_dim3A_590 = vector.broadcast %broadcast_in_dim3A_589 : f32 to vector<16xf32>
    %swap3A_591 = arith.constant 208 : index
    %swap3A_592 = tpu.vector_load %arg19[%swap3A_591] {strides = array<i32>} : memref<288xf32, #tpu.memory_space<vmem>>, vector<16xf32>,
    %swap3A_593 = vector.shape_cast %swap3A_592 : vector<16xf32> to vector<16xf32>
    %swap3A_594 = vector.shape_cast %broadcast_in_dim3A_590 : vector<16xf32> to vector<16xf32>
    tpu.vector_store %arg19[%swap3A_591], %swap3A_594 {strides = array<i32>} : memref<288xf32, #tpu.memory_space<vmem>>, vector<16xf32>,
    %broadcast_in_dim3A_595 = arith.constant 0.000000e+00 : f32
    %broadcast_in_dim3A_596 = vector.broadcast %broadcast_in_dim3A_595 : f32 to vector<16xf32>
    %swap3A_597 = arith.constant 224 : index
    %swap3A_598 = tpu.vector_load %arg19[%swap3A_597] {strides = array<i32>} : memref<288xf32, #tpu.memory_space<vmem>>, vector<16xf32>,
    %swap3A_599 = vector.shape_cast %swap3A_598 : vector<16xf32> to vector<16xf32>
    %swap3A_600 = vector.shape_cast %broadcast_in_dim3A_596 : vector<16xf32> to vector<16xf32>
    tpu.vector_store %arg19[%swap3A_597], %swap3A_600 {strides = array<i32>} : memref<288xf32, #tpu.memory_space<vmem>>, vector<16xf32>,
    %broadcast_in_dim3A_601 = arith.constant 0.000000e+00 : f32
    %broadcast_in_dim3A_602 = vector.broadcast %broadcast_in_dim3A_601 : f32 to vector<16xf32>
    %swap3A_603 = arith.constant 240 : index
    %swap3A_604 = tpu.vector_load %arg19[%swap3A_603] {strides = array<i32>} : memref<288xf32, #tpu.memory_space<vmem>>, vector<16xf32>,
    %swap3A_605 = vector.shape_cast %swap3A_604 : vector<16xf32> to vector<16xf32>
    %swap3A_606 = vector.shape_cast %broadcast_in_dim3A_602 : vector<16xf32> to vector<16xf32>
    tpu.vector_store %arg19[%swap3A_603], %swap3A_606 {strides = array<i32>} : memref<288xf32, #tpu.memory_space<vmem>>, vector<16xf32>,
    %broadcast_in_dim3A_607 = arith.constant 0.000000e+00 : f32
    %broadcast_in_dim3A_608 = vector.broadcast %broadcast_in_dim3A_607 : f32 to vector<16xf32>
    %swap3A_609 = arith.constant 256 : index
    %swap3A_610 = tpu.vector_load %arg19[%swap3A_609] {strides = array<i32>} : memref<288xf32, #tpu.memory_space<vmem>>, vector<16xf32>,
    %swap3A_611 = vector.shape_cast %swap3A_610 : vector<16xf32> to vector<16xf32>
    %swap3A_612 = vector.shape_cast %broadcast_in_dim3A_608 : vector<16xf32> to vector<16xf32>
    tpu.vector_store %arg19[%swap3A_609], %swap3A_612 {strides = array<i32>} : memref<288xf32, #tpu.memory_space<vmem>>, vector<16xf32>,
    %broadcast_in_dim3A_613 = arith.constant 0.000000e+00 : f32
    %broadcast_in_dim3A_614 = vector.broadcast %broadcast_in_dim3A_613 : f32 to vector<16xf32>
    %swap3A_615 = arith.constant 272 : index
    %swap3A_616 = tpu.vector_load %arg19[%swap3A_615] {strides = array<i32>} : memref<288xf32, #tpu.memory_space<vmem>>, vector<16xf32>,
    %swap3A_617 = vector.shape_cast %swap3A_616 : vector<16xf32> to vector<16xf32>
    %swap3A_618 = vector.shape_cast %broadcast_in_dim3A_614 : vector<16xf32> to vector<16xf32>
    tpu.vector_store %arg19[%swap3A_615], %swap3A_618 {strides = array<i32>} : memref<288xf32, #tpu.memory_space<vmem>>, vector<16xf32>,
    %mul3A_619 = arith.constant 288 : i32
    %mul3A_620 = arith.muli %arg1, %mul3A_619 : i32
    %add3A_621 = arith.constant 0 : i32
    %add3A_622 = arith.addi %mul3A_620, %add3A_621 : i32
    "tpu.region"() ({
      %run_scoped3A = tpu.sem_alloc : memref<!tpu.dma_semaphore, #tpu.memory_space<semaphore_mem>>
      %dma_start3A = arith.constant 0 : i32
      %dma_start3A_808 = tpu.memref_slice %arg21[%add3A_622, %dma_start3A] : memref<4608x128xf32, #tpu.memory_space<vmem_shared>> -> memref<8x128xf32, #tpu.memory_space<vmem_shared>>
      %dma_start3A_809 = arith.constant 0 : i32
      %dma_start3A_810 = tpu.memref_slice %arg21[%add3A_622, %dma_start3A_809] : memref<4608x128xf32, #tpu.memory_space<vmem_shared>> -> memref<8x128xf32, #tpu.memory_space<vmem_shared>>
      tpu.enqueue_dma source(%arg18 : memref<8x128xf32, #tpu.memory_space<vmem>>) target(%dma_start3A_810 : memref<8x128xf32, #tpu.memory_space<vmem_shared>>) target_semaphore(%run_scoped3A : memref<!tpu.dma_semaphore, #tpu.memory_space<semaphore_mem>>)
      %dma_wait3A = arith.constant 0 : i32
      %dma_wait3A_811 = tpu.memref_slice %arg21[%add3A_622, %dma_wait3A] : memref<4608x128xf32, #tpu.memory_space<vmem_shared>> -> memref<8x128xf32, #tpu.memory_space<vmem_shared>>
      %dma_wait3A_812 = arith.constant 0 : i32
      %dma_wait3A_813 = tpu.memref_slice %arg21[%add3A_622, %dma_wait3A_812] : memref<4608x128xf32, #tpu.memory_space<vmem_shared>> -> memref<8x128xf32, #tpu.memory_space<vmem_shared>>
      tpu.wait_dma2 semaphore(%run_scoped3A : memref<!tpu.dma_semaphore, #tpu.memory_space<semaphore_mem>>) src(%arg18 : memref<8x128xf32, #tpu.memory_space<vmem>>) dst(%dma_wait3A_813 : memref<8x128xf32, #tpu.memory_space<vmem_shared>>)
      tpu.yield
    }) : () -> ()
    %mul3A_623 = arith.constant 288 : i32
    %mul3A_624 = arith.muli %arg1, %mul3A_623 : i32
    %add3A_625 = arith.constant 8 : i32
    %add3A_626 = arith.addi %mul3A_624, %add3A_625 : i32
    "tpu.region"() ({
      %run_scoped3A = tpu.sem_alloc : memref<!tpu.dma_semaphore, #tpu.memory_space<semaphore_mem>>
      %dma_start3A = arith.constant 0 : i32
      %dma_start3A_808 = tpu.memref_slice %arg21[%add3A_626, %dma_start3A] : memref<4608x128xf32, #tpu.memory_space<vmem_shared>> -> memref<8x128xf32, #tpu.memory_space<vmem_shared>>
      %dma_start3A_809 = arith.constant 0 : i32
      %dma_start3A_810 = tpu.memref_slice %arg21[%add3A_626, %dma_start3A_809] : memref<4608x128xf32, #tpu.memory_space<vmem_shared>> -> memref<8x128xf32, #tpu.memory_space<vmem_shared>>
      tpu.enqueue_dma source(%arg18 : memref<8x128xf32, #tpu.memory_space<vmem>>) target(%dma_start3A_810 : memref<8x128xf32, #tpu.memory_space<vmem_shared>>) target_semaphore(%run_scoped3A : memref<!tpu.dma_semaphore, #tpu.memory_space<semaphore_mem>>)
      %dma_wait3A = arith.constant 0 : i32
      %dma_wait3A_811 = tpu.memref_slice %arg21[%add3A_626, %dma_wait3A] : memref<4608x128xf32, #tpu.memory_space<vmem_shared>> -> memref<8x128xf32, #tpu.memory_space<vmem_shared>>
      %dma_wait3A_812 = arith.constant 0 : i32
      %dma_wait3A_813 = tpu.memref_slice %arg21[%add3A_626, %dma_wait3A_812] : memref<4608x128xf32, #tpu.memory_space<vmem_shared>> -> memref<8x128xf32, #tpu.memory_space<vmem_shared>>
      tpu.wait_dma2 semaphore(%run_scoped3A : memref<!tpu.dma_semaphore, #tpu.memory_space<semaphore_mem>>) src(%arg18 : memref<8x128xf32, #tpu.memory_space<vmem>>) dst(%dma_wait3A_813 : memref<8x128xf32, #tpu.memory_space<vmem_shared>>)
      tpu.yield
    }) : () -> ()
    %mul3A_627 = arith.constant 288 : i32
    %mul3A_628 = arith.muli %arg1, %mul3A_627 : i32
    %add3A_629 = arith.constant 16 : i32
    %add3A_630 = arith.addi %mul3A_628, %add3A_629 : i32
    "tpu.region"() ({
      %run_scoped3A = tpu.sem_alloc : memref<!tpu.dma_semaphore, #tpu.memory_space<semaphore_mem>>
      %dma_start3A = arith.constant 0 : i32
      %dma_start3A_808 = tpu.memref_slice %arg21[%add3A_630, %dma_start3A] : memref<4608x128xf32, #tpu.memory_space<vmem_shared>> -> memref<8x128xf32, #tpu.memory_space<vmem_shared>>
      %dma_start3A_809 = arith.constant 0 : i32
      %dma_start3A_810 = tpu.memref_slice %arg21[%add3A_630, %dma_start3A_809] : memref<4608x128xf32, #tpu.memory_space<vmem_shared>> -> memref<8x128xf32, #tpu.memory_space<vmem_shared>>
      tpu.enqueue_dma source(%arg18 : memref<8x128xf32, #tpu.memory_space<vmem>>) target(%dma_start3A_810 : memref<8x128xf32, #tpu.memory_space<vmem_shared>>) target_semaphore(%run_scoped3A : memref<!tpu.dma_semaphore, #tpu.memory_space<semaphore_mem>>)
      %dma_wait3A = arith.constant 0 : i32
      %dma_wait3A_811 = tpu.memref_slice %arg21[%add3A_630, %dma_wait3A] : memref<4608x128xf32, #tpu.memory_space<vmem_shared>> -> memref<8x128xf32, #tpu.memory_space<vmem_shared>>
      %dma_wait3A_812 = arith.constant 0 : i32
      %dma_wait3A_813 = tpu.memref_slice %arg21[%add3A_630, %dma_wait3A_812] : memref<4608x128xf32, #tpu.memory_space<vmem_shared>> -> memref<8x128xf32, #tpu.memory_space<vmem_shared>>
      tpu.wait_dma2 semaphore(%run_scoped3A : memref<!tpu.dma_semaphore, #tpu.memory_space<semaphore_mem>>) src(%arg18 : memref<8x128xf32, #tpu.memory_space<vmem>>) dst(%dma_wait3A_813 : memref<8x128xf32, #tpu.memory_space<vmem_shared>>)
      tpu.yield
    }) : () -> ()
    %mul3A_631 = arith.constant 288 : i32
    %mul3A_632 = arith.muli %arg1, %mul3A_631 : i32
    %add3A_633 = arith.constant 24 : i32
    %add3A_634 = arith.addi %mul3A_632, %add3A_633 : i32
    "tpu.region"() ({
      %run_scoped3A = tpu.sem_alloc : memref<!tpu.dma_semaphore, #tpu.memory_space<semaphore_mem>>
      %dma_start3A = arith.constant 0 : i32
      %dma_start3A_808 = tpu.memref_slice %arg21[%add3A_634, %dma_start3A] : memref<4608x128xf32, #tpu.memory_space<vmem_shared>> -> memref<8x128xf32, #tpu.memory_space<vmem_shared>>
      %dma_start3A_809 = arith.constant 0 : i32
      %dma_start3A_810 = tpu.memref_slice %arg21[%add3A_634, %dma_start3A_809] : memref<4608x128xf32, #tpu.memory_space<vmem_shared>> -> memref<8x128xf32, #tpu.memory_space<vmem_shared>>
      tpu.enqueue_dma source(%arg18 : memref<8x128xf32, #tpu.memory_space<vmem>>) target(%dma_start3A_810 : memref<8x128xf32, #tpu.memory_space<vmem_shared>>) target_semaphore(%run_scoped3A : memref<!tpu.dma_semaphore, #tpu.memory_space<semaphore_mem>>)
      %dma_wait3A = arith.constant 0 : i32
      %dma_wait3A_811 = tpu.memref_slice %arg21[%add3A_634, %dma_wait3A] : memref<4608x128xf32, #tpu.memory_space<vmem_shared>> -> memref<8x128xf32, #tpu.memory_space<vmem_shared>>
      %dma_wait3A_812 = arith.constant 0 : i32
      %dma_wait3A_813 = tpu.memref_slice %arg21[%add3A_634, %dma_wait3A_812] : memref<4608x128xf32, #tpu.memory_space<vmem_shared>> -> memref<8x128xf32, #tpu.memory_space<vmem_shared>>
      tpu.wait_dma2 semaphore(%run_scoped3A : memref<!tpu.dma_semaphore, #tpu.memory_space<semaphore_mem>>) src(%arg18 : memref<8x128xf32, #tpu.memory_space<vmem>>) dst(%dma_wait3A_813 : memref<8x128xf32, #tpu.memory_space<vmem_shared>>)
      tpu.yield
    }) : () -> ()
    %mul3A_635 = arith.constant 288 : i32
    %mul3A_636 = arith.muli %arg1, %mul3A_635 : i32
    %add3A_637 = arith.constant 32 : i32
    %add3A_638 = arith.addi %mul3A_636, %add3A_637 : i32
    "tpu.region"() ({
      %run_scoped3A = tpu.sem_alloc : memref<!tpu.dma_semaphore, #tpu.memory_space<semaphore_mem>>
      %dma_start3A = arith.constant 0 : i32
      %dma_start3A_808 = tpu.memref_slice %arg21[%add3A_638, %dma_start3A] : memref<4608x128xf32, #tpu.memory_space<vmem_shared>> -> memref<8x128xf32, #tpu.memory_space<vmem_shared>>
      %dma_start3A_809 = arith.constant 0 : i32
      %dma_start3A_810 = tpu.memref_slice %arg21[%add3A_638, %dma_start3A_809] : memref<4608x128xf32, #tpu.memory_space<vmem_shared>> -> memref<8x128xf32, #tpu.memory_space<vmem_shared>>
      tpu.enqueue_dma source(%arg18 : memref<8x128xf32, #tpu.memory_space<vmem>>) target(%dma_start3A_810 : memref<8x128xf32, #tpu.memory_space<vmem_shared>>) target_semaphore(%run_scoped3A : memref<!tpu.dma_semaphore, #tpu.memory_space<semaphore_mem>>)
      %dma_wait3A = arith.constant 0 : i32
      %dma_wait3A_811 = tpu.memref_slice %arg21[%add3A_638, %dma_wait3A] : memref<4608x128xf32, #tpu.memory_space<vmem_shared>> -> memref<8x128xf32, #tpu.memory_space<vmem_shared>>
      %dma_wait3A_812 = arith.constant 0 : i32
      %dma_wait3A_813 = tpu.memref_slice %arg21[%add3A_638, %dma_wait3A_812] : memref<4608x128xf32, #tpu.memory_space<vmem_shared>> -> memref<8x128xf32, #tpu.memory_space<vmem_shared>>
      tpu.wait_dma2 semaphore(%run_scoped3A : memref<!tpu.dma_semaphore, #tpu.memory_space<semaphore_mem>>) src(%arg18 : memref<8x128xf32, #tpu.memory_space<vmem>>) dst(%dma_wait3A_813 : memref<8x128xf32, #tpu.memory_space<vmem_shared>>)
      tpu.yield
    }) : () -> ()
    %mul3A_639 = arith.constant 288 : i32
    %mul3A_640 = arith.muli %arg1, %mul3A_639 : i32
    %add3A_641 = arith.constant 40 : i32
    %add3A_642 = arith.addi %mul3A_640, %add3A_641 : i32
    "tpu.region"() ({
      %run_scoped3A = tpu.sem_alloc : memref<!tpu.dma_semaphore, #tpu.memory_space<semaphore_mem>>
      %dma_start3A = arith.constant 0 : i32
      %dma_start3A_808 = tpu.memref_slice %arg21[%add3A_642, %dma_start3A] : memref<4608x128xf32, #tpu.memory_space<vmem_shared>> -> memref<8x128xf32, #tpu.memory_space<vmem_shared>>
      %dma_start3A_809 = arith.constant 0 : i32
      %dma_start3A_810 = tpu.memref_slice %arg21[%add3A_642, %dma_start3A_809] : memref<4608x128xf32, #tpu.memory_space<vmem_shared>> -> memref<8x128xf32, #tpu.memory_space<vmem_shared>>
      tpu.enqueue_dma source(%arg18 : memref<8x128xf32, #tpu.memory_space<vmem>>) target(%dma_start3A_810 : memref<8x128xf32, #tpu.memory_space<vmem_shared>>) target_semaphore(%run_scoped3A : memref<!tpu.dma_semaphore, #tpu.memory_space<semaphore_mem>>)
      %dma_wait3A = arith.constant 0 : i32
      %dma_wait3A_811 = tpu.memref_slice %arg21[%add3A_642, %dma_wait3A] : memref<4608x128xf32, #tpu.memory_space<vmem_shared>> -> memref<8x128xf32, #tpu.memory_space<vmem_shared>>
      %dma_wait3A_812 = arith.constant 0 : i32
      %dma_wait3A_813 = tpu.memref_slice %arg21[%add3A_642, %dma_wait3A_812] : memref<4608x128xf32, #tpu.memory_space<vmem_shared>> -> memref<8x128xf32, #tpu.memory_space<vmem_shared>>
      tpu.wait_dma2 semaphore(%run_scoped3A : memref<!tpu.dma_semaphore, #tpu.memory_space<semaphore_mem>>) src(%arg18 : memref<8x128xf32, #tpu.memory_space<vmem>>) dst(%dma_wait3A_813 : memref<8x128xf32, #tpu.memory_space<vmem_shared>>)
      tpu.yield
    }) : () -> ()
    %mul3A_643 = arith.constant 288 : i32
    %mul3A_644 = arith.muli %arg1, %mul3A_643 : i32
    %add3A_645 = arith.constant 48 : i32
    %add3A_646 = arith.addi %mul3A_644, %add3A_645 : i32
    "tpu.region"() ({
      %run_scoped3A = tpu.sem_alloc : memref<!tpu.dma_semaphore, #tpu.memory_space<semaphore_mem>>
      %dma_start3A = arith.constant 0 : i32
      %dma_start3A_808 = tpu.memref_slice %arg21[%add3A_646, %dma_start3A] : memref<4608x128xf32, #tpu.memory_space<vmem_shared>> -> memref<8x128xf32, #tpu.memory_space<vmem_shared>>
      %dma_start3A_809 = arith.constant 0 : i32
      %dma_start3A_810 = tpu.memref_slice %arg21[%add3A_646, %dma_start3A_809] : memref<4608x128xf32, #tpu.memory_space<vmem_shared>> -> memref<8x128xf32, #tpu.memory_space<vmem_shared>>
      tpu.enqueue_dma source(%arg18 : memref<8x128xf32, #tpu.memory_space<vmem>>) target(%dma_start3A_810 : memref<8x128xf32, #tpu.memory_space<vmem_shared>>) target_semaphore(%run_scoped3A : memref<!tpu.dma_semaphore, #tpu.memory_space<semaphore_mem>>)
      %dma_wait3A = arith.constant 0 : i32
      %dma_wait3A_811 = tpu.memref_slice %arg21[%add3A_646, %dma_wait3A] : memref<4608x128xf32, #tpu.memory_space<vmem_shared>> -> memref<8x128xf32, #tpu.memory_space<vmem_shared>>
      %dma_wait3A_812 = arith.constant 0 : i32
      %dma_wait3A_813 = tpu.memref_slice %arg21[%add3A_646, %dma_wait3A_812] : memref<4608x128xf32, #tpu.memory_space<vmem_shared>> -> memref<8x128xf32, #tpu.memory_space<vmem_shared>>
      tpu.wait_dma2 semaphore(%run_scoped3A : memref<!tpu.dma_semaphore, #tpu.memory_space<semaphore_mem>>) src(%arg18 : memref<8x128xf32, #tpu.memory_space<vmem>>) dst(%dma_wait3A_813 : memref<8x128xf32, #tpu.memory_space<vmem_shared>>)
      tpu.yield
    }) : () -> ()
    %mul3A_647 = arith.constant 288 : i32
    %mul3A_648 = arith.muli %arg1, %mul3A_647 : i32
    %add3A_649 = arith.constant 56 : i32
    %add3A_650 = arith.addi %mul3A_648, %add3A_649 : i32
    "tpu.region"() ({
      %run_scoped3A = tpu.sem_alloc : memref<!tpu.dma_semaphore, #tpu.memory_space<semaphore_mem>>
      %dma_start3A = arith.constant 0 : i32
      %dma_start3A_808 = tpu.memref_slice %arg21[%add3A_650, %dma_start3A] : memref<4608x128xf32, #tpu.memory_space<vmem_shared>> -> memref<8x128xf32, #tpu.memory_space<vmem_shared>>
      %dma_start3A_809 = arith.constant 0 : i32
      %dma_start3A_810 = tpu.memref_slice %arg21[%add3A_650, %dma_start3A_809] : memref<4608x128xf32, #tpu.memory_space<vmem_shared>> -> memref<8x128xf32, #tpu.memory_space<vmem_shared>>
      tpu.enqueue_dma source(%arg18 : memref<8x128xf32, #tpu.memory_space<vmem>>) target(%dma_start3A_810 : memref<8x128xf32, #tpu.memory_space<vmem_shared>>) target_semaphore(%run_scoped3A : memref<!tpu.dma_semaphore, #tpu.memory_space<semaphore_mem>>)
      %dma_wait3A = arith.constant 0 : i32
      %dma_wait3A_811 = tpu.memref_slice %arg21[%add3A_650, %dma_wait3A] : memref<4608x128xf32, #tpu.memory_space<vmem_shared>> -> memref<8x128xf32, #tpu.memory_space<vmem_shared>>
      %dma_wait3A_812 = arith.constant 0 : i32
      %dma_wait3A_813 = tpu.memref_slice %arg21[%add3A_650, %dma_wait3A_812] : memref<4608x128xf32, #tpu.memory_space<vmem_shared>> -> memref<8x128xf32, #tpu.memory_space<vmem_shared>>
      tpu.wait_dma2 semaphore(%run_scoped3A : memref<!tpu.dma_semaphore, #tpu.memory_space<semaphore_mem>>) src(%arg18 : memref<8x128xf32, #tpu.memory_space<vmem>>) dst(%dma_wait3A_813 : memref<8x128xf32, #tpu.memory_space<vmem_shared>>)
      tpu.yield
    }) : () -> ()
    %mul3A_651 = arith.constant 288 : i32
    %mul3A_652 = arith.muli %arg1, %mul3A_651 : i32
    %add3A_653 = arith.constant 64 : i32
    %add3A_654 = arith.addi %mul3A_652, %add3A_653 : i32
    "tpu.region"() ({
      %run_scoped3A = tpu.sem_alloc : memref<!tpu.dma_semaphore, #tpu.memory_space<semaphore_mem>>
      %dma_start3A = arith.constant 0 : i32
      %dma_start3A_808 = tpu.memref_slice %arg21[%add3A_654, %dma_start3A] : memref<4608x128xf32, #tpu.memory_space<vmem_shared>> -> memref<8x128xf32, #tpu.memory_space<vmem_shared>>
      %dma_start3A_809 = arith.constant 0 : i32
      %dma_start3A_810 = tpu.memref_slice %arg21[%add3A_654, %dma_start3A_809] : memref<4608x128xf32, #tpu.memory_space<vmem_shared>> -> memref<8x128xf32, #tpu.memory_space<vmem_shared>>
      tpu.enqueue_dma source(%arg18 : memref<8x128xf32, #tpu.memory_space<vmem>>) target(%dma_start3A_810 : memref<8x128xf32, #tpu.memory_space<vmem_shared>>) target_semaphore(%run_scoped3A : memref<!tpu.dma_semaphore, #tpu.memory_space<semaphore_mem>>)
      %dma_wait3A = arith.constant 0 : i32
      %dma_wait3A_811 = tpu.memref_slice %arg21[%add3A_654, %dma_wait3A] : memref<4608x128xf32, #tpu.memory_space<vmem_shared>> -> memref<8x128xf32, #tpu.memory_space<vmem_shared>>
      %dma_wait3A_812 = arith.constant 0 : i32
      %dma_wait3A_813 = tpu.memref_slice %arg21[%add3A_654, %dma_wait3A_812] : memref<4608x128xf32, #tpu.memory_space<vmem_shared>> -> memref<8x128xf32, #tpu.memory_space<vmem_shared>>
      tpu.wait_dma2 semaphore(%run_scoped3A : memref<!tpu.dma_semaphore, #tpu.memory_space<semaphore_mem>>) src(%arg18 : memref<8x128xf32, #tpu.memory_space<vmem>>) dst(%dma_wait3A_813 : memref<8x128xf32, #tpu.memory_space<vmem_shared>>)
      tpu.yield
    }) : () -> ()
    %mul3A_655 = arith.constant 288 : i32
    %mul3A_656 = arith.muli %arg1, %mul3A_655 : i32
    %add3A_657 = arith.constant 72 : i32
    %add3A_658 = arith.addi %mul3A_656, %add3A_657 : i32
    "tpu.region"() ({
      %run_scoped3A = tpu.sem_alloc : memref<!tpu.dma_semaphore, #tpu.memory_space<semaphore_mem>>
      %dma_start3A = arith.constant 0 : i32
      %dma_start3A_808 = tpu.memref_slice %arg21[%add3A_658, %dma_start3A] : memref<4608x128xf32, #tpu.memory_space<vmem_shared>> -> memref<8x128xf32, #tpu.memory_space<vmem_shared>>
      %dma_start3A_809 = arith.constant 0 : i32
      %dma_start3A_810 = tpu.memref_slice %arg21[%add3A_658, %dma_start3A_809] : memref<4608x128xf32, #tpu.memory_space<vmem_shared>> -> memref<8x128xf32, #tpu.memory_space<vmem_shared>>
      tpu.enqueue_dma source(%arg18 : memref<8x128xf32, #tpu.memory_space<vmem>>) target(%dma_start3A_810 : memref<8x128xf32, #tpu.memory_space<vmem_shared>>) target_semaphore(%run_scoped3A : memref<!tpu.dma_semaphore, #tpu.memory_space<semaphore_mem>>)
      %dma_wait3A = arith.constant 0 : i32
      %dma_wait3A_811 = tpu.memref_slice %arg21[%add3A_658, %dma_wait3A] : memref<4608x128xf32, #tpu.memory_space<vmem_shared>> -> memref<8x128xf32, #tpu.memory_space<vmem_shared>>
      %dma_wait3A_812 = arith.constant 0 : i32
      %dma_wait3A_813 = tpu.memref_slice %arg21[%add3A_658, %dma_wait3A_812] : memref<4608x128xf32, #tpu.memory_space<vmem_shared>> -> memref<8x128xf32, #tpu.memory_space<vmem_shared>>
      tpu.wait_dma2 semaphore(%run_scoped3A : memref<!tpu.dma_semaphore, #tpu.memory_space<semaphore_mem>>) src(%arg18 : memref<8x128xf32, #tpu.memory_space<vmem>>) dst(%dma_wait3A_813 : memref<8x128xf32, #tpu.memory_space<vmem_shared>>)
      tpu.yield
    }) : () -> ()
    %mul3A_659 = arith.constant 288 : i32
    %mul3A_660 = arith.muli %arg1, %mul3A_659 : i32
    %add3A_661 = arith.constant 80 : i32
    %add3A_662 = arith.addi %mul3A_660, %add3A_661 : i32
    "tpu.region"() ({
      %run_scoped3A = tpu.sem_alloc : memref<!tpu.dma_semaphore, #tpu.memory_space<semaphore_mem>>
      %dma_start3A = arith.constant 0 : i32
      %dma_start3A_808 = tpu.memref_slice %arg21[%add3A_662, %dma_start3A] : memref<4608x128xf32, #tpu.memory_space<vmem_shared>> -> memref<8x128xf32, #tpu.memory_space<vmem_shared>>
      %dma_start3A_809 = arith.constant 0 : i32
      %dma_start3A_810 = tpu.memref_slice %arg21[%add3A_662, %dma_start3A_809] : memref<4608x128xf32, #tpu.memory_space<vmem_shared>> -> memref<8x128xf32, #tpu.memory_space<vmem_shared>>
      tpu.enqueue_dma source(%arg18 : memref<8x128xf32, #tpu.memory_space<vmem>>) target(%dma_start3A_810 : memref<8x128xf32, #tpu.memory_space<vmem_shared>>) target_semaphore(%run_scoped3A : memref<!tpu.dma_semaphore, #tpu.memory_space<semaphore_mem>>)
      %dma_wait3A = arith.constant 0 : i32
      %dma_wait3A_811 = tpu.memref_slice %arg21[%add3A_662, %dma_wait3A] : memref<4608x128xf32, #tpu.memory_space<vmem_shared>> -> memref<8x128xf32, #tpu.memory_space<vmem_shared>>
      %dma_wait3A_812 = arith.constant 0 : i32
      %dma_wait3A_813 = tpu.memref_slice %arg21[%add3A_662, %dma_wait3A_812] : memref<4608x128xf32, #tpu.memory_space<vmem_shared>> -> memref<8x128xf32, #tpu.memory_space<vmem_shared>>
      tpu.wait_dma2 semaphore(%run_scoped3A : memref<!tpu.dma_semaphore, #tpu.memory_space<semaphore_mem>>) src(%arg18 : memref<8x128xf32, #tpu.memory_space<vmem>>) dst(%dma_wait3A_813 : memref<8x128xf32, #tpu.memory_space<vmem_shared>>)
      tpu.yield
    }) : () -> ()
    %mul3A_663 = arith.constant 288 : i32
    %mul3A_664 = arith.muli %arg1, %mul3A_663 : i32
    %add3A_665 = arith.constant 88 : i32
    %add3A_666 = arith.addi %mul3A_664, %add3A_665 : i32
    "tpu.region"() ({
      %run_scoped3A = tpu.sem_alloc : memref<!tpu.dma_semaphore, #tpu.memory_space<semaphore_mem>>
      %dma_start3A = arith.constant 0 : i32
      %dma_start3A_808 = tpu.memref_slice %arg21[%add3A_666, %dma_start3A] : memref<4608x128xf32, #tpu.memory_space<vmem_shared>> -> memref<8x128xf32, #tpu.memory_space<vmem_shared>>
      %dma_start3A_809 = arith.constant 0 : i32
      %dma_start3A_810 = tpu.memref_slice %arg21[%add3A_666, %dma_start3A_809] : memref<4608x128xf32, #tpu.memory_space<vmem_shared>> -> memref<8x128xf32, #tpu.memory_space<vmem_shared>>
      tpu.enqueue_dma source(%arg18 : memref<8x128xf32, #tpu.memory_space<vmem>>) target(%dma_start3A_810 : memref<8x128xf32, #tpu.memory_space<vmem_shared>>) target_semaphore(%run_scoped3A : memref<!tpu.dma_semaphore, #tpu.memory_space<semaphore_mem>>)
      %dma_wait3A = arith.constant 0 : i32
      %dma_wait3A_811 = tpu.memref_slice %arg21[%add3A_666, %dma_wait3A] : memref<4608x128xf32, #tpu.memory_space<vmem_shared>> -> memref<8x128xf32, #tpu.memory_space<vmem_shared>>
      %dma_wait3A_812 = arith.constant 0 : i32
      %dma_wait3A_813 = tpu.memref_slice %arg21[%add3A_666, %dma_wait3A_812] : memref<4608x128xf32, #tpu.memory_space<vmem_shared>> -> memref<8x128xf32, #tpu.memory_space<vmem_shared>>
      tpu.wait_dma2 semaphore(%run_scoped3A : memref<!tpu.dma_semaphore, #tpu.memory_space<semaphore_mem>>) src(%arg18 : memref<8x128xf32, #tpu.memory_space<vmem>>) dst(%dma_wait3A_813 : memref<8x128xf32, #tpu.memory_space<vmem_shared>>)
      tpu.yield
    }) : () -> ()
    %mul3A_667 = arith.constant 288 : i32
    %mul3A_668 = arith.muli %arg1, %mul3A_667 : i32
    %add3A_669 = arith.constant 96 : i32
    %add3A_670 = arith.addi %mul3A_668, %add3A_669 : i32
    "tpu.region"() ({
      %run_scoped3A = tpu.sem_alloc : memref<!tpu.dma_semaphore, #tpu.memory_space<semaphore_mem>>
      %dma_start3A = arith.constant 0 : i32
      %dma_start3A_808 = tpu.memref_slice %arg21[%add3A_670, %dma_start3A] : memref<4608x128xf32, #tpu.memory_space<vmem_shared>> -> memref<8x128xf32, #tpu.memory_space<vmem_shared>>
      %dma_start3A_809 = arith.constant 0 : i32
      %dma_start3A_810 = tpu.memref_slice %arg21[%add3A_670, %dma_start3A_809] : memref<4608x128xf32, #tpu.memory_space<vmem_shared>> -> memref<8x128xf32, #tpu.memory_space<vmem_shared>>
      tpu.enqueue_dma source(%arg18 : memref<8x128xf32, #tpu.memory_space<vmem>>) target(%dma_start3A_810 : memref<8x128xf32, #tpu.memory_space<vmem_shared>>) target_semaphore(%run_scoped3A : memref<!tpu.dma_semaphore, #tpu.memory_space<semaphore_mem>>)
      %dma_wait3A = arith.constant 0 : i32
      %dma_wait3A_811 = tpu.memref_slice %arg21[%add3A_670, %dma_wait3A] : memref<4608x128xf32, #tpu.memory_space<vmem_shared>> -> memref<8x128xf32, #tpu.memory_space<vmem_shared>>
      %dma_wait3A_812 = arith.constant 0 : i32
      %dma_wait3A_813 = tpu.memref_slice %arg21[%add3A_670, %dma_wait3A_812] : memref<4608x128xf32, #tpu.memory_space<vmem_shared>> -> memref<8x128xf32, #tpu.memory_space<vmem_shared>>
      tpu.wait_dma2 semaphore(%run_scoped3A : memref<!tpu.dma_semaphore, #tpu.memory_space<semaphore_mem>>) src(%arg18 : memref<8x128xf32, #tpu.memory_space<vmem>>) dst(%dma_wait3A_813 : memref<8x128xf32, #tpu.memory_space<vmem_shared>>)
      tpu.yield
    }) : () -> ()
    %mul3A_671 = arith.constant 288 : i32
    %mul3A_672 = arith.muli %arg1, %mul3A_671 : i32
    %add3A_673 = arith.constant 104 : i32
    %add3A_674 = arith.addi %mul3A_672, %add3A_673 : i32
    "tpu.region"() ({
      %run_scoped3A = tpu.sem_alloc : memref<!tpu.dma_semaphore, #tpu.memory_space<semaphore_mem>>
      %dma_start3A = arith.constant 0 : i32
      %dma_start3A_808 = tpu.memref_slice %arg21[%add3A_674, %dma_start3A] : memref<4608x128xf32, #tpu.memory_space<vmem_shared>> -> memref<8x128xf32, #tpu.memory_space<vmem_shared>>
      %dma_start3A_809 = arith.constant 0 : i32
      %dma_start3A_810 = tpu.memref_slice %arg21[%add3A_674, %dma_start3A_809] : memref<4608x128xf32, #tpu.memory_space<vmem_shared>> -> memref<8x128xf32, #tpu.memory_space<vmem_shared>>
      tpu.enqueue_dma source(%arg18 : memref<8x128xf32, #tpu.memory_space<vmem>>) target(%dma_start3A_810 : memref<8x128xf32, #tpu.memory_space<vmem_shared>>) target_semaphore(%run_scoped3A : memref<!tpu.dma_semaphore, #tpu.memory_space<semaphore_mem>>)
      %dma_wait3A = arith.constant 0 : i32
      %dma_wait3A_811 = tpu.memref_slice %arg21[%add3A_674, %dma_wait3A] : memref<4608x128xf32, #tpu.memory_space<vmem_shared>> -> memref<8x128xf32, #tpu.memory_space<vmem_shared>>
      %dma_wait3A_812 = arith.constant 0 : i32
      %dma_wait3A_813 = tpu.memref_slice %arg21[%add3A_674, %dma_wait3A_812] : memref<4608x128xf32, #tpu.memory_space<vmem_shared>> -> memref<8x128xf32, #tpu.memory_space<vmem_shared>>
      tpu.wait_dma2 semaphore(%run_scoped3A : memref<!tpu.dma_semaphore, #tpu.memory_space<semaphore_mem>>) src(%arg18 : memref<8x128xf32, #tpu.memory_space<vmem>>) dst(%dma_wait3A_813 : memref<8x128xf32, #tpu.memory_space<vmem_shared>>)
      tpu.yield
    }) : () -> ()
    %mul3A_675 = arith.constant 288 : i32
    %mul3A_676 = arith.muli %arg1, %mul3A_675 : i32
    %add3A_677 = arith.constant 112 : i32
    %add3A_678 = arith.addi %mul3A_676, %add3A_677 : i32
    "tpu.region"() ({
      %run_scoped3A = tpu.sem_alloc : memref<!tpu.dma_semaphore, #tpu.memory_space<semaphore_mem>>
      %dma_start3A = arith.constant 0 : i32
      %dma_start3A_808 = tpu.memref_slice %arg21[%add3A_678, %dma_start3A] : memref<4608x128xf32, #tpu.memory_space<vmem_shared>> -> memref<8x128xf32, #tpu.memory_space<vmem_shared>>
      %dma_start3A_809 = arith.constant 0 : i32
      %dma_start3A_810 = tpu.memref_slice %arg21[%add3A_678, %dma_start3A_809] : memref<4608x128xf32, #tpu.memory_space<vmem_shared>> -> memref<8x128xf32, #tpu.memory_space<vmem_shared>>
      tpu.enqueue_dma source(%arg18 : memref<8x128xf32, #tpu.memory_space<vmem>>) target(%dma_start3A_810 : memref<8x128xf32, #tpu.memory_space<vmem_shared>>) target_semaphore(%run_scoped3A : memref<!tpu.dma_semaphore, #tpu.memory_space<semaphore_mem>>)
      %dma_wait3A = arith.constant 0 : i32
      %dma_wait3A_811 = tpu.memref_slice %arg21[%add3A_678, %dma_wait3A] : memref<4608x128xf32, #tpu.memory_space<vmem_shared>> -> memref<8x128xf32, #tpu.memory_space<vmem_shared>>
      %dma_wait3A_812 = arith.constant 0 : i32
      %dma_wait3A_813 = tpu.memref_slice %arg21[%add3A_678, %dma_wait3A_812] : memref<4608x128xf32, #tpu.memory_space<vmem_shared>> -> memref<8x128xf32, #tpu.memory_space<vmem_shared>>
      tpu.wait_dma2 semaphore(%run_scoped3A : memref<!tpu.dma_semaphore, #tpu.memory_space<semaphore_mem>>) src(%arg18 : memref<8x128xf32, #tpu.memory_space<vmem>>) dst(%dma_wait3A_813 : memref<8x128xf32, #tpu.memory_space<vmem_shared>>)
      tpu.yield
    }) : () -> ()
    %mul3A_679 = arith.constant 288 : i32
    %mul3A_680 = arith.muli %arg1, %mul3A_679 : i32
    %add3A_681 = arith.constant 120 : i32
    %add3A_682 = arith.addi %mul3A_680, %add3A_681 : i32
    "tpu.region"() ({
      %run_scoped3A = tpu.sem_alloc : memref<!tpu.dma_semaphore, #tpu.memory_space<semaphore_mem>>
      %dma_start3A = arith.constant 0 : i32
      %dma_start3A_808 = tpu.memref_slice %arg21[%add3A_682, %dma_start3A] : memref<4608x128xf32, #tpu.memory_space<vmem_shared>> -> memref<8x128xf32, #tpu.memory_space<vmem_shared>>
      %dma_start3A_809 = arith.constant 0 : i32
      %dma_start3A_810 = tpu.memref_slice %arg21[%add3A_682, %dma_start3A_809] : memref<4608x128xf32, #tpu.memory_space<vmem_shared>> -> memref<8x128xf32, #tpu.memory_space<vmem_shared>>
      tpu.enqueue_dma source(%arg18 : memref<8x128xf32, #tpu.memory_space<vmem>>) target(%dma_start3A_810 : memref<8x128xf32, #tpu.memory_space<vmem_shared>>) target_semaphore(%run_scoped3A : memref<!tpu.dma_semaphore, #tpu.memory_space<semaphore_mem>>)
      %dma_wait3A = arith.constant 0 : i32
      %dma_wait3A_811 = tpu.memref_slice %arg21[%add3A_682, %dma_wait3A] : memref<4608x128xf32, #tpu.memory_space<vmem_shared>> -> memref<8x128xf32, #tpu.memory_space<vmem_shared>>
      %dma_wait3A_812 = arith.constant 0 : i32
      %dma_wait3A_813 = tpu.memref_slice %arg21[%add3A_682, %dma_wait3A_812] : memref<4608x128xf32, #tpu.memory_space<vmem_shared>> -> memref<8x128xf32, #tpu.memory_space<vmem_shared>>
      tpu.wait_dma2 semaphore(%run_scoped3A : memref<!tpu.dma_semaphore, #tpu.memory_space<semaphore_mem>>) src(%arg18 : memref<8x128xf32, #tpu.memory_space<vmem>>) dst(%dma_wait3A_813 : memref<8x128xf32, #tpu.memory_space<vmem_shared>>)
      tpu.yield
    }) : () -> ()
    %mul3A_683 = arith.constant 288 : i32
    %mul3A_684 = arith.muli %arg1, %mul3A_683 : i32
    %add3A_685 = arith.constant 128 : i32
    %add3A_686 = arith.addi %mul3A_684, %add3A_685 : i32
    "tpu.region"() ({
      %run_scoped3A = tpu.sem_alloc : memref<!tpu.dma_semaphore, #tpu.memory_space<semaphore_mem>>
      %dma_start3A = arith.constant 0 : i32
      %dma_start3A_808 = tpu.memref_slice %arg21[%add3A_686, %dma_start3A] : memref<4608x128xf32, #tpu.memory_space<vmem_shared>> -> memref<8x128xf32, #tpu.memory_space<vmem_shared>>
      %dma_start3A_809 = arith.constant 0 : i32
      %dma_start3A_810 = tpu.memref_slice %arg21[%add3A_686, %dma_start3A_809] : memref<4608x128xf32, #tpu.memory_space<vmem_shared>> -> memref<8x128xf32, #tpu.memory_space<vmem_shared>>
      tpu.enqueue_dma source(%arg18 : memref<8x128xf32, #tpu.memory_space<vmem>>) target(%dma_start3A_810 : memref<8x128xf32, #tpu.memory_space<vmem_shared>>) target_semaphore(%run_scoped3A : memref<!tpu.dma_semaphore, #tpu.memory_space<semaphore_mem>>)
      %dma_wait3A = arith.constant 0 : i32
      %dma_wait3A_811 = tpu.memref_slice %arg21[%add3A_686, %dma_wait3A] : memref<4608x128xf32, #tpu.memory_space<vmem_shared>> -> memref<8x128xf32, #tpu.memory_space<vmem_shared>>
      %dma_wait3A_812 = arith.constant 0 : i32
      %dma_wait3A_813 = tpu.memref_slice %arg21[%add3A_686, %dma_wait3A_812] : memref<4608x128xf32, #tpu.memory_space<vmem_shared>> -> memref<8x128xf32, #tpu.memory_space<vmem_shared>>
      tpu.wait_dma2 semaphore(%run_scoped3A : memref<!tpu.dma_semaphore, #tpu.memory_space<semaphore_mem>>) src(%arg18 : memref<8x128xf32, #tpu.memory_space<vmem>>) dst(%dma_wait3A_813 : memref<8x128xf32, #tpu.memory_space<vmem_shared>>)
      tpu.yield
    }) : () -> ()
    %mul3A_687 = arith.constant 288 : i32
    %mul3A_688 = arith.muli %arg1, %mul3A_687 : i32
    %add3A_689 = arith.constant 136 : i32
    %add3A_690 = arith.addi %mul3A_688, %add3A_689 : i32
    "tpu.region"() ({
      %run_scoped3A = tpu.sem_alloc : memref<!tpu.dma_semaphore, #tpu.memory_space<semaphore_mem>>
      %dma_start3A = arith.constant 0 : i32
      %dma_start3A_808 = tpu.memref_slice %arg21[%add3A_690, %dma_start3A] : memref<4608x128xf32, #tpu.memory_space<vmem_shared>> -> memref<8x128xf32, #tpu.memory_space<vmem_shared>>
      %dma_start3A_809 = arith.constant 0 : i32
      %dma_start3A_810 = tpu.memref_slice %arg21[%add3A_690, %dma_start3A_809] : memref<4608x128xf32, #tpu.memory_space<vmem_shared>> -> memref<8x128xf32, #tpu.memory_space<vmem_shared>>
      tpu.enqueue_dma source(%arg18 : memref<8x128xf32, #tpu.memory_space<vmem>>) target(%dma_start3A_810 : memref<8x128xf32, #tpu.memory_space<vmem_shared>>) target_semaphore(%run_scoped3A : memref<!tpu.dma_semaphore, #tpu.memory_space<semaphore_mem>>)
      %dma_wait3A = arith.constant 0 : i32
      %dma_wait3A_811 = tpu.memref_slice %arg21[%add3A_690, %dma_wait3A] : memref<4608x128xf32, #tpu.memory_space<vmem_shared>> -> memref<8x128xf32, #tpu.memory_space<vmem_shared>>
      %dma_wait3A_812 = arith.constant 0 : i32
      %dma_wait3A_813 = tpu.memref_slice %arg21[%add3A_690, %dma_wait3A_812] : memref<4608x128xf32, #tpu.memory_space<vmem_shared>> -> memref<8x128xf32, #tpu.memory_space<vmem_shared>>
      tpu.wait_dma2 semaphore(%run_scoped3A : memref<!tpu.dma_semaphore, #tpu.memory_space<semaphore_mem>>) src(%arg18 : memref<8x128xf32, #tpu.memory_space<vmem>>) dst(%dma_wait3A_813 : memref<8x128xf32, #tpu.memory_space<vmem_shared>>)
      tpu.yield
    }) : () -> ()
    %mul3A_691 = arith.constant 288 : i32
    %mul3A_692 = arith.muli %arg1, %mul3A_691 : i32
    %add3A_693 = arith.constant 144 : i32
    %add3A_694 = arith.addi %mul3A_692, %add3A_693 : i32
    "tpu.region"() ({
      %run_scoped3A = tpu.sem_alloc : memref<!tpu.dma_semaphore, #tpu.memory_space<semaphore_mem>>
      %dma_start3A = arith.constant 0 : i32
      %dma_start3A_808 = tpu.memref_slice %arg21[%add3A_694, %dma_start3A] : memref<4608x128xf32, #tpu.memory_space<vmem_shared>> -> memref<8x128xf32, #tpu.memory_space<vmem_shared>>
      %dma_start3A_809 = arith.constant 0 : i32
      %dma_start3A_810 = tpu.memref_slice %arg21[%add3A_694, %dma_start3A_809] : memref<4608x128xf32, #tpu.memory_space<vmem_shared>> -> memref<8x128xf32, #tpu.memory_space<vmem_shared>>
      tpu.enqueue_dma source(%arg18 : memref<8x128xf32, #tpu.memory_space<vmem>>) target(%dma_start3A_810 : memref<8x128xf32, #tpu.memory_space<vmem_shared>>) target_semaphore(%run_scoped3A : memref<!tpu.dma_semaphore, #tpu.memory_space<semaphore_mem>>)
      %dma_wait3A = arith.constant 0 : i32
      %dma_wait3A_811 = tpu.memref_slice %arg21[%add3A_694, %dma_wait3A] : memref<4608x128xf32, #tpu.memory_space<vmem_shared>> -> memref<8x128xf32, #tpu.memory_space<vmem_shared>>
      %dma_wait3A_812 = arith.constant 0 : i32
      %dma_wait3A_813 = tpu.memref_slice %arg21[%add3A_694, %dma_wait3A_812] : memref<4608x128xf32, #tpu.memory_space<vmem_shared>> -> memref<8x128xf32, #tpu.memory_space<vmem_shared>>
      tpu.wait_dma2 semaphore(%run_scoped3A : memref<!tpu.dma_semaphore, #tpu.memory_space<semaphore_mem>>) src(%arg18 : memref<8x128xf32, #tpu.memory_space<vmem>>) dst(%dma_wait3A_813 : memref<8x128xf32, #tpu.memory_space<vmem_shared>>)
      tpu.yield
    }) : () -> ()
    %mul3A_695 = arith.constant 288 : i32
    %mul3A_696 = arith.muli %arg1, %mul3A_695 : i32
    %add3A_697 = arith.constant 152 : i32
    %add3A_698 = arith.addi %mul3A_696, %add3A_697 : i32
    "tpu.region"() ({
      %run_scoped3A = tpu.sem_alloc : memref<!tpu.dma_semaphore, #tpu.memory_space<semaphore_mem>>
      %dma_start3A = arith.constant 0 : i32
      %dma_start3A_808 = tpu.memref_slice %arg21[%add3A_698, %dma_start3A] : memref<4608x128xf32, #tpu.memory_space<vmem_shared>> -> memref<8x128xf32, #tpu.memory_space<vmem_shared>>
      %dma_start3A_809 = arith.constant 0 : i32
      %dma_start3A_810 = tpu.memref_slice %arg21[%add3A_698, %dma_start3A_809] : memref<4608x128xf32, #tpu.memory_space<vmem_shared>> -> memref<8x128xf32, #tpu.memory_space<vmem_shared>>
      tpu.enqueue_dma source(%arg18 : memref<8x128xf32, #tpu.memory_space<vmem>>) target(%dma_start3A_810 : memref<8x128xf32, #tpu.memory_space<vmem_shared>>) target_semaphore(%run_scoped3A : memref<!tpu.dma_semaphore, #tpu.memory_space<semaphore_mem>>)
      %dma_wait3A = arith.constant 0 : i32
      %dma_wait3A_811 = tpu.memref_slice %arg21[%add3A_698, %dma_wait3A] : memref<4608x128xf32, #tpu.memory_space<vmem_shared>> -> memref<8x128xf32, #tpu.memory_space<vmem_shared>>
      %dma_wait3A_812 = arith.constant 0 : i32
      %dma_wait3A_813 = tpu.memref_slice %arg21[%add3A_698, %dma_wait3A_812] : memref<4608x128xf32, #tpu.memory_space<vmem_shared>> -> memref<8x128xf32, #tpu.memory_space<vmem_shared>>
      tpu.wait_dma2 semaphore(%run_scoped3A : memref<!tpu.dma_semaphore, #tpu.memory_space<semaphore_mem>>) src(%arg18 : memref<8x128xf32, #tpu.memory_space<vmem>>) dst(%dma_wait3A_813 : memref<8x128xf32, #tpu.memory_space<vmem_shared>>)
      tpu.yield
    }) : () -> ()
    %mul3A_699 = arith.constant 288 : i32
    %mul3A_700 = arith.muli %arg1, %mul3A_699 : i32
    %add3A_701 = arith.constant 160 : i32
    %add3A_702 = arith.addi %mul3A_700, %add3A_701 : i32
    "tpu.region"() ({
      %run_scoped3A = tpu.sem_alloc : memref<!tpu.dma_semaphore, #tpu.memory_space<semaphore_mem>>
      %dma_start3A = arith.constant 0 : i32
      %dma_start3A_808 = tpu.memref_slice %arg21[%add3A_702, %dma_start3A] : memref<4608x128xf32, #tpu.memory_space<vmem_shared>> -> memref<8x128xf32, #tpu.memory_space<vmem_shared>>
      %dma_start3A_809 = arith.constant 0 : i32
      %dma_start3A_810 = tpu.memref_slice %arg21[%add3A_702, %dma_start3A_809] : memref<4608x128xf32, #tpu.memory_space<vmem_shared>> -> memref<8x128xf32, #tpu.memory_space<vmem_shared>>
      tpu.enqueue_dma source(%arg18 : memref<8x128xf32, #tpu.memory_space<vmem>>) target(%dma_start3A_810 : memref<8x128xf32, #tpu.memory_space<vmem_shared>>) target_semaphore(%run_scoped3A : memref<!tpu.dma_semaphore, #tpu.memory_space<semaphore_mem>>)
      %dma_wait3A = arith.constant 0 : i32
      %dma_wait3A_811 = tpu.memref_slice %arg21[%add3A_702, %dma_wait3A] : memref<4608x128xf32, #tpu.memory_space<vmem_shared>> -> memref<8x128xf32, #tpu.memory_space<vmem_shared>>
      %dma_wait3A_812 = arith.constant 0 : i32
      %dma_wait3A_813 = tpu.memref_slice %arg21[%add3A_702, %dma_wait3A_812] : memref<4608x128xf32, #tpu.memory_space<vmem_shared>> -> memref<8x128xf32, #tpu.memory_space<vmem_shared>>
      tpu.wait_dma2 semaphore(%run_scoped3A : memref<!tpu.dma_semaphore, #tpu.memory_space<semaphore_mem>>) src(%arg18 : memref<8x128xf32, #tpu.memory_space<vmem>>) dst(%dma_wait3A_813 : memref<8x128xf32, #tpu.memory_space<vmem_shared>>)
      tpu.yield
    }) : () -> ()
    %mul3A_703 = arith.constant 288 : i32
    %mul3A_704 = arith.muli %arg1, %mul3A_703 : i32
    %add3A_705 = arith.constant 168 : i32
    %add3A_706 = arith.addi %mul3A_704, %add3A_705 : i32
    "tpu.region"() ({
      %run_scoped3A = tpu.sem_alloc : memref<!tpu.dma_semaphore, #tpu.memory_space<semaphore_mem>>
      %dma_start3A = arith.constant 0 : i32
      %dma_start3A_808 = tpu.memref_slice %arg21[%add3A_706, %dma_start3A] : memref<4608x128xf32, #tpu.memory_space<vmem_shared>> -> memref<8x128xf32, #tpu.memory_space<vmem_shared>>
      %dma_start3A_809 = arith.constant 0 : i32
      %dma_start3A_810 = tpu.memref_slice %arg21[%add3A_706, %dma_start3A_809] : memref<4608x128xf32, #tpu.memory_space<vmem_shared>> -> memref<8x128xf32, #tpu.memory_space<vmem_shared>>
      tpu.enqueue_dma source(%arg18 : memref<8x128xf32, #tpu.memory_space<vmem>>) target(%dma_start3A_810 : memref<8x128xf32, #tpu.memory_space<vmem_shared>>) target_semaphore(%run_scoped3A : memref<!tpu.dma_semaphore, #tpu.memory_space<semaphore_mem>>)
      %dma_wait3A = arith.constant 0 : i32
      %dma_wait3A_811 = tpu.memref_slice %arg21[%add3A_706, %dma_wait3A] : memref<4608x128xf32, #tpu.memory_space<vmem_shared>> -> memref<8x128xf32, #tpu.memory_space<vmem_shared>>
      %dma_wait3A_812 = arith.constant 0 : i32
      %dma_wait3A_813 = tpu.memref_slice %arg21[%add3A_706, %dma_wait3A_812] : memref<4608x128xf32, #tpu.memory_space<vmem_shared>> -> memref<8x128xf32, #tpu.memory_space<vmem_shared>>
      tpu.wait_dma2 semaphore(%run_scoped3A : memref<!tpu.dma_semaphore, #tpu.memory_space<semaphore_mem>>) src(%arg18 : memref<8x128xf32, #tpu.memory_space<vmem>>) dst(%dma_wait3A_813 : memref<8x128xf32, #tpu.memory_space<vmem_shared>>)
      tpu.yield
    }) : () -> ()
    %mul3A_707 = arith.constant 288 : i32
    %mul3A_708 = arith.muli %arg1, %mul3A_707 : i32
    %add3A_709 = arith.constant 176 : i32
    %add3A_710 = arith.addi %mul3A_708, %add3A_709 : i32
    "tpu.region"() ({
      %run_scoped3A = tpu.sem_alloc : memref<!tpu.dma_semaphore, #tpu.memory_space<semaphore_mem>>
      %dma_start3A = arith.constant 0 : i32
      %dma_start3A_808 = tpu.memref_slice %arg21[%add3A_710, %dma_start3A] : memref<4608x128xf32, #tpu.memory_space<vmem_shared>> -> memref<8x128xf32, #tpu.memory_space<vmem_shared>>
      %dma_start3A_809 = arith.constant 0 : i32
      %dma_start3A_810 = tpu.memref_slice %arg21[%add3A_710, %dma_start3A_809] : memref<4608x128xf32, #tpu.memory_space<vmem_shared>> -> memref<8x128xf32, #tpu.memory_space<vmem_shared>>
      tpu.enqueue_dma source(%arg18 : memref<8x128xf32, #tpu.memory_space<vmem>>) target(%dma_start3A_810 : memref<8x128xf32, #tpu.memory_space<vmem_shared>>) target_semaphore(%run_scoped3A : memref<!tpu.dma_semaphore, #tpu.memory_space<semaphore_mem>>)
      %dma_wait3A = arith.constant 0 : i32
      %dma_wait3A_811 = tpu.memref_slice %arg21[%add3A_710, %dma_wait3A] : memref<4608x128xf32, #tpu.memory_space<vmem_shared>> -> memref<8x128xf32, #tpu.memory_space<vmem_shared>>
      %dma_wait3A_812 = arith.constant 0 : i32
      %dma_wait3A_813 = tpu.memref_slice %arg21[%add3A_710, %dma_wait3A_812] : memref<4608x128xf32, #tpu.memory_space<vmem_shared>> -> memref<8x128xf32, #tpu.memory_space<vmem_shared>>
      tpu.wait_dma2 semaphore(%run_scoped3A : memref<!tpu.dma_semaphore, #tpu.memory_space<semaphore_mem>>) src(%arg18 : memref<8x128xf32, #tpu.memory_space<vmem>>) dst(%dma_wait3A_813 : memref<8x128xf32, #tpu.memory_space<vmem_shared>>)
      tpu.yield
    }) : () -> ()
    %mul3A_711 = arith.constant 288 : i32
    %mul3A_712 = arith.muli %arg1, %mul3A_711 : i32
    %add3A_713 = arith.constant 184 : i32
    %add3A_714 = arith.addi %mul3A_712, %add3A_713 : i32
    "tpu.region"() ({
      %run_scoped3A = tpu.sem_alloc : memref<!tpu.dma_semaphore, #tpu.memory_space<semaphore_mem>>
      %dma_start3A = arith.constant 0 : i32
      %dma_start3A_808 = tpu.memref_slice %arg21[%add3A_714, %dma_start3A] : memref<4608x128xf32, #tpu.memory_space<vmem_shared>> -> memref<8x128xf32, #tpu.memory_space<vmem_shared>>
      %dma_start3A_809 = arith.constant 0 : i32
      %dma_start3A_810 = tpu.memref_slice %arg21[%add3A_714, %dma_start3A_809] : memref<4608x128xf32, #tpu.memory_space<vmem_shared>> -> memref<8x128xf32, #tpu.memory_space<vmem_shared>>
      tpu.enqueue_dma source(%arg18 : memref<8x128xf32, #tpu.memory_space<vmem>>) target(%dma_start3A_810 : memref<8x128xf32, #tpu.memory_space<vmem_shared>>) target_semaphore(%run_scoped3A : memref<!tpu.dma_semaphore, #tpu.memory_space<semaphore_mem>>)
      %dma_wait3A = arith.constant 0 : i32
      %dma_wait3A_811 = tpu.memref_slice %arg21[%add3A_714, %dma_wait3A] : memref<4608x128xf32, #tpu.memory_space<vmem_shared>> -> memref<8x128xf32, #tpu.memory_space<vmem_shared>>
      %dma_wait3A_812 = arith.constant 0 : i32
      %dma_wait3A_813 = tpu.memref_slice %arg21[%add3A_714, %dma_wait3A_812] : memref<4608x128xf32, #tpu.memory_space<vmem_shared>> -> memref<8x128xf32, #tpu.memory_space<vmem_shared>>
      tpu.wait_dma2 semaphore(%run_scoped3A : memref<!tpu.dma_semaphore, #tpu.memory_space<semaphore_mem>>) src(%arg18 : memref<8x128xf32, #tpu.memory_space<vmem>>) dst(%dma_wait3A_813 : memref<8x128xf32, #tpu.memory_space<vmem_shared>>)
      tpu.yield
    }) : () -> ()
    %mul3A_715 = arith.constant 288 : i32
    %mul3A_716 = arith.muli %arg1, %mul3A_715 : i32
    %add3A_717 = arith.constant 192 : i32
    %add3A_718 = arith.addi %mul3A_716, %add3A_717 : i32
    "tpu.region"() ({
      %run_scoped3A = tpu.sem_alloc : memref<!tpu.dma_semaphore, #tpu.memory_space<semaphore_mem>>
      %dma_start3A = arith.constant 0 : i32
      %dma_start3A_808 = tpu.memref_slice %arg21[%add3A_718, %dma_start3A] : memref<4608x128xf32, #tpu.memory_space<vmem_shared>> -> memref<8x128xf32, #tpu.memory_space<vmem_shared>>
      %dma_start3A_809 = arith.constant 0 : i32
      %dma_start3A_810 = tpu.memref_slice %arg21[%add3A_718, %dma_start3A_809] : memref<4608x128xf32, #tpu.memory_space<vmem_shared>> -> memref<8x128xf32, #tpu.memory_space<vmem_shared>>
      tpu.enqueue_dma source(%arg18 : memref<8x128xf32, #tpu.memory_space<vmem>>) target(%dma_start3A_810 : memref<8x128xf32, #tpu.memory_space<vmem_shared>>) target_semaphore(%run_scoped3A : memref<!tpu.dma_semaphore, #tpu.memory_space<semaphore_mem>>)
      %dma_wait3A = arith.constant 0 : i32
      %dma_wait3A_811 = tpu.memref_slice %arg21[%add3A_718, %dma_wait3A] : memref<4608x128xf32, #tpu.memory_space<vmem_shared>> -> memref<8x128xf32, #tpu.memory_space<vmem_shared>>
      %dma_wait3A_812 = arith.constant 0 : i32
      %dma_wait3A_813 = tpu.memref_slice %arg21[%add3A_718, %dma_wait3A_812] : memref<4608x128xf32, #tpu.memory_space<vmem_shared>> -> memref<8x128xf32, #tpu.memory_space<vmem_shared>>
      tpu.wait_dma2 semaphore(%run_scoped3A : memref<!tpu.dma_semaphore, #tpu.memory_space<semaphore_mem>>) src(%arg18 : memref<8x128xf32, #tpu.memory_space<vmem>>) dst(%dma_wait3A_813 : memref<8x128xf32, #tpu.memory_space<vmem_shared>>)
      tpu.yield
    }) : () -> ()
    %mul3A_719 = arith.constant 288 : i32
    %mul3A_720 = arith.muli %arg1, %mul3A_719 : i32
    %add3A_721 = arith.constant 200 : i32
    %add3A_722 = arith.addi %mul3A_720, %add3A_721 : i32
    "tpu.region"() ({
      %run_scoped3A = tpu.sem_alloc : memref<!tpu.dma_semaphore, #tpu.memory_space<semaphore_mem>>
      %dma_start3A = arith.constant 0 : i32
      %dma_start3A_808 = tpu.memref_slice %arg21[%add3A_722, %dma_start3A] : memref<4608x128xf32, #tpu.memory_space<vmem_shared>> -> memref<8x128xf32, #tpu.memory_space<vmem_shared>>
      %dma_start3A_809 = arith.constant 0 : i32
      %dma_start3A_810 = tpu.memref_slice %arg21[%add3A_722, %dma_start3A_809] : memref<4608x128xf32, #tpu.memory_space<vmem_shared>> -> memref<8x128xf32, #tpu.memory_space<vmem_shared>>
      tpu.enqueue_dma source(%arg18 : memref<8x128xf32, #tpu.memory_space<vmem>>) target(%dma_start3A_810 : memref<8x128xf32, #tpu.memory_space<vmem_shared>>) target_semaphore(%run_scoped3A : memref<!tpu.dma_semaphore, #tpu.memory_space<semaphore_mem>>)
      %dma_wait3A = arith.constant 0 : i32
      %dma_wait3A_811 = tpu.memref_slice %arg21[%add3A_722, %dma_wait3A] : memref<4608x128xf32, #tpu.memory_space<vmem_shared>> -> memref<8x128xf32, #tpu.memory_space<vmem_shared>>
      %dma_wait3A_812 = arith.constant 0 : i32
      %dma_wait3A_813 = tpu.memref_slice %arg21[%add3A_722, %dma_wait3A_812] : memref<4608x128xf32, #tpu.memory_space<vmem_shared>> -> memref<8x128xf32, #tpu.memory_space<vmem_shared>>
      tpu.wait_dma2 semaphore(%run_scoped3A : memref<!tpu.dma_semaphore, #tpu.memory_space<semaphore_mem>>) src(%arg18 : memref<8x128xf32, #tpu.memory_space<vmem>>) dst(%dma_wait3A_813 : memref<8x128xf32, #tpu.memory_space<vmem_shared>>)
      tpu.yield
    }) : () -> ()
    %mul3A_723 = arith.constant 288 : i32
    %mul3A_724 = arith.muli %arg1, %mul3A_723 : i32
    %add3A_725 = arith.constant 208 : i32
    %add3A_726 = arith.addi %mul3A_724, %add3A_725 : i32
    "tpu.region"() ({
      %run_scoped3A = tpu.sem_alloc : memref<!tpu.dma_semaphore, #tpu.memory_space<semaphore_mem>>
      %dma_start3A = arith.constant 0 : i32
      %dma_start3A_808 = tpu.memref_slice %arg21[%add3A_726, %dma_start3A] : memref<4608x128xf32, #tpu.memory_space<vmem_shared>> -> memref<8x128xf32, #tpu.memory_space<vmem_shared>>
      %dma_start3A_809 = arith.constant 0 : i32
      %dma_start3A_810 = tpu.memref_slice %arg21[%add3A_726, %dma_start3A_809] : memref<4608x128xf32, #tpu.memory_space<vmem_shared>> -> memref<8x128xf32, #tpu.memory_space<vmem_shared>>
      tpu.enqueue_dma source(%arg18 : memref<8x128xf32, #tpu.memory_space<vmem>>) target(%dma_start3A_810 : memref<8x128xf32, #tpu.memory_space<vmem_shared>>) target_semaphore(%run_scoped3A : memref<!tpu.dma_semaphore, #tpu.memory_space<semaphore_mem>>)
      %dma_wait3A = arith.constant 0 : i32
      %dma_wait3A_811 = tpu.memref_slice %arg21[%add3A_726, %dma_wait3A] : memref<4608x128xf32, #tpu.memory_space<vmem_shared>> -> memref<8x128xf32, #tpu.memory_space<vmem_shared>>
      %dma_wait3A_812 = arith.constant 0 : i32
      %dma_wait3A_813 = tpu.memref_slice %arg21[%add3A_726, %dma_wait3A_812] : memref<4608x128xf32, #tpu.memory_space<vmem_shared>> -> memref<8x128xf32, #tpu.memory_space<vmem_shared>>
      tpu.wait_dma2 semaphore(%run_scoped3A : memref<!tpu.dma_semaphore, #tpu.memory_space<semaphore_mem>>) src(%arg18 : memref<8x128xf32, #tpu.memory_space<vmem>>) dst(%dma_wait3A_813 : memref<8x128xf32, #tpu.memory_space<vmem_shared>>)
      tpu.yield
    }) : () -> ()
    %mul3A_727 = arith.constant 288 : i32
    %mul3A_728 = arith.muli %arg1, %mul3A_727 : i32
    %add3A_729 = arith.constant 216 : i32
    %add3A_730 = arith.addi %mul3A_728, %add3A_729 : i32
    "tpu.region"() ({
      %run_scoped3A = tpu.sem_alloc : memref<!tpu.dma_semaphore, #tpu.memory_space<semaphore_mem>>
      %dma_start3A = arith.constant 0 : i32
      %dma_start3A_808 = tpu.memref_slice %arg21[%add3A_730, %dma_start3A] : memref<4608x128xf32, #tpu.memory_space<vmem_shared>> -> memref<8x128xf32, #tpu.memory_space<vmem_shared>>
      %dma_start3A_809 = arith.constant 0 : i32
      %dma_start3A_810 = tpu.memref_slice %arg21[%add3A_730, %dma_start3A_809] : memref<4608x128xf32, #tpu.memory_space<vmem_shared>> -> memref<8x128xf32, #tpu.memory_space<vmem_shared>>
      tpu.enqueue_dma source(%arg18 : memref<8x128xf32, #tpu.memory_space<vmem>>) target(%dma_start3A_810 : memref<8x128xf32, #tpu.memory_space<vmem_shared>>) target_semaphore(%run_scoped3A : memref<!tpu.dma_semaphore, #tpu.memory_space<semaphore_mem>>)
      %dma_wait3A = arith.constant 0 : i32
      %dma_wait3A_811 = tpu.memref_slice %arg21[%add3A_730, %dma_wait3A] : memref<4608x128xf32, #tpu.memory_space<vmem_shared>> -> memref<8x128xf32, #tpu.memory_space<vmem_shared>>
      %dma_wait3A_812 = arith.constant 0 : i32
      %dma_wait3A_813 = tpu.memref_slice %arg21[%add3A_730, %dma_wait3A_812] : memref<4608x128xf32, #tpu.memory_space<vmem_shared>> -> memref<8x128xf32, #tpu.memory_space<vmem_shared>>
      tpu.wait_dma2 semaphore(%run_scoped3A : memref<!tpu.dma_semaphore, #tpu.memory_space<semaphore_mem>>) src(%arg18 : memref<8x128xf32, #tpu.memory_space<vmem>>) dst(%dma_wait3A_813 : memref<8x128xf32, #tpu.memory_space<vmem_shared>>)
      tpu.yield
    }) : () -> ()
    %mul3A_731 = arith.constant 288 : i32
    %mul3A_732 = arith.muli %arg1, %mul3A_731 : i32
    %add3A_733 = arith.constant 224 : i32
    %add3A_734 = arith.addi %mul3A_732, %add3A_733 : i32
    "tpu.region"() ({
      %run_scoped3A = tpu.sem_alloc : memref<!tpu.dma_semaphore, #tpu.memory_space<semaphore_mem>>
      %dma_start3A = arith.constant 0 : i32
      %dma_start3A_808 = tpu.memref_slice %arg21[%add3A_734, %dma_start3A] : memref<4608x128xf32, #tpu.memory_space<vmem_shared>> -> memref<8x128xf32, #tpu.memory_space<vmem_shared>>
      %dma_start3A_809 = arith.constant 0 : i32
      %dma_start3A_810 = tpu.memref_slice %arg21[%add3A_734, %dma_start3A_809] : memref<4608x128xf32, #tpu.memory_space<vmem_shared>> -> memref<8x128xf32, #tpu.memory_space<vmem_shared>>
      tpu.enqueue_dma source(%arg18 : memref<8x128xf32, #tpu.memory_space<vmem>>) target(%dma_start3A_810 : memref<8x128xf32, #tpu.memory_space<vmem_shared>>) target_semaphore(%run_scoped3A : memref<!tpu.dma_semaphore, #tpu.memory_space<semaphore_mem>>)
      %dma_wait3A = arith.constant 0 : i32
      %dma_wait3A_811 = tpu.memref_slice %arg21[%add3A_734, %dma_wait3A] : memref<4608x128xf32, #tpu.memory_space<vmem_shared>> -> memref<8x128xf32, #tpu.memory_space<vmem_shared>>
      %dma_wait3A_812 = arith.constant 0 : i32
      %dma_wait3A_813 = tpu.memref_slice %arg21[%add3A_734, %dma_wait3A_812] : memref<4608x128xf32, #tpu.memory_space<vmem_shared>> -> memref<8x128xf32, #tpu.memory_space<vmem_shared>>
      tpu.wait_dma2 semaphore(%run_scoped3A : memref<!tpu.dma_semaphore, #tpu.memory_space<semaphore_mem>>) src(%arg18 : memref<8x128xf32, #tpu.memory_space<vmem>>) dst(%dma_wait3A_813 : memref<8x128xf32, #tpu.memory_space<vmem_shared>>)
      tpu.yield
    }) : () -> ()
    %mul3A_735 = arith.constant 288 : i32
    %mul3A_736 = arith.muli %arg1, %mul3A_735 : i32
    %add3A_737 = arith.constant 232 : i32
    %add3A_738 = arith.addi %mul3A_736, %add3A_737 : i32
    "tpu.region"() ({
      %run_scoped3A = tpu.sem_alloc : memref<!tpu.dma_semaphore, #tpu.memory_space<semaphore_mem>>
      %dma_start3A = arith.constant 0 : i32
      %dma_start3A_808 = tpu.memref_slice %arg21[%add3A_738, %dma_start3A] : memref<4608x128xf32, #tpu.memory_space<vmem_shared>> -> memref<8x128xf32, #tpu.memory_space<vmem_shared>>
      %dma_start3A_809 = arith.constant 0 : i32
      %dma_start3A_810 = tpu.memref_slice %arg21[%add3A_738, %dma_start3A_809] : memref<4608x128xf32, #tpu.memory_space<vmem_shared>> -> memref<8x128xf32, #tpu.memory_space<vmem_shared>>
      tpu.enqueue_dma source(%arg18 : memref<8x128xf32, #tpu.memory_space<vmem>>) target(%dma_start3A_810 : memref<8x128xf32, #tpu.memory_space<vmem_shared>>) target_semaphore(%run_scoped3A : memref<!tpu.dma_semaphore, #tpu.memory_space<semaphore_mem>>)
      %dma_wait3A = arith.constant 0 : i32
      %dma_wait3A_811 = tpu.memref_slice %arg21[%add3A_738, %dma_wait3A] : memref<4608x128xf32, #tpu.memory_space<vmem_shared>> -> memref<8x128xf32, #tpu.memory_space<vmem_shared>>
      %dma_wait3A_812 = arith.constant 0 : i32
      %dma_wait3A_813 = tpu.memref_slice %arg21[%add3A_738, %dma_wait3A_812] : memref<4608x128xf32, #tpu.memory_space<vmem_shared>> -> memref<8x128xf32, #tpu.memory_space<vmem_shared>>
      tpu.wait_dma2 semaphore(%run_scoped3A : memref<!tpu.dma_semaphore, #tpu.memory_space<semaphore_mem>>) src(%arg18 : memref<8x128xf32, #tpu.memory_space<vmem>>) dst(%dma_wait3A_813 : memref<8x128xf32, #tpu.memory_space<vmem_shared>>)
      tpu.yield
    }) : () -> ()
    %mul3A_739 = arith.constant 288 : i32
    %mul3A_740 = arith.muli %arg1, %mul3A_739 : i32
    %add3A_741 = arith.constant 240 : i32
    %add3A_742 = arith.addi %mul3A_740, %add3A_741 : i32
    "tpu.region"() ({
      %run_scoped3A = tpu.sem_alloc : memref<!tpu.dma_semaphore, #tpu.memory_space<semaphore_mem>>
      %dma_start3A = arith.constant 0 : i32
      %dma_start3A_808 = tpu.memref_slice %arg21[%add3A_742, %dma_start3A] : memref<4608x128xf32, #tpu.memory_space<vmem_shared>> -> memref<8x128xf32, #tpu.memory_space<vmem_shared>>
      %dma_start3A_809 = arith.constant 0 : i32
      %dma_start3A_810 = tpu.memref_slice %arg21[%add3A_742, %dma_start3A_809] : memref<4608x128xf32, #tpu.memory_space<vmem_shared>> -> memref<8x128xf32, #tpu.memory_space<vmem_shared>>
      tpu.enqueue_dma source(%arg18 : memref<8x128xf32, #tpu.memory_space<vmem>>) target(%dma_start3A_810 : memref<8x128xf32, #tpu.memory_space<vmem_shared>>) target_semaphore(%run_scoped3A : memref<!tpu.dma_semaphore, #tpu.memory_space<semaphore_mem>>)
      %dma_wait3A = arith.constant 0 : i32
      %dma_wait3A_811 = tpu.memref_slice %arg21[%add3A_742, %dma_wait3A] : memref<4608x128xf32, #tpu.memory_space<vmem_shared>> -> memref<8x128xf32, #tpu.memory_space<vmem_shared>>
      %dma_wait3A_812 = arith.constant 0 : i32
      %dma_wait3A_813 = tpu.memref_slice %arg21[%add3A_742, %dma_wait3A_812] : memref<4608x128xf32, #tpu.memory_space<vmem_shared>> -> memref<8x128xf32, #tpu.memory_space<vmem_shared>>
      tpu.wait_dma2 semaphore(%run_scoped3A : memref<!tpu.dma_semaphore, #tpu.memory_space<semaphore_mem>>) src(%arg18 : memref<8x128xf32, #tpu.memory_space<vmem>>) dst(%dma_wait3A_813 : memref<8x128xf32, #tpu.memory_space<vmem_shared>>)
      tpu.yield
    }) : () -> ()
    %mul3A_743 = arith.constant 288 : i32
    %mul3A_744 = arith.muli %arg1, %mul3A_743 : i32
    %add3A_745 = arith.constant 248 : i32
    %add3A_746 = arith.addi %mul3A_744, %add3A_745 : i32
    "tpu.region"() ({
      %run_scoped3A = tpu.sem_alloc : memref<!tpu.dma_semaphore, #tpu.memory_space<semaphore_mem>>
      %dma_start3A = arith.constant 0 : i32
      %dma_start3A_808 = tpu.memref_slice %arg21[%add3A_746, %dma_start3A] : memref<4608x128xf32, #tpu.memory_space<vmem_shared>> -> memref<8x128xf32, #tpu.memory_space<vmem_shared>>
      %dma_start3A_809 = arith.constant 0 : i32
      %dma_start3A_810 = tpu.memref_slice %arg21[%add3A_746, %dma_start3A_809] : memref<4608x128xf32, #tpu.memory_space<vmem_shared>> -> memref<8x128xf32, #tpu.memory_space<vmem_shared>>
      tpu.enqueue_dma source(%arg18 : memref<8x128xf32, #tpu.memory_space<vmem>>) target(%dma_start3A_810 : memref<8x128xf32, #tpu.memory_space<vmem_shared>>) target_semaphore(%run_scoped3A : memref<!tpu.dma_semaphore, #tpu.memory_space<semaphore_mem>>)
      %dma_wait3A = arith.constant 0 : i32
      %dma_wait3A_811 = tpu.memref_slice %arg21[%add3A_746, %dma_wait3A] : memref<4608x128xf32, #tpu.memory_space<vmem_shared>> -> memref<8x128xf32, #tpu.memory_space<vmem_shared>>
      %dma_wait3A_812 = arith.constant 0 : i32
      %dma_wait3A_813 = tpu.memref_slice %arg21[%add3A_746, %dma_wait3A_812] : memref<4608x128xf32, #tpu.memory_space<vmem_shared>> -> memref<8x128xf32, #tpu.memory_space<vmem_shared>>
      tpu.wait_dma2 semaphore(%run_scoped3A : memref<!tpu.dma_semaphore, #tpu.memory_space<semaphore_mem>>) src(%arg18 : memref<8x128xf32, #tpu.memory_space<vmem>>) dst(%dma_wait3A_813 : memref<8x128xf32, #tpu.memory_space<vmem_shared>>)
      tpu.yield
    }) : () -> ()
    %mul3A_747 = arith.constant 288 : i32
    %mul3A_748 = arith.muli %arg1, %mul3A_747 : i32
    %add3A_749 = arith.constant 256 : i32
    %add3A_750 = arith.addi %mul3A_748, %add3A_749 : i32
    "tpu.region"() ({
      %run_scoped3A = tpu.sem_alloc : memref<!tpu.dma_semaphore, #tpu.memory_space<semaphore_mem>>
      %dma_start3A = arith.constant 0 : i32
      %dma_start3A_808 = tpu.memref_slice %arg21[%add3A_750, %dma_start3A] : memref<4608x128xf32, #tpu.memory_space<vmem_shared>> -> memref<8x128xf32, #tpu.memory_space<vmem_shared>>
      %dma_start3A_809 = arith.constant 0 : i32
      %dma_start3A_810 = tpu.memref_slice %arg21[%add3A_750, %dma_start3A_809] : memref<4608x128xf32, #tpu.memory_space<vmem_shared>> -> memref<8x128xf32, #tpu.memory_space<vmem_shared>>
      tpu.enqueue_dma source(%arg18 : memref<8x128xf32, #tpu.memory_space<vmem>>) target(%dma_start3A_810 : memref<8x128xf32, #tpu.memory_space<vmem_shared>>) target_semaphore(%run_scoped3A : memref<!tpu.dma_semaphore, #tpu.memory_space<semaphore_mem>>)
      %dma_wait3A = arith.constant 0 : i32
      %dma_wait3A_811 = tpu.memref_slice %arg21[%add3A_750, %dma_wait3A] : memref<4608x128xf32, #tpu.memory_space<vmem_shared>> -> memref<8x128xf32, #tpu.memory_space<vmem_shared>>
      %dma_wait3A_812 = arith.constant 0 : i32
      %dma_wait3A_813 = tpu.memref_slice %arg21[%add3A_750, %dma_wait3A_812] : memref<4608x128xf32, #tpu.memory_space<vmem_shared>> -> memref<8x128xf32, #tpu.memory_space<vmem_shared>>
      tpu.wait_dma2 semaphore(%run_scoped3A : memref<!tpu.dma_semaphore, #tpu.memory_space<semaphore_mem>>) src(%arg18 : memref<8x128xf32, #tpu.memory_space<vmem>>) dst(%dma_wait3A_813 : memref<8x128xf32, #tpu.memory_space<vmem_shared>>)
      tpu.yield
    }) : () -> ()
    %mul3A_751 = arith.constant 288 : i32
    %mul3A_752 = arith.muli %arg1, %mul3A_751 : i32
    %add3A_753 = arith.constant 264 : i32
    %add3A_754 = arith.addi %mul3A_752, %add3A_753 : i32
    "tpu.region"() ({
      %run_scoped3A = tpu.sem_alloc : memref<!tpu.dma_semaphore, #tpu.memory_space<semaphore_mem>>
      %dma_start3A = arith.constant 0 : i32
      %dma_start3A_808 = tpu.memref_slice %arg21[%add3A_754, %dma_start3A] : memref<4608x128xf32, #tpu.memory_space<vmem_shared>> -> memref<8x128xf32, #tpu.memory_space<vmem_shared>>
      %dma_start3A_809 = arith.constant 0 : i32
      %dma_start3A_810 = tpu.memref_slice %arg21[%add3A_754, %dma_start3A_809] : memref<4608x128xf32, #tpu.memory_space<vmem_shared>> -> memref<8x128xf32, #tpu.memory_space<vmem_shared>>
      tpu.enqueue_dma source(%arg18 : memref<8x128xf32, #tpu.memory_space<vmem>>) target(%dma_start3A_810 : memref<8x128xf32, #tpu.memory_space<vmem_shared>>) target_semaphore(%run_scoped3A : memref<!tpu.dma_semaphore, #tpu.memory_space<semaphore_mem>>)
      %dma_wait3A = arith.constant 0 : i32
      %dma_wait3A_811 = tpu.memref_slice %arg21[%add3A_754, %dma_wait3A] : memref<4608x128xf32, #tpu.memory_space<vmem_shared>> -> memref<8x128xf32, #tpu.memory_space<vmem_shared>>
      %dma_wait3A_812 = arith.constant 0 : i32
      %dma_wait3A_813 = tpu.memref_slice %arg21[%add3A_754, %dma_wait3A_812] : memref<4608x128xf32, #tpu.memory_space<vmem_shared>> -> memref<8x128xf32, #tpu.memory_space<vmem_shared>>
      tpu.wait_dma2 semaphore(%run_scoped3A : memref<!tpu.dma_semaphore, #tpu.memory_space<semaphore_mem>>) src(%arg18 : memref<8x128xf32, #tpu.memory_space<vmem>>) dst(%dma_wait3A_813 : memref<8x128xf32, #tpu.memory_space<vmem_shared>>)
      tpu.yield
    }) : () -> ()
    %mul3A_755 = arith.constant 288 : i32
    %mul3A_756 = arith.muli %arg1, %mul3A_755 : i32
    %add3A_757 = arith.constant 272 : i32
    %add3A_758 = arith.addi %mul3A_756, %add3A_757 : i32
    "tpu.region"() ({
      %run_scoped3A = tpu.sem_alloc : memref<!tpu.dma_semaphore, #tpu.memory_space<semaphore_mem>>
      %dma_start3A = arith.constant 0 : i32
      %dma_start3A_808 = tpu.memref_slice %arg21[%add3A_758, %dma_start3A] : memref<4608x128xf32, #tpu.memory_space<vmem_shared>> -> memref<8x128xf32, #tpu.memory_space<vmem_shared>>
      %dma_start3A_809 = arith.constant 0 : i32
      %dma_start3A_810 = tpu.memref_slice %arg21[%add3A_758, %dma_start3A_809] : memref<4608x128xf32, #tpu.memory_space<vmem_shared>> -> memref<8x128xf32, #tpu.memory_space<vmem_shared>>
      tpu.enqueue_dma source(%arg18 : memref<8x128xf32, #tpu.memory_space<vmem>>) target(%dma_start3A_810 : memref<8x128xf32, #tpu.memory_space<vmem_shared>>) target_semaphore(%run_scoped3A : memref<!tpu.dma_semaphore, #tpu.memory_space<semaphore_mem>>)
      %dma_wait3A = arith.constant 0 : i32
      %dma_wait3A_811 = tpu.memref_slice %arg21[%add3A_758, %dma_wait3A] : memref<4608x128xf32, #tpu.memory_space<vmem_shared>> -> memref<8x128xf32, #tpu.memory_space<vmem_shared>>
      %dma_wait3A_812 = arith.constant 0 : i32
      %dma_wait3A_813 = tpu.memref_slice %arg21[%add3A_758, %dma_wait3A_812] : memref<4608x128xf32, #tpu.memory_space<vmem_shared>> -> memref<8x128xf32, #tpu.memory_space<vmem_shared>>
      tpu.wait_dma2 semaphore(%run_scoped3A : memref<!tpu.dma_semaphore, #tpu.memory_space<semaphore_mem>>) src(%arg18 : memref<8x128xf32, #tpu.memory_space<vmem>>) dst(%dma_wait3A_813 : memref<8x128xf32, #tpu.memory_space<vmem_shared>>)
      tpu.yield
    }) : () -> ()
    %mul3A_759 = arith.constant 288 : i32
    %mul3A_760 = arith.muli %arg1, %mul3A_759 : i32
    %add3A_761 = arith.constant 280 : i32
    %add3A_762 = arith.addi %mul3A_760, %add3A_761 : i32
    "tpu.region"() ({
      %run_scoped3A = tpu.sem_alloc : memref<!tpu.dma_semaphore, #tpu.memory_space<semaphore_mem>>
      %dma_start3A = arith.constant 0 : i32
      %dma_start3A_808 = tpu.memref_slice %arg21[%add3A_762, %dma_start3A] : memref<4608x128xf32, #tpu.memory_space<vmem_shared>> -> memref<8x128xf32, #tpu.memory_space<vmem_shared>>
      %dma_start3A_809 = arith.constant 0 : i32
      %dma_start3A_810 = tpu.memref_slice %arg21[%add3A_762, %dma_start3A_809] : memref<4608x128xf32, #tpu.memory_space<vmem_shared>> -> memref<8x128xf32, #tpu.memory_space<vmem_shared>>
      tpu.enqueue_dma source(%arg18 : memref<8x128xf32, #tpu.memory_space<vmem>>) target(%dma_start3A_810 : memref<8x128xf32, #tpu.memory_space<vmem_shared>>) target_semaphore(%run_scoped3A : memref<!tpu.dma_semaphore, #tpu.memory_space<semaphore_mem>>)
      %dma_wait3A = arith.constant 0 : i32
      %dma_wait3A_811 = tpu.memref_slice %arg21[%add3A_762, %dma_wait3A] : memref<4608x128xf32, #tpu.memory_space<vmem_shared>> -> memref<8x128xf32, #tpu.memory_space<vmem_shared>>
      %dma_wait3A_812 = arith.constant 0 : i32
      %dma_wait3A_813 = tpu.memref_slice %arg21[%add3A_762, %dma_wait3A_812] : memref<4608x128xf32, #tpu.memory_space<vmem_shared>> -> memref<8x128xf32, #tpu.memory_space<vmem_shared>>
      tpu.wait_dma2 semaphore(%run_scoped3A : memref<!tpu.dma_semaphore, #tpu.memory_space<semaphore_mem>>) src(%arg18 : memref<8x128xf32, #tpu.memory_space<vmem>>) dst(%dma_wait3A_813 : memref<8x128xf32, #tpu.memory_space<vmem_shared>>)
      tpu.yield
    }) : () -> ()
    %mul3A_763 = arith.constant 288 : i32
    %mul3A_764 = arith.muli %arg1, %mul3A_763 : i32
    "tpu.region"() ({
      %run_scoped3A = tpu.sem_alloc : memref<!tpu.dma_semaphore, #tpu.memory_space<semaphore_mem>>
      %dma_start3A = tpu.memref_slice %arg22[%mul3A_764] : memref<4608xf32, #tpu.memory_space<vmem_shared>> -> memref<288xf32, #tpu.memory_space<vmem_shared>>
      %dma_start3A_808 = tpu.memref_slice %arg22[%mul3A_764] : memref<4608xf32, #tpu.memory_space<vmem_shared>> -> memref<288xf32, #tpu.memory_space<vmem_shared>>
      tpu.enqueue_dma source(%arg19 : memref<288xf32, #tpu.memory_space<vmem>>) target(%dma_start3A_808 : memref<288xf32, #tpu.memory_space<vmem_shared>>) target_semaphore(%run_scoped3A : memref<!tpu.dma_semaphore, #tpu.memory_space<semaphore_mem>>)
      %dma_wait3A = tpu.memref_slice %arg22[%mul3A_764] : memref<4608xf32, #tpu.memory_space<vmem_shared>> -> memref<288xf32, #tpu.memory_space<vmem_shared>>
      %dma_wait3A_809 = tpu.memref_slice %arg22[%mul3A_764] : memref<4608xf32, #tpu.memory_space<vmem_shared>> -> memref<288xf32, #tpu.memory_space<vmem_shared>>
      tpu.wait_dma2 semaphore(%run_scoped3A : memref<!tpu.dma_semaphore, #tpu.memory_space<semaphore_mem>>) src(%arg19 : memref<288xf32, #tpu.memory_space<vmem>>) dst(%dma_wait3A_809 : memref<288xf32, #tpu.memory_space<vmem_shared>>)
      tpu.yield
    }) : () -> ()
    %barrier3A = arith.constant 0 : index
    tpu.barrier barrier_id(%barrier3A)
    %mul3A_765 = arith.constant 4096 : i32
    %mul3A_766 = arith.muli %add3A, %mul3A_765 : i32
    %mul3A_767 = arith.constant 16 : i32
    %mul3A_768 = arith.muli %arg1, %mul3A_767 : i32
    %add3A_769 = arith.constant 4096 : i32
    %add3A_770 = arith.addi %add3A_769, %mul3A_768 : i32
    %scan3A = arith.constant 0 : i32
    %scan3A_771 = arith.constant 0 : i32
    %scan3A_772 = arith.constant 8 : i32
    %scan3A_773 = arith.addi %scan3A_771, %scan3A_772 : i32
    %scan3A_774 = arith.constant 1 : i32
    scf.for %scan3A_808 = %scan3A_771 to %scan3A_773 step %scan3A_774  : i32 {
      %mul3A_809 = arith.constant 512 : i32
      %mul3A_810 = arith.muli %scan3A_808, %mul3A_809 : i32
      %add3A_811 = arith.addi %mul3A_766, %mul3A_810 : i32
      "tpu.region"() ({
        %run_scoped3A_2442 = tpu.sem_alloc : memref<!tpu.dma_semaphore, #tpu.memory_space<semaphore_mem>>
        %dma_start3A_2443 = tpu.memref_slice %arg2[%add3A_811] : memref<131072xi32, #tpu.memory_space<hbm>> -> memref<512xi32, #tpu.memory_space<hbm>>
        %dma_start3A_2444 = tpu.memref_slice %arg2[%add3A_811] : memref<131072xi32, #tpu.memory_space<hbm>> -> memref<512xi32, #tpu.memory_space<hbm>>
        tpu.enqueue_dma source(%dma_start3A_2444 : memref<512xi32, #tpu.memory_space<hbm>>) target(%arg8 : memref<512xi32, #tpu.memory_space<vmem>>) target_semaphore(%run_scoped3A_2442 : memref<!tpu.dma_semaphore, #tpu.memory_space<semaphore_mem>>)
        %dma_wait3A_2445 = tpu.memref_slice %arg2[%add3A_811] : memref<131072xi32, #tpu.memory_space<hbm>> -> memref<512xi32, #tpu.memory_space<hbm>>
        %dma_wait3A_2446 = tpu.memref_slice %arg2[%add3A_811] : memref<131072xi32, #tpu.memory_space<hbm>> -> memref<512xi32, #tpu.memory_space<hbm>>
        tpu.wait_dma2 semaphore(%run_scoped3A_2442 : memref<!tpu.dma_semaphore, #tpu.memory_space<semaphore_mem>>) src(%dma_wait3A_2446 : memref<512xi32, #tpu.memory_space<hbm>>) dst(%arg8 : memref<512xi32, #tpu.memory_space<vmem>>)
        tpu.yield
      }) : () -> ()
      "tpu.region"() ({
        %run_scoped3A_2442 = tpu.sem_alloc : memref<!tpu.dma_semaphore, #tpu.memory_space<semaphore_mem>>
        %dma_start3A_2443 = tpu.memref_slice %arg3[%add3A_811] : memref<131072xi32, #tpu.memory_space<hbm>> -> memref<512xi32, #tpu.memory_space<hbm>>
        %dma_start3A_2444 = tpu.memref_slice %arg3[%add3A_811] : memref<131072xi32, #tpu.memory_space<hbm>> -> memref<512xi32, #tpu.memory_space<hbm>>
        tpu.enqueue_dma source(%dma_start3A_2444 : memref<512xi32, #tpu.memory_space<hbm>>) target(%arg9 : memref<512xi32, #tpu.memory_space<vmem>>) target_semaphore(%run_scoped3A_2442 : memref<!tpu.dma_semaphore, #tpu.memory_space<semaphore_mem>>)
        %dma_wait3A_2445 = tpu.memref_slice %arg3[%add3A_811] : memref<131072xi32, #tpu.memory_space<hbm>> -> memref<512xi32, #tpu.memory_space<hbm>>
        %dma_wait3A_2446 = tpu.memref_slice %arg3[%add3A_811] : memref<131072xi32, #tpu.memory_space<hbm>> -> memref<512xi32, #tpu.memory_space<hbm>>
        tpu.wait_dma2 semaphore(%run_scoped3A_2442 : memref<!tpu.dma_semaphore, #tpu.memory_space<semaphore_mem>>) src(%dma_wait3A_2446 : memref<512xi32, #tpu.memory_space<hbm>>) dst(%arg9 : memref<512xi32, #tpu.memory_space<vmem>>)
        tpu.yield
      }) : () -> ()
      %get3A = arith.constant 0 : index
      %get3A_812 = tpu.vector_load %arg8[%get3A] {strides = array<i32>} : memref<512xi32, #tpu.memory_space<vmem>>, vector<16xi32>,
      %get3A_813 = vector.shape_cast %get3A_812 : vector<16xi32> to vector<16xi32>
      %get3A_814 = arith.constant 0 : index
      %get3A_815 = tpu.vector_load %arg9[%get3A_814] {strides = array<i32>} : memref<512xi32, #tpu.memory_space<vmem>>, vector<16xi32>,
      %get3A_816 = vector.shape_cast %get3A_815 : vector<16xi32> to vector<16xi32>
      %shift_left3A = arith.constant 12 : i32
      %shift_left3A_817 = vector.broadcast %shift_left3A : i32 to vector<16xi32>
      %shift_left3A_818 = arith.shli %get3A_813, %shift_left3A_817 : vector<16xi32>
      %or3A = arith.ori %shift_left3A_818, %get3A_816 : vector<16xi32>
      %swap3A_819 = arith.constant 0 : index
      %swap3A_820 = tpu.vector_load %arg10[%swap3A_819] {strides = array<i32>} : memref<512xi32, #tpu.memory_space<vmem>>, vector<16xi32>,
      %swap3A_821 = vector.shape_cast %swap3A_820 : vector<16xi32> to vector<16xi32>
      %swap3A_822 = vector.shape_cast %or3A : vector<16xi32> to vector<16xi32>
      tpu.vector_store %arg10[%swap3A_819], %swap3A_822 {strides = array<i32>} : memref<512xi32, #tpu.memory_space<vmem>>, vector<16xi32>,
      %get3A_823 = arith.constant 16 : index
      %get3A_824 = tpu.vector_load %arg8[%get3A_823] {strides = array<i32>} : memref<512xi32, #tpu.memory_space<vmem>>, vector<16xi32>,
      %get3A_825 = vector.shape_cast %get3A_824 : vector<16xi32> to vector<16xi32>
      %get3A_826 = arith.constant 16 : index
      %get3A_827 = tpu.vector_load %arg9[%get3A_826] {strides = array<i32>} : memref<512xi32, #tpu.memory_space<vmem>>, vector<16xi32>,
      %get3A_828 = vector.shape_cast %get3A_827 : vector<16xi32> to vector<16xi32>
      %shift_left3A_829 = arith.constant 12 : i32
      %shift_left3A_830 = vector.broadcast %shift_left3A_829 : i32 to vector<16xi32>
      %shift_left3A_831 = arith.shli %get3A_825, %shift_left3A_830 : vector<16xi32>
      %or3A_832 = arith.ori %shift_left3A_831, %get3A_828 : vector<16xi32>
      %swap3A_833 = arith.constant 16 : index
      %swap3A_834 = tpu.vector_load %arg10[%swap3A_833] {strides = array<i32>} : memref<512xi32, #tpu.memory_space<vmem>>, vector<16xi32>,
      %swap3A_835 = vector.shape_cast %swap3A_834 : vector<16xi32> to vector<16xi32>
      %swap3A_836 = vector.shape_cast %or3A_832 : vector<16xi32> to vector<16xi32>
      tpu.vector_store %arg10[%swap3A_833], %swap3A_836 {strides = array<i32>} : memref<512xi32, #tpu.memory_space<vmem>>, vector<16xi32>,
      %get3A_837 = arith.constant 32 : index
      %get3A_838 = tpu.vector_load %arg8[%get3A_837] {strides = array<i32>} : memref<512xi32, #tpu.memory_space<vmem>>, vector<16xi32>,
      %get3A_839 = vector.shape_cast %get3A_838 : vector<16xi32> to vector<16xi32>
      %get3A_840 = arith.constant 32 : index
      %get3A_841 = tpu.vector_load %arg9[%get3A_840] {strides = array<i32>} : memref<512xi32, #tpu.memory_space<vmem>>, vector<16xi32>,
      %get3A_842 = vector.shape_cast %get3A_841 : vector<16xi32> to vector<16xi32>
      %shift_left3A_843 = arith.constant 12 : i32
      %shift_left3A_844 = vector.broadcast %shift_left3A_843 : i32 to vector<16xi32>
      %shift_left3A_845 = arith.shli %get3A_839, %shift_left3A_844 : vector<16xi32>
      %or3A_846 = arith.ori %shift_left3A_845, %get3A_842 : vector<16xi32>
      %swap3A_847 = arith.constant 32 : index
      %swap3A_848 = tpu.vector_load %arg10[%swap3A_847] {strides = array<i32>} : memref<512xi32, #tpu.memory_space<vmem>>, vector<16xi32>,
      %swap3A_849 = vector.shape_cast %swap3A_848 : vector<16xi32> to vector<16xi32>
      %swap3A_850 = vector.shape_cast %or3A_846 : vector<16xi32> to vector<16xi32>
      tpu.vector_store %arg10[%swap3A_847], %swap3A_850 {strides = array<i32>} : memref<512xi32, #tpu.memory_space<vmem>>, vector<16xi32>,
      %get3A_851 = arith.constant 48 : index
      %get3A_852 = tpu.vector_load %arg8[%get3A_851] {strides = array<i32>} : memref<512xi32, #tpu.memory_space<vmem>>, vector<16xi32>,
      %get3A_853 = vector.shape_cast %get3A_852 : vector<16xi32> to vector<16xi32>
      %get3A_854 = arith.constant 48 : index
      %get3A_855 = tpu.vector_load %arg9[%get3A_854] {strides = array<i32>} : memref<512xi32, #tpu.memory_space<vmem>>, vector<16xi32>,
      %get3A_856 = vector.shape_cast %get3A_855 : vector<16xi32> to vector<16xi32>
      %shift_left3A_857 = arith.constant 12 : i32
      %shift_left3A_858 = vector.broadcast %shift_left3A_857 : i32 to vector<16xi32>
      %shift_left3A_859 = arith.shli %get3A_853, %shift_left3A_858 : vector<16xi32>
      %or3A_860 = arith.ori %shift_left3A_859, %get3A_856 : vector<16xi32>
      %swap3A_861 = arith.constant 48 : index
      %swap3A_862 = tpu.vector_load %arg10[%swap3A_861] {strides = array<i32>} : memref<512xi32, #tpu.memory_space<vmem>>, vector<16xi32>,
      %swap3A_863 = vector.shape_cast %swap3A_862 : vector<16xi32> to vector<16xi32>
      %swap3A_864 = vector.shape_cast %or3A_860 : vector<16xi32> to vector<16xi32>
      tpu.vector_store %arg10[%swap3A_861], %swap3A_864 {strides = array<i32>} : memref<512xi32, #tpu.memory_space<vmem>>, vector<16xi32>,
      %get3A_865 = arith.constant 64 : index
      %get3A_866 = tpu.vector_load %arg8[%get3A_865] {strides = array<i32>} : memref<512xi32, #tpu.memory_space<vmem>>, vector<16xi32>,
      %get3A_867 = vector.shape_cast %get3A_866 : vector<16xi32> to vector<16xi32>
      %get3A_868 = arith.constant 64 : index
      %get3A_869 = tpu.vector_load %arg9[%get3A_868] {strides = array<i32>} : memref<512xi32, #tpu.memory_space<vmem>>, vector<16xi32>,
      %get3A_870 = vector.shape_cast %get3A_869 : vector<16xi32> to vector<16xi32>
      %shift_left3A_871 = arith.constant 12 : i32
      %shift_left3A_872 = vector.broadcast %shift_left3A_871 : i32 to vector<16xi32>
      %shift_left3A_873 = arith.shli %get3A_867, %shift_left3A_872 : vector<16xi32>
      %or3A_874 = arith.ori %shift_left3A_873, %get3A_870 : vector<16xi32>
      %swap3A_875 = arith.constant 64 : index
      %swap3A_876 = tpu.vector_load %arg10[%swap3A_875] {strides = array<i32>} : memref<512xi32, #tpu.memory_space<vmem>>, vector<16xi32>,
      %swap3A_877 = vector.shape_cast %swap3A_876 : vector<16xi32> to vector<16xi32>
      %swap3A_878 = vector.shape_cast %or3A_874 : vector<16xi32> to vector<16xi32>
      tpu.vector_store %arg10[%swap3A_875], %swap3A_878 {strides = array<i32>} : memref<512xi32, #tpu.memory_space<vmem>>, vector<16xi32>,
      %get3A_879 = arith.constant 80 : index
      %get3A_880 = tpu.vector_load %arg8[%get3A_879] {strides = array<i32>} : memref<512xi32, #tpu.memory_space<vmem>>, vector<16xi32>,
      %get3A_881 = vector.shape_cast %get3A_880 : vector<16xi32> to vector<16xi32>
      %get3A_882 = arith.constant 80 : index
      %get3A_883 = tpu.vector_load %arg9[%get3A_882] {strides = array<i32>} : memref<512xi32, #tpu.memory_space<vmem>>, vector<16xi32>,
      %get3A_884 = vector.shape_cast %get3A_883 : vector<16xi32> to vector<16xi32>
      %shift_left3A_885 = arith.constant 12 : i32
      %shift_left3A_886 = vector.broadcast %shift_left3A_885 : i32 to vector<16xi32>
      %shift_left3A_887 = arith.shli %get3A_881, %shift_left3A_886 : vector<16xi32>
      %or3A_888 = arith.ori %shift_left3A_887, %get3A_884 : vector<16xi32>
      %swap3A_889 = arith.constant 80 : index
      %swap3A_890 = tpu.vector_load %arg10[%swap3A_889] {strides = array<i32>} : memref<512xi32, #tpu.memory_space<vmem>>, vector<16xi32>,
      %swap3A_891 = vector.shape_cast %swap3A_890 : vector<16xi32> to vector<16xi32>
      %swap3A_892 = vector.shape_cast %or3A_888 : vector<16xi32> to vector<16xi32>
      tpu.vector_store %arg10[%swap3A_889], %swap3A_892 {strides = array<i32>} : memref<512xi32, #tpu.memory_space<vmem>>, vector<16xi32>,
      %get3A_893 = arith.constant 96 : index
      %get3A_894 = tpu.vector_load %arg8[%get3A_893] {strides = array<i32>} : memref<512xi32, #tpu.memory_space<vmem>>, vector<16xi32>,
      %get3A_895 = vector.shape_cast %get3A_894 : vector<16xi32> to vector<16xi32>
      %get3A_896 = arith.constant 96 : index
      %get3A_897 = tpu.vector_load %arg9[%get3A_896] {strides = array<i32>} : memref<512xi32, #tpu.memory_space<vmem>>, vector<16xi32>,
      %get3A_898 = vector.shape_cast %get3A_897 : vector<16xi32> to vector<16xi32>
      %shift_left3A_899 = arith.constant 12 : i32
      %shift_left3A_900 = vector.broadcast %shift_left3A_899 : i32 to vector<16xi32>
      %shift_left3A_901 = arith.shli %get3A_895, %shift_left3A_900 : vector<16xi32>
      %or3A_902 = arith.ori %shift_left3A_901, %get3A_898 : vector<16xi32>
      %swap3A_903 = arith.constant 96 : index
      %swap3A_904 = tpu.vector_load %arg10[%swap3A_903] {strides = array<i32>} : memref<512xi32, #tpu.memory_space<vmem>>, vector<16xi32>,
      %swap3A_905 = vector.shape_cast %swap3A_904 : vector<16xi32> to vector<16xi32>
      %swap3A_906 = vector.shape_cast %or3A_902 : vector<16xi32> to vector<16xi32>
      tpu.vector_store %arg10[%swap3A_903], %swap3A_906 {strides = array<i32>} : memref<512xi32, #tpu.memory_space<vmem>>, vector<16xi32>,
      %get3A_907 = arith.constant 112 : index
      %get3A_908 = tpu.vector_load %arg8[%get3A_907] {strides = array<i32>} : memref<512xi32, #tpu.memory_space<vmem>>, vector<16xi32>,
      %get3A_909 = vector.shape_cast %get3A_908 : vector<16xi32> to vector<16xi32>
      %get3A_910 = arith.constant 112 : index
      %get3A_911 = tpu.vector_load %arg9[%get3A_910] {strides = array<i32>} : memref<512xi32, #tpu.memory_space<vmem>>, vector<16xi32>,
      %get3A_912 = vector.shape_cast %get3A_911 : vector<16xi32> to vector<16xi32>
      %shift_left3A_913 = arith.constant 12 : i32
      %shift_left3A_914 = vector.broadcast %shift_left3A_913 : i32 to vector<16xi32>
      %shift_left3A_915 = arith.shli %get3A_909, %shift_left3A_914 : vector<16xi32>
      %or3A_916 = arith.ori %shift_left3A_915, %get3A_912 : vector<16xi32>
      %swap3A_917 = arith.constant 112 : index
      %swap3A_918 = tpu.vector_load %arg10[%swap3A_917] {strides = array<i32>} : memref<512xi32, #tpu.memory_space<vmem>>, vector<16xi32>,
      %swap3A_919 = vector.shape_cast %swap3A_918 : vector<16xi32> to vector<16xi32>
      %swap3A_920 = vector.shape_cast %or3A_916 : vector<16xi32> to vector<16xi32>
      tpu.vector_store %arg10[%swap3A_917], %swap3A_920 {strides = array<i32>} : memref<512xi32, #tpu.memory_space<vmem>>, vector<16xi32>,
      %get3A_921 = arith.constant 128 : index
      %get3A_922 = tpu.vector_load %arg8[%get3A_921] {strides = array<i32>} : memref<512xi32, #tpu.memory_space<vmem>>, vector<16xi32>,
      %get3A_923 = vector.shape_cast %get3A_922 : vector<16xi32> to vector<16xi32>
      %get3A_924 = arith.constant 128 : index
      %get3A_925 = tpu.vector_load %arg9[%get3A_924] {strides = array<i32>} : memref<512xi32, #tpu.memory_space<vmem>>, vector<16xi32>,
      %get3A_926 = vector.shape_cast %get3A_925 : vector<16xi32> to vector<16xi32>
      %shift_left3A_927 = arith.constant 12 : i32
      %shift_left3A_928 = vector.broadcast %shift_left3A_927 : i32 to vector<16xi32>
      %shift_left3A_929 = arith.shli %get3A_923, %shift_left3A_928 : vector<16xi32>
      %or3A_930 = arith.ori %shift_left3A_929, %get3A_926 : vector<16xi32>
      %swap3A_931 = arith.constant 128 : index
      %swap3A_932 = tpu.vector_load %arg10[%swap3A_931] {strides = array<i32>} : memref<512xi32, #tpu.memory_space<vmem>>, vector<16xi32>,
      %swap3A_933 = vector.shape_cast %swap3A_932 : vector<16xi32> to vector<16xi32>
      %swap3A_934 = vector.shape_cast %or3A_930 : vector<16xi32> to vector<16xi32>
      tpu.vector_store %arg10[%swap3A_931], %swap3A_934 {strides = array<i32>} : memref<512xi32, #tpu.memory_space<vmem>>, vector<16xi32>,
      %get3A_935 = arith.constant 144 : index
      %get3A_936 = tpu.vector_load %arg8[%get3A_935] {strides = array<i32>} : memref<512xi32, #tpu.memory_space<vmem>>, vector<16xi32>,
      %get3A_937 = vector.shape_cast %get3A_936 : vector<16xi32> to vector<16xi32>
      %get3A_938 = arith.constant 144 : index
      %get3A_939 = tpu.vector_load %arg9[%get3A_938] {strides = array<i32>} : memref<512xi32, #tpu.memory_space<vmem>>, vector<16xi32>,
      %get3A_940 = vector.shape_cast %get3A_939 : vector<16xi32> to vector<16xi32>
      %shift_left3A_941 = arith.constant 12 : i32
      %shift_left3A_942 = vector.broadcast %shift_left3A_941 : i32 to vector<16xi32>
      %shift_left3A_943 = arith.shli %get3A_937, %shift_left3A_942 : vector<16xi32>
      %or3A_944 = arith.ori %shift_left3A_943, %get3A_940 : vector<16xi32>
      %swap3A_945 = arith.constant 144 : index
      %swap3A_946 = tpu.vector_load %arg10[%swap3A_945] {strides = array<i32>} : memref<512xi32, #tpu.memory_space<vmem>>, vector<16xi32>,
      %swap3A_947 = vector.shape_cast %swap3A_946 : vector<16xi32> to vector<16xi32>
      %swap3A_948 = vector.shape_cast %or3A_944 : vector<16xi32> to vector<16xi32>
      tpu.vector_store %arg10[%swap3A_945], %swap3A_948 {strides = array<i32>} : memref<512xi32, #tpu.memory_space<vmem>>, vector<16xi32>,
      %get3A_949 = arith.constant 160 : index
      %get3A_950 = tpu.vector_load %arg8[%get3A_949] {strides = array<i32>} : memref<512xi32, #tpu.memory_space<vmem>>, vector<16xi32>,
      %get3A_951 = vector.shape_cast %get3A_950 : vector<16xi32> to vector<16xi32>
      %get3A_952 = arith.constant 160 : index
      %get3A_953 = tpu.vector_load %arg9[%get3A_952] {strides = array<i32>} : memref<512xi32, #tpu.memory_space<vmem>>, vector<16xi32>,
      %get3A_954 = vector.shape_cast %get3A_953 : vector<16xi32> to vector<16xi32>
      %shift_left3A_955 = arith.constant 12 : i32
      %shift_left3A_956 = vector.broadcast %shift_left3A_955 : i32 to vector<16xi32>
      %shift_left3A_957 = arith.shli %get3A_951, %shift_left3A_956 : vector<16xi32>
      %or3A_958 = arith.ori %shift_left3A_957, %get3A_954 : vector<16xi32>
      %swap3A_959 = arith.constant 160 : index
      %swap3A_960 = tpu.vector_load %arg10[%swap3A_959] {strides = array<i32>} : memref<512xi32, #tpu.memory_space<vmem>>, vector<16xi32>,
      %swap3A_961 = vector.shape_cast %swap3A_960 : vector<16xi32> to vector<16xi32>
      %swap3A_962 = vector.shape_cast %or3A_958 : vector<16xi32> to vector<16xi32>
      tpu.vector_store %arg10[%swap3A_959], %swap3A_962 {strides = array<i32>} : memref<512xi32, #tpu.memory_space<vmem>>, vector<16xi32>,
      %get3A_963 = arith.constant 176 : index
      %get3A_964 = tpu.vector_load %arg8[%get3A_963] {strides = array<i32>} : memref<512xi32, #tpu.memory_space<vmem>>, vector<16xi32>,
      %get3A_965 = vector.shape_cast %get3A_964 : vector<16xi32> to vector<16xi32>
      %get3A_966 = arith.constant 176 : index
      %get3A_967 = tpu.vector_load %arg9[%get3A_966] {strides = array<i32>} : memref<512xi32, #tpu.memory_space<vmem>>, vector<16xi32>,
      %get3A_968 = vector.shape_cast %get3A_967 : vector<16xi32> to vector<16xi32>
      %shift_left3A_969 = arith.constant 12 : i32
      %shift_left3A_970 = vector.broadcast %shift_left3A_969 : i32 to vector<16xi32>
      %shift_left3A_971 = arith.shli %get3A_965, %shift_left3A_970 : vector<16xi32>
      %or3A_972 = arith.ori %shift_left3A_971, %get3A_968 : vector<16xi32>
      %swap3A_973 = arith.constant 176 : index
      %swap3A_974 = tpu.vector_load %arg10[%swap3A_973] {strides = array<i32>} : memref<512xi32, #tpu.memory_space<vmem>>, vector<16xi32>,
      %swap3A_975 = vector.shape_cast %swap3A_974 : vector<16xi32> to vector<16xi32>
      %swap3A_976 = vector.shape_cast %or3A_972 : vector<16xi32> to vector<16xi32>
      tpu.vector_store %arg10[%swap3A_973], %swap3A_976 {strides = array<i32>} : memref<512xi32, #tpu.memory_space<vmem>>, vector<16xi32>,
      %get3A_977 = arith.constant 192 : index
      %get3A_978 = tpu.vector_load %arg8[%get3A_977] {strides = array<i32>} : memref<512xi32, #tpu.memory_space<vmem>>, vector<16xi32>,
      %get3A_979 = vector.shape_cast %get3A_978 : vector<16xi32> to vector<16xi32>
      %get3A_980 = arith.constant 192 : index
      %get3A_981 = tpu.vector_load %arg9[%get3A_980] {strides = array<i32>} : memref<512xi32, #tpu.memory_space<vmem>>, vector<16xi32>,
      %get3A_982 = vector.shape_cast %get3A_981 : vector<16xi32> to vector<16xi32>
      %shift_left3A_983 = arith.constant 12 : i32
      %shift_left3A_984 = vector.broadcast %shift_left3A_983 : i32 to vector<16xi32>
      %shift_left3A_985 = arith.shli %get3A_979, %shift_left3A_984 : vector<16xi32>
      %or3A_986 = arith.ori %shift_left3A_985, %get3A_982 : vector<16xi32>
      %swap3A_987 = arith.constant 192 : index
      %swap3A_988 = tpu.vector_load %arg10[%swap3A_987] {strides = array<i32>} : memref<512xi32, #tpu.memory_space<vmem>>, vector<16xi32>,
      %swap3A_989 = vector.shape_cast %swap3A_988 : vector<16xi32> to vector<16xi32>
      %swap3A_990 = vector.shape_cast %or3A_986 : vector<16xi32> to vector<16xi32>
      tpu.vector_store %arg10[%swap3A_987], %swap3A_990 {strides = array<i32>} : memref<512xi32, #tpu.memory_space<vmem>>, vector<16xi32>,
      %get3A_991 = arith.constant 208 : index
      %get3A_992 = tpu.vector_load %arg8[%get3A_991] {strides = array<i32>} : memref<512xi32, #tpu.memory_space<vmem>>, vector<16xi32>,
      %get3A_993 = vector.shape_cast %get3A_992 : vector<16xi32> to vector<16xi32>
      %get3A_994 = arith.constant 208 : index
      %get3A_995 = tpu.vector_load %arg9[%get3A_994] {strides = array<i32>} : memref<512xi32, #tpu.memory_space<vmem>>, vector<16xi32>,
      %get3A_996 = vector.shape_cast %get3A_995 : vector<16xi32> to vector<16xi32>
      %shift_left3A_997 = arith.constant 12 : i32
      %shift_left3A_998 = vector.broadcast %shift_left3A_997 : i32 to vector<16xi32>
      %shift_left3A_999 = arith.shli %get3A_993, %shift_left3A_998 : vector<16xi32>
      %or3A_1000 = arith.ori %shift_left3A_999, %get3A_996 : vector<16xi32>
      %swap3A_1001 = arith.constant 208 : index
      %swap3A_1002 = tpu.vector_load %arg10[%swap3A_1001] {strides = array<i32>} : memref<512xi32, #tpu.memory_space<vmem>>, vector<16xi32>,
      %swap3A_1003 = vector.shape_cast %swap3A_1002 : vector<16xi32> to vector<16xi32>
      %swap3A_1004 = vector.shape_cast %or3A_1000 : vector<16xi32> to vector<16xi32>
      tpu.vector_store %arg10[%swap3A_1001], %swap3A_1004 {strides = array<i32>} : memref<512xi32, #tpu.memory_space<vmem>>, vector<16xi32>,
      %get3A_1005 = arith.constant 224 : index
      %get3A_1006 = tpu.vector_load %arg8[%get3A_1005] {strides = array<i32>} : memref<512xi32, #tpu.memory_space<vmem>>, vector<16xi32>,
      %get3A_1007 = vector.shape_cast %get3A_1006 : vector<16xi32> to vector<16xi32>
      %get3A_1008 = arith.constant 224 : index
      %get3A_1009 = tpu.vector_load %arg9[%get3A_1008] {strides = array<i32>} : memref<512xi32, #tpu.memory_space<vmem>>, vector<16xi32>,
      %get3A_1010 = vector.shape_cast %get3A_1009 : vector<16xi32> to vector<16xi32>
      %shift_left3A_1011 = arith.constant 12 : i32
      %shift_left3A_1012 = vector.broadcast %shift_left3A_1011 : i32 to vector<16xi32>
      %shift_left3A_1013 = arith.shli %get3A_1007, %shift_left3A_1012 : vector<16xi32>
      %or3A_1014 = arith.ori %shift_left3A_1013, %get3A_1010 : vector<16xi32>
      %swap3A_1015 = arith.constant 224 : index
      %swap3A_1016 = tpu.vector_load %arg10[%swap3A_1015] {strides = array<i32>} : memref<512xi32, #tpu.memory_space<vmem>>, vector<16xi32>,
      %swap3A_1017 = vector.shape_cast %swap3A_1016 : vector<16xi32> to vector<16xi32>
      %swap3A_1018 = vector.shape_cast %or3A_1014 : vector<16xi32> to vector<16xi32>
      tpu.vector_store %arg10[%swap3A_1015], %swap3A_1018 {strides = array<i32>} : memref<512xi32, #tpu.memory_space<vmem>>, vector<16xi32>,
      %get3A_1019 = arith.constant 240 : index
      %get3A_1020 = tpu.vector_load %arg8[%get3A_1019] {strides = array<i32>} : memref<512xi32, #tpu.memory_space<vmem>>, vector<16xi32>,
      %get3A_1021 = vector.shape_cast %get3A_1020 : vector<16xi32> to vector<16xi32>
      %get3A_1022 = arith.constant 240 : index
      %get3A_1023 = tpu.vector_load %arg9[%get3A_1022] {strides = array<i32>} : memref<512xi32, #tpu.memory_space<vmem>>, vector<16xi32>,
      %get3A_1024 = vector.shape_cast %get3A_1023 : vector<16xi32> to vector<16xi32>
      %shift_left3A_1025 = arith.constant 12 : i32
      %shift_left3A_1026 = vector.broadcast %shift_left3A_1025 : i32 to vector<16xi32>
      %shift_left3A_1027 = arith.shli %get3A_1021, %shift_left3A_1026 : vector<16xi32>
      %or3A_1028 = arith.ori %shift_left3A_1027, %get3A_1024 : vector<16xi32>
      %swap3A_1029 = arith.constant 240 : index
      %swap3A_1030 = tpu.vector_load %arg10[%swap3A_1029] {strides = array<i32>} : memref<512xi32, #tpu.memory_space<vmem>>, vector<16xi32>,
      %swap3A_1031 = vector.shape_cast %swap3A_1030 : vector<16xi32> to vector<16xi32>
      %swap3A_1032 = vector.shape_cast %or3A_1028 : vector<16xi32> to vector<16xi32>
      tpu.vector_store %arg10[%swap3A_1029], %swap3A_1032 {strides = array<i32>} : memref<512xi32, #tpu.memory_space<vmem>>, vector<16xi32>,
      %get3A_1033 = arith.constant 256 : index
      %get3A_1034 = tpu.vector_load %arg8[%get3A_1033] {strides = array<i32>} : memref<512xi32, #tpu.memory_space<vmem>>, vector<16xi32>,
      %get3A_1035 = vector.shape_cast %get3A_1034 : vector<16xi32> to vector<16xi32>
      %get3A_1036 = arith.constant 256 : index
      %get3A_1037 = tpu.vector_load %arg9[%get3A_1036] {strides = array<i32>} : memref<512xi32, #tpu.memory_space<vmem>>, vector<16xi32>,
      %get3A_1038 = vector.shape_cast %get3A_1037 : vector<16xi32> to vector<16xi32>
      %shift_left3A_1039 = arith.constant 12 : i32
      %shift_left3A_1040 = vector.broadcast %shift_left3A_1039 : i32 to vector<16xi32>
      %shift_left3A_1041 = arith.shli %get3A_1035, %shift_left3A_1040 : vector<16xi32>
      %or3A_1042 = arith.ori %shift_left3A_1041, %get3A_1038 : vector<16xi32>
      %swap3A_1043 = arith.constant 256 : index
      %swap3A_1044 = tpu.vector_load %arg10[%swap3A_1043] {strides = array<i32>} : memref<512xi32, #tpu.memory_space<vmem>>, vector<16xi32>,
      %swap3A_1045 = vector.shape_cast %swap3A_1044 : vector<16xi32> to vector<16xi32>
      %swap3A_1046 = vector.shape_cast %or3A_1042 : vector<16xi32> to vector<16xi32>
      tpu.vector_store %arg10[%swap3A_1043], %swap3A_1046 {strides = array<i32>} : memref<512xi32, #tpu.memory_space<vmem>>, vector<16xi32>,
      %get3A_1047 = arith.constant 272 : index
      %get3A_1048 = tpu.vector_load %arg8[%get3A_1047] {strides = array<i32>} : memref<512xi32, #tpu.memory_space<vmem>>, vector<16xi32>,
      %get3A_1049 = vector.shape_cast %get3A_1048 : vector<16xi32> to vector<16xi32>
      %get3A_1050 = arith.constant 272 : index
      %get3A_1051 = tpu.vector_load %arg9[%get3A_1050] {strides = array<i32>} : memref<512xi32, #tpu.memory_space<vmem>>, vector<16xi32>,
      %get3A_1052 = vector.shape_cast %get3A_1051 : vector<16xi32> to vector<16xi32>
      %shift_left3A_1053 = arith.constant 12 : i32
      %shift_left3A_1054 = vector.broadcast %shift_left3A_1053 : i32 to vector<16xi32>
      %shift_left3A_1055 = arith.shli %get3A_1049, %shift_left3A_1054 : vector<16xi32>
      %or3A_1056 = arith.ori %shift_left3A_1055, %get3A_1052 : vector<16xi32>
      %swap3A_1057 = arith.constant 272 : index
      %swap3A_1058 = tpu.vector_load %arg10[%swap3A_1057] {strides = array<i32>} : memref<512xi32, #tpu.memory_space<vmem>>, vector<16xi32>,
      %swap3A_1059 = vector.shape_cast %swap3A_1058 : vector<16xi32> to vector<16xi32>
      %swap3A_1060 = vector.shape_cast %or3A_1056 : vector<16xi32> to vector<16xi32>
      tpu.vector_store %arg10[%swap3A_1057], %swap3A_1060 {strides = array<i32>} : memref<512xi32, #tpu.memory_space<vmem>>, vector<16xi32>,
      %get3A_1061 = arith.constant 288 : index
      %get3A_1062 = tpu.vector_load %arg8[%get3A_1061] {strides = array<i32>} : memref<512xi32, #tpu.memory_space<vmem>>, vector<16xi32>,
      %get3A_1063 = vector.shape_cast %get3A_1062 : vector<16xi32> to vector<16xi32>
      %get3A_1064 = arith.constant 288 : index
      %get3A_1065 = tpu.vector_load %arg9[%get3A_1064] {strides = array<i32>} : memref<512xi32, #tpu.memory_space<vmem>>, vector<16xi32>,
      %get3A_1066 = vector.shape_cast %get3A_1065 : vector<16xi32> to vector<16xi32>
      %shift_left3A_1067 = arith.constant 12 : i32
      %shift_left3A_1068 = vector.broadcast %shift_left3A_1067 : i32 to vector<16xi32>
      %shift_left3A_1069 = arith.shli %get3A_1063, %shift_left3A_1068 : vector<16xi32>
      %or3A_1070 = arith.ori %shift_left3A_1069, %get3A_1066 : vector<16xi32>
      %swap3A_1071 = arith.constant 288 : index
      %swap3A_1072 = tpu.vector_load %arg10[%swap3A_1071] {strides = array<i32>} : memref<512xi32, #tpu.memory_space<vmem>>, vector<16xi32>,
      %swap3A_1073 = vector.shape_cast %swap3A_1072 : vector<16xi32> to vector<16xi32>
      %swap3A_1074 = vector.shape_cast %or3A_1070 : vector<16xi32> to vector<16xi32>
      tpu.vector_store %arg10[%swap3A_1071], %swap3A_1074 {strides = array<i32>} : memref<512xi32, #tpu.memory_space<vmem>>, vector<16xi32>,
      %get3A_1075 = arith.constant 304 : index
      %get3A_1076 = tpu.vector_load %arg8[%get3A_1075] {strides = array<i32>} : memref<512xi32, #tpu.memory_space<vmem>>, vector<16xi32>,
      %get3A_1077 = vector.shape_cast %get3A_1076 : vector<16xi32> to vector<16xi32>
      %get3A_1078 = arith.constant 304 : index
      %get3A_1079 = tpu.vector_load %arg9[%get3A_1078] {strides = array<i32>} : memref<512xi32, #tpu.memory_space<vmem>>, vector<16xi32>,
      %get3A_1080 = vector.shape_cast %get3A_1079 : vector<16xi32> to vector<16xi32>
      %shift_left3A_1081 = arith.constant 12 : i32
      %shift_left3A_1082 = vector.broadcast %shift_left3A_1081 : i32 to vector<16xi32>
      %shift_left3A_1083 = arith.shli %get3A_1077, %shift_left3A_1082 : vector<16xi32>
      %or3A_1084 = arith.ori %shift_left3A_1083, %get3A_1080 : vector<16xi32>
      %swap3A_1085 = arith.constant 304 : index
      %swap3A_1086 = tpu.vector_load %arg10[%swap3A_1085] {strides = array<i32>} : memref<512xi32, #tpu.memory_space<vmem>>, vector<16xi32>,
      %swap3A_1087 = vector.shape_cast %swap3A_1086 : vector<16xi32> to vector<16xi32>
      %swap3A_1088 = vector.shape_cast %or3A_1084 : vector<16xi32> to vector<16xi32>
      tpu.vector_store %arg10[%swap3A_1085], %swap3A_1088 {strides = array<i32>} : memref<512xi32, #tpu.memory_space<vmem>>, vector<16xi32>,
      %get3A_1089 = arith.constant 320 : index
      %get3A_1090 = tpu.vector_load %arg8[%get3A_1089] {strides = array<i32>} : memref<512xi32, #tpu.memory_space<vmem>>, vector<16xi32>,
      %get3A_1091 = vector.shape_cast %get3A_1090 : vector<16xi32> to vector<16xi32>
      %get3A_1092 = arith.constant 320 : index
      %get3A_1093 = tpu.vector_load %arg9[%get3A_1092] {strides = array<i32>} : memref<512xi32, #tpu.memory_space<vmem>>, vector<16xi32>,
      %get3A_1094 = vector.shape_cast %get3A_1093 : vector<16xi32> to vector<16xi32>
      %shift_left3A_1095 = arith.constant 12 : i32
      %shift_left3A_1096 = vector.broadcast %shift_left3A_1095 : i32 to vector<16xi32>
      %shift_left3A_1097 = arith.shli %get3A_1091, %shift_left3A_1096 : vector<16xi32>
      %or3A_1098 = arith.ori %shift_left3A_1097, %get3A_1094 : vector<16xi32>
      %swap3A_1099 = arith.constant 320 : index
      %swap3A_1100 = tpu.vector_load %arg10[%swap3A_1099] {strides = array<i32>} : memref<512xi32, #tpu.memory_space<vmem>>, vector<16xi32>,
      %swap3A_1101 = vector.shape_cast %swap3A_1100 : vector<16xi32> to vector<16xi32>
      %swap3A_1102 = vector.shape_cast %or3A_1098 : vector<16xi32> to vector<16xi32>
      tpu.vector_store %arg10[%swap3A_1099], %swap3A_1102 {strides = array<i32>} : memref<512xi32, #tpu.memory_space<vmem>>, vector<16xi32>,
      %get3A_1103 = arith.constant 336 : index
      %get3A_1104 = tpu.vector_load %arg8[%get3A_1103] {strides = array<i32>} : memref<512xi32, #tpu.memory_space<vmem>>, vector<16xi32>,
      %get3A_1105 = vector.shape_cast %get3A_1104 : vector<16xi32> to vector<16xi32>
      %get3A_1106 = arith.constant 336 : index
      %get3A_1107 = tpu.vector_load %arg9[%get3A_1106] {strides = array<i32>} : memref<512xi32, #tpu.memory_space<vmem>>, vector<16xi32>,
      %get3A_1108 = vector.shape_cast %get3A_1107 : vector<16xi32> to vector<16xi32>
      %shift_left3A_1109 = arith.constant 12 : i32
      %shift_left3A_1110 = vector.broadcast %shift_left3A_1109 : i32 to vector<16xi32>
      %shift_left3A_1111 = arith.shli %get3A_1105, %shift_left3A_1110 : vector<16xi32>
      %or3A_1112 = arith.ori %shift_left3A_1111, %get3A_1108 : vector<16xi32>
      %swap3A_1113 = arith.constant 336 : index
      %swap3A_1114 = tpu.vector_load %arg10[%swap3A_1113] {strides = array<i32>} : memref<512xi32, #tpu.memory_space<vmem>>, vector<16xi32>,
      %swap3A_1115 = vector.shape_cast %swap3A_1114 : vector<16xi32> to vector<16xi32>
      %swap3A_1116 = vector.shape_cast %or3A_1112 : vector<16xi32> to vector<16xi32>
      tpu.vector_store %arg10[%swap3A_1113], %swap3A_1116 {strides = array<i32>} : memref<512xi32, #tpu.memory_space<vmem>>, vector<16xi32>,
      %get3A_1117 = arith.constant 352 : index
      %get3A_1118 = tpu.vector_load %arg8[%get3A_1117] {strides = array<i32>} : memref<512xi32, #tpu.memory_space<vmem>>, vector<16xi32>,
      %get3A_1119 = vector.shape_cast %get3A_1118 : vector<16xi32> to vector<16xi32>
      %get3A_1120 = arith.constant 352 : index
      %get3A_1121 = tpu.vector_load %arg9[%get3A_1120] {strides = array<i32>} : memref<512xi32, #tpu.memory_space<vmem>>, vector<16xi32>,
      %get3A_1122 = vector.shape_cast %get3A_1121 : vector<16xi32> to vector<16xi32>
      %shift_left3A_1123 = arith.constant 12 : i32
      %shift_left3A_1124 = vector.broadcast %shift_left3A_1123 : i32 to vector<16xi32>
      %shift_left3A_1125 = arith.shli %get3A_1119, %shift_left3A_1124 : vector<16xi32>
      %or3A_1126 = arith.ori %shift_left3A_1125, %get3A_1122 : vector<16xi32>
      %swap3A_1127 = arith.constant 352 : index
      %swap3A_1128 = tpu.vector_load %arg10[%swap3A_1127] {strides = array<i32>} : memref<512xi32, #tpu.memory_space<vmem>>, vector<16xi32>,
      %swap3A_1129 = vector.shape_cast %swap3A_1128 : vector<16xi32> to vector<16xi32>
      %swap3A_1130 = vector.shape_cast %or3A_1126 : vector<16xi32> to vector<16xi32>
      tpu.vector_store %arg10[%swap3A_1127], %swap3A_1130 {strides = array<i32>} : memref<512xi32, #tpu.memory_space<vmem>>, vector<16xi32>,
      %get3A_1131 = arith.constant 368 : index
      %get3A_1132 = tpu.vector_load %arg8[%get3A_1131] {strides = array<i32>} : memref<512xi32, #tpu.memory_space<vmem>>, vector<16xi32>,
      %get3A_1133 = vector.shape_cast %get3A_1132 : vector<16xi32> to vector<16xi32>
      %get3A_1134 = arith.constant 368 : index
      %get3A_1135 = tpu.vector_load %arg9[%get3A_1134] {strides = array<i32>} : memref<512xi32, #tpu.memory_space<vmem>>, vector<16xi32>,
      %get3A_1136 = vector.shape_cast %get3A_1135 : vector<16xi32> to vector<16xi32>
      %shift_left3A_1137 = arith.constant 12 : i32
      %shift_left3A_1138 = vector.broadcast %shift_left3A_1137 : i32 to vector<16xi32>
      %shift_left3A_1139 = arith.shli %get3A_1133, %shift_left3A_1138 : vector<16xi32>
      %or3A_1140 = arith.ori %shift_left3A_1139, %get3A_1136 : vector<16xi32>
      %swap3A_1141 = arith.constant 368 : index
      %swap3A_1142 = tpu.vector_load %arg10[%swap3A_1141] {strides = array<i32>} : memref<512xi32, #tpu.memory_space<vmem>>, vector<16xi32>,
      %swap3A_1143 = vector.shape_cast %swap3A_1142 : vector<16xi32> to vector<16xi32>
      %swap3A_1144 = vector.shape_cast %or3A_1140 : vector<16xi32> to vector<16xi32>
      tpu.vector_store %arg10[%swap3A_1141], %swap3A_1144 {strides = array<i32>} : memref<512xi32, #tpu.memory_space<vmem>>, vector<16xi32>,
      %get3A_1145 = arith.constant 384 : index
      %get3A_1146 = tpu.vector_load %arg8[%get3A_1145] {strides = array<i32>} : memref<512xi32, #tpu.memory_space<vmem>>, vector<16xi32>,
      %get3A_1147 = vector.shape_cast %get3A_1146 : vector<16xi32> to vector<16xi32>
      %get3A_1148 = arith.constant 384 : index
      %get3A_1149 = tpu.vector_load %arg9[%get3A_1148] {strides = array<i32>} : memref<512xi32, #tpu.memory_space<vmem>>, vector<16xi32>,
      %get3A_1150 = vector.shape_cast %get3A_1149 : vector<16xi32> to vector<16xi32>
      %shift_left3A_1151 = arith.constant 12 : i32
      %shift_left3A_1152 = vector.broadcast %shift_left3A_1151 : i32 to vector<16xi32>
      %shift_left3A_1153 = arith.shli %get3A_1147, %shift_left3A_1152 : vector<16xi32>
      %or3A_1154 = arith.ori %shift_left3A_1153, %get3A_1150 : vector<16xi32>
      %swap3A_1155 = arith.constant 384 : index
      %swap3A_1156 = tpu.vector_load %arg10[%swap3A_1155] {strides = array<i32>} : memref<512xi32, #tpu.memory_space<vmem>>, vector<16xi32>,
      %swap3A_1157 = vector.shape_cast %swap3A_1156 : vector<16xi32> to vector<16xi32>
      %swap3A_1158 = vector.shape_cast %or3A_1154 : vector<16xi32> to vector<16xi32>
      tpu.vector_store %arg10[%swap3A_1155], %swap3A_1158 {strides = array<i32>} : memref<512xi32, #tpu.memory_space<vmem>>, vector<16xi32>,
      %get3A_1159 = arith.constant 400 : index
      %get3A_1160 = tpu.vector_load %arg8[%get3A_1159] {strides = array<i32>} : memref<512xi32, #tpu.memory_space<vmem>>, vector<16xi32>,
      %get3A_1161 = vector.shape_cast %get3A_1160 : vector<16xi32> to vector<16xi32>
      %get3A_1162 = arith.constant 400 : index
      %get3A_1163 = tpu.vector_load %arg9[%get3A_1162] {strides = array<i32>} : memref<512xi32, #tpu.memory_space<vmem>>, vector<16xi32>,
      %get3A_1164 = vector.shape_cast %get3A_1163 : vector<16xi32> to vector<16xi32>
      %shift_left3A_1165 = arith.constant 12 : i32
      %shift_left3A_1166 = vector.broadcast %shift_left3A_1165 : i32 to vector<16xi32>
      %shift_left3A_1167 = arith.shli %get3A_1161, %shift_left3A_1166 : vector<16xi32>
      %or3A_1168 = arith.ori %shift_left3A_1167, %get3A_1164 : vector<16xi32>
      %swap3A_1169 = arith.constant 400 : index
      %swap3A_1170 = tpu.vector_load %arg10[%swap3A_1169] {strides = array<i32>} : memref<512xi32, #tpu.memory_space<vmem>>, vector<16xi32>,
      %swap3A_1171 = vector.shape_cast %swap3A_1170 : vector<16xi32> to vector<16xi32>
      %swap3A_1172 = vector.shape_cast %or3A_1168 : vector<16xi32> to vector<16xi32>
      tpu.vector_store %arg10[%swap3A_1169], %swap3A_1172 {strides = array<i32>} : memref<512xi32, #tpu.memory_space<vmem>>, vector<16xi32>,
      %get3A_1173 = arith.constant 416 : index
      %get3A_1174 = tpu.vector_load %arg8[%get3A_1173] {strides = array<i32>} : memref<512xi32, #tpu.memory_space<vmem>>, vector<16xi32>,
      %get3A_1175 = vector.shape_cast %get3A_1174 : vector<16xi32> to vector<16xi32>
      %get3A_1176 = arith.constant 416 : index
      %get3A_1177 = tpu.vector_load %arg9[%get3A_1176] {strides = array<i32>} : memref<512xi32, #tpu.memory_space<vmem>>, vector<16xi32>,
      %get3A_1178 = vector.shape_cast %get3A_1177 : vector<16xi32> to vector<16xi32>
      %shift_left3A_1179 = arith.constant 12 : i32
      %shift_left3A_1180 = vector.broadcast %shift_left3A_1179 : i32 to vector<16xi32>
      %shift_left3A_1181 = arith.shli %get3A_1175, %shift_left3A_1180 : vector<16xi32>
      %or3A_1182 = arith.ori %shift_left3A_1181, %get3A_1178 : vector<16xi32>
      %swap3A_1183 = arith.constant 416 : index
      %swap3A_1184 = tpu.vector_load %arg10[%swap3A_1183] {strides = array<i32>} : memref<512xi32, #tpu.memory_space<vmem>>, vector<16xi32>,
      %swap3A_1185 = vector.shape_cast %swap3A_1184 : vector<16xi32> to vector<16xi32>
      %swap3A_1186 = vector.shape_cast %or3A_1182 : vector<16xi32> to vector<16xi32>
      tpu.vector_store %arg10[%swap3A_1183], %swap3A_1186 {strides = array<i32>} : memref<512xi32, #tpu.memory_space<vmem>>, vector<16xi32>,
      %get3A_1187 = arith.constant 432 : index
      %get3A_1188 = tpu.vector_load %arg8[%get3A_1187] {strides = array<i32>} : memref<512xi32, #tpu.memory_space<vmem>>, vector<16xi32>,
      %get3A_1189 = vector.shape_cast %get3A_1188 : vector<16xi32> to vector<16xi32>
      %get3A_1190 = arith.constant 432 : index
      %get3A_1191 = tpu.vector_load %arg9[%get3A_1190] {strides = array<i32>} : memref<512xi32, #tpu.memory_space<vmem>>, vector<16xi32>,
      %get3A_1192 = vector.shape_cast %get3A_1191 : vector<16xi32> to vector<16xi32>
      %shift_left3A_1193 = arith.constant 12 : i32
      %shift_left3A_1194 = vector.broadcast %shift_left3A_1193 : i32 to vector<16xi32>
      %shift_left3A_1195 = arith.shli %get3A_1189, %shift_left3A_1194 : vector<16xi32>
      %or3A_1196 = arith.ori %shift_left3A_1195, %get3A_1192 : vector<16xi32>
      %swap3A_1197 = arith.constant 432 : index
      %swap3A_1198 = tpu.vector_load %arg10[%swap3A_1197] {strides = array<i32>} : memref<512xi32, #tpu.memory_space<vmem>>, vector<16xi32>,
      %swap3A_1199 = vector.shape_cast %swap3A_1198 : vector<16xi32> to vector<16xi32>
      %swap3A_1200 = vector.shape_cast %or3A_1196 : vector<16xi32> to vector<16xi32>
      tpu.vector_store %arg10[%swap3A_1197], %swap3A_1200 {strides = array<i32>} : memref<512xi32, #tpu.memory_space<vmem>>, vector<16xi32>,
      %get3A_1201 = arith.constant 448 : index
      %get3A_1202 = tpu.vector_load %arg8[%get3A_1201] {strides = array<i32>} : memref<512xi32, #tpu.memory_space<vmem>>, vector<16xi32>,
      %get3A_1203 = vector.shape_cast %get3A_1202 : vector<16xi32> to vector<16xi32>
      %get3A_1204 = arith.constant 448 : index
      %get3A_1205 = tpu.vector_load %arg9[%get3A_1204] {strides = array<i32>} : memref<512xi32, #tpu.memory_space<vmem>>, vector<16xi32>,
      %get3A_1206 = vector.shape_cast %get3A_1205 : vector<16xi32> to vector<16xi32>
      %shift_left3A_1207 = arith.constant 12 : i32
      %shift_left3A_1208 = vector.broadcast %shift_left3A_1207 : i32 to vector<16xi32>
      %shift_left3A_1209 = arith.shli %get3A_1203, %shift_left3A_1208 : vector<16xi32>
      %or3A_1210 = arith.ori %shift_left3A_1209, %get3A_1206 : vector<16xi32>
      %swap3A_1211 = arith.constant 448 : index
      %swap3A_1212 = tpu.vector_load %arg10[%swap3A_1211] {strides = array<i32>} : memref<512xi32, #tpu.memory_space<vmem>>, vector<16xi32>,
      %swap3A_1213 = vector.shape_cast %swap3A_1212 : vector<16xi32> to vector<16xi32>
      %swap3A_1214 = vector.shape_cast %or3A_1210 : vector<16xi32> to vector<16xi32>
      tpu.vector_store %arg10[%swap3A_1211], %swap3A_1214 {strides = array<i32>} : memref<512xi32, #tpu.memory_space<vmem>>, vector<16xi32>,
      %get3A_1215 = arith.constant 464 : index
      %get3A_1216 = tpu.vector_load %arg8[%get3A_1215] {strides = array<i32>} : memref<512xi32, #tpu.memory_space<vmem>>, vector<16xi32>,
      %get3A_1217 = vector.shape_cast %get3A_1216 : vector<16xi32> to vector<16xi32>
      %get3A_1218 = arith.constant 464 : index
      %get3A_1219 = tpu.vector_load %arg9[%get3A_1218] {strides = array<i32>} : memref<512xi32, #tpu.memory_space<vmem>>, vector<16xi32>,
      %get3A_1220 = vector.shape_cast %get3A_1219 : vector<16xi32> to vector<16xi32>
      %shift_left3A_1221 = arith.constant 12 : i32
      %shift_left3A_1222 = vector.broadcast %shift_left3A_1221 : i32 to vector<16xi32>
      %shift_left3A_1223 = arith.shli %get3A_1217, %shift_left3A_1222 : vector<16xi32>
      %or3A_1224 = arith.ori %shift_left3A_1223, %get3A_1220 : vector<16xi32>
      %swap3A_1225 = arith.constant 464 : index
      %swap3A_1226 = tpu.vector_load %arg10[%swap3A_1225] {strides = array<i32>} : memref<512xi32, #tpu.memory_space<vmem>>, vector<16xi32>,
      %swap3A_1227 = vector.shape_cast %swap3A_1226 : vector<16xi32> to vector<16xi32>
      %swap3A_1228 = vector.shape_cast %or3A_1224 : vector<16xi32> to vector<16xi32>
      tpu.vector_store %arg10[%swap3A_1225], %swap3A_1228 {strides = array<i32>} : memref<512xi32, #tpu.memory_space<vmem>>, vector<16xi32>,
      %get3A_1229 = arith.constant 480 : index
      %get3A_1230 = tpu.vector_load %arg8[%get3A_1229] {strides = array<i32>} : memref<512xi32, #tpu.memory_space<vmem>>, vector<16xi32>,
      %get3A_1231 = vector.shape_cast %get3A_1230 : vector<16xi32> to vector<16xi32>
      %get3A_1232 = arith.constant 480 : index
      %get3A_1233 = tpu.vector_load %arg9[%get3A_1232] {strides = array<i32>} : memref<512xi32, #tpu.memory_space<vmem>>, vector<16xi32>,
      %get3A_1234 = vector.shape_cast %get3A_1233 : vector<16xi32> to vector<16xi32>
      %shift_left3A_1235 = arith.constant 12 : i32
      %shift_left3A_1236 = vector.broadcast %shift_left3A_1235 : i32 to vector<16xi32>
      %shift_left3A_1237 = arith.shli %get3A_1231, %shift_left3A_1236 : vector<16xi32>
      %or3A_1238 = arith.ori %shift_left3A_1237, %get3A_1234 : vector<16xi32>
      %swap3A_1239 = arith.constant 480 : index
      %swap3A_1240 = tpu.vector_load %arg10[%swap3A_1239] {strides = array<i32>} : memref<512xi32, #tpu.memory_space<vmem>>, vector<16xi32>,
      %swap3A_1241 = vector.shape_cast %swap3A_1240 : vector<16xi32> to vector<16xi32>
      %swap3A_1242 = vector.shape_cast %or3A_1238 : vector<16xi32> to vector<16xi32>
      tpu.vector_store %arg10[%swap3A_1239], %swap3A_1242 {strides = array<i32>} : memref<512xi32, #tpu.memory_space<vmem>>, vector<16xi32>,
      %get3A_1243 = arith.constant 496 : index
      %get3A_1244 = tpu.vector_load %arg8[%get3A_1243] {strides = array<i32>} : memref<512xi32, #tpu.memory_space<vmem>>, vector<16xi32>,
      %get3A_1245 = vector.shape_cast %get3A_1244 : vector<16xi32> to vector<16xi32>
      %get3A_1246 = arith.constant 496 : index
      %get3A_1247 = tpu.vector_load %arg9[%get3A_1246] {strides = array<i32>} : memref<512xi32, #tpu.memory_space<vmem>>, vector<16xi32>,
      %get3A_1248 = vector.shape_cast %get3A_1247 : vector<16xi32> to vector<16xi32>
      %shift_left3A_1249 = arith.constant 12 : i32
      %shift_left3A_1250 = vector.broadcast %shift_left3A_1249 : i32 to vector<16xi32>
      %shift_left3A_1251 = arith.shli %get3A_1245, %shift_left3A_1250 : vector<16xi32>
      %or3A_1252 = arith.ori %shift_left3A_1251, %get3A_1248 : vector<16xi32>
      %swap3A_1253 = arith.constant 496 : index
      %swap3A_1254 = tpu.vector_load %arg10[%swap3A_1253] {strides = array<i32>} : memref<512xi32, #tpu.memory_space<vmem>>, vector<16xi32>,
      %swap3A_1255 = vector.shape_cast %swap3A_1254 : vector<16xi32> to vector<16xi32>
      %swap3A_1256 = vector.shape_cast %or3A_1252 : vector<16xi32> to vector<16xi32>
      tpu.vector_store %arg10[%swap3A_1253], %swap3A_1256 {strides = array<i32>} : memref<512xi32, #tpu.memory_space<vmem>>, vector<16xi32>,
      %dma_start3A = arith.constant 0 : i32
      %dma_start3A_1257 = tpu.memref_slice %arg11[%dma_start3A] : memref<512xi32, #tpu.memory_space<vmem>> -> memref<128xi32, #tpu.memory_space<vmem>>
      %dma_start3A_1258 = arith.constant 0 : i32
      %dma_start3A_1259 = tpu.memref_slice %arg10[%dma_start3A_1258] : memref<512xi32, #tpu.memory_space<vmem>> -> memref<128xi32, #tpu.memory_space<vmem>>
      %dma_start3A_1260 = arith.constant 0 : i32
      %dma_start3A_1261 = tpu.memref_slice %arg4[%dma_start3A_1260] : memref<16777216xi32, #tpu.memory_space<hbm>> -> memref<16777216xi32, #tpu.memory_space<hbm>>
      tpu.enqueue_indirect_dma source(%dma_start3A_1261 : memref<16777216xi32, #tpu.memory_space<hbm>>) target(%dma_start3A_1257 : memref<128xi32, #tpu.memory_space<vmem>>) offsets(%dma_start3A_1259 : memref<128xi32, #tpu.memory_space<vmem>>) semaphore(%arg23 : memref<!tpu.dma_semaphore, #tpu.memory_space<semaphore_mem>>)
      %dma_start3A_1262 = arith.constant 0 : i32
      %dma_start3A_1263 = arith.constant 0 : i32
      %dma_start3A_1264 = arith.constant 0 : i32
      %dma_start3A_1265 = tpu.memref_slice %arg17[%dma_start3A_1262, %dma_start3A_1263, %dma_start3A_1264] : memref<4x128x128xf32, #tpu.memory_space<vmem>> -> memref<1x128x128xf32, #tpu.memory_space<vmem>>
      %dma_start3A_1266 = tpu.memref_squeeze %dma_start3A_1265 : memref<1x128x128xf32, #tpu.memory_space<vmem>> -> memref<128x128xf32, #tpu.memory_space<vmem>>
      %dma_start3A_1267 = arith.constant 0 : i32
      %dma_start3A_1268 = tpu.memref_slice %arg9[%dma_start3A_1267] : memref<512xi32, #tpu.memory_space<vmem>> -> memref<128xi32, #tpu.memory_space<vmem>>
      %dma_start3A_1269 = arith.constant 0 : i32
      %dma_start3A_1270 = arith.constant 0 : i32
      %dma_start3A_1271 = tpu.memref_slice %arg5[%dma_start3A_1269, %dma_start3A_1270] : memref<4096x128xf32, #tpu.memory_space<hbm>> -> memref<4096x128xf32, #tpu.memory_space<hbm>>
      tpu.enqueue_indirect_dma source(%dma_start3A_1271 : memref<4096x128xf32, #tpu.memory_space<hbm>>) target(%dma_start3A_1266 : memref<128x128xf32, #tpu.memory_space<vmem>>) offsets(%dma_start3A_1268 : memref<128xi32, #tpu.memory_space<vmem>>) semaphore(%arg24 : memref<!tpu.dma_semaphore, #tpu.memory_space<semaphore_mem>>)
      %dma_start3A_1272 = arith.constant 128 : i32
      %dma_start3A_1273 = tpu.memref_slice %arg11[%dma_start3A_1272] : memref<512xi32, #tpu.memory_space<vmem>> -> memref<128xi32, #tpu.memory_space<vmem>>
      %dma_start3A_1274 = arith.constant 128 : i32
      %dma_start3A_1275 = tpu.memref_slice %arg10[%dma_start3A_1274] : memref<512xi32, #tpu.memory_space<vmem>> -> memref<128xi32, #tpu.memory_space<vmem>>
      %dma_start3A_1276 = arith.constant 0 : i32
      %dma_start3A_1277 = tpu.memref_slice %arg4[%dma_start3A_1276] : memref<16777216xi32, #tpu.memory_space<hbm>> -> memref<16777216xi32, #tpu.memory_space<hbm>>
      tpu.enqueue_indirect_dma source(%dma_start3A_1277 : memref<16777216xi32, #tpu.memory_space<hbm>>) target(%dma_start3A_1273 : memref<128xi32, #tpu.memory_space<vmem>>) offsets(%dma_start3A_1275 : memref<128xi32, #tpu.memory_space<vmem>>) semaphore(%arg23 : memref<!tpu.dma_semaphore, #tpu.memory_space<semaphore_mem>>)
      %dma_start3A_1278 = arith.constant 1 : i32
      %dma_start3A_1279 = arith.constant 0 : i32
      %dma_start3A_1280 = arith.constant 0 : i32
      %dma_start3A_1281 = tpu.memref_slice %arg17[%dma_start3A_1278, %dma_start3A_1279, %dma_start3A_1280] : memref<4x128x128xf32, #tpu.memory_space<vmem>> -> memref<1x128x128xf32, #tpu.memory_space<vmem>>
      %dma_start3A_1282 = tpu.memref_squeeze %dma_start3A_1281 : memref<1x128x128xf32, #tpu.memory_space<vmem>> -> memref<128x128xf32, #tpu.memory_space<vmem>>
      %dma_start3A_1283 = arith.constant 128 : i32
      %dma_start3A_1284 = tpu.memref_slice %arg9[%dma_start3A_1283] : memref<512xi32, #tpu.memory_space<vmem>> -> memref<128xi32, #tpu.memory_space<vmem>>
      %dma_start3A_1285 = arith.constant 0 : i32
      %dma_start3A_1286 = arith.constant 0 : i32
      %dma_start3A_1287 = tpu.memref_slice %arg5[%dma_start3A_1285, %dma_start3A_1286] : memref<4096x128xf32, #tpu.memory_space<hbm>> -> memref<4096x128xf32, #tpu.memory_space<hbm>>
      tpu.enqueue_indirect_dma source(%dma_start3A_1287 : memref<4096x128xf32, #tpu.memory_space<hbm>>) target(%dma_start3A_1282 : memref<128x128xf32, #tpu.memory_space<vmem>>) offsets(%dma_start3A_1284 : memref<128xi32, #tpu.memory_space<vmem>>) semaphore(%arg24 : memref<!tpu.dma_semaphore, #tpu.memory_space<semaphore_mem>>)
      %dma_start3A_1288 = arith.constant 256 : i32
      %dma_start3A_1289 = tpu.memref_slice %arg11[%dma_start3A_1288] : memref<512xi32, #tpu.memory_space<vmem>> -> memref<128xi32, #tpu.memory_space<vmem>>
      %dma_start3A_1290 = arith.constant 256 : i32
      %dma_start3A_1291 = tpu.memref_slice %arg10[%dma_start3A_1290] : memref<512xi32, #tpu.memory_space<vmem>> -> memref<128xi32, #tpu.memory_space<vmem>>
      %dma_start3A_1292 = arith.constant 0 : i32
      %dma_start3A_1293 = tpu.memref_slice %arg4[%dma_start3A_1292] : memref<16777216xi32, #tpu.memory_space<hbm>> -> memref<16777216xi32, #tpu.memory_space<hbm>>
      tpu.enqueue_indirect_dma source(%dma_start3A_1293 : memref<16777216xi32, #tpu.memory_space<hbm>>) target(%dma_start3A_1289 : memref<128xi32, #tpu.memory_space<vmem>>) offsets(%dma_start3A_1291 : memref<128xi32, #tpu.memory_space<vmem>>) semaphore(%arg23 : memref<!tpu.dma_semaphore, #tpu.memory_space<semaphore_mem>>)
      %dma_start3A_1294 = arith.constant 2 : i32
      %dma_start3A_1295 = arith.constant 0 : i32
      %dma_start3A_1296 = arith.constant 0 : i32
      %dma_start3A_1297 = tpu.memref_slice %arg17[%dma_start3A_1294, %dma_start3A_1295, %dma_start3A_1296] : memref<4x128x128xf32, #tpu.memory_space<vmem>> -> memref<1x128x128xf32, #tpu.memory_space<vmem>>
      %dma_start3A_1298 = tpu.memref_squeeze %dma_start3A_1297 : memref<1x128x128xf32, #tpu.memory_space<vmem>> -> memref<128x128xf32, #tpu.memory_space<vmem>>
      %dma_start3A_1299 = arith.constant 256 : i32
      %dma_start3A_1300 = tpu.memref_slice %arg9[%dma_start3A_1299] : memref<512xi32, #tpu.memory_space<vmem>> -> memref<128xi32, #tpu.memory_space<vmem>>
      %dma_start3A_1301 = arith.constant 0 : i32
      %dma_start3A_1302 = arith.constant 0 : i32
      %dma_start3A_1303 = tpu.memref_slice %arg5[%dma_start3A_1301, %dma_start3A_1302] : memref<4096x128xf32, #tpu.memory_space<hbm>> -> memref<4096x128xf32, #tpu.memory_space<hbm>>
      tpu.enqueue_indirect_dma source(%dma_start3A_1303 : memref<4096x128xf32, #tpu.memory_space<hbm>>) target(%dma_start3A_1298 : memref<128x128xf32, #tpu.memory_space<vmem>>) offsets(%dma_start3A_1300 : memref<128xi32, #tpu.memory_space<vmem>>) semaphore(%arg24 : memref<!tpu.dma_semaphore, #tpu.memory_space<semaphore_mem>>)
      %dma_start3A_1304 = arith.constant 384 : i32
      %dma_start3A_1305 = tpu.memref_slice %arg11[%dma_start3A_1304] : memref<512xi32, #tpu.memory_space<vmem>> -> memref<128xi32, #tpu.memory_space<vmem>>
      %dma_start3A_1306 = arith.constant 384 : i32
      %dma_start3A_1307 = tpu.memref_slice %arg10[%dma_start3A_1306] : memref<512xi32, #tpu.memory_space<vmem>> -> memref<128xi32, #tpu.memory_space<vmem>>
      %dma_start3A_1308 = arith.constant 0 : i32
      %dma_start3A_1309 = tpu.memref_slice %arg4[%dma_start3A_1308] : memref<16777216xi32, #tpu.memory_space<hbm>> -> memref<16777216xi32, #tpu.memory_space<hbm>>
      tpu.enqueue_indirect_dma source(%dma_start3A_1309 : memref<16777216xi32, #tpu.memory_space<hbm>>) target(%dma_start3A_1305 : memref<128xi32, #tpu.memory_space<vmem>>) offsets(%dma_start3A_1307 : memref<128xi32, #tpu.memory_space<vmem>>) semaphore(%arg23 : memref<!tpu.dma_semaphore, #tpu.memory_space<semaphore_mem>>)
      %dma_start3A_1310 = arith.constant 3 : i32
      %dma_start3A_1311 = arith.constant 0 : i32
      %dma_start3A_1312 = arith.constant 0 : i32
      %dma_start3A_1313 = tpu.memref_slice %arg17[%dma_start3A_1310, %dma_start3A_1311, %dma_start3A_1312] : memref<4x128x128xf32, #tpu.memory_space<vmem>> -> memref<1x128x128xf32, #tpu.memory_space<vmem>>
      %dma_start3A_1314 = tpu.memref_squeeze %dma_start3A_1313 : memref<1x128x128xf32, #tpu.memory_space<vmem>> -> memref<128x128xf32, #tpu.memory_space<vmem>>
      %dma_start3A_1315 = arith.constant 384 : i32
      %dma_start3A_1316 = tpu.memref_slice %arg9[%dma_start3A_1315] : memref<512xi32, #tpu.memory_space<vmem>> -> memref<128xi32, #tpu.memory_space<vmem>>
      %dma_start3A_1317 = arith.constant 0 : i32
      %dma_start3A_1318 = arith.constant 0 : i32
      %dma_start3A_1319 = tpu.memref_slice %arg5[%dma_start3A_1317, %dma_start3A_1318] : memref<4096x128xf32, #tpu.memory_space<hbm>> -> memref<4096x128xf32, #tpu.memory_space<hbm>>
      tpu.enqueue_indirect_dma source(%dma_start3A_1319 : memref<4096x128xf32, #tpu.memory_space<hbm>>) target(%dma_start3A_1314 : memref<128x128xf32, #tpu.memory_space<vmem>>) offsets(%dma_start3A_1316 : memref<128xi32, #tpu.memory_space<vmem>>) semaphore(%arg24 : memref<!tpu.dma_semaphore, #tpu.memory_space<semaphore_mem>>)
      %dma_wait3A = arith.constant 0 : i32
      %dma_wait3A_1320 = tpu.memref_slice %arg11[%dma_wait3A] : memref<512xi32, #tpu.memory_space<vmem>> -> memref<128xi32, #tpu.memory_space<vmem>>
      %dma_wait3A_1321 = arith.constant 0 : i32
      %dma_wait3A_1322 = tpu.memref_slice %arg10[%dma_wait3A_1321] : memref<512xi32, #tpu.memory_space<vmem>> -> memref<128xi32, #tpu.memory_space<vmem>>
      %dma_wait3A_1323 = arith.constant 0 : i32
      %dma_wait3A_1324 = tpu.memref_slice %arg4[%dma_wait3A_1323] : memref<16777216xi32, #tpu.memory_space<hbm>> -> memref<16777216xi32, #tpu.memory_space<hbm>>
      tpu.wait_indirect_dma semaphore(%arg23 : memref<!tpu.dma_semaphore, #tpu.memory_space<semaphore_mem>>) src(%dma_wait3A_1324 : memref<16777216xi32, #tpu.memory_space<hbm>>) dst(%dma_wait3A_1320 : memref<128xi32, #tpu.memory_space<vmem>>)
      %get3A_1325 = arith.constant 0 : index
      %get3A_1326 = tpu.vector_load %arg11[%get3A_1325] {strides = array<i32>} : memref<512xi32, #tpu.memory_space<vmem>>, vector<16xi32>,
      %get3A_1327 = vector.shape_cast %get3A_1326 : vector<16xi32> to vector<16xi32>
      %add3A_1328 = arith.constant 0 : i32
      %add3A_1329 = arith.addi %add3A_811, %add3A_1328 : i32
      %add3A_1330 = vector.broadcast %add3A_1329 : i32 to vector<16xi32>
      %add3A_1331 = arith.addi %add3A_1330, %iota3A : vector<16xi32>
      %eq3A = arith.cmpi eq, %get3A_1327, %add3A_1331 : vector<16xi32>
      %get3A_1332 = arith.constant 0 : index
      %get3A_1333 = tpu.vector_load %arg8[%get3A_1332] {strides = array<i32>} : memref<512xi32, #tpu.memory_space<vmem>>, vector<16xi32>,
      %get3A_1334 = vector.shape_cast %get3A_1333 : vector<16xi32> to vector<16xi32>
      %get3A_1335 = arith.constant 0 : index
      %get3A_1336 = tpu.vector_load %arg9[%get3A_1335] {strides = array<i32>} : memref<512xi32, #tpu.memory_space<vmem>>, vector<16xi32>,
      %get3A_1337 = vector.shape_cast %get3A_1336 : vector<16xi32> to vector<16xi32>
      %broadcast_in_dim3A_1338 = vector.broadcast %add3A_770 : i32 to vector<16xi32>
      %select_n3A = arith.select %eq3A, %get3A_1334, %broadcast_in_dim3A_1338 : vector<16xi1>, vector<16xi32>
      %swap3A_1339 = arith.constant 0 : index
      %swap3A_1340 = tpu.vector_load %arg12[%swap3A_1339] {strides = array<i32>} : memref<128xi32, #tpu.memory_space<vmem>>, vector<16xi32>,
      %swap3A_1341 = vector.shape_cast %swap3A_1340 : vector<16xi32> to vector<16xi32>
      %swap3A_1342 = vector.shape_cast %select_n3A : vector<16xi32> to vector<16xi32>
      tpu.vector_store %arg12[%swap3A_1339], %swap3A_1342 {strides = array<i32>} : memref<128xi32, #tpu.memory_space<vmem>>, vector<16xi32>,
      %eq3A_1343 = arith.cmpi eq, %get3A_1334, %get3A_1337 : vector<16xi32>
      %and3A = arith.andi %eq3A, %eq3A_1343 : vector<16xi1>
      %jit3A = arith.constant 1.000000e+00 : f32
      %jit3A_1344 = arith.constant 0.000000e+00 : f32
      %broadcast_in_dim3A_1345 = vector.broadcast %jit3A : f32 to vector<16xf32>
      %broadcast_in_dim3A_1346 = vector.broadcast %jit3A_1344 : f32 to vector<16xf32>
      %select_n3A_1347 = arith.select %and3A, %broadcast_in_dim3A_1345, %broadcast_in_dim3A_1346 : vector<16xi1>, vector<16xf32>
      %swap3A_1348 = arith.constant 0 : i32
      %swap3A_1349 = arith.index_cast %swap3A_1348 : i32 to index
      %swap3A_1350 = arith.constant 0 : index
      %swap3A_1351 = tpu.vector_load %arg16[%swap3A_1349, %swap3A_1350] {strides = array<i32>} : memref<4x128xf32, #tpu.memory_space<vmem>>, vector<1x16xf32>,
      %swap3A_1352 = vector.shape_cast %swap3A_1351 : vector<1x16xf32> to vector<16xf32>
      %swap3A_1353 = vector.shape_cast %select_n3A_1347 : vector<16xf32> to vector<1x16xf32>
      tpu.vector_store %arg16[%swap3A_1349, %swap3A_1350], %swap3A_1353 {strides = array<i32>} : memref<4x128xf32, #tpu.memory_space<vmem>>, vector<1x16xf32>,
      %get3A_1354 = arith.constant 16 : index
      %get3A_1355 = tpu.vector_load %arg11[%get3A_1354] {strides = array<i32>} : memref<512xi32, #tpu.memory_space<vmem>>, vector<16xi32>,
      %get3A_1356 = vector.shape_cast %get3A_1355 : vector<16xi32> to vector<16xi32>
      %add3A_1357 = arith.constant 16 : i32
      %add3A_1358 = arith.addi %add3A_811, %add3A_1357 : i32
      %add3A_1359 = vector.broadcast %add3A_1358 : i32 to vector<16xi32>
      %add3A_1360 = arith.addi %add3A_1359, %iota3A : vector<16xi32>
      %eq3A_1361 = arith.cmpi eq, %get3A_1356, %add3A_1360 : vector<16xi32>
      %get3A_1362 = arith.constant 16 : index
      %get3A_1363 = tpu.vector_load %arg8[%get3A_1362] {strides = array<i32>} : memref<512xi32, #tpu.memory_space<vmem>>, vector<16xi32>,
      %get3A_1364 = vector.shape_cast %get3A_1363 : vector<16xi32> to vector<16xi32>
      %get3A_1365 = arith.constant 16 : index
      %get3A_1366 = tpu.vector_load %arg9[%get3A_1365] {strides = array<i32>} : memref<512xi32, #tpu.memory_space<vmem>>, vector<16xi32>,
      %get3A_1367 = vector.shape_cast %get3A_1366 : vector<16xi32> to vector<16xi32>
      %broadcast_in_dim3A_1368 = vector.broadcast %add3A_770 : i32 to vector<16xi32>
      %select_n3A_1369 = arith.select %eq3A_1361, %get3A_1364, %broadcast_in_dim3A_1368 : vector<16xi1>, vector<16xi32>
      %swap3A_1370 = arith.constant 16 : index
      %swap3A_1371 = tpu.vector_load %arg12[%swap3A_1370] {strides = array<i32>} : memref<128xi32, #tpu.memory_space<vmem>>, vector<16xi32>,
      %swap3A_1372 = vector.shape_cast %swap3A_1371 : vector<16xi32> to vector<16xi32>
      %swap3A_1373 = vector.shape_cast %select_n3A_1369 : vector<16xi32> to vector<16xi32>
      tpu.vector_store %arg12[%swap3A_1370], %swap3A_1373 {strides = array<i32>} : memref<128xi32, #tpu.memory_space<vmem>>, vector<16xi32>,
      %eq3A_1374 = arith.cmpi eq, %get3A_1364, %get3A_1367 : vector<16xi32>
      %and3A_1375 = arith.andi %eq3A_1361, %eq3A_1374 : vector<16xi1>
      %jit3A_1376 = arith.constant 1.000000e+00 : f32
      %jit3A_1377 = arith.constant 0.000000e+00 : f32
      %broadcast_in_dim3A_1378 = vector.broadcast %jit3A_1376 : f32 to vector<16xf32>
      %broadcast_in_dim3A_1379 = vector.broadcast %jit3A_1377 : f32 to vector<16xf32>
      %select_n3A_1380 = arith.select %and3A_1375, %broadcast_in_dim3A_1378, %broadcast_in_dim3A_1379 : vector<16xi1>, vector<16xf32>
      %swap3A_1381 = arith.constant 0 : i32
      %swap3A_1382 = arith.index_cast %swap3A_1381 : i32 to index
      %swap3A_1383 = arith.constant 16 : index
      %swap3A_1384 = tpu.vector_load %arg16[%swap3A_1382, %swap3A_1383] {strides = array<i32>} : memref<4x128xf32, #tpu.memory_space<vmem>>, vector<1x16xf32>,
      %swap3A_1385 = vector.shape_cast %swap3A_1384 : vector<1x16xf32> to vector<16xf32>
      %swap3A_1386 = vector.shape_cast %select_n3A_1380 : vector<16xf32> to vector<1x16xf32>
      tpu.vector_store %arg16[%swap3A_1382, %swap3A_1383], %swap3A_1386 {strides = array<i32>} : memref<4x128xf32, #tpu.memory_space<vmem>>, vector<1x16xf32>,
      %get3A_1387 = arith.constant 32 : index
      %get3A_1388 = tpu.vector_load %arg11[%get3A_1387] {strides = array<i32>} : memref<512xi32, #tpu.memory_space<vmem>>, vector<16xi32>,
      %get3A_1389 = vector.shape_cast %get3A_1388 : vector<16xi32> to vector<16xi32>
      %add3A_1390 = arith.constant 32 : i32
      %add3A_1391 = arith.addi %add3A_811, %add3A_1390 : i32
      %add3A_1392 = vector.broadcast %add3A_1391 : i32 to vector<16xi32>
      %add3A_1393 = arith.addi %add3A_1392, %iota3A : vector<16xi32>
      %eq3A_1394 = arith.cmpi eq, %get3A_1389, %add3A_1393 : vector<16xi32>
      %get3A_1395 = arith.constant 32 : index
      %get3A_1396 = tpu.vector_load %arg8[%get3A_1395] {strides = array<i32>} : memref<512xi32, #tpu.memory_space<vmem>>, vector<16xi32>,
      %get3A_1397 = vector.shape_cast %get3A_1396 : vector<16xi32> to vector<16xi32>
      %get3A_1398 = arith.constant 32 : index
      %get3A_1399 = tpu.vector_load %arg9[%get3A_1398] {strides = array<i32>} : memref<512xi32, #tpu.memory_space<vmem>>, vector<16xi32>,
      %get3A_1400 = vector.shape_cast %get3A_1399 : vector<16xi32> to vector<16xi32>
      %broadcast_in_dim3A_1401 = vector.broadcast %add3A_770 : i32 to vector<16xi32>
      %select_n3A_1402 = arith.select %eq3A_1394, %get3A_1397, %broadcast_in_dim3A_1401 : vector<16xi1>, vector<16xi32>
      %swap3A_1403 = arith.constant 32 : index
      %swap3A_1404 = tpu.vector_load %arg12[%swap3A_1403] {strides = array<i32>} : memref<128xi32, #tpu.memory_space<vmem>>, vector<16xi32>,
      %swap3A_1405 = vector.shape_cast %swap3A_1404 : vector<16xi32> to vector<16xi32>
      %swap3A_1406 = vector.shape_cast %select_n3A_1402 : vector<16xi32> to vector<16xi32>
      tpu.vector_store %arg12[%swap3A_1403], %swap3A_1406 {strides = array<i32>} : memref<128xi32, #tpu.memory_space<vmem>>, vector<16xi32>,
      %eq3A_1407 = arith.cmpi eq, %get3A_1397, %get3A_1400 : vector<16xi32>
      %and3A_1408 = arith.andi %eq3A_1394, %eq3A_1407 : vector<16xi1>
      %jit3A_1409 = arith.constant 1.000000e+00 : f32
      %jit3A_1410 = arith.constant 0.000000e+00 : f32
      %broadcast_in_dim3A_1411 = vector.broadcast %jit3A_1409 : f32 to vector<16xf32>
      %broadcast_in_dim3A_1412 = vector.broadcast %jit3A_1410 : f32 to vector<16xf32>
      %select_n3A_1413 = arith.select %and3A_1408, %broadcast_in_dim3A_1411, %broadcast_in_dim3A_1412 : vector<16xi1>, vector<16xf32>
      %swap3A_1414 = arith.constant 0 : i32
      %swap3A_1415 = arith.index_cast %swap3A_1414 : i32 to index
      %swap3A_1416 = arith.constant 32 : index
      %swap3A_1417 = tpu.vector_load %arg16[%swap3A_1415, %swap3A_1416] {strides = array<i32>} : memref<4x128xf32, #tpu.memory_space<vmem>>, vector<1x16xf32>,
      %swap3A_1418 = vector.shape_cast %swap3A_1417 : vector<1x16xf32> to vector<16xf32>
      %swap3A_1419 = vector.shape_cast %select_n3A_1413 : vector<16xf32> to vector<1x16xf32>
      tpu.vector_store %arg16[%swap3A_1415, %swap3A_1416], %swap3A_1419 {strides = array<i32>} : memref<4x128xf32, #tpu.memory_space<vmem>>, vector<1x16xf32>,
      %get3A_1420 = arith.constant 48 : index
      %get3A_1421 = tpu.vector_load %arg11[%get3A_1420] {strides = array<i32>} : memref<512xi32, #tpu.memory_space<vmem>>, vector<16xi32>,
      %get3A_1422 = vector.shape_cast %get3A_1421 : vector<16xi32> to vector<16xi32>
      %add3A_1423 = arith.constant 48 : i32
      %add3A_1424 = arith.addi %add3A_811, %add3A_1423 : i32
      %add3A_1425 = vector.broadcast %add3A_1424 : i32 to vector<16xi32>
      %add3A_1426 = arith.addi %add3A_1425, %iota3A : vector<16xi32>
      %eq3A_1427 = arith.cmpi eq, %get3A_1422, %add3A_1426 : vector<16xi32>
      %get3A_1428 = arith.constant 48 : index
      %get3A_1429 = tpu.vector_load %arg8[%get3A_1428] {strides = array<i32>} : memref<512xi32, #tpu.memory_space<vmem>>, vector<16xi32>,
      %get3A_1430 = vector.shape_cast %get3A_1429 : vector<16xi32> to vector<16xi32>
      %get3A_1431 = arith.constant 48 : index
      %get3A_1432 = tpu.vector_load %arg9[%get3A_1431] {strides = array<i32>} : memref<512xi32, #tpu.memory_space<vmem>>, vector<16xi32>,
      %get3A_1433 = vector.shape_cast %get3A_1432 : vector<16xi32> to vector<16xi32>
      %broadcast_in_dim3A_1434 = vector.broadcast %add3A_770 : i32 to vector<16xi32>
      %select_n3A_1435 = arith.select %eq3A_1427, %get3A_1430, %broadcast_in_dim3A_1434 : vector<16xi1>, vector<16xi32>
      %swap3A_1436 = arith.constant 48 : index
      %swap3A_1437 = tpu.vector_load %arg12[%swap3A_1436] {strides = array<i32>} : memref<128xi32, #tpu.memory_space<vmem>>, vector<16xi32>,
      %swap3A_1438 = vector.shape_cast %swap3A_1437 : vector<16xi32> to vector<16xi32>
      %swap3A_1439 = vector.shape_cast %select_n3A_1435 : vector<16xi32> to vector<16xi32>
      tpu.vector_store %arg12[%swap3A_1436], %swap3A_1439 {strides = array<i32>} : memref<128xi32, #tpu.memory_space<vmem>>, vector<16xi32>,
      %eq3A_1440 = arith.cmpi eq, %get3A_1430, %get3A_1433 : vector<16xi32>
      %and3A_1441 = arith.andi %eq3A_1427, %eq3A_1440 : vector<16xi1>
      %jit3A_1442 = arith.constant 1.000000e+00 : f32
      %jit3A_1443 = arith.constant 0.000000e+00 : f32
      %broadcast_in_dim3A_1444 = vector.broadcast %jit3A_1442 : f32 to vector<16xf32>
      %broadcast_in_dim3A_1445 = vector.broadcast %jit3A_1443 : f32 to vector<16xf32>
      %select_n3A_1446 = arith.select %and3A_1441, %broadcast_in_dim3A_1444, %broadcast_in_dim3A_1445 : vector<16xi1>, vector<16xf32>
      %swap3A_1447 = arith.constant 0 : i32
      %swap3A_1448 = arith.index_cast %swap3A_1447 : i32 to index
      %swap3A_1449 = arith.constant 48 : index
      %swap3A_1450 = tpu.vector_load %arg16[%swap3A_1448, %swap3A_1449] {strides = array<i32>} : memref<4x128xf32, #tpu.memory_space<vmem>>, vector<1x16xf32>,
      %swap3A_1451 = vector.shape_cast %swap3A_1450 : vector<1x16xf32> to vector<16xf32>
      %swap3A_1452 = vector.shape_cast %select_n3A_1446 : vector<16xf32> to vector<1x16xf32>
      tpu.vector_store %arg16[%swap3A_1448, %swap3A_1449], %swap3A_1452 {strides = array<i32>} : memref<4x128xf32, #tpu.memory_space<vmem>>, vector<1x16xf32>,
      %get3A_1453 = arith.constant 64 : index
      %get3A_1454 = tpu.vector_load %arg11[%get3A_1453] {strides = array<i32>} : memref<512xi32, #tpu.memory_space<vmem>>, vector<16xi32>,
      %get3A_1455 = vector.shape_cast %get3A_1454 : vector<16xi32> to vector<16xi32>
      %add3A_1456 = arith.constant 64 : i32
      %add3A_1457 = arith.addi %add3A_811, %add3A_1456 : i32
      %add3A_1458 = vector.broadcast %add3A_1457 : i32 to vector<16xi32>
      %add3A_1459 = arith.addi %add3A_1458, %iota3A : vector<16xi32>
      %eq3A_1460 = arith.cmpi eq, %get3A_1455, %add3A_1459 : vector<16xi32>
      %get3A_1461 = arith.constant 64 : index
      %get3A_1462 = tpu.vector_load %arg8[%get3A_1461] {strides = array<i32>} : memref<512xi32, #tpu.memory_space<vmem>>, vector<16xi32>,
      %get3A_1463 = vector.shape_cast %get3A_1462 : vector<16xi32> to vector<16xi32>
      %get3A_1464 = arith.constant 64 : index
      %get3A_1465 = tpu.vector_load %arg9[%get3A_1464] {strides = array<i32>} : memref<512xi32, #tpu.memory_space<vmem>>, vector<16xi32>,
      %get3A_1466 = vector.shape_cast %get3A_1465 : vector<16xi32> to vector<16xi32>
      %broadcast_in_dim3A_1467 = vector.broadcast %add3A_770 : i32 to vector<16xi32>
      %select_n3A_1468 = arith.select %eq3A_1460, %get3A_1463, %broadcast_in_dim3A_1467 : vector<16xi1>, vector<16xi32>
      %swap3A_1469 = arith.constant 64 : index
      %swap3A_1470 = tpu.vector_load %arg12[%swap3A_1469] {strides = array<i32>} : memref<128xi32, #tpu.memory_space<vmem>>, vector<16xi32>,
      %swap3A_1471 = vector.shape_cast %swap3A_1470 : vector<16xi32> to vector<16xi32>
      %swap3A_1472 = vector.shape_cast %select_n3A_1468 : vector<16xi32> to vector<16xi32>
      tpu.vector_store %arg12[%swap3A_1469], %swap3A_1472 {strides = array<i32>} : memref<128xi32, #tpu.memory_space<vmem>>, vector<16xi32>,
      %eq3A_1473 = arith.cmpi eq, %get3A_1463, %get3A_1466 : vector<16xi32>
      %and3A_1474 = arith.andi %eq3A_1460, %eq3A_1473 : vector<16xi1>
      %jit3A_1475 = arith.constant 1.000000e+00 : f32
      %jit3A_1476 = arith.constant 0.000000e+00 : f32
      %broadcast_in_dim3A_1477 = vector.broadcast %jit3A_1475 : f32 to vector<16xf32>
      %broadcast_in_dim3A_1478 = vector.broadcast %jit3A_1476 : f32 to vector<16xf32>
      %select_n3A_1479 = arith.select %and3A_1474, %broadcast_in_dim3A_1477, %broadcast_in_dim3A_1478 : vector<16xi1>, vector<16xf32>
      %swap3A_1480 = arith.constant 0 : i32
      %swap3A_1481 = arith.index_cast %swap3A_1480 : i32 to index
      %swap3A_1482 = arith.constant 64 : index
      %swap3A_1483 = tpu.vector_load %arg16[%swap3A_1481, %swap3A_1482] {strides = array<i32>} : memref<4x128xf32, #tpu.memory_space<vmem>>, vector<1x16xf32>,
      %swap3A_1484 = vector.shape_cast %swap3A_1483 : vector<1x16xf32> to vector<16xf32>
      %swap3A_1485 = vector.shape_cast %select_n3A_1479 : vector<16xf32> to vector<1x16xf32>
      tpu.vector_store %arg16[%swap3A_1481, %swap3A_1482], %swap3A_1485 {strides = array<i32>} : memref<4x128xf32, #tpu.memory_space<vmem>>, vector<1x16xf32>,
      %get3A_1486 = arith.constant 80 : index
      %get3A_1487 = tpu.vector_load %arg11[%get3A_1486] {strides = array<i32>} : memref<512xi32, #tpu.memory_space<vmem>>, vector<16xi32>,
      %get3A_1488 = vector.shape_cast %get3A_1487 : vector<16xi32> to vector<16xi32>
      %add3A_1489 = arith.constant 80 : i32
      %add3A_1490 = arith.addi %add3A_811, %add3A_1489 : i32
      %add3A_1491 = vector.broadcast %add3A_1490 : i32 to vector<16xi32>
      %add3A_1492 = arith.addi %add3A_1491, %iota3A : vector<16xi32>
      %eq3A_1493 = arith.cmpi eq, %get3A_1488, %add3A_1492 : vector<16xi32>
      %get3A_1494 = arith.constant 80 : index
      %get3A_1495 = tpu.vector_load %arg8[%get3A_1494] {strides = array<i32>} : memref<512xi32, #tpu.memory_space<vmem>>, vector<16xi32>,
      %get3A_1496 = vector.shape_cast %get3A_1495 : vector<16xi32> to vector<16xi32>
      %get3A_1497 = arith.constant 80 : index
      %get3A_1498 = tpu.vector_load %arg9[%get3A_1497] {strides = array<i32>} : memref<512xi32, #tpu.memory_space<vmem>>, vector<16xi32>,
      %get3A_1499 = vector.shape_cast %get3A_1498 : vector<16xi32> to vector<16xi32>
      %broadcast_in_dim3A_1500 = vector.broadcast %add3A_770 : i32 to vector<16xi32>
      %select_n3A_1501 = arith.select %eq3A_1493, %get3A_1496, %broadcast_in_dim3A_1500 : vector<16xi1>, vector<16xi32>
      %swap3A_1502 = arith.constant 80 : index
      %swap3A_1503 = tpu.vector_load %arg12[%swap3A_1502] {strides = array<i32>} : memref<128xi32, #tpu.memory_space<vmem>>, vector<16xi32>,
      %swap3A_1504 = vector.shape_cast %swap3A_1503 : vector<16xi32> to vector<16xi32>
      %swap3A_1505 = vector.shape_cast %select_n3A_1501 : vector<16xi32> to vector<16xi32>
      tpu.vector_store %arg12[%swap3A_1502], %swap3A_1505 {strides = array<i32>} : memref<128xi32, #tpu.memory_space<vmem>>, vector<16xi32>,
      %eq3A_1506 = arith.cmpi eq, %get3A_1496, %get3A_1499 : vector<16xi32>
      %and3A_1507 = arith.andi %eq3A_1493, %eq3A_1506 : vector<16xi1>
      %jit3A_1508 = arith.constant 1.000000e+00 : f32
      %jit3A_1509 = arith.constant 0.000000e+00 : f32
      %broadcast_in_dim3A_1510 = vector.broadcast %jit3A_1508 : f32 to vector<16xf32>
      %broadcast_in_dim3A_1511 = vector.broadcast %jit3A_1509 : f32 to vector<16xf32>
      %select_n3A_1512 = arith.select %and3A_1507, %broadcast_in_dim3A_1510, %broadcast_in_dim3A_1511 : vector<16xi1>, vector<16xf32>
      %swap3A_1513 = arith.constant 0 : i32
      %swap3A_1514 = arith.index_cast %swap3A_1513 : i32 to index
      %swap3A_1515 = arith.constant 80 : index
      %swap3A_1516 = tpu.vector_load %arg16[%swap3A_1514, %swap3A_1515] {strides = array<i32>} : memref<4x128xf32, #tpu.memory_space<vmem>>, vector<1x16xf32>,
      %swap3A_1517 = vector.shape_cast %swap3A_1516 : vector<1x16xf32> to vector<16xf32>
      %swap3A_1518 = vector.shape_cast %select_n3A_1512 : vector<16xf32> to vector<1x16xf32>
      tpu.vector_store %arg16[%swap3A_1514, %swap3A_1515], %swap3A_1518 {strides = array<i32>} : memref<4x128xf32, #tpu.memory_space<vmem>>, vector<1x16xf32>,
      %get3A_1519 = arith.constant 96 : index
      %get3A_1520 = tpu.vector_load %arg11[%get3A_1519] {strides = array<i32>} : memref<512xi32, #tpu.memory_space<vmem>>, vector<16xi32>,
      %get3A_1521 = vector.shape_cast %get3A_1520 : vector<16xi32> to vector<16xi32>
      %add3A_1522 = arith.constant 96 : i32
      %add3A_1523 = arith.addi %add3A_811, %add3A_1522 : i32
      %add3A_1524 = vector.broadcast %add3A_1523 : i32 to vector<16xi32>
      %add3A_1525 = arith.addi %add3A_1524, %iota3A : vector<16xi32>
      %eq3A_1526 = arith.cmpi eq, %get3A_1521, %add3A_1525 : vector<16xi32>
      %get3A_1527 = arith.constant 96 : index
      %get3A_1528 = tpu.vector_load %arg8[%get3A_1527] {strides = array<i32>} : memref<512xi32, #tpu.memory_space<vmem>>, vector<16xi32>,
      %get3A_1529 = vector.shape_cast %get3A_1528 : vector<16xi32> to vector<16xi32>
      %get3A_1530 = arith.constant 96 : index
      %get3A_1531 = tpu.vector_load %arg9[%get3A_1530] {strides = array<i32>} : memref<512xi32, #tpu.memory_space<vmem>>, vector<16xi32>,
      %get3A_1532 = vector.shape_cast %get3A_1531 : vector<16xi32> to vector<16xi32>
      %broadcast_in_dim3A_1533 = vector.broadcast %add3A_770 : i32 to vector<16xi32>
      %select_n3A_1534 = arith.select %eq3A_1526, %get3A_1529, %broadcast_in_dim3A_1533 : vector<16xi1>, vector<16xi32>
      %swap3A_1535 = arith.constant 96 : index
      %swap3A_1536 = tpu.vector_load %arg12[%swap3A_1535] {strides = array<i32>} : memref<128xi32, #tpu.memory_space<vmem>>, vector<16xi32>,
      %swap3A_1537 = vector.shape_cast %swap3A_1536 : vector<16xi32> to vector<16xi32>
      %swap3A_1538 = vector.shape_cast %select_n3A_1534 : vector<16xi32> to vector<16xi32>
      tpu.vector_store %arg12[%swap3A_1535], %swap3A_1538 {strides = array<i32>} : memref<128xi32, #tpu.memory_space<vmem>>, vector<16xi32>,
      %eq3A_1539 = arith.cmpi eq, %get3A_1529, %get3A_1532 : vector<16xi32>
      %and3A_1540 = arith.andi %eq3A_1526, %eq3A_1539 : vector<16xi1>
      %jit3A_1541 = arith.constant 1.000000e+00 : f32
      %jit3A_1542 = arith.constant 0.000000e+00 : f32
      %broadcast_in_dim3A_1543 = vector.broadcast %jit3A_1541 : f32 to vector<16xf32>
      %broadcast_in_dim3A_1544 = vector.broadcast %jit3A_1542 : f32 to vector<16xf32>
      %select_n3A_1545 = arith.select %and3A_1540, %broadcast_in_dim3A_1543, %broadcast_in_dim3A_1544 : vector<16xi1>, vector<16xf32>
      %swap3A_1546 = arith.constant 0 : i32
      %swap3A_1547 = arith.index_cast %swap3A_1546 : i32 to index
      %swap3A_1548 = arith.constant 96 : index
      %swap3A_1549 = tpu.vector_load %arg16[%swap3A_1547, %swap3A_1548] {strides = array<i32>} : memref<4x128xf32, #tpu.memory_space<vmem>>, vector<1x16xf32>,
      %swap3A_1550 = vector.shape_cast %swap3A_1549 : vector<1x16xf32> to vector<16xf32>
      %swap3A_1551 = vector.shape_cast %select_n3A_1545 : vector<16xf32> to vector<1x16xf32>
      tpu.vector_store %arg16[%swap3A_1547, %swap3A_1548], %swap3A_1551 {strides = array<i32>} : memref<4x128xf32, #tpu.memory_space<vmem>>, vector<1x16xf32>,
      %get3A_1552 = arith.constant 112 : index
      %get3A_1553 = tpu.vector_load %arg11[%get3A_1552] {strides = array<i32>} : memref<512xi32, #tpu.memory_space<vmem>>, vector<16xi32>,
      %get3A_1554 = vector.shape_cast %get3A_1553 : vector<16xi32> to vector<16xi32>
      %add3A_1555 = arith.constant 112 : i32
      %add3A_1556 = arith.addi %add3A_811, %add3A_1555 : i32
      %add3A_1557 = vector.broadcast %add3A_1556 : i32 to vector<16xi32>
      %add3A_1558 = arith.addi %add3A_1557, %iota3A : vector<16xi32>
      %eq3A_1559 = arith.cmpi eq, %get3A_1554, %add3A_1558 : vector<16xi32>
      %get3A_1560 = arith.constant 112 : index
      %get3A_1561 = tpu.vector_load %arg8[%get3A_1560] {strides = array<i32>} : memref<512xi32, #tpu.memory_space<vmem>>, vector<16xi32>,
      %get3A_1562 = vector.shape_cast %get3A_1561 : vector<16xi32> to vector<16xi32>
      %get3A_1563 = arith.constant 112 : index
      %get3A_1564 = tpu.vector_load %arg9[%get3A_1563] {strides = array<i32>} : memref<512xi32, #tpu.memory_space<vmem>>, vector<16xi32>,
      %get3A_1565 = vector.shape_cast %get3A_1564 : vector<16xi32> to vector<16xi32>
      %broadcast_in_dim3A_1566 = vector.broadcast %add3A_770 : i32 to vector<16xi32>
      %select_n3A_1567 = arith.select %eq3A_1559, %get3A_1562, %broadcast_in_dim3A_1566 : vector<16xi1>, vector<16xi32>
      %swap3A_1568 = arith.constant 112 : index
      %swap3A_1569 = tpu.vector_load %arg12[%swap3A_1568] {strides = array<i32>} : memref<128xi32, #tpu.memory_space<vmem>>, vector<16xi32>,
      %swap3A_1570 = vector.shape_cast %swap3A_1569 : vector<16xi32> to vector<16xi32>
      %swap3A_1571 = vector.shape_cast %select_n3A_1567 : vector<16xi32> to vector<16xi32>
      tpu.vector_store %arg12[%swap3A_1568], %swap3A_1571 {strides = array<i32>} : memref<128xi32, #tpu.memory_space<vmem>>, vector<16xi32>,
      %eq3A_1572 = arith.cmpi eq, %get3A_1562, %get3A_1565 : vector<16xi32>
      %and3A_1573 = arith.andi %eq3A_1559, %eq3A_1572 : vector<16xi1>
      %jit3A_1574 = arith.constant 1.000000e+00 : f32
      %jit3A_1575 = arith.constant 0.000000e+00 : f32
      %broadcast_in_dim3A_1576 = vector.broadcast %jit3A_1574 : f32 to vector<16xf32>
      %broadcast_in_dim3A_1577 = vector.broadcast %jit3A_1575 : f32 to vector<16xf32>
      %select_n3A_1578 = arith.select %and3A_1573, %broadcast_in_dim3A_1576, %broadcast_in_dim3A_1577 : vector<16xi1>, vector<16xf32>
      %swap3A_1579 = arith.constant 0 : i32
      %swap3A_1580 = arith.index_cast %swap3A_1579 : i32 to index
      %swap3A_1581 = arith.constant 112 : index
      %swap3A_1582 = tpu.vector_load %arg16[%swap3A_1580, %swap3A_1581] {strides = array<i32>} : memref<4x128xf32, #tpu.memory_space<vmem>>, vector<1x16xf32>,
      %swap3A_1583 = vector.shape_cast %swap3A_1582 : vector<1x16xf32> to vector<16xf32>
      %swap3A_1584 = vector.shape_cast %select_n3A_1578 : vector<16xf32> to vector<1x16xf32>
      tpu.vector_store %arg16[%swap3A_1580, %swap3A_1581], %swap3A_1584 {strides = array<i32>} : memref<4x128xf32, #tpu.memory_space<vmem>>, vector<1x16xf32>,
      %dma_wait3A_1585 = arith.constant 128 : i32
      %dma_wait3A_1586 = tpu.memref_slice %arg11[%dma_wait3A_1585] : memref<512xi32, #tpu.memory_space<vmem>> -> memref<128xi32, #tpu.memory_space<vmem>>
      %dma_wait3A_1587 = arith.constant 128 : i32
      %dma_wait3A_1588 = tpu.memref_slice %arg10[%dma_wait3A_1587] : memref<512xi32, #tpu.memory_space<vmem>> -> memref<128xi32, #tpu.memory_space<vmem>>
      %dma_wait3A_1589 = arith.constant 0 : i32
      %dma_wait3A_1590 = tpu.memref_slice %arg4[%dma_wait3A_1589] : memref<16777216xi32, #tpu.memory_space<hbm>> -> memref<16777216xi32, #tpu.memory_space<hbm>>
      tpu.wait_indirect_dma semaphore(%arg23 : memref<!tpu.dma_semaphore, #tpu.memory_space<semaphore_mem>>) src(%dma_wait3A_1590 : memref<16777216xi32, #tpu.memory_space<hbm>>) dst(%dma_wait3A_1586 : memref<128xi32, #tpu.memory_space<vmem>>)
      %get3A_1591 = arith.constant 128 : index
      %get3A_1592 = tpu.vector_load %arg11[%get3A_1591] {strides = array<i32>} : memref<512xi32, #tpu.memory_space<vmem>>, vector<16xi32>,
      %get3A_1593 = vector.shape_cast %get3A_1592 : vector<16xi32> to vector<16xi32>
      %add3A_1594 = arith.constant 128 : i32
      %add3A_1595 = arith.addi %add3A_811, %add3A_1594 : i32
      %add3A_1596 = vector.broadcast %add3A_1595 : i32 to vector<16xi32>
      %add3A_1597 = arith.addi %add3A_1596, %iota3A : vector<16xi32>
      %eq3A_1598 = arith.cmpi eq, %get3A_1593, %add3A_1597 : vector<16xi32>
      %get3A_1599 = arith.constant 128 : index
      %get3A_1600 = tpu.vector_load %arg8[%get3A_1599] {strides = array<i32>} : memref<512xi32, #tpu.memory_space<vmem>>, vector<16xi32>,
      %get3A_1601 = vector.shape_cast %get3A_1600 : vector<16xi32> to vector<16xi32>
      %get3A_1602 = arith.constant 128 : index
      %get3A_1603 = tpu.vector_load %arg9[%get3A_1602] {strides = array<i32>} : memref<512xi32, #tpu.memory_space<vmem>>, vector<16xi32>,
      %get3A_1604 = vector.shape_cast %get3A_1603 : vector<16xi32> to vector<16xi32>
      %broadcast_in_dim3A_1605 = vector.broadcast %add3A_770 : i32 to vector<16xi32>
      %select_n3A_1606 = arith.select %eq3A_1598, %get3A_1601, %broadcast_in_dim3A_1605 : vector<16xi1>, vector<16xi32>
      %swap3A_1607 = arith.constant 0 : index
      %swap3A_1608 = tpu.vector_load %arg13[%swap3A_1607] {strides = array<i32>} : memref<128xi32, #tpu.memory_space<vmem>>, vector<16xi32>,
      %swap3A_1609 = vector.shape_cast %swap3A_1608 : vector<16xi32> to vector<16xi32>
      %swap3A_1610 = vector.shape_cast %select_n3A_1606 : vector<16xi32> to vector<16xi32>
      tpu.vector_store %arg13[%swap3A_1607], %swap3A_1610 {strides = array<i32>} : memref<128xi32, #tpu.memory_space<vmem>>, vector<16xi32>,
      %eq3A_1611 = arith.cmpi eq, %get3A_1601, %get3A_1604 : vector<16xi32>
      %and3A_1612 = arith.andi %eq3A_1598, %eq3A_1611 : vector<16xi1>
      %jit3A_1613 = arith.constant 1.000000e+00 : f32
      %jit3A_1614 = arith.constant 0.000000e+00 : f32
      %broadcast_in_dim3A_1615 = vector.broadcast %jit3A_1613 : f32 to vector<16xf32>
      %broadcast_in_dim3A_1616 = vector.broadcast %jit3A_1614 : f32 to vector<16xf32>
      %select_n3A_1617 = arith.select %and3A_1612, %broadcast_in_dim3A_1615, %broadcast_in_dim3A_1616 : vector<16xi1>, vector<16xf32>
      %swap3A_1618 = arith.constant 1 : i32
      %swap3A_1619 = arith.index_cast %swap3A_1618 : i32 to index
      %swap3A_1620 = arith.constant 0 : index
      %swap3A_1621 = tpu.vector_load %arg16[%swap3A_1619, %swap3A_1620] {strides = array<i32>} : memref<4x128xf32, #tpu.memory_space<vmem>>, vector<1x16xf32>,
      %swap3A_1622 = vector.shape_cast %swap3A_1621 : vector<1x16xf32> to vector<16xf32>
      %swap3A_1623 = vector.shape_cast %select_n3A_1617 : vector<16xf32> to vector<1x16xf32>
      tpu.vector_store %arg16[%swap3A_1619, %swap3A_1620], %swap3A_1623 {strides = array<i32>} : memref<4x128xf32, #tpu.memory_space<vmem>>, vector<1x16xf32>,
      %get3A_1624 = arith.constant 144 : index
      %get3A_1625 = tpu.vector_load %arg11[%get3A_1624] {strides = array<i32>} : memref<512xi32, #tpu.memory_space<vmem>>, vector<16xi32>,
      %get3A_1626 = vector.shape_cast %get3A_1625 : vector<16xi32> to vector<16xi32>
      %add3A_1627 = arith.constant 144 : i32
      %add3A_1628 = arith.addi %add3A_811, %add3A_1627 : i32
      %add3A_1629 = vector.broadcast %add3A_1628 : i32 to vector<16xi32>
      %add3A_1630 = arith.addi %add3A_1629, %iota3A : vector<16xi32>
      %eq3A_1631 = arith.cmpi eq, %get3A_1626, %add3A_1630 : vector<16xi32>
      %get3A_1632 = arith.constant 144 : index
      %get3A_1633 = tpu.vector_load %arg8[%get3A_1632] {strides = array<i32>} : memref<512xi32, #tpu.memory_space<vmem>>, vector<16xi32>,
      %get3A_1634 = vector.shape_cast %get3A_1633 : vector<16xi32> to vector<16xi32>
      %get3A_1635 = arith.constant 144 : index
      %get3A_1636 = tpu.vector_load %arg9[%get3A_1635] {strides = array<i32>} : memref<512xi32, #tpu.memory_space<vmem>>, vector<16xi32>,
      %get3A_1637 = vector.shape_cast %get3A_1636 : vector<16xi32> to vector<16xi32>
      %broadcast_in_dim3A_1638 = vector.broadcast %add3A_770 : i32 to vector<16xi32>
      %select_n3A_1639 = arith.select %eq3A_1631, %get3A_1634, %broadcast_in_dim3A_1638 : vector<16xi1>, vector<16xi32>
      %swap3A_1640 = arith.constant 16 : index
      %swap3A_1641 = tpu.vector_load %arg13[%swap3A_1640] {strides = array<i32>} : memref<128xi32, #tpu.memory_space<vmem>>, vector<16xi32>,
      %swap3A_1642 = vector.shape_cast %swap3A_1641 : vector<16xi32> to vector<16xi32>
      %swap3A_1643 = vector.shape_cast %select_n3A_1639 : vector<16xi32> to vector<16xi32>
      tpu.vector_store %arg13[%swap3A_1640], %swap3A_1643 {strides = array<i32>} : memref<128xi32, #tpu.memory_space<vmem>>, vector<16xi32>,
      %eq3A_1644 = arith.cmpi eq, %get3A_1634, %get3A_1637 : vector<16xi32>
      %and3A_1645 = arith.andi %eq3A_1631, %eq3A_1644 : vector<16xi1>
      %jit3A_1646 = arith.constant 1.000000e+00 : f32
      %jit3A_1647 = arith.constant 0.000000e+00 : f32
      %broadcast_in_dim3A_1648 = vector.broadcast %jit3A_1646 : f32 to vector<16xf32>
      %broadcast_in_dim3A_1649 = vector.broadcast %jit3A_1647 : f32 to vector<16xf32>
      %select_n3A_1650 = arith.select %and3A_1645, %broadcast_in_dim3A_1648, %broadcast_in_dim3A_1649 : vector<16xi1>, vector<16xf32>
      %swap3A_1651 = arith.constant 1 : i32
      %swap3A_1652 = arith.index_cast %swap3A_1651 : i32 to index
      %swap3A_1653 = arith.constant 16 : index
      %swap3A_1654 = tpu.vector_load %arg16[%swap3A_1652, %swap3A_1653] {strides = array<i32>} : memref<4x128xf32, #tpu.memory_space<vmem>>, vector<1x16xf32>,
      %swap3A_1655 = vector.shape_cast %swap3A_1654 : vector<1x16xf32> to vector<16xf32>
      %swap3A_1656 = vector.shape_cast %select_n3A_1650 : vector<16xf32> to vector<1x16xf32>
      tpu.vector_store %arg16[%swap3A_1652, %swap3A_1653], %swap3A_1656 {strides = array<i32>} : memref<4x128xf32, #tpu.memory_space<vmem>>, vector<1x16xf32>,
      %get3A_1657 = arith.constant 160 : index
      %get3A_1658 = tpu.vector_load %arg11[%get3A_1657] {strides = array<i32>} : memref<512xi32, #tpu.memory_space<vmem>>, vector<16xi32>,
      %get3A_1659 = vector.shape_cast %get3A_1658 : vector<16xi32> to vector<16xi32>
      %add3A_1660 = arith.constant 160 : i32
      %add3A_1661 = arith.addi %add3A_811, %add3A_1660 : i32
      %add3A_1662 = vector.broadcast %add3A_1661 : i32 to vector<16xi32>
      %add3A_1663 = arith.addi %add3A_1662, %iota3A : vector<16xi32>
      %eq3A_1664 = arith.cmpi eq, %get3A_1659, %add3A_1663 : vector<16xi32>
      %get3A_1665 = arith.constant 160 : index
      %get3A_1666 = tpu.vector_load %arg8[%get3A_1665] {strides = array<i32>} : memref<512xi32, #tpu.memory_space<vmem>>, vector<16xi32>,
      %get3A_1667 = vector.shape_cast %get3A_1666 : vector<16xi32> to vector<16xi32>
      %get3A_1668 = arith.constant 160 : index
      %get3A_1669 = tpu.vector_load %arg9[%get3A_1668] {strides = array<i32>} : memref<512xi32, #tpu.memory_space<vmem>>, vector<16xi32>,
      %get3A_1670 = vector.shape_cast %get3A_1669 : vector<16xi32> to vector<16xi32>
      %broadcast_in_dim3A_1671 = vector.broadcast %add3A_770 : i32 to vector<16xi32>
      %select_n3A_1672 = arith.select %eq3A_1664, %get3A_1667, %broadcast_in_dim3A_1671 : vector<16xi1>, vector<16xi32>
      %swap3A_1673 = arith.constant 32 : index
      %swap3A_1674 = tpu.vector_load %arg13[%swap3A_1673] {strides = array<i32>} : memref<128xi32, #tpu.memory_space<vmem>>, vector<16xi32>,
      %swap3A_1675 = vector.shape_cast %swap3A_1674 : vector<16xi32> to vector<16xi32>
      %swap3A_1676 = vector.shape_cast %select_n3A_1672 : vector<16xi32> to vector<16xi32>
      tpu.vector_store %arg13[%swap3A_1673], %swap3A_1676 {strides = array<i32>} : memref<128xi32, #tpu.memory_space<vmem>>, vector<16xi32>,
      %eq3A_1677 = arith.cmpi eq, %get3A_1667, %get3A_1670 : vector<16xi32>
      %and3A_1678 = arith.andi %eq3A_1664, %eq3A_1677 : vector<16xi1>
      %jit3A_1679 = arith.constant 1.000000e+00 : f32
      %jit3A_1680 = arith.constant 0.000000e+00 : f32
      %broadcast_in_dim3A_1681 = vector.broadcast %jit3A_1679 : f32 to vector<16xf32>
      %broadcast_in_dim3A_1682 = vector.broadcast %jit3A_1680 : f32 to vector<16xf32>
      %select_n3A_1683 = arith.select %and3A_1678, %broadcast_in_dim3A_1681, %broadcast_in_dim3A_1682 : vector<16xi1>, vector<16xf32>
      %swap3A_1684 = arith.constant 1 : i32
      %swap3A_1685 = arith.index_cast %swap3A_1684 : i32 to index
      %swap3A_1686 = arith.constant 32 : index
      %swap3A_1687 = tpu.vector_load %arg16[%swap3A_1685, %swap3A_1686] {strides = array<i32>} : memref<4x128xf32, #tpu.memory_space<vmem>>, vector<1x16xf32>,
      %swap3A_1688 = vector.shape_cast %swap3A_1687 : vector<1x16xf32> to vector<16xf32>
      %swap3A_1689 = vector.shape_cast %select_n3A_1683 : vector<16xf32> to vector<1x16xf32>
      tpu.vector_store %arg16[%swap3A_1685, %swap3A_1686], %swap3A_1689 {strides = array<i32>} : memref<4x128xf32, #tpu.memory_space<vmem>>, vector<1x16xf32>,
      %get3A_1690 = arith.constant 176 : index
      %get3A_1691 = tpu.vector_load %arg11[%get3A_1690] {strides = array<i32>} : memref<512xi32, #tpu.memory_space<vmem>>, vector<16xi32>,
      %get3A_1692 = vector.shape_cast %get3A_1691 : vector<16xi32> to vector<16xi32>
      %add3A_1693 = arith.constant 176 : i32
      %add3A_1694 = arith.addi %add3A_811, %add3A_1693 : i32
      %add3A_1695 = vector.broadcast %add3A_1694 : i32 to vector<16xi32>
      %add3A_1696 = arith.addi %add3A_1695, %iota3A : vector<16xi32>
      %eq3A_1697 = arith.cmpi eq, %get3A_1692, %add3A_1696 : vector<16xi32>
      %get3A_1698 = arith.constant 176 : index
      %get3A_1699 = tpu.vector_load %arg8[%get3A_1698] {strides = array<i32>} : memref<512xi32, #tpu.memory_space<vmem>>, vector<16xi32>,
      %get3A_1700 = vector.shape_cast %get3A_1699 : vector<16xi32> to vector<16xi32>
      %get3A_1701 = arith.constant 176 : index
      %get3A_1702 = tpu.vector_load %arg9[%get3A_1701] {strides = array<i32>} : memref<512xi32, #tpu.memory_space<vmem>>, vector<16xi32>,
      %get3A_1703 = vector.shape_cast %get3A_1702 : vector<16xi32> to vector<16xi32>
      %broadcast_in_dim3A_1704 = vector.broadcast %add3A_770 : i32 to vector<16xi32>
      %select_n3A_1705 = arith.select %eq3A_1697, %get3A_1700, %broadcast_in_dim3A_1704 : vector<16xi1>, vector<16xi32>
      %swap3A_1706 = arith.constant 48 : index
      %swap3A_1707 = tpu.vector_load %arg13[%swap3A_1706] {strides = array<i32>} : memref<128xi32, #tpu.memory_space<vmem>>, vector<16xi32>,
      %swap3A_1708 = vector.shape_cast %swap3A_1707 : vector<16xi32> to vector<16xi32>
      %swap3A_1709 = vector.shape_cast %select_n3A_1705 : vector<16xi32> to vector<16xi32>
      tpu.vector_store %arg13[%swap3A_1706], %swap3A_1709 {strides = array<i32>} : memref<128xi32, #tpu.memory_space<vmem>>, vector<16xi32>,
      %eq3A_1710 = arith.cmpi eq, %get3A_1700, %get3A_1703 : vector<16xi32>
      %and3A_1711 = arith.andi %eq3A_1697, %eq3A_1710 : vector<16xi1>
      %jit3A_1712 = arith.constant 1.000000e+00 : f32
      %jit3A_1713 = arith.constant 0.000000e+00 : f32
      %broadcast_in_dim3A_1714 = vector.broadcast %jit3A_1712 : f32 to vector<16xf32>
      %broadcast_in_dim3A_1715 = vector.broadcast %jit3A_1713 : f32 to vector<16xf32>
      %select_n3A_1716 = arith.select %and3A_1711, %broadcast_in_dim3A_1714, %broadcast_in_dim3A_1715 : vector<16xi1>, vector<16xf32>
      %swap3A_1717 = arith.constant 1 : i32
      %swap3A_1718 = arith.index_cast %swap3A_1717 : i32 to index
      %swap3A_1719 = arith.constant 48 : index
      %swap3A_1720 = tpu.vector_load %arg16[%swap3A_1718, %swap3A_1719] {strides = array<i32>} : memref<4x128xf32, #tpu.memory_space<vmem>>, vector<1x16xf32>,
      %swap3A_1721 = vector.shape_cast %swap3A_1720 : vector<1x16xf32> to vector<16xf32>
      %swap3A_1722 = vector.shape_cast %select_n3A_1716 : vector<16xf32> to vector<1x16xf32>
      tpu.vector_store %arg16[%swap3A_1718, %swap3A_1719], %swap3A_1722 {strides = array<i32>} : memref<4x128xf32, #tpu.memory_space<vmem>>, vector<1x16xf32>,
      %get3A_1723 = arith.constant 192 : index
      %get3A_1724 = tpu.vector_load %arg11[%get3A_1723] {strides = array<i32>} : memref<512xi32, #tpu.memory_space<vmem>>, vector<16xi32>,
      %get3A_1725 = vector.shape_cast %get3A_1724 : vector<16xi32> to vector<16xi32>
      %add3A_1726 = arith.constant 192 : i32
      %add3A_1727 = arith.addi %add3A_811, %add3A_1726 : i32
      %add3A_1728 = vector.broadcast %add3A_1727 : i32 to vector<16xi32>
      %add3A_1729 = arith.addi %add3A_1728, %iota3A : vector<16xi32>
      %eq3A_1730 = arith.cmpi eq, %get3A_1725, %add3A_1729 : vector<16xi32>
      %get3A_1731 = arith.constant 192 : index
      %get3A_1732 = tpu.vector_load %arg8[%get3A_1731] {strides = array<i32>} : memref<512xi32, #tpu.memory_space<vmem>>, vector<16xi32>,
      %get3A_1733 = vector.shape_cast %get3A_1732 : vector<16xi32> to vector<16xi32>
      %get3A_1734 = arith.constant 192 : index
      %get3A_1735 = tpu.vector_load %arg9[%get3A_1734] {strides = array<i32>} : memref<512xi32, #tpu.memory_space<vmem>>, vector<16xi32>,
      %get3A_1736 = vector.shape_cast %get3A_1735 : vector<16xi32> to vector<16xi32>
      %broadcast_in_dim3A_1737 = vector.broadcast %add3A_770 : i32 to vector<16xi32>
      %select_n3A_1738 = arith.select %eq3A_1730, %get3A_1733, %broadcast_in_dim3A_1737 : vector<16xi1>, vector<16xi32>
      %swap3A_1739 = arith.constant 64 : index
      %swap3A_1740 = tpu.vector_load %arg13[%swap3A_1739] {strides = array<i32>} : memref<128xi32, #tpu.memory_space<vmem>>, vector<16xi32>,
      %swap3A_1741 = vector.shape_cast %swap3A_1740 : vector<16xi32> to vector<16xi32>
      %swap3A_1742 = vector.shape_cast %select_n3A_1738 : vector<16xi32> to vector<16xi32>
      tpu.vector_store %arg13[%swap3A_1739], %swap3A_1742 {strides = array<i32>} : memref<128xi32, #tpu.memory_space<vmem>>, vector<16xi32>,
      %eq3A_1743 = arith.cmpi eq, %get3A_1733, %get3A_1736 : vector<16xi32>
      %and3A_1744 = arith.andi %eq3A_1730, %eq3A_1743 : vector<16xi1>
      %jit3A_1745 = arith.constant 1.000000e+00 : f32
      %jit3A_1746 = arith.constant 0.000000e+00 : f32
      %broadcast_in_dim3A_1747 = vector.broadcast %jit3A_1745 : f32 to vector<16xf32>
      %broadcast_in_dim3A_1748 = vector.broadcast %jit3A_1746 : f32 to vector<16xf32>
      %select_n3A_1749 = arith.select %and3A_1744, %broadcast_in_dim3A_1747, %broadcast_in_dim3A_1748 : vector<16xi1>, vector<16xf32>
      %swap3A_1750 = arith.constant 1 : i32
      %swap3A_1751 = arith.index_cast %swap3A_1750 : i32 to index
      %swap3A_1752 = arith.constant 64 : index
      %swap3A_1753 = tpu.vector_load %arg16[%swap3A_1751, %swap3A_1752] {strides = array<i32>} : memref<4x128xf32, #tpu.memory_space<vmem>>, vector<1x16xf32>,
      %swap3A_1754 = vector.shape_cast %swap3A_1753 : vector<1x16xf32> to vector<16xf32>
      %swap3A_1755 = vector.shape_cast %select_n3A_1749 : vector<16xf32> to vector<1x16xf32>
      tpu.vector_store %arg16[%swap3A_1751, %swap3A_1752], %swap3A_1755 {strides = array<i32>} : memref<4x128xf32, #tpu.memory_space<vmem>>, vector<1x16xf32>,
      %get3A_1756 = arith.constant 208 : index
      %get3A_1757 = tpu.vector_load %arg11[%get3A_1756] {strides = array<i32>} : memref<512xi32, #tpu.memory_space<vmem>>, vector<16xi32>,
      %get3A_1758 = vector.shape_cast %get3A_1757 : vector<16xi32> to vector<16xi32>
      %add3A_1759 = arith.constant 208 : i32
      %add3A_1760 = arith.addi %add3A_811, %add3A_1759 : i32
      %add3A_1761 = vector.broadcast %add3A_1760 : i32 to vector<16xi32>
      %add3A_1762 = arith.addi %add3A_1761, %iota3A : vector<16xi32>
      %eq3A_1763 = arith.cmpi eq, %get3A_1758, %add3A_1762 : vector<16xi32>
      %get3A_1764 = arith.constant 208 : index
      %get3A_1765 = tpu.vector_load %arg8[%get3A_1764] {strides = array<i32>} : memref<512xi32, #tpu.memory_space<vmem>>, vector<16xi32>,
      %get3A_1766 = vector.shape_cast %get3A_1765 : vector<16xi32> to vector<16xi32>
      %get3A_1767 = arith.constant 208 : index
      %get3A_1768 = tpu.vector_load %arg9[%get3A_1767] {strides = array<i32>} : memref<512xi32, #tpu.memory_space<vmem>>, vector<16xi32>,
      %get3A_1769 = vector.shape_cast %get3A_1768 : vector<16xi32> to vector<16xi32>
      %broadcast_in_dim3A_1770 = vector.broadcast %add3A_770 : i32 to vector<16xi32>
      %select_n3A_1771 = arith.select %eq3A_1763, %get3A_1766, %broadcast_in_dim3A_1770 : vector<16xi1>, vector<16xi32>
      %swap3A_1772 = arith.constant 80 : index
      %swap3A_1773 = tpu.vector_load %arg13[%swap3A_1772] {strides = array<i32>} : memref<128xi32, #tpu.memory_space<vmem>>, vector<16xi32>,
      %swap3A_1774 = vector.shape_cast %swap3A_1773 : vector<16xi32> to vector<16xi32>
      %swap3A_1775 = vector.shape_cast %select_n3A_1771 : vector<16xi32> to vector<16xi32>
      tpu.vector_store %arg13[%swap3A_1772], %swap3A_1775 {strides = array<i32>} : memref<128xi32, #tpu.memory_space<vmem>>, vector<16xi32>,
      %eq3A_1776 = arith.cmpi eq, %get3A_1766, %get3A_1769 : vector<16xi32>
      %and3A_1777 = arith.andi %eq3A_1763, %eq3A_1776 : vector<16xi1>
      %jit3A_1778 = arith.constant 1.000000e+00 : f32
      %jit3A_1779 = arith.constant 0.000000e+00 : f32
      %broadcast_in_dim3A_1780 = vector.broadcast %jit3A_1778 : f32 to vector<16xf32>
      %broadcast_in_dim3A_1781 = vector.broadcast %jit3A_1779 : f32 to vector<16xf32>
      %select_n3A_1782 = arith.select %and3A_1777, %broadcast_in_dim3A_1780, %broadcast_in_dim3A_1781 : vector<16xi1>, vector<16xf32>
      %swap3A_1783 = arith.constant 1 : i32
      %swap3A_1784 = arith.index_cast %swap3A_1783 : i32 to index
      %swap3A_1785 = arith.constant 80 : index
      %swap3A_1786 = tpu.vector_load %arg16[%swap3A_1784, %swap3A_1785] {strides = array<i32>} : memref<4x128xf32, #tpu.memory_space<vmem>>, vector<1x16xf32>,
      %swap3A_1787 = vector.shape_cast %swap3A_1786 : vector<1x16xf32> to vector<16xf32>
      %swap3A_1788 = vector.shape_cast %select_n3A_1782 : vector<16xf32> to vector<1x16xf32>
      tpu.vector_store %arg16[%swap3A_1784, %swap3A_1785], %swap3A_1788 {strides = array<i32>} : memref<4x128xf32, #tpu.memory_space<vmem>>, vector<1x16xf32>,
      %get3A_1789 = arith.constant 224 : index
      %get3A_1790 = tpu.vector_load %arg11[%get3A_1789] {strides = array<i32>} : memref<512xi32, #tpu.memory_space<vmem>>, vector<16xi32>,
      %get3A_1791 = vector.shape_cast %get3A_1790 : vector<16xi32> to vector<16xi32>
      %add3A_1792 = arith.constant 224 : i32
      %add3A_1793 = arith.addi %add3A_811, %add3A_1792 : i32
      %add3A_1794 = vector.broadcast %add3A_1793 : i32 to vector<16xi32>
      %add3A_1795 = arith.addi %add3A_1794, %iota3A : vector<16xi32>
      %eq3A_1796 = arith.cmpi eq, %get3A_1791, %add3A_1795 : vector<16xi32>
      %get3A_1797 = arith.constant 224 : index
      %get3A_1798 = tpu.vector_load %arg8[%get3A_1797] {strides = array<i32>} : memref<512xi32, #tpu.memory_space<vmem>>, vector<16xi32>,
      %get3A_1799 = vector.shape_cast %get3A_1798 : vector<16xi32> to vector<16xi32>
      %get3A_1800 = arith.constant 224 : index
      %get3A_1801 = tpu.vector_load %arg9[%get3A_1800] {strides = array<i32>} : memref<512xi32, #tpu.memory_space<vmem>>, vector<16xi32>,
      %get3A_1802 = vector.shape_cast %get3A_1801 : vector<16xi32> to vector<16xi32>
      %broadcast_in_dim3A_1803 = vector.broadcast %add3A_770 : i32 to vector<16xi32>
      %select_n3A_1804 = arith.select %eq3A_1796, %get3A_1799, %broadcast_in_dim3A_1803 : vector<16xi1>, vector<16xi32>
      %swap3A_1805 = arith.constant 96 : index
      %swap3A_1806 = tpu.vector_load %arg13[%swap3A_1805] {strides = array<i32>} : memref<128xi32, #tpu.memory_space<vmem>>, vector<16xi32>,
      %swap3A_1807 = vector.shape_cast %swap3A_1806 : vector<16xi32> to vector<16xi32>
      %swap3A_1808 = vector.shape_cast %select_n3A_1804 : vector<16xi32> to vector<16xi32>
      tpu.vector_store %arg13[%swap3A_1805], %swap3A_1808 {strides = array<i32>} : memref<128xi32, #tpu.memory_space<vmem>>, vector<16xi32>,
      %eq3A_1809 = arith.cmpi eq, %get3A_1799, %get3A_1802 : vector<16xi32>
      %and3A_1810 = arith.andi %eq3A_1796, %eq3A_1809 : vector<16xi1>
      %jit3A_1811 = arith.constant 1.000000e+00 : f32
      %jit3A_1812 = arith.constant 0.000000e+00 : f32
      %broadcast_in_dim3A_1813 = vector.broadcast %jit3A_1811 : f32 to vector<16xf32>
      %broadcast_in_dim3A_1814 = vector.broadcast %jit3A_1812 : f32 to vector<16xf32>
      %select_n3A_1815 = arith.select %and3A_1810, %broadcast_in_dim3A_1813, %broadcast_in_dim3A_1814 : vector<16xi1>, vector<16xf32>
      %swap3A_1816 = arith.constant 1 : i32
      %swap3A_1817 = arith.index_cast %swap3A_1816 : i32 to index
      %swap3A_1818 = arith.constant 96 : index
      %swap3A_1819 = tpu.vector_load %arg16[%swap3A_1817, %swap3A_1818] {strides = array<i32>} : memref<4x128xf32, #tpu.memory_space<vmem>>, vector<1x16xf32>,
      %swap3A_1820 = vector.shape_cast %swap3A_1819 : vector<1x16xf32> to vector<16xf32>
      %swap3A_1821 = vector.shape_cast %select_n3A_1815 : vector<16xf32> to vector<1x16xf32>
      tpu.vector_store %arg16[%swap3A_1817, %swap3A_1818], %swap3A_1821 {strides = array<i32>} : memref<4x128xf32, #tpu.memory_space<vmem>>, vector<1x16xf32>,
      %get3A_1822 = arith.constant 240 : index
      %get3A_1823 = tpu.vector_load %arg11[%get3A_1822] {strides = array<i32>} : memref<512xi32, #tpu.memory_space<vmem>>, vector<16xi32>,
      %get3A_1824 = vector.shape_cast %get3A_1823 : vector<16xi32> to vector<16xi32>
      %add3A_1825 = arith.constant 240 : i32
      %add3A_1826 = arith.addi %add3A_811, %add3A_1825 : i32
      %add3A_1827 = vector.broadcast %add3A_1826 : i32 to vector<16xi32>
      %add3A_1828 = arith.addi %add3A_1827, %iota3A : vector<16xi32>
      %eq3A_1829 = arith.cmpi eq, %get3A_1824, %add3A_1828 : vector<16xi32>
      %get3A_1830 = arith.constant 240 : index
      %get3A_1831 = tpu.vector_load %arg8[%get3A_1830] {strides = array<i32>} : memref<512xi32, #tpu.memory_space<vmem>>, vector<16xi32>,
      %get3A_1832 = vector.shape_cast %get3A_1831 : vector<16xi32> to vector<16xi32>
      %get3A_1833 = arith.constant 240 : index
      %get3A_1834 = tpu.vector_load %arg9[%get3A_1833] {strides = array<i32>} : memref<512xi32, #tpu.memory_space<vmem>>, vector<16xi32>,
      %get3A_1835 = vector.shape_cast %get3A_1834 : vector<16xi32> to vector<16xi32>
      %broadcast_in_dim3A_1836 = vector.broadcast %add3A_770 : i32 to vector<16xi32>
      %select_n3A_1837 = arith.select %eq3A_1829, %get3A_1832, %broadcast_in_dim3A_1836 : vector<16xi1>, vector<16xi32>
      %swap3A_1838 = arith.constant 112 : index
      %swap3A_1839 = tpu.vector_load %arg13[%swap3A_1838] {strides = array<i32>} : memref<128xi32, #tpu.memory_space<vmem>>, vector<16xi32>,
      %swap3A_1840 = vector.shape_cast %swap3A_1839 : vector<16xi32> to vector<16xi32>
      %swap3A_1841 = vector.shape_cast %select_n3A_1837 : vector<16xi32> to vector<16xi32>
      tpu.vector_store %arg13[%swap3A_1838], %swap3A_1841 {strides = array<i32>} : memref<128xi32, #tpu.memory_space<vmem>>, vector<16xi32>,
      %eq3A_1842 = arith.cmpi eq, %get3A_1832, %get3A_1835 : vector<16xi32>
      %and3A_1843 = arith.andi %eq3A_1829, %eq3A_1842 : vector<16xi1>
      %jit3A_1844 = arith.constant 1.000000e+00 : f32
      %jit3A_1845 = arith.constant 0.000000e+00 : f32
      %broadcast_in_dim3A_1846 = vector.broadcast %jit3A_1844 : f32 to vector<16xf32>
      %broadcast_in_dim3A_1847 = vector.broadcast %jit3A_1845 : f32 to vector<16xf32>
      %select_n3A_1848 = arith.select %and3A_1843, %broadcast_in_dim3A_1846, %broadcast_in_dim3A_1847 : vector<16xi1>, vector<16xf32>
      %swap3A_1849 = arith.constant 1 : i32
      %swap3A_1850 = arith.index_cast %swap3A_1849 : i32 to index
      %swap3A_1851 = arith.constant 112 : index
      %swap3A_1852 = tpu.vector_load %arg16[%swap3A_1850, %swap3A_1851] {strides = array<i32>} : memref<4x128xf32, #tpu.memory_space<vmem>>, vector<1x16xf32>,
      %swap3A_1853 = vector.shape_cast %swap3A_1852 : vector<1x16xf32> to vector<16xf32>
      %swap3A_1854 = vector.shape_cast %select_n3A_1848 : vector<16xf32> to vector<1x16xf32>
      tpu.vector_store %arg16[%swap3A_1850, %swap3A_1851], %swap3A_1854 {strides = array<i32>} : memref<4x128xf32, #tpu.memory_space<vmem>>, vector<1x16xf32>,
      %dma_wait3A_1855 = arith.constant 256 : i32
      %dma_wait3A_1856 = tpu.memref_slice %arg11[%dma_wait3A_1855] : memref<512xi32, #tpu.memory_space<vmem>> -> memref<128xi32, #tpu.memory_space<vmem>>
      %dma_wait3A_1857 = arith.constant 256 : i32
      %dma_wait3A_1858 = tpu.memref_slice %arg10[%dma_wait3A_1857] : memref<512xi32, #tpu.memory_space<vmem>> -> memref<128xi32, #tpu.memory_space<vmem>>
      %dma_wait3A_1859 = arith.constant 0 : i32
      %dma_wait3A_1860 = tpu.memref_slice %arg4[%dma_wait3A_1859] : memref<16777216xi32, #tpu.memory_space<hbm>> -> memref<16777216xi32, #tpu.memory_space<hbm>>
      tpu.wait_indirect_dma semaphore(%arg23 : memref<!tpu.dma_semaphore, #tpu.memory_space<semaphore_mem>>) src(%dma_wait3A_1860 : memref<16777216xi32, #tpu.memory_space<hbm>>) dst(%dma_wait3A_1856 : memref<128xi32, #tpu.memory_space<vmem>>)
      %get3A_1861 = arith.constant 256 : index
      %get3A_1862 = tpu.vector_load %arg11[%get3A_1861] {strides = array<i32>} : memref<512xi32, #tpu.memory_space<vmem>>, vector<16xi32>,
      %get3A_1863 = vector.shape_cast %get3A_1862 : vector<16xi32> to vector<16xi32>
      %add3A_1864 = arith.constant 256 : i32
      %add3A_1865 = arith.addi %add3A_811, %add3A_1864 : i32
      %add3A_1866 = vector.broadcast %add3A_1865 : i32 to vector<16xi32>
      %add3A_1867 = arith.addi %add3A_1866, %iota3A : vector<16xi32>
      %eq3A_1868 = arith.cmpi eq, %get3A_1863, %add3A_1867 : vector<16xi32>
      %get3A_1869 = arith.constant 256 : index
      %get3A_1870 = tpu.vector_load %arg8[%get3A_1869] {strides = array<i32>} : memref<512xi32, #tpu.memory_space<vmem>>, vector<16xi32>,
      %get3A_1871 = vector.shape_cast %get3A_1870 : vector<16xi32> to vector<16xi32>
      %get3A_1872 = arith.constant 256 : index
      %get3A_1873 = tpu.vector_load %arg9[%get3A_1872] {strides = array<i32>} : memref<512xi32, #tpu.memory_space<vmem>>, vector<16xi32>,
      %get3A_1874 = vector.shape_cast %get3A_1873 : vector<16xi32> to vector<16xi32>
      %broadcast_in_dim3A_1875 = vector.broadcast %add3A_770 : i32 to vector<16xi32>
      %select_n3A_1876 = arith.select %eq3A_1868, %get3A_1871, %broadcast_in_dim3A_1875 : vector<16xi1>, vector<16xi32>
      %swap3A_1877 = arith.constant 0 : index
      %swap3A_1878 = tpu.vector_load %arg14[%swap3A_1877] {strides = array<i32>} : memref<128xi32, #tpu.memory_space<vmem>>, vector<16xi32>,
      %swap3A_1879 = vector.shape_cast %swap3A_1878 : vector<16xi32> to vector<16xi32>
      %swap3A_1880 = vector.shape_cast %select_n3A_1876 : vector<16xi32> to vector<16xi32>
      tpu.vector_store %arg14[%swap3A_1877], %swap3A_1880 {strides = array<i32>} : memref<128xi32, #tpu.memory_space<vmem>>, vector<16xi32>,
      %eq3A_1881 = arith.cmpi eq, %get3A_1871, %get3A_1874 : vector<16xi32>
      %and3A_1882 = arith.andi %eq3A_1868, %eq3A_1881 : vector<16xi1>
      %jit3A_1883 = arith.constant 1.000000e+00 : f32
      %jit3A_1884 = arith.constant 0.000000e+00 : f32
      %broadcast_in_dim3A_1885 = vector.broadcast %jit3A_1883 : f32 to vector<16xf32>
      %broadcast_in_dim3A_1886 = vector.broadcast %jit3A_1884 : f32 to vector<16xf32>
      %select_n3A_1887 = arith.select %and3A_1882, %broadcast_in_dim3A_1885, %broadcast_in_dim3A_1886 : vector<16xi1>, vector<16xf32>
      %swap3A_1888 = arith.constant 2 : i32
      %swap3A_1889 = arith.index_cast %swap3A_1888 : i32 to index
      %swap3A_1890 = arith.constant 0 : index
      %swap3A_1891 = tpu.vector_load %arg16[%swap3A_1889, %swap3A_1890] {strides = array<i32>} : memref<4x128xf32, #tpu.memory_space<vmem>>, vector<1x16xf32>,
      %swap3A_1892 = vector.shape_cast %swap3A_1891 : vector<1x16xf32> to vector<16xf32>
      %swap3A_1893 = vector.shape_cast %select_n3A_1887 : vector<16xf32> to vector<1x16xf32>
      tpu.vector_store %arg16[%swap3A_1889, %swap3A_1890], %swap3A_1893 {strides = array<i32>} : memref<4x128xf32, #tpu.memory_space<vmem>>, vector<1x16xf32>,
      %get3A_1894 = arith.constant 272 : index
      %get3A_1895 = tpu.vector_load %arg11[%get3A_1894] {strides = array<i32>} : memref<512xi32, #tpu.memory_space<vmem>>, vector<16xi32>,
      %get3A_1896 = vector.shape_cast %get3A_1895 : vector<16xi32> to vector<16xi32>
      %add3A_1897 = arith.constant 272 : i32
      %add3A_1898 = arith.addi %add3A_811, %add3A_1897 : i32
      %add3A_1899 = vector.broadcast %add3A_1898 : i32 to vector<16xi32>
      %add3A_1900 = arith.addi %add3A_1899, %iota3A : vector<16xi32>
      %eq3A_1901 = arith.cmpi eq, %get3A_1896, %add3A_1900 : vector<16xi32>
      %get3A_1902 = arith.constant 272 : index
      %get3A_1903 = tpu.vector_load %arg8[%get3A_1902] {strides = array<i32>} : memref<512xi32, #tpu.memory_space<vmem>>, vector<16xi32>,
      %get3A_1904 = vector.shape_cast %get3A_1903 : vector<16xi32> to vector<16xi32>
      %get3A_1905 = arith.constant 272 : index
      %get3A_1906 = tpu.vector_load %arg9[%get3A_1905] {strides = array<i32>} : memref<512xi32, #tpu.memory_space<vmem>>, vector<16xi32>,
      %get3A_1907 = vector.shape_cast %get3A_1906 : vector<16xi32> to vector<16xi32>
      %broadcast_in_dim3A_1908 = vector.broadcast %add3A_770 : i32 to vector<16xi32>
      %select_n3A_1909 = arith.select %eq3A_1901, %get3A_1904, %broadcast_in_dim3A_1908 : vector<16xi1>, vector<16xi32>
      %swap3A_1910 = arith.constant 16 : index
      %swap3A_1911 = tpu.vector_load %arg14[%swap3A_1910] {strides = array<i32>} : memref<128xi32, #tpu.memory_space<vmem>>, vector<16xi32>,
      %swap3A_1912 = vector.shape_cast %swap3A_1911 : vector<16xi32> to vector<16xi32>
      %swap3A_1913 = vector.shape_cast %select_n3A_1909 : vector<16xi32> to vector<16xi32>
      tpu.vector_store %arg14[%swap3A_1910], %swap3A_1913 {strides = array<i32>} : memref<128xi32, #tpu.memory_space<vmem>>, vector<16xi32>,
      %eq3A_1914 = arith.cmpi eq, %get3A_1904, %get3A_1907 : vector<16xi32>
      %and3A_1915 = arith.andi %eq3A_1901, %eq3A_1914 : vector<16xi1>
      %jit3A_1916 = arith.constant 1.000000e+00 : f32
      %jit3A_1917 = arith.constant 0.000000e+00 : f32
      %broadcast_in_dim3A_1918 = vector.broadcast %jit3A_1916 : f32 to vector<16xf32>
      %broadcast_in_dim3A_1919 = vector.broadcast %jit3A_1917 : f32 to vector<16xf32>
      %select_n3A_1920 = arith.select %and3A_1915, %broadcast_in_dim3A_1918, %broadcast_in_dim3A_1919 : vector<16xi1>, vector<16xf32>
      %swap3A_1921 = arith.constant 2 : i32
      %swap3A_1922 = arith.index_cast %swap3A_1921 : i32 to index
      %swap3A_1923 = arith.constant 16 : index
      %swap3A_1924 = tpu.vector_load %arg16[%swap3A_1922, %swap3A_1923] {strides = array<i32>} : memref<4x128xf32, #tpu.memory_space<vmem>>, vector<1x16xf32>,
      %swap3A_1925 = vector.shape_cast %swap3A_1924 : vector<1x16xf32> to vector<16xf32>
      %swap3A_1926 = vector.shape_cast %select_n3A_1920 : vector<16xf32> to vector<1x16xf32>
      tpu.vector_store %arg16[%swap3A_1922, %swap3A_1923], %swap3A_1926 {strides = array<i32>} : memref<4x128xf32, #tpu.memory_space<vmem>>, vector<1x16xf32>,
      %get3A_1927 = arith.constant 288 : index
      %get3A_1928 = tpu.vector_load %arg11[%get3A_1927] {strides = array<i32>} : memref<512xi32, #tpu.memory_space<vmem>>, vector<16xi32>,
      %get3A_1929 = vector.shape_cast %get3A_1928 : vector<16xi32> to vector<16xi32>
      %add3A_1930 = arith.constant 288 : i32
      %add3A_1931 = arith.addi %add3A_811, %add3A_1930 : i32
      %add3A_1932 = vector.broadcast %add3A_1931 : i32 to vector<16xi32>
      %add3A_1933 = arith.addi %add3A_1932, %iota3A : vector<16xi32>
      %eq3A_1934 = arith.cmpi eq, %get3A_1929, %add3A_1933 : vector<16xi32>
      %get3A_1935 = arith.constant 288 : index
      %get3A_1936 = tpu.vector_load %arg8[%get3A_1935] {strides = array<i32>} : memref<512xi32, #tpu.memory_space<vmem>>, vector<16xi32>,
      %get3A_1937 = vector.shape_cast %get3A_1936 : vector<16xi32> to vector<16xi32>
      %get3A_1938 = arith.constant 288 : index
      %get3A_1939 = tpu.vector_load %arg9[%get3A_1938] {strides = array<i32>} : memref<512xi32, #tpu.memory_space<vmem>>, vector<16xi32>,
      %get3A_1940 = vector.shape_cast %get3A_1939 : vector<16xi32> to vector<16xi32>
      %broadcast_in_dim3A_1941 = vector.broadcast %add3A_770 : i32 to vector<16xi32>
      %select_n3A_1942 = arith.select %eq3A_1934, %get3A_1937, %broadcast_in_dim3A_1941 : vector<16xi1>, vector<16xi32>
      %swap3A_1943 = arith.constant 32 : index
      %swap3A_1944 = tpu.vector_load %arg14[%swap3A_1943] {strides = array<i32>} : memref<128xi32, #tpu.memory_space<vmem>>, vector<16xi32>,
      %swap3A_1945 = vector.shape_cast %swap3A_1944 : vector<16xi32> to vector<16xi32>
      %swap3A_1946 = vector.shape_cast %select_n3A_1942 : vector<16xi32> to vector<16xi32>
      tpu.vector_store %arg14[%swap3A_1943], %swap3A_1946 {strides = array<i32>} : memref<128xi32, #tpu.memory_space<vmem>>, vector<16xi32>,
      %eq3A_1947 = arith.cmpi eq, %get3A_1937, %get3A_1940 : vector<16xi32>
      %and3A_1948 = arith.andi %eq3A_1934, %eq3A_1947 : vector<16xi1>
      %jit3A_1949 = arith.constant 1.000000e+00 : f32
      %jit3A_1950 = arith.constant 0.000000e+00 : f32
      %broadcast_in_dim3A_1951 = vector.broadcast %jit3A_1949 : f32 to vector<16xf32>
      %broadcast_in_dim3A_1952 = vector.broadcast %jit3A_1950 : f32 to vector<16xf32>
      %select_n3A_1953 = arith.select %and3A_1948, %broadcast_in_dim3A_1951, %broadcast_in_dim3A_1952 : vector<16xi1>, vector<16xf32>
      %swap3A_1954 = arith.constant 2 : i32
      %swap3A_1955 = arith.index_cast %swap3A_1954 : i32 to index
      %swap3A_1956 = arith.constant 32 : index
      %swap3A_1957 = tpu.vector_load %arg16[%swap3A_1955, %swap3A_1956] {strides = array<i32>} : memref<4x128xf32, #tpu.memory_space<vmem>>, vector<1x16xf32>,
      %swap3A_1958 = vector.shape_cast %swap3A_1957 : vector<1x16xf32> to vector<16xf32>
      %swap3A_1959 = vector.shape_cast %select_n3A_1953 : vector<16xf32> to vector<1x16xf32>
      tpu.vector_store %arg16[%swap3A_1955, %swap3A_1956], %swap3A_1959 {strides = array<i32>} : memref<4x128xf32, #tpu.memory_space<vmem>>, vector<1x16xf32>,
      %get3A_1960 = arith.constant 304 : index
      %get3A_1961 = tpu.vector_load %arg11[%get3A_1960] {strides = array<i32>} : memref<512xi32, #tpu.memory_space<vmem>>, vector<16xi32>,
      %get3A_1962 = vector.shape_cast %get3A_1961 : vector<16xi32> to vector<16xi32>
      %add3A_1963 = arith.constant 304 : i32
      %add3A_1964 = arith.addi %add3A_811, %add3A_1963 : i32
      %add3A_1965 = vector.broadcast %add3A_1964 : i32 to vector<16xi32>
      %add3A_1966 = arith.addi %add3A_1965, %iota3A : vector<16xi32>
      %eq3A_1967 = arith.cmpi eq, %get3A_1962, %add3A_1966 : vector<16xi32>
      %get3A_1968 = arith.constant 304 : index
      %get3A_1969 = tpu.vector_load %arg8[%get3A_1968] {strides = array<i32>} : memref<512xi32, #tpu.memory_space<vmem>>, vector<16xi32>,
      %get3A_1970 = vector.shape_cast %get3A_1969 : vector<16xi32> to vector<16xi32>
      %get3A_1971 = arith.constant 304 : index
      %get3A_1972 = tpu.vector_load %arg9[%get3A_1971] {strides = array<i32>} : memref<512xi32, #tpu.memory_space<vmem>>, vector<16xi32>,
      %get3A_1973 = vector.shape_cast %get3A_1972 : vector<16xi32> to vector<16xi32>
      %broadcast_in_dim3A_1974 = vector.broadcast %add3A_770 : i32 to vector<16xi32>
      %select_n3A_1975 = arith.select %eq3A_1967, %get3A_1970, %broadcast_in_dim3A_1974 : vector<16xi1>, vector<16xi32>
      %swap3A_1976 = arith.constant 48 : index
      %swap3A_1977 = tpu.vector_load %arg14[%swap3A_1976] {strides = array<i32>} : memref<128xi32, #tpu.memory_space<vmem>>, vector<16xi32>,
      %swap3A_1978 = vector.shape_cast %swap3A_1977 : vector<16xi32> to vector<16xi32>
      %swap3A_1979 = vector.shape_cast %select_n3A_1975 : vector<16xi32> to vector<16xi32>
      tpu.vector_store %arg14[%swap3A_1976], %swap3A_1979 {strides = array<i32>} : memref<128xi32, #tpu.memory_space<vmem>>, vector<16xi32>,
      %eq3A_1980 = arith.cmpi eq, %get3A_1970, %get3A_1973 : vector<16xi32>
      %and3A_1981 = arith.andi %eq3A_1967, %eq3A_1980 : vector<16xi1>
      %jit3A_1982 = arith.constant 1.000000e+00 : f32
      %jit3A_1983 = arith.constant 0.000000e+00 : f32
      %broadcast_in_dim3A_1984 = vector.broadcast %jit3A_1982 : f32 to vector<16xf32>
      %broadcast_in_dim3A_1985 = vector.broadcast %jit3A_1983 : f32 to vector<16xf32>
      %select_n3A_1986 = arith.select %and3A_1981, %broadcast_in_dim3A_1984, %broadcast_in_dim3A_1985 : vector<16xi1>, vector<16xf32>
      %swap3A_1987 = arith.constant 2 : i32
      %swap3A_1988 = arith.index_cast %swap3A_1987 : i32 to index
      %swap3A_1989 = arith.constant 48 : index
      %swap3A_1990 = tpu.vector_load %arg16[%swap3A_1988, %swap3A_1989] {strides = array<i32>} : memref<4x128xf32, #tpu.memory_space<vmem>>, vector<1x16xf32>,
      %swap3A_1991 = vector.shape_cast %swap3A_1990 : vector<1x16xf32> to vector<16xf32>
      %swap3A_1992 = vector.shape_cast %select_n3A_1986 : vector<16xf32> to vector<1x16xf32>
      tpu.vector_store %arg16[%swap3A_1988, %swap3A_1989], %swap3A_1992 {strides = array<i32>} : memref<4x128xf32, #tpu.memory_space<vmem>>, vector<1x16xf32>,
      %get3A_1993 = arith.constant 320 : index
      %get3A_1994 = tpu.vector_load %arg11[%get3A_1993] {strides = array<i32>} : memref<512xi32, #tpu.memory_space<vmem>>, vector<16xi32>,
      %get3A_1995 = vector.shape_cast %get3A_1994 : vector<16xi32> to vector<16xi32>
      %add3A_1996 = arith.constant 320 : i32
      %add3A_1997 = arith.addi %add3A_811, %add3A_1996 : i32
      %add3A_1998 = vector.broadcast %add3A_1997 : i32 to vector<16xi32>
      %add3A_1999 = arith.addi %add3A_1998, %iota3A : vector<16xi32>
      %eq3A_2000 = arith.cmpi eq, %get3A_1995, %add3A_1999 : vector<16xi32>
      %get3A_2001 = arith.constant 320 : index
      %get3A_2002 = tpu.vector_load %arg8[%get3A_2001] {strides = array<i32>} : memref<512xi32, #tpu.memory_space<vmem>>, vector<16xi32>,
      %get3A_2003 = vector.shape_cast %get3A_2002 : vector<16xi32> to vector<16xi32>
      %get3A_2004 = arith.constant 320 : index
      %get3A_2005 = tpu.vector_load %arg9[%get3A_2004] {strides = array<i32>} : memref<512xi32, #tpu.memory_space<vmem>>, vector<16xi32>,
      %get3A_2006 = vector.shape_cast %get3A_2005 : vector<16xi32> to vector<16xi32>
      %broadcast_in_dim3A_2007 = vector.broadcast %add3A_770 : i32 to vector<16xi32>
      %select_n3A_2008 = arith.select %eq3A_2000, %get3A_2003, %broadcast_in_dim3A_2007 : vector<16xi1>, vector<16xi32>
      %swap3A_2009 = arith.constant 64 : index
      %swap3A_2010 = tpu.vector_load %arg14[%swap3A_2009] {strides = array<i32>} : memref<128xi32, #tpu.memory_space<vmem>>, vector<16xi32>,
      %swap3A_2011 = vector.shape_cast %swap3A_2010 : vector<16xi32> to vector<16xi32>
      %swap3A_2012 = vector.shape_cast %select_n3A_2008 : vector<16xi32> to vector<16xi32>
      tpu.vector_store %arg14[%swap3A_2009], %swap3A_2012 {strides = array<i32>} : memref<128xi32, #tpu.memory_space<vmem>>, vector<16xi32>,
      %eq3A_2013 = arith.cmpi eq, %get3A_2003, %get3A_2006 : vector<16xi32>
      %and3A_2014 = arith.andi %eq3A_2000, %eq3A_2013 : vector<16xi1>
      %jit3A_2015 = arith.constant 1.000000e+00 : f32
      %jit3A_2016 = arith.constant 0.000000e+00 : f32
      %broadcast_in_dim3A_2017 = vector.broadcast %jit3A_2015 : f32 to vector<16xf32>
      %broadcast_in_dim3A_2018 = vector.broadcast %jit3A_2016 : f32 to vector<16xf32>
      %select_n3A_2019 = arith.select %and3A_2014, %broadcast_in_dim3A_2017, %broadcast_in_dim3A_2018 : vector<16xi1>, vector<16xf32>
      %swap3A_2020 = arith.constant 2 : i32
      %swap3A_2021 = arith.index_cast %swap3A_2020 : i32 to index
      %swap3A_2022 = arith.constant 64 : index
      %swap3A_2023 = tpu.vector_load %arg16[%swap3A_2021, %swap3A_2022] {strides = array<i32>} : memref<4x128xf32, #tpu.memory_space<vmem>>, vector<1x16xf32>,
      %swap3A_2024 = vector.shape_cast %swap3A_2023 : vector<1x16xf32> to vector<16xf32>
      %swap3A_2025 = vector.shape_cast %select_n3A_2019 : vector<16xf32> to vector<1x16xf32>
      tpu.vector_store %arg16[%swap3A_2021, %swap3A_2022], %swap3A_2025 {strides = array<i32>} : memref<4x128xf32, #tpu.memory_space<vmem>>, vector<1x16xf32>,
      %get3A_2026 = arith.constant 336 : index
      %get3A_2027 = tpu.vector_load %arg11[%get3A_2026] {strides = array<i32>} : memref<512xi32, #tpu.memory_space<vmem>>, vector<16xi32>,
      %get3A_2028 = vector.shape_cast %get3A_2027 : vector<16xi32> to vector<16xi32>
      %add3A_2029 = arith.constant 336 : i32
      %add3A_2030 = arith.addi %add3A_811, %add3A_2029 : i32
      %add3A_2031 = vector.broadcast %add3A_2030 : i32 to vector<16xi32>
      %add3A_2032 = arith.addi %add3A_2031, %iota3A : vector<16xi32>
      %eq3A_2033 = arith.cmpi eq, %get3A_2028, %add3A_2032 : vector<16xi32>
      %get3A_2034 = arith.constant 336 : index
      %get3A_2035 = tpu.vector_load %arg8[%get3A_2034] {strides = array<i32>} : memref<512xi32, #tpu.memory_space<vmem>>, vector<16xi32>,
      %get3A_2036 = vector.shape_cast %get3A_2035 : vector<16xi32> to vector<16xi32>
      %get3A_2037 = arith.constant 336 : index
      %get3A_2038 = tpu.vector_load %arg9[%get3A_2037] {strides = array<i32>} : memref<512xi32, #tpu.memory_space<vmem>>, vector<16xi32>,
      %get3A_2039 = vector.shape_cast %get3A_2038 : vector<16xi32> to vector<16xi32>
      %broadcast_in_dim3A_2040 = vector.broadcast %add3A_770 : i32 to vector<16xi32>
      %select_n3A_2041 = arith.select %eq3A_2033, %get3A_2036, %broadcast_in_dim3A_2040 : vector<16xi1>, vector<16xi32>
      %swap3A_2042 = arith.constant 80 : index
      %swap3A_2043 = tpu.vector_load %arg14[%swap3A_2042] {strides = array<i32>} : memref<128xi32, #tpu.memory_space<vmem>>, vector<16xi32>,
      %swap3A_2044 = vector.shape_cast %swap3A_2043 : vector<16xi32> to vector<16xi32>
      %swap3A_2045 = vector.shape_cast %select_n3A_2041 : vector<16xi32> to vector<16xi32>
      tpu.vector_store %arg14[%swap3A_2042], %swap3A_2045 {strides = array<i32>} : memref<128xi32, #tpu.memory_space<vmem>>, vector<16xi32>,
      %eq3A_2046 = arith.cmpi eq, %get3A_2036, %get3A_2039 : vector<16xi32>
      %and3A_2047 = arith.andi %eq3A_2033, %eq3A_2046 : vector<16xi1>
      %jit3A_2048 = arith.constant 1.000000e+00 : f32
      %jit3A_2049 = arith.constant 0.000000e+00 : f32
      %broadcast_in_dim3A_2050 = vector.broadcast %jit3A_2048 : f32 to vector<16xf32>
      %broadcast_in_dim3A_2051 = vector.broadcast %jit3A_2049 : f32 to vector<16xf32>
      %select_n3A_2052 = arith.select %and3A_2047, %broadcast_in_dim3A_2050, %broadcast_in_dim3A_2051 : vector<16xi1>, vector<16xf32>
      %swap3A_2053 = arith.constant 2 : i32
      %swap3A_2054 = arith.index_cast %swap3A_2053 : i32 to index
      %swap3A_2055 = arith.constant 80 : index
      %swap3A_2056 = tpu.vector_load %arg16[%swap3A_2054, %swap3A_2055] {strides = array<i32>} : memref<4x128xf32, #tpu.memory_space<vmem>>, vector<1x16xf32>,
      %swap3A_2057 = vector.shape_cast %swap3A_2056 : vector<1x16xf32> to vector<16xf32>
      %swap3A_2058 = vector.shape_cast %select_n3A_2052 : vector<16xf32> to vector<1x16xf32>
      tpu.vector_store %arg16[%swap3A_2054, %swap3A_2055], %swap3A_2058 {strides = array<i32>} : memref<4x128xf32, #tpu.memory_space<vmem>>, vector<1x16xf32>,
      %get3A_2059 = arith.constant 352 : index
      %get3A_2060 = tpu.vector_load %arg11[%get3A_2059] {strides = array<i32>} : memref<512xi32, #tpu.memory_space<vmem>>, vector<16xi32>,
      %get3A_2061 = vector.shape_cast %get3A_2060 : vector<16xi32> to vector<16xi32>
      %add3A_2062 = arith.constant 352 : i32
      %add3A_2063 = arith.addi %add3A_811, %add3A_2062 : i32
      %add3A_2064 = vector.broadcast %add3A_2063 : i32 to vector<16xi32>
      %add3A_2065 = arith.addi %add3A_2064, %iota3A : vector<16xi32>
      %eq3A_2066 = arith.cmpi eq, %get3A_2061, %add3A_2065 : vector<16xi32>
      %get3A_2067 = arith.constant 352 : index
      %get3A_2068 = tpu.vector_load %arg8[%get3A_2067] {strides = array<i32>} : memref<512xi32, #tpu.memory_space<vmem>>, vector<16xi32>,
      %get3A_2069 = vector.shape_cast %get3A_2068 : vector<16xi32> to vector<16xi32>
      %get3A_2070 = arith.constant 352 : index
      %get3A_2071 = tpu.vector_load %arg9[%get3A_2070] {strides = array<i32>} : memref<512xi32, #tpu.memory_space<vmem>>, vector<16xi32>,
      %get3A_2072 = vector.shape_cast %get3A_2071 : vector<16xi32> to vector<16xi32>
      %broadcast_in_dim3A_2073 = vector.broadcast %add3A_770 : i32 to vector<16xi32>
      %select_n3A_2074 = arith.select %eq3A_2066, %get3A_2069, %broadcast_in_dim3A_2073 : vector<16xi1>, vector<16xi32>
      %swap3A_2075 = arith.constant 96 : index
      %swap3A_2076 = tpu.vector_load %arg14[%swap3A_2075] {strides = array<i32>} : memref<128xi32, #tpu.memory_space<vmem>>, vector<16xi32>,
      %swap3A_2077 = vector.shape_cast %swap3A_2076 : vector<16xi32> to vector<16xi32>
      %swap3A_2078 = vector.shape_cast %select_n3A_2074 : vector<16xi32> to vector<16xi32>
      tpu.vector_store %arg14[%swap3A_2075], %swap3A_2078 {strides = array<i32>} : memref<128xi32, #tpu.memory_space<vmem>>, vector<16xi32>,
      %eq3A_2079 = arith.cmpi eq, %get3A_2069, %get3A_2072 : vector<16xi32>
      %and3A_2080 = arith.andi %eq3A_2066, %eq3A_2079 : vector<16xi1>
      %jit3A_2081 = arith.constant 1.000000e+00 : f32
      %jit3A_2082 = arith.constant 0.000000e+00 : f32
      %broadcast_in_dim3A_2083 = vector.broadcast %jit3A_2081 : f32 to vector<16xf32>
      %broadcast_in_dim3A_2084 = vector.broadcast %jit3A_2082 : f32 to vector<16xf32>
      %select_n3A_2085 = arith.select %and3A_2080, %broadcast_in_dim3A_2083, %broadcast_in_dim3A_2084 : vector<16xi1>, vector<16xf32>
      %swap3A_2086 = arith.constant 2 : i32
      %swap3A_2087 = arith.index_cast %swap3A_2086 : i32 to index
      %swap3A_2088 = arith.constant 96 : index
      %swap3A_2089 = tpu.vector_load %arg16[%swap3A_2087, %swap3A_2088] {strides = array<i32>} : memref<4x128xf32, #tpu.memory_space<vmem>>, vector<1x16xf32>,
      %swap3A_2090 = vector.shape_cast %swap3A_2089 : vector<1x16xf32> to vector<16xf32>
      %swap3A_2091 = vector.shape_cast %select_n3A_2085 : vector<16xf32> to vector<1x16xf32>
      tpu.vector_store %arg16[%swap3A_2087, %swap3A_2088], %swap3A_2091 {strides = array<i32>} : memref<4x128xf32, #tpu.memory_space<vmem>>, vector<1x16xf32>,
      %get3A_2092 = arith.constant 368 : index
      %get3A_2093 = tpu.vector_load %arg11[%get3A_2092] {strides = array<i32>} : memref<512xi32, #tpu.memory_space<vmem>>, vector<16xi32>,
      %get3A_2094 = vector.shape_cast %get3A_2093 : vector<16xi32> to vector<16xi32>
      %add3A_2095 = arith.constant 368 : i32
      %add3A_2096 = arith.addi %add3A_811, %add3A_2095 : i32
      %add3A_2097 = vector.broadcast %add3A_2096 : i32 to vector<16xi32>
      %add3A_2098 = arith.addi %add3A_2097, %iota3A : vector<16xi32>
      %eq3A_2099 = arith.cmpi eq, %get3A_2094, %add3A_2098 : vector<16xi32>
      %get3A_2100 = arith.constant 368 : index
      %get3A_2101 = tpu.vector_load %arg8[%get3A_2100] {strides = array<i32>} : memref<512xi32, #tpu.memory_space<vmem>>, vector<16xi32>,
      %get3A_2102 = vector.shape_cast %get3A_2101 : vector<16xi32> to vector<16xi32>
      %get3A_2103 = arith.constant 368 : index
      %get3A_2104 = tpu.vector_load %arg9[%get3A_2103] {strides = array<i32>} : memref<512xi32, #tpu.memory_space<vmem>>, vector<16xi32>,
      %get3A_2105 = vector.shape_cast %get3A_2104 : vector<16xi32> to vector<16xi32>
      %broadcast_in_dim3A_2106 = vector.broadcast %add3A_770 : i32 to vector<16xi32>
      %select_n3A_2107 = arith.select %eq3A_2099, %get3A_2102, %broadcast_in_dim3A_2106 : vector<16xi1>, vector<16xi32>
      %swap3A_2108 = arith.constant 112 : index
      %swap3A_2109 = tpu.vector_load %arg14[%swap3A_2108] {strides = array<i32>} : memref<128xi32, #tpu.memory_space<vmem>>, vector<16xi32>,
      %swap3A_2110 = vector.shape_cast %swap3A_2109 : vector<16xi32> to vector<16xi32>
      %swap3A_2111 = vector.shape_cast %select_n3A_2107 : vector<16xi32> to vector<16xi32>
      tpu.vector_store %arg14[%swap3A_2108], %swap3A_2111 {strides = array<i32>} : memref<128xi32, #tpu.memory_space<vmem>>, vector<16xi32>,
      %eq3A_2112 = arith.cmpi eq, %get3A_2102, %get3A_2105 : vector<16xi32>
      %and3A_2113 = arith.andi %eq3A_2099, %eq3A_2112 : vector<16xi1>
      %jit3A_2114 = arith.constant 1.000000e+00 : f32
      %jit3A_2115 = arith.constant 0.000000e+00 : f32
      %broadcast_in_dim3A_2116 = vector.broadcast %jit3A_2114 : f32 to vector<16xf32>
      %broadcast_in_dim3A_2117 = vector.broadcast %jit3A_2115 : f32 to vector<16xf32>
      %select_n3A_2118 = arith.select %and3A_2113, %broadcast_in_dim3A_2116, %broadcast_in_dim3A_2117 : vector<16xi1>, vector<16xf32>
      %swap3A_2119 = arith.constant 2 : i32
      %swap3A_2120 = arith.index_cast %swap3A_2119 : i32 to index
      %swap3A_2121 = arith.constant 112 : index
      %swap3A_2122 = tpu.vector_load %arg16[%swap3A_2120, %swap3A_2121] {strides = array<i32>} : memref<4x128xf32, #tpu.memory_space<vmem>>, vector<1x16xf32>,
      %swap3A_2123 = vector.shape_cast %swap3A_2122 : vector<1x16xf32> to vector<16xf32>
      %swap3A_2124 = vector.shape_cast %select_n3A_2118 : vector<16xf32> to vector<1x16xf32>
      tpu.vector_store %arg16[%swap3A_2120, %swap3A_2121], %swap3A_2124 {strides = array<i32>} : memref<4x128xf32, #tpu.memory_space<vmem>>, vector<1x16xf32>,
      %dma_wait3A_2125 = arith.constant 384 : i32
      %dma_wait3A_2126 = tpu.memref_slice %arg11[%dma_wait3A_2125] : memref<512xi32, #tpu.memory_space<vmem>> -> memref<128xi32, #tpu.memory_space<vmem>>
      %dma_wait3A_2127 = arith.constant 384 : i32
      %dma_wait3A_2128 = tpu.memref_slice %arg10[%dma_wait3A_2127] : memref<512xi32, #tpu.memory_space<vmem>> -> memref<128xi32, #tpu.memory_space<vmem>>
      %dma_wait3A_2129 = arith.constant 0 : i32
      %dma_wait3A_2130 = tpu.memref_slice %arg4[%dma_wait3A_2129] : memref<16777216xi32, #tpu.memory_space<hbm>> -> memref<16777216xi32, #tpu.memory_space<hbm>>
      tpu.wait_indirect_dma semaphore(%arg23 : memref<!tpu.dma_semaphore, #tpu.memory_space<semaphore_mem>>) src(%dma_wait3A_2130 : memref<16777216xi32, #tpu.memory_space<hbm>>) dst(%dma_wait3A_2126 : memref<128xi32, #tpu.memory_space<vmem>>)
      %get3A_2131 = arith.constant 384 : index
      %get3A_2132 = tpu.vector_load %arg11[%get3A_2131] {strides = array<i32>} : memref<512xi32, #tpu.memory_space<vmem>>, vector<16xi32>,
      %get3A_2133 = vector.shape_cast %get3A_2132 : vector<16xi32> to vector<16xi32>
      %add3A_2134 = arith.constant 384 : i32
      %add3A_2135 = arith.addi %add3A_811, %add3A_2134 : i32
      %add3A_2136 = vector.broadcast %add3A_2135 : i32 to vector<16xi32>
      %add3A_2137 = arith.addi %add3A_2136, %iota3A : vector<16xi32>
      %eq3A_2138 = arith.cmpi eq, %get3A_2133, %add3A_2137 : vector<16xi32>
      %get3A_2139 = arith.constant 384 : index
      %get3A_2140 = tpu.vector_load %arg8[%get3A_2139] {strides = array<i32>} : memref<512xi32, #tpu.memory_space<vmem>>, vector<16xi32>,
      %get3A_2141 = vector.shape_cast %get3A_2140 : vector<16xi32> to vector<16xi32>
      %get3A_2142 = arith.constant 384 : index
      %get3A_2143 = tpu.vector_load %arg9[%get3A_2142] {strides = array<i32>} : memref<512xi32, #tpu.memory_space<vmem>>, vector<16xi32>,
      %get3A_2144 = vector.shape_cast %get3A_2143 : vector<16xi32> to vector<16xi32>
      %broadcast_in_dim3A_2145 = vector.broadcast %add3A_770 : i32 to vector<16xi32>
      %select_n3A_2146 = arith.select %eq3A_2138, %get3A_2141, %broadcast_in_dim3A_2145 : vector<16xi1>, vector<16xi32>
      %swap3A_2147 = arith.constant 0 : index
      %swap3A_2148 = tpu.vector_load %arg15[%swap3A_2147] {strides = array<i32>} : memref<128xi32, #tpu.memory_space<vmem>>, vector<16xi32>,
      %swap3A_2149 = vector.shape_cast %swap3A_2148 : vector<16xi32> to vector<16xi32>
      %swap3A_2150 = vector.shape_cast %select_n3A_2146 : vector<16xi32> to vector<16xi32>
      tpu.vector_store %arg15[%swap3A_2147], %swap3A_2150 {strides = array<i32>} : memref<128xi32, #tpu.memory_space<vmem>>, vector<16xi32>,
      %eq3A_2151 = arith.cmpi eq, %get3A_2141, %get3A_2144 : vector<16xi32>
      %and3A_2152 = arith.andi %eq3A_2138, %eq3A_2151 : vector<16xi1>
      %jit3A_2153 = arith.constant 1.000000e+00 : f32
      %jit3A_2154 = arith.constant 0.000000e+00 : f32
      %broadcast_in_dim3A_2155 = vector.broadcast %jit3A_2153 : f32 to vector<16xf32>
      %broadcast_in_dim3A_2156 = vector.broadcast %jit3A_2154 : f32 to vector<16xf32>
      %select_n3A_2157 = arith.select %and3A_2152, %broadcast_in_dim3A_2155, %broadcast_in_dim3A_2156 : vector<16xi1>, vector<16xf32>
      %swap3A_2158 = arith.constant 3 : i32
      %swap3A_2159 = arith.index_cast %swap3A_2158 : i32 to index
      %swap3A_2160 = arith.constant 0 : index
      %swap3A_2161 = tpu.vector_load %arg16[%swap3A_2159, %swap3A_2160] {strides = array<i32>} : memref<4x128xf32, #tpu.memory_space<vmem>>, vector<1x16xf32>,
      %swap3A_2162 = vector.shape_cast %swap3A_2161 : vector<1x16xf32> to vector<16xf32>
      %swap3A_2163 = vector.shape_cast %select_n3A_2157 : vector<16xf32> to vector<1x16xf32>
      tpu.vector_store %arg16[%swap3A_2159, %swap3A_2160], %swap3A_2163 {strides = array<i32>} : memref<4x128xf32, #tpu.memory_space<vmem>>, vector<1x16xf32>,
      %get3A_2164 = arith.constant 400 : index
      %get3A_2165 = tpu.vector_load %arg11[%get3A_2164] {strides = array<i32>} : memref<512xi32, #tpu.memory_space<vmem>>, vector<16xi32>,
      %get3A_2166 = vector.shape_cast %get3A_2165 : vector<16xi32> to vector<16xi32>
      %add3A_2167 = arith.constant 400 : i32
      %add3A_2168 = arith.addi %add3A_811, %add3A_2167 : i32
      %add3A_2169 = vector.broadcast %add3A_2168 : i32 to vector<16xi32>
      %add3A_2170 = arith.addi %add3A_2169, %iota3A : vector<16xi32>
      %eq3A_2171 = arith.cmpi eq, %get3A_2166, %add3A_2170 : vector<16xi32>
      %get3A_2172 = arith.constant 400 : index
      %get3A_2173 = tpu.vector_load %arg8[%get3A_2172] {strides = array<i32>} : memref<512xi32, #tpu.memory_space<vmem>>, vector<16xi32>,
      %get3A_2174 = vector.shape_cast %get3A_2173 : vector<16xi32> to vector<16xi32>
      %get3A_2175 = arith.constant 400 : index
      %get3A_2176 = tpu.vector_load %arg9[%get3A_2175] {strides = array<i32>} : memref<512xi32, #tpu.memory_space<vmem>>, vector<16xi32>,
      %get3A_2177 = vector.shape_cast %get3A_2176 : vector<16xi32> to vector<16xi32>
      %broadcast_in_dim3A_2178 = vector.broadcast %add3A_770 : i32 to vector<16xi32>
      %select_n3A_2179 = arith.select %eq3A_2171, %get3A_2174, %broadcast_in_dim3A_2178 : vector<16xi1>, vector<16xi32>
      %swap3A_2180 = arith.constant 16 : index
      %swap3A_2181 = tpu.vector_load %arg15[%swap3A_2180] {strides = array<i32>} : memref<128xi32, #tpu.memory_space<vmem>>, vector<16xi32>,
      %swap3A_2182 = vector.shape_cast %swap3A_2181 : vector<16xi32> to vector<16xi32>
      %swap3A_2183 = vector.shape_cast %select_n3A_2179 : vector<16xi32> to vector<16xi32>
      tpu.vector_store %arg15[%swap3A_2180], %swap3A_2183 {strides = array<i32>} : memref<128xi32, #tpu.memory_space<vmem>>, vector<16xi32>,
      %eq3A_2184 = arith.cmpi eq, %get3A_2174, %get3A_2177 : vector<16xi32>
      %and3A_2185 = arith.andi %eq3A_2171, %eq3A_2184 : vector<16xi1>
      %jit3A_2186 = arith.constant 1.000000e+00 : f32
      %jit3A_2187 = arith.constant 0.000000e+00 : f32
      %broadcast_in_dim3A_2188 = vector.broadcast %jit3A_2186 : f32 to vector<16xf32>
      %broadcast_in_dim3A_2189 = vector.broadcast %jit3A_2187 : f32 to vector<16xf32>
      %select_n3A_2190 = arith.select %and3A_2185, %broadcast_in_dim3A_2188, %broadcast_in_dim3A_2189 : vector<16xi1>, vector<16xf32>
      %swap3A_2191 = arith.constant 3 : i32
      %swap3A_2192 = arith.index_cast %swap3A_2191 : i32 to index
      %swap3A_2193 = arith.constant 16 : index
      %swap3A_2194 = tpu.vector_load %arg16[%swap3A_2192, %swap3A_2193] {strides = array<i32>} : memref<4x128xf32, #tpu.memory_space<vmem>>, vector<1x16xf32>,
      %swap3A_2195 = vector.shape_cast %swap3A_2194 : vector<1x16xf32> to vector<16xf32>
      %swap3A_2196 = vector.shape_cast %select_n3A_2190 : vector<16xf32> to vector<1x16xf32>
      tpu.vector_store %arg16[%swap3A_2192, %swap3A_2193], %swap3A_2196 {strides = array<i32>} : memref<4x128xf32, #tpu.memory_space<vmem>>, vector<1x16xf32>,
      %get3A_2197 = arith.constant 416 : index
      %get3A_2198 = tpu.vector_load %arg11[%get3A_2197] {strides = array<i32>} : memref<512xi32, #tpu.memory_space<vmem>>, vector<16xi32>,
      %get3A_2199 = vector.shape_cast %get3A_2198 : vector<16xi32> to vector<16xi32>
      %add3A_2200 = arith.constant 416 : i32
      %add3A_2201 = arith.addi %add3A_811, %add3A_2200 : i32
      %add3A_2202 = vector.broadcast %add3A_2201 : i32 to vector<16xi32>
      %add3A_2203 = arith.addi %add3A_2202, %iota3A : vector<16xi32>
      %eq3A_2204 = arith.cmpi eq, %get3A_2199, %add3A_2203 : vector<16xi32>
      %get3A_2205 = arith.constant 416 : index
      %get3A_2206 = tpu.vector_load %arg8[%get3A_2205] {strides = array<i32>} : memref<512xi32, #tpu.memory_space<vmem>>, vector<16xi32>,
      %get3A_2207 = vector.shape_cast %get3A_2206 : vector<16xi32> to vector<16xi32>
      %get3A_2208 = arith.constant 416 : index
      %get3A_2209 = tpu.vector_load %arg9[%get3A_2208] {strides = array<i32>} : memref<512xi32, #tpu.memory_space<vmem>>, vector<16xi32>,
      %get3A_2210 = vector.shape_cast %get3A_2209 : vector<16xi32> to vector<16xi32>
      %broadcast_in_dim3A_2211 = vector.broadcast %add3A_770 : i32 to vector<16xi32>
      %select_n3A_2212 = arith.select %eq3A_2204, %get3A_2207, %broadcast_in_dim3A_2211 : vector<16xi1>, vector<16xi32>
      %swap3A_2213 = arith.constant 32 : index
      %swap3A_2214 = tpu.vector_load %arg15[%swap3A_2213] {strides = array<i32>} : memref<128xi32, #tpu.memory_space<vmem>>, vector<16xi32>,
      %swap3A_2215 = vector.shape_cast %swap3A_2214 : vector<16xi32> to vector<16xi32>
      %swap3A_2216 = vector.shape_cast %select_n3A_2212 : vector<16xi32> to vector<16xi32>
      tpu.vector_store %arg15[%swap3A_2213], %swap3A_2216 {strides = array<i32>} : memref<128xi32, #tpu.memory_space<vmem>>, vector<16xi32>,
      %eq3A_2217 = arith.cmpi eq, %get3A_2207, %get3A_2210 : vector<16xi32>
      %and3A_2218 = arith.andi %eq3A_2204, %eq3A_2217 : vector<16xi1>
      %jit3A_2219 = arith.constant 1.000000e+00 : f32
      %jit3A_2220 = arith.constant 0.000000e+00 : f32
      %broadcast_in_dim3A_2221 = vector.broadcast %jit3A_2219 : f32 to vector<16xf32>
      %broadcast_in_dim3A_2222 = vector.broadcast %jit3A_2220 : f32 to vector<16xf32>
      %select_n3A_2223 = arith.select %and3A_2218, %broadcast_in_dim3A_2221, %broadcast_in_dim3A_2222 : vector<16xi1>, vector<16xf32>
      %swap3A_2224 = arith.constant 3 : i32
      %swap3A_2225 = arith.index_cast %swap3A_2224 : i32 to index
      %swap3A_2226 = arith.constant 32 : index
      %swap3A_2227 = tpu.vector_load %arg16[%swap3A_2225, %swap3A_2226] {strides = array<i32>} : memref<4x128xf32, #tpu.memory_space<vmem>>, vector<1x16xf32>,
      %swap3A_2228 = vector.shape_cast %swap3A_2227 : vector<1x16xf32> to vector<16xf32>
      %swap3A_2229 = vector.shape_cast %select_n3A_2223 : vector<16xf32> to vector<1x16xf32>
      tpu.vector_store %arg16[%swap3A_2225, %swap3A_2226], %swap3A_2229 {strides = array<i32>} : memref<4x128xf32, #tpu.memory_space<vmem>>, vector<1x16xf32>,
      %get3A_2230 = arith.constant 432 : index
      %get3A_2231 = tpu.vector_load %arg11[%get3A_2230] {strides = array<i32>} : memref<512xi32, #tpu.memory_space<vmem>>, vector<16xi32>,
      %get3A_2232 = vector.shape_cast %get3A_2231 : vector<16xi32> to vector<16xi32>
      %add3A_2233 = arith.constant 432 : i32
      %add3A_2234 = arith.addi %add3A_811, %add3A_2233 : i32
      %add3A_2235 = vector.broadcast %add3A_2234 : i32 to vector<16xi32>
      %add3A_2236 = arith.addi %add3A_2235, %iota3A : vector<16xi32>
      %eq3A_2237 = arith.cmpi eq, %get3A_2232, %add3A_2236 : vector<16xi32>
      %get3A_2238 = arith.constant 432 : index
      %get3A_2239 = tpu.vector_load %arg8[%get3A_2238] {strides = array<i32>} : memref<512xi32, #tpu.memory_space<vmem>>, vector<16xi32>,
      %get3A_2240 = vector.shape_cast %get3A_2239 : vector<16xi32> to vector<16xi32>
      %get3A_2241 = arith.constant 432 : index
      %get3A_2242 = tpu.vector_load %arg9[%get3A_2241] {strides = array<i32>} : memref<512xi32, #tpu.memory_space<vmem>>, vector<16xi32>,
      %get3A_2243 = vector.shape_cast %get3A_2242 : vector<16xi32> to vector<16xi32>
      %broadcast_in_dim3A_2244 = vector.broadcast %add3A_770 : i32 to vector<16xi32>
      %select_n3A_2245 = arith.select %eq3A_2237, %get3A_2240, %broadcast_in_dim3A_2244 : vector<16xi1>, vector<16xi32>
      %swap3A_2246 = arith.constant 48 : index
      %swap3A_2247 = tpu.vector_load %arg15[%swap3A_2246] {strides = array<i32>} : memref<128xi32, #tpu.memory_space<vmem>>, vector<16xi32>,
      %swap3A_2248 = vector.shape_cast %swap3A_2247 : vector<16xi32> to vector<16xi32>
      %swap3A_2249 = vector.shape_cast %select_n3A_2245 : vector<16xi32> to vector<16xi32>
      tpu.vector_store %arg15[%swap3A_2246], %swap3A_2249 {strides = array<i32>} : memref<128xi32, #tpu.memory_space<vmem>>, vector<16xi32>,
      %eq3A_2250 = arith.cmpi eq, %get3A_2240, %get3A_2243 : vector<16xi32>
      %and3A_2251 = arith.andi %eq3A_2237, %eq3A_2250 : vector<16xi1>
      %jit3A_2252 = arith.constant 1.000000e+00 : f32
      %jit3A_2253 = arith.constant 0.000000e+00 : f32
      %broadcast_in_dim3A_2254 = vector.broadcast %jit3A_2252 : f32 to vector<16xf32>
      %broadcast_in_dim3A_2255 = vector.broadcast %jit3A_2253 : f32 to vector<16xf32>
      %select_n3A_2256 = arith.select %and3A_2251, %broadcast_in_dim3A_2254, %broadcast_in_dim3A_2255 : vector<16xi1>, vector<16xf32>
      %swap3A_2257 = arith.constant 3 : i32
      %swap3A_2258 = arith.index_cast %swap3A_2257 : i32 to index
      %swap3A_2259 = arith.constant 48 : index
      %swap3A_2260 = tpu.vector_load %arg16[%swap3A_2258, %swap3A_2259] {strides = array<i32>} : memref<4x128xf32, #tpu.memory_space<vmem>>, vector<1x16xf32>,
      %swap3A_2261 = vector.shape_cast %swap3A_2260 : vector<1x16xf32> to vector<16xf32>
      %swap3A_2262 = vector.shape_cast %select_n3A_2256 : vector<16xf32> to vector<1x16xf32>
      tpu.vector_store %arg16[%swap3A_2258, %swap3A_2259], %swap3A_2262 {strides = array<i32>} : memref<4x128xf32, #tpu.memory_space<vmem>>, vector<1x16xf32>,
      %get3A_2263 = arith.constant 448 : index
      %get3A_2264 = tpu.vector_load %arg11[%get3A_2263] {strides = array<i32>} : memref<512xi32, #tpu.memory_space<vmem>>, vector<16xi32>,
      %get3A_2265 = vector.shape_cast %get3A_2264 : vector<16xi32> to vector<16xi32>
      %add3A_2266 = arith.constant 448 : i32
      %add3A_2267 = arith.addi %add3A_811, %add3A_2266 : i32
      %add3A_2268 = vector.broadcast %add3A_2267 : i32 to vector<16xi32>
      %add3A_2269 = arith.addi %add3A_2268, %iota3A : vector<16xi32>
      %eq3A_2270 = arith.cmpi eq, %get3A_2265, %add3A_2269 : vector<16xi32>
      %get3A_2271 = arith.constant 448 : index
      %get3A_2272 = tpu.vector_load %arg8[%get3A_2271] {strides = array<i32>} : memref<512xi32, #tpu.memory_space<vmem>>, vector<16xi32>,
      %get3A_2273 = vector.shape_cast %get3A_2272 : vector<16xi32> to vector<16xi32>
      %get3A_2274 = arith.constant 448 : index
      %get3A_2275 = tpu.vector_load %arg9[%get3A_2274] {strides = array<i32>} : memref<512xi32, #tpu.memory_space<vmem>>, vector<16xi32>,
      %get3A_2276 = vector.shape_cast %get3A_2275 : vector<16xi32> to vector<16xi32>
      %broadcast_in_dim3A_2277 = vector.broadcast %add3A_770 : i32 to vector<16xi32>
      %select_n3A_2278 = arith.select %eq3A_2270, %get3A_2273, %broadcast_in_dim3A_2277 : vector<16xi1>, vector<16xi32>
      %swap3A_2279 = arith.constant 64 : index
      %swap3A_2280 = tpu.vector_load %arg15[%swap3A_2279] {strides = array<i32>} : memref<128xi32, #tpu.memory_space<vmem>>, vector<16xi32>,
      %swap3A_2281 = vector.shape_cast %swap3A_2280 : vector<16xi32> to vector<16xi32>
      %swap3A_2282 = vector.shape_cast %select_n3A_2278 : vector<16xi32> to vector<16xi32>
      tpu.vector_store %arg15[%swap3A_2279], %swap3A_2282 {strides = array<i32>} : memref<128xi32, #tpu.memory_space<vmem>>, vector<16xi32>,
      %eq3A_2283 = arith.cmpi eq, %get3A_2273, %get3A_2276 : vector<16xi32>
      %and3A_2284 = arith.andi %eq3A_2270, %eq3A_2283 : vector<16xi1>
      %jit3A_2285 = arith.constant 1.000000e+00 : f32
      %jit3A_2286 = arith.constant 0.000000e+00 : f32
      %broadcast_in_dim3A_2287 = vector.broadcast %jit3A_2285 : f32 to vector<16xf32>
      %broadcast_in_dim3A_2288 = vector.broadcast %jit3A_2286 : f32 to vector<16xf32>
      %select_n3A_2289 = arith.select %and3A_2284, %broadcast_in_dim3A_2287, %broadcast_in_dim3A_2288 : vector<16xi1>, vector<16xf32>
      %swap3A_2290 = arith.constant 3 : i32
      %swap3A_2291 = arith.index_cast %swap3A_2290 : i32 to index
      %swap3A_2292 = arith.constant 64 : index
      %swap3A_2293 = tpu.vector_load %arg16[%swap3A_2291, %swap3A_2292] {strides = array<i32>} : memref<4x128xf32, #tpu.memory_space<vmem>>, vector<1x16xf32>,
      %swap3A_2294 = vector.shape_cast %swap3A_2293 : vector<1x16xf32> to vector<16xf32>
      %swap3A_2295 = vector.shape_cast %select_n3A_2289 : vector<16xf32> to vector<1x16xf32>
      tpu.vector_store %arg16[%swap3A_2291, %swap3A_2292], %swap3A_2295 {strides = array<i32>} : memref<4x128xf32, #tpu.memory_space<vmem>>, vector<1x16xf32>,
      %get3A_2296 = arith.constant 464 : index
      %get3A_2297 = tpu.vector_load %arg11[%get3A_2296] {strides = array<i32>} : memref<512xi32, #tpu.memory_space<vmem>>, vector<16xi32>,
      %get3A_2298 = vector.shape_cast %get3A_2297 : vector<16xi32> to vector<16xi32>
      %add3A_2299 = arith.constant 464 : i32
      %add3A_2300 = arith.addi %add3A_811, %add3A_2299 : i32
      %add3A_2301 = vector.broadcast %add3A_2300 : i32 to vector<16xi32>
      %add3A_2302 = arith.addi %add3A_2301, %iota3A : vector<16xi32>
      %eq3A_2303 = arith.cmpi eq, %get3A_2298, %add3A_2302 : vector<16xi32>
      %get3A_2304 = arith.constant 464 : index
      %get3A_2305 = tpu.vector_load %arg8[%get3A_2304] {strides = array<i32>} : memref<512xi32, #tpu.memory_space<vmem>>, vector<16xi32>,
      %get3A_2306 = vector.shape_cast %get3A_2305 : vector<16xi32> to vector<16xi32>
      %get3A_2307 = arith.constant 464 : index
      %get3A_2308 = tpu.vector_load %arg9[%get3A_2307] {strides = array<i32>} : memref<512xi32, #tpu.memory_space<vmem>>, vector<16xi32>,
      %get3A_2309 = vector.shape_cast %get3A_2308 : vector<16xi32> to vector<16xi32>
      %broadcast_in_dim3A_2310 = vector.broadcast %add3A_770 : i32 to vector<16xi32>
      %select_n3A_2311 = arith.select %eq3A_2303, %get3A_2306, %broadcast_in_dim3A_2310 : vector<16xi1>, vector<16xi32>
      %swap3A_2312 = arith.constant 80 : index
      %swap3A_2313 = tpu.vector_load %arg15[%swap3A_2312] {strides = array<i32>} : memref<128xi32, #tpu.memory_space<vmem>>, vector<16xi32>,
      %swap3A_2314 = vector.shape_cast %swap3A_2313 : vector<16xi32> to vector<16xi32>
      %swap3A_2315 = vector.shape_cast %select_n3A_2311 : vector<16xi32> to vector<16xi32>
      tpu.vector_store %arg15[%swap3A_2312], %swap3A_2315 {strides = array<i32>} : memref<128xi32, #tpu.memory_space<vmem>>, vector<16xi32>,
      %eq3A_2316 = arith.cmpi eq, %get3A_2306, %get3A_2309 : vector<16xi32>
      %and3A_2317 = arith.andi %eq3A_2303, %eq3A_2316 : vector<16xi1>
      %jit3A_2318 = arith.constant 1.000000e+00 : f32
      %jit3A_2319 = arith.constant 0.000000e+00 : f32
      %broadcast_in_dim3A_2320 = vector.broadcast %jit3A_2318 : f32 to vector<16xf32>
      %broadcast_in_dim3A_2321 = vector.broadcast %jit3A_2319 : f32 to vector<16xf32>
      %select_n3A_2322 = arith.select %and3A_2317, %broadcast_in_dim3A_2320, %broadcast_in_dim3A_2321 : vector<16xi1>, vector<16xf32>
      %swap3A_2323 = arith.constant 3 : i32
      %swap3A_2324 = arith.index_cast %swap3A_2323 : i32 to index
      %swap3A_2325 = arith.constant 80 : index
      %swap3A_2326 = tpu.vector_load %arg16[%swap3A_2324, %swap3A_2325] {strides = array<i32>} : memref<4x128xf32, #tpu.memory_space<vmem>>, vector<1x16xf32>,
      %swap3A_2327 = vector.shape_cast %swap3A_2326 : vector<1x16xf32> to vector<16xf32>
      %swap3A_2328 = vector.shape_cast %select_n3A_2322 : vector<16xf32> to vector<1x16xf32>
      tpu.vector_store %arg16[%swap3A_2324, %swap3A_2325], %swap3A_2328 {strides = array<i32>} : memref<4x128xf32, #tpu.memory_space<vmem>>, vector<1x16xf32>,
      %get3A_2329 = arith.constant 480 : index
      %get3A_2330 = tpu.vector_load %arg11[%get3A_2329] {strides = array<i32>} : memref<512xi32, #tpu.memory_space<vmem>>, vector<16xi32>,
      %get3A_2331 = vector.shape_cast %get3A_2330 : vector<16xi32> to vector<16xi32>
      %add3A_2332 = arith.constant 480 : i32
      %add3A_2333 = arith.addi %add3A_811, %add3A_2332 : i32
      %add3A_2334 = vector.broadcast %add3A_2333 : i32 to vector<16xi32>
      %add3A_2335 = arith.addi %add3A_2334, %iota3A : vector<16xi32>
      %eq3A_2336 = arith.cmpi eq, %get3A_2331, %add3A_2335 : vector<16xi32>
      %get3A_2337 = arith.constant 480 : index
      %get3A_2338 = tpu.vector_load %arg8[%get3A_2337] {strides = array<i32>} : memref<512xi32, #tpu.memory_space<vmem>>, vector<16xi32>,
      %get3A_2339 = vector.shape_cast %get3A_2338 : vector<16xi32> to vector<16xi32>
      %get3A_2340 = arith.constant 480 : index
      %get3A_2341 = tpu.vector_load %arg9[%get3A_2340] {strides = array<i32>} : memref<512xi32, #tpu.memory_space<vmem>>, vector<16xi32>,
      %get3A_2342 = vector.shape_cast %get3A_2341 : vector<16xi32> to vector<16xi32>
      %broadcast_in_dim3A_2343 = vector.broadcast %add3A_770 : i32 to vector<16xi32>
      %select_n3A_2344 = arith.select %eq3A_2336, %get3A_2339, %broadcast_in_dim3A_2343 : vector<16xi1>, vector<16xi32>
      %swap3A_2345 = arith.constant 96 : index
      %swap3A_2346 = tpu.vector_load %arg15[%swap3A_2345] {strides = array<i32>} : memref<128xi32, #tpu.memory_space<vmem>>, vector<16xi32>,
      %swap3A_2347 = vector.shape_cast %swap3A_2346 : vector<16xi32> to vector<16xi32>
      %swap3A_2348 = vector.shape_cast %select_n3A_2344 : vector<16xi32> to vector<16xi32>
      tpu.vector_store %arg15[%swap3A_2345], %swap3A_2348 {strides = array<i32>} : memref<128xi32, #tpu.memory_space<vmem>>, vector<16xi32>,
      %eq3A_2349 = arith.cmpi eq, %get3A_2339, %get3A_2342 : vector<16xi32>
      %and3A_2350 = arith.andi %eq3A_2336, %eq3A_2349 : vector<16xi1>
      %jit3A_2351 = arith.constant 1.000000e+00 : f32
      %jit3A_2352 = arith.constant 0.000000e+00 : f32
      %broadcast_in_dim3A_2353 = vector.broadcast %jit3A_2351 : f32 to vector<16xf32>
      %broadcast_in_dim3A_2354 = vector.broadcast %jit3A_2352 : f32 to vector<16xf32>
      %select_n3A_2355 = arith.select %and3A_2350, %broadcast_in_dim3A_2353, %broadcast_in_dim3A_2354 : vector<16xi1>, vector<16xf32>
      %swap3A_2356 = arith.constant 3 : i32
      %swap3A_2357 = arith.index_cast %swap3A_2356 : i32 to index
      %swap3A_2358 = arith.constant 96 : index
      %swap3A_2359 = tpu.vector_load %arg16[%swap3A_2357, %swap3A_2358] {strides = array<i32>} : memref<4x128xf32, #tpu.memory_space<vmem>>, vector<1x16xf32>,
      %swap3A_2360 = vector.shape_cast %swap3A_2359 : vector<1x16xf32> to vector<16xf32>
      %swap3A_2361 = vector.shape_cast %select_n3A_2355 : vector<16xf32> to vector<1x16xf32>
      tpu.vector_store %arg16[%swap3A_2357, %swap3A_2358], %swap3A_2361 {strides = array<i32>} : memref<4x128xf32, #tpu.memory_space<vmem>>, vector<1x16xf32>,
      %get3A_2362 = arith.constant 496 : index
      %get3A_2363 = tpu.vector_load %arg11[%get3A_2362] {strides = array<i32>} : memref<512xi32, #tpu.memory_space<vmem>>, vector<16xi32>,
      %get3A_2364 = vector.shape_cast %get3A_2363 : vector<16xi32> to vector<16xi32>
      %add3A_2365 = arith.constant 496 : i32
      %add3A_2366 = arith.addi %add3A_811, %add3A_2365 : i32
      %add3A_2367 = vector.broadcast %add3A_2366 : i32 to vector<16xi32>
      %add3A_2368 = arith.addi %add3A_2367, %iota3A : vector<16xi32>
      %eq3A_2369 = arith.cmpi eq, %get3A_2364, %add3A_2368 : vector<16xi32>
      %get3A_2370 = arith.constant 496 : index
      %get3A_2371 = tpu.vector_load %arg8[%get3A_2370] {strides = array<i32>} : memref<512xi32, #tpu.memory_space<vmem>>, vector<16xi32>,
      %get3A_2372 = vector.shape_cast %get3A_2371 : vector<16xi32> to vector<16xi32>
      %get3A_2373 = arith.constant 496 : index
      %get3A_2374 = tpu.vector_load %arg9[%get3A_2373] {strides = array<i32>} : memref<512xi32, #tpu.memory_space<vmem>>, vector<16xi32>,
      %get3A_2375 = vector.shape_cast %get3A_2374 : vector<16xi32> to vector<16xi32>
      %broadcast_in_dim3A_2376 = vector.broadcast %add3A_770 : i32 to vector<16xi32>
      %select_n3A_2377 = arith.select %eq3A_2369, %get3A_2372, %broadcast_in_dim3A_2376 : vector<16xi1>, vector<16xi32>
      %swap3A_2378 = arith.constant 112 : index
      %swap3A_2379 = tpu.vector_load %arg15[%swap3A_2378] {strides = array<i32>} : memref<128xi32, #tpu.memory_space<vmem>>, vector<16xi32>,
      %swap3A_2380 = vector.shape_cast %swap3A_2379 : vector<16xi32> to vector<16xi32>
      %swap3A_2381 = vector.shape_cast %select_n3A_2377 : vector<16xi32> to vector<16xi32>
      tpu.vector_store %arg15[%swap3A_2378], %swap3A_2381 {strides = array<i32>} : memref<128xi32, #tpu.memory_space<vmem>>, vector<16xi32>,
      %eq3A_2382 = arith.cmpi eq, %get3A_2372, %get3A_2375 : vector<16xi32>
      %and3A_2383 = arith.andi %eq3A_2369, %eq3A_2382 : vector<16xi1>
      %jit3A_2384 = arith.constant 1.000000e+00 : f32
      %jit3A_2385 = arith.constant 0.000000e+00 : f32
      %broadcast_in_dim3A_2386 = vector.broadcast %jit3A_2384 : f32 to vector<16xf32>
      %broadcast_in_dim3A_2387 = vector.broadcast %jit3A_2385 : f32 to vector<16xf32>
      %select_n3A_2388 = arith.select %and3A_2383, %broadcast_in_dim3A_2386, %broadcast_in_dim3A_2387 : vector<16xi1>, vector<16xf32>
      %swap3A_2389 = arith.constant 3 : i32
      %swap3A_2390 = arith.index_cast %swap3A_2389 : i32 to index
      %swap3A_2391 = arith.constant 112 : index
      %swap3A_2392 = tpu.vector_load %arg16[%swap3A_2390, %swap3A_2391] {strides = array<i32>} : memref<4x128xf32, #tpu.memory_space<vmem>>, vector<1x16xf32>,
      %swap3A_2393 = vector.shape_cast %swap3A_2392 : vector<1x16xf32> to vector<16xf32>
      %swap3A_2394 = vector.shape_cast %select_n3A_2388 : vector<16xf32> to vector<1x16xf32>
      tpu.vector_store %arg16[%swap3A_2390, %swap3A_2391], %swap3A_2394 {strides = array<i32>} : memref<4x128xf32, #tpu.memory_space<vmem>>, vector<1x16xf32>,
      %dma_wait3A_2395 = arith.constant 0 : i32
      %dma_wait3A_2396 = arith.constant 0 : i32
      %dma_wait3A_2397 = arith.constant 0 : i32
      %dma_wait3A_2398 = tpu.memref_slice %arg17[%dma_wait3A_2395, %dma_wait3A_2396, %dma_wait3A_2397] : memref<4x128x128xf32, #tpu.memory_space<vmem>> -> memref<1x128x128xf32, #tpu.memory_space<vmem>>
      %dma_wait3A_2399 = tpu.memref_squeeze %dma_wait3A_2398 : memref<1x128x128xf32, #tpu.memory_space<vmem>> -> memref<128x128xf32, #tpu.memory_space<vmem>>
      %dma_wait3A_2400 = arith.constant 0 : i32
      %dma_wait3A_2401 = tpu.memref_slice %arg9[%dma_wait3A_2400] : memref<512xi32, #tpu.memory_space<vmem>> -> memref<128xi32, #tpu.memory_space<vmem>>
      %dma_wait3A_2402 = arith.constant 0 : i32
      %dma_wait3A_2403 = arith.constant 0 : i32
      %dma_wait3A_2404 = tpu.memref_slice %arg5[%dma_wait3A_2402, %dma_wait3A_2403] : memref<4096x128xf32, #tpu.memory_space<hbm>> -> memref<4096x128xf32, #tpu.memory_space<hbm>>
      tpu.wait_indirect_dma semaphore(%arg24 : memref<!tpu.dma_semaphore, #tpu.memory_space<semaphore_mem>>) src(%dma_wait3A_2404 : memref<4096x128xf32, #tpu.memory_space<hbm>>) dst(%dma_wait3A_2399 : memref<128x128xf32, #tpu.memory_space<vmem>>)
      %run_scoped3A = arith.constant 0 : i32
      "tpu.region"() ({
        %run_scoped3A_2442 = tpu.sem_alloc : memref<!tpu.dma_semaphore, #tpu.memory_space<semaphore_mem>>
        %dma_start3A_2443 = arith.constant 0 : i32
        %dma_start3A_2444 = arith.constant 0 : i32
        %dma_start3A_2445 = tpu.memref_slice %arg17[%run_scoped3A, %dma_start3A_2443, %dma_start3A_2444] : memref<4x128x128xf32, #tpu.memory_space<vmem>> -> memref<1x128x128xf32, #tpu.memory_space<vmem>>
        %dma_start3A_2446 = tpu.memref_squeeze %dma_start3A_2445 : memref<1x128x128xf32, #tpu.memory_space<vmem>> -> memref<128x128xf32, #tpu.memory_space<vmem>>
        %dma_start3A_2447 = arith.constant 0 : i32
        %dma_start3A_2448 = arith.constant 0 : i32
        %dma_start3A_2449 = tpu.memref_slice %arg21[%dma_start3A_2447, %dma_start3A_2448] : memref<4608x128xf32, #tpu.memory_space<vmem_shared>> -> memref<4608x128xf32, #tpu.memory_space<vmem_shared>>
        tpu.enqueue_indirect_dma source(%dma_start3A_2446 : memref<128x128xf32, #tpu.memory_space<vmem>>) target(%dma_start3A_2449 : memref<4608x128xf32, #tpu.memory_space<vmem_shared>>) offsets(%arg12 : memref<128xi32, #tpu.memory_space<vmem>>) semaphore(%run_scoped3A_2442 : memref<!tpu.dma_semaphore, #tpu.memory_space<semaphore_mem>>) {add = true}
        %dma_wait3A_2450 = arith.constant 0 : i32
        %dma_wait3A_2451 = arith.constant 0 : i32
        %dma_wait3A_2452 = tpu.memref_slice %arg17[%run_scoped3A, %dma_wait3A_2450, %dma_wait3A_2451] : memref<4x128x128xf32, #tpu.memory_space<vmem>> -> memref<1x128x128xf32, #tpu.memory_space<vmem>>
        %dma_wait3A_2453 = tpu.memref_squeeze %dma_wait3A_2452 : memref<1x128x128xf32, #tpu.memory_space<vmem>> -> memref<128x128xf32, #tpu.memory_space<vmem>>
        %dma_wait3A_2454 = arith.constant 0 : i32
        %dma_wait3A_2455 = arith.constant 0 : i32
        %dma_wait3A_2456 = tpu.memref_slice %arg21[%dma_wait3A_2454, %dma_wait3A_2455] : memref<4608x128xf32, #tpu.memory_space<vmem_shared>> -> memref<4608x128xf32, #tpu.memory_space<vmem_shared>>
        tpu.wait_indirect_dma semaphore(%run_scoped3A_2442 : memref<!tpu.dma_semaphore, #tpu.memory_space<semaphore_mem>>) src(%dma_wait3A_2453 : memref<128x128xf32, #tpu.memory_space<vmem>>) dst(%dma_wait3A_2456 : memref<4608x128xf32, #tpu.memory_space<vmem_shared>>)
        tpu.yield
      }) : () -> ()
      %run_scoped3A_2405 = arith.constant 0 : i32
      "tpu.region"() ({
        %run_scoped3A_2442 = tpu.sem_alloc : memref<!tpu.dma_semaphore, #tpu.memory_space<semaphore_mem>>
        %dma_start3A_2443 = arith.constant 0 : i32
        %dma_start3A_2444 = tpu.memref_slice %arg16[%run_scoped3A_2405, %dma_start3A_2443] : memref<4x128xf32, #tpu.memory_space<vmem>> -> memref<1x128xf32, #tpu.memory_space<vmem>>
        %dma_start3A_2445 = tpu.memref_squeeze %dma_start3A_2444 : memref<1x128xf32, #tpu.memory_space<vmem>> -> memref<128xf32, #tpu.memory_space<vmem>>
        %dma_start3A_2446 = arith.constant 0 : i32
        %dma_start3A_2447 = tpu.memref_slice %arg22[%dma_start3A_2446] : memref<4608xf32, #tpu.memory_space<vmem_shared>> -> memref<4608xf32, #tpu.memory_space<vmem_shared>>
        tpu.enqueue_indirect_dma source(%dma_start3A_2445 : memref<128xf32, #tpu.memory_space<vmem>>) target(%dma_start3A_2447 : memref<4608xf32, #tpu.memory_space<vmem_shared>>) offsets(%arg12 : memref<128xi32, #tpu.memory_space<vmem>>) semaphore(%run_scoped3A_2442 : memref<!tpu.dma_semaphore, #tpu.memory_space<semaphore_mem>>) {add = true}
        %dma_wait3A_2448 = arith.constant 0 : i32
        %dma_wait3A_2449 = tpu.memref_slice %arg16[%run_scoped3A_2405, %dma_wait3A_2448] : memref<4x128xf32, #tpu.memory_space<vmem>> -> memref<1x128xf32, #tpu.memory_space<vmem>>
        %dma_wait3A_2450 = tpu.memref_squeeze %dma_wait3A_2449 : memref<1x128xf32, #tpu.memory_space<vmem>> -> memref<128xf32, #tpu.memory_space<vmem>>
        %dma_wait3A_2451 = arith.constant 0 : i32
        %dma_wait3A_2452 = tpu.memref_slice %arg22[%dma_wait3A_2451] : memref<4608xf32, #tpu.memory_space<vmem_shared>> -> memref<4608xf32, #tpu.memory_space<vmem_shared>>
        tpu.wait_indirect_dma semaphore(%run_scoped3A_2442 : memref<!tpu.dma_semaphore, #tpu.memory_space<semaphore_mem>>) src(%dma_wait3A_2450 : memref<128xf32, #tpu.memory_space<vmem>>) dst(%dma_wait3A_2452 : memref<4608xf32, #tpu.memory_space<vmem_shared>>)
        tpu.yield
      }) : () -> ()
      %dma_wait3A_2406 = arith.constant 1 : i32
      %dma_wait3A_2407 = arith.constant 0 : i32
      %dma_wait3A_2408 = arith.constant 0 : i32
      %dma_wait3A_2409 = tpu.memref_slice %arg17[%dma_wait3A_2406, %dma_wait3A_2407, %dma_wait3A_2408] : memref<4x128x128xf32, #tpu.memory_space<vmem>> -> memref<1x128x128xf32, #tpu.memory_space<vmem>>
      %dma_wait3A_2410 = tpu.memref_squeeze %dma_wait3A_2409 : memref<1x128x128xf32, #tpu.memory_space<vmem>> -> memref<128x128xf32, #tpu.memory_space<vmem>>
      %dma_wait3A_2411 = arith.constant 128 : i32
      %dma_wait3A_2412 = tpu.memref_slice %arg9[%dma_wait3A_2411] : memref<512xi32, #tpu.memory_space<vmem>> -> memref<128xi32, #tpu.memory_space<vmem>>
      %dma_wait3A_2413 = arith.constant 0 : i32
      %dma_wait3A_2414 = arith.constant 0 : i32
      %dma_wait3A_2415 = tpu.memref_slice %arg5[%dma_wait3A_2413, %dma_wait3A_2414] : memref<4096x128xf32, #tpu.memory_space<hbm>> -> memref<4096x128xf32, #tpu.memory_space<hbm>>
      tpu.wait_indirect_dma semaphore(%arg24 : memref<!tpu.dma_semaphore, #tpu.memory_space<semaphore_mem>>) src(%dma_wait3A_2415 : memref<4096x128xf32, #tpu.memory_space<hbm>>) dst(%dma_wait3A_2410 : memref<128x128xf32, #tpu.memory_space<vmem>>)
      %run_scoped3A_2416 = arith.constant 1 : i32
      "tpu.region"() ({
        %run_scoped3A_2442 = tpu.sem_alloc : memref<!tpu.dma_semaphore, #tpu.memory_space<semaphore_mem>>
        %dma_start3A_2443 = arith.constant 0 : i32
        %dma_start3A_2444 = arith.constant 0 : i32
        %dma_start3A_2445 = tpu.memref_slice %arg17[%run_scoped3A_2416, %dma_start3A_2443, %dma_start3A_2444] : memref<4x128x128xf32, #tpu.memory_space<vmem>> -> memref<1x128x128xf32, #tpu.memory_space<vmem>>
        %dma_start3A_2446 = tpu.memref_squeeze %dma_start3A_2445 : memref<1x128x128xf32, #tpu.memory_space<vmem>> -> memref<128x128xf32, #tpu.memory_space<vmem>>
        %dma_start3A_2447 = arith.constant 0 : i32
        %dma_start3A_2448 = arith.constant 0 : i32
        %dma_start3A_2449 = tpu.memref_slice %arg21[%dma_start3A_2447, %dma_start3A_2448] : memref<4608x128xf32, #tpu.memory_space<vmem_shared>> -> memref<4608x128xf32, #tpu.memory_space<vmem_shared>>
        tpu.enqueue_indirect_dma source(%dma_start3A_2446 : memref<128x128xf32, #tpu.memory_space<vmem>>) target(%dma_start3A_2449 : memref<4608x128xf32, #tpu.memory_space<vmem_shared>>) offsets(%arg13 : memref<128xi32, #tpu.memory_space<vmem>>) semaphore(%run_scoped3A_2442 : memref<!tpu.dma_semaphore, #tpu.memory_space<semaphore_mem>>) {add = true}
        %dma_wait3A_2450 = arith.constant 0 : i32
        %dma_wait3A_2451 = arith.constant 0 : i32
        %dma_wait3A_2452 = tpu.memref_slice %arg17[%run_scoped3A_2416, %dma_wait3A_2450, %dma_wait3A_2451] : memref<4x128x128xf32, #tpu.memory_space<vmem>> -> memref<1x128x128xf32, #tpu.memory_space<vmem>>
        %dma_wait3A_2453 = tpu.memref_squeeze %dma_wait3A_2452 : memref<1x128x128xf32, #tpu.memory_space<vmem>> -> memref<128x128xf32, #tpu.memory_space<vmem>>
        %dma_wait3A_2454 = arith.constant 0 : i32
        %dma_wait3A_2455 = arith.constant 0 : i32
        %dma_wait3A_2456 = tpu.memref_slice %arg21[%dma_wait3A_2454, %dma_wait3A_2455] : memref<4608x128xf32, #tpu.memory_space<vmem_shared>> -> memref<4608x128xf32, #tpu.memory_space<vmem_shared>>
        tpu.wait_indirect_dma semaphore(%run_scoped3A_2442 : memref<!tpu.dma_semaphore, #tpu.memory_space<semaphore_mem>>) src(%dma_wait3A_2453 : memref<128x128xf32, #tpu.memory_space<vmem>>) dst(%dma_wait3A_2456 : memref<4608x128xf32, #tpu.memory_space<vmem_shared>>)
        tpu.yield
      }) : () -> ()
      %run_scoped3A_2417 = arith.constant 1 : i32
      "tpu.region"() ({
        %run_scoped3A_2442 = tpu.sem_alloc : memref<!tpu.dma_semaphore, #tpu.memory_space<semaphore_mem>>
        %dma_start3A_2443 = arith.constant 0 : i32
        %dma_start3A_2444 = tpu.memref_slice %arg16[%run_scoped3A_2417, %dma_start3A_2443] : memref<4x128xf32, #tpu.memory_space<vmem>> -> memref<1x128xf32, #tpu.memory_space<vmem>>
        %dma_start3A_2445 = tpu.memref_squeeze %dma_start3A_2444 : memref<1x128xf32, #tpu.memory_space<vmem>> -> memref<128xf32, #tpu.memory_space<vmem>>
        %dma_start3A_2446 = arith.constant 0 : i32
        %dma_start3A_2447 = tpu.memref_slice %arg22[%dma_start3A_2446] : memref<4608xf32, #tpu.memory_space<vmem_shared>> -> memref<4608xf32, #tpu.memory_space<vmem_shared>>
        tpu.enqueue_indirect_dma source(%dma_start3A_2445 : memref<128xf32, #tpu.memory_space<vmem>>) target(%dma_start3A_2447 : memref<4608xf32, #tpu.memory_space<vmem_shared>>) offsets(%arg13 : memref<128xi32, #tpu.memory_space<vmem>>) semaphore(%run_scoped3A_2442 : memref<!tpu.dma_semaphore, #tpu.memory_space<semaphore_mem>>) {add = true}
        %dma_wait3A_2448 = arith.constant 0 : i32
        %dma_wait3A_2449 = tpu.memref_slice %arg16[%run_scoped3A_2417, %dma_wait3A_2448] : memref<4x128xf32, #tpu.memory_space<vmem>> -> memref<1x128xf32, #tpu.memory_space<vmem>>
        %dma_wait3A_2450 = tpu.memref_squeeze %dma_wait3A_2449 : memref<1x128xf32, #tpu.memory_space<vmem>> -> memref<128xf32, #tpu.memory_space<vmem>>
        %dma_wait3A_2451 = arith.constant 0 : i32
        %dma_wait3A_2452 = tpu.memref_slice %arg22[%dma_wait3A_2451] : memref<4608xf32, #tpu.memory_space<vmem_shared>> -> memref<4608xf32, #tpu.memory_space<vmem_shared>>
        tpu.wait_indirect_dma semaphore(%run_scoped3A_2442 : memref<!tpu.dma_semaphore, #tpu.memory_space<semaphore_mem>>) src(%dma_wait3A_2450 : memref<128xf32, #tpu.memory_space<vmem>>) dst(%dma_wait3A_2452 : memref<4608xf32, #tpu.memory_space<vmem_shared>>)
        tpu.yield
      }) : () -> ()
      %dma_wait3A_2418 = arith.constant 2 : i32
      %dma_wait3A_2419 = arith.constant 0 : i32
      %dma_wait3A_2420 = arith.constant 0 : i32
      %dma_wait3A_2421 = tpu.memref_slice %arg17[%dma_wait3A_2418, %dma_wait3A_2419, %dma_wait3A_2420] : memref<4x128x128xf32, #tpu.memory_space<vmem>> -> memref<1x128x128xf32, #tpu.memory_space<vmem>>
      %dma_wait3A_2422 = tpu.memref_squeeze %dma_wait3A_2421 : memref<1x128x128xf32, #tpu.memory_space<vmem>> -> memref<128x128xf32, #tpu.memory_space<vmem>>
      %dma_wait3A_2423 = arith.constant 256 : i32
      %dma_wait3A_2424 = tpu.memref_slice %arg9[%dma_wait3A_2423] : memref<512xi32, #tpu.memory_space<vmem>> -> memref<128xi32, #tpu.memory_space<vmem>>
      %dma_wait3A_2425 = arith.constant 0 : i32
      %dma_wait3A_2426 = arith.constant 0 : i32
      %dma_wait3A_2427 = tpu.memref_slice %arg5[%dma_wait3A_2425, %dma_wait3A_2426] : memref<4096x128xf32, #tpu.memory_space<hbm>> -> memref<4096x128xf32, #tpu.memory_space<hbm>>
      tpu.wait_indirect_dma semaphore(%arg24 : memref<!tpu.dma_semaphore, #tpu.memory_space<semaphore_mem>>) src(%dma_wait3A_2427 : memref<4096x128xf32, #tpu.memory_space<hbm>>) dst(%dma_wait3A_2422 : memref<128x128xf32, #tpu.memory_space<vmem>>)
      %run_scoped3A_2428 = arith.constant 2 : i32
      "tpu.region"() ({
        %run_scoped3A_2442 = tpu.sem_alloc : memref<!tpu.dma_semaphore, #tpu.memory_space<semaphore_mem>>
        %dma_start3A_2443 = arith.constant 0 : i32
        %dma_start3A_2444 = arith.constant 0 : i32
        %dma_start3A_2445 = tpu.memref_slice %arg17[%run_scoped3A_2428, %dma_start3A_2443, %dma_start3A_2444] : memref<4x128x128xf32, #tpu.memory_space<vmem>> -> memref<1x128x128xf32, #tpu.memory_space<vmem>>
        %dma_start3A_2446 = tpu.memref_squeeze %dma_start3A_2445 : memref<1x128x128xf32, #tpu.memory_space<vmem>> -> memref<128x128xf32, #tpu.memory_space<vmem>>
        %dma_start3A_2447 = arith.constant 0 : i32
        %dma_start3A_2448 = arith.constant 0 : i32
        %dma_start3A_2449 = tpu.memref_slice %arg21[%dma_start3A_2447, %dma_start3A_2448] : memref<4608x128xf32, #tpu.memory_space<vmem_shared>> -> memref<4608x128xf32, #tpu.memory_space<vmem_shared>>
        tpu.enqueue_indirect_dma source(%dma_start3A_2446 : memref<128x128xf32, #tpu.memory_space<vmem>>) target(%dma_start3A_2449 : memref<4608x128xf32, #tpu.memory_space<vmem_shared>>) offsets(%arg14 : memref<128xi32, #tpu.memory_space<vmem>>) semaphore(%run_scoped3A_2442 : memref<!tpu.dma_semaphore, #tpu.memory_space<semaphore_mem>>) {add = true}
        %dma_wait3A_2450 = arith.constant 0 : i32
        %dma_wait3A_2451 = arith.constant 0 : i32
        %dma_wait3A_2452 = tpu.memref_slice %arg17[%run_scoped3A_2428, %dma_wait3A_2450, %dma_wait3A_2451] : memref<4x128x128xf32, #tpu.memory_space<vmem>> -> memref<1x128x128xf32, #tpu.memory_space<vmem>>
        %dma_wait3A_2453 = tpu.memref_squeeze %dma_wait3A_2452 : memref<1x128x128xf32, #tpu.memory_space<vmem>> -> memref<128x128xf32, #tpu.memory_space<vmem>>
        %dma_wait3A_2454 = arith.constant 0 : i32
        %dma_wait3A_2455 = arith.constant 0 : i32
        %dma_wait3A_2456 = tpu.memref_slice %arg21[%dma_wait3A_2454, %dma_wait3A_2455] : memref<4608x128xf32, #tpu.memory_space<vmem_shared>> -> memref<4608x128xf32, #tpu.memory_space<vmem_shared>>
        tpu.wait_indirect_dma semaphore(%run_scoped3A_2442 : memref<!tpu.dma_semaphore, #tpu.memory_space<semaphore_mem>>) src(%dma_wait3A_2453 : memref<128x128xf32, #tpu.memory_space<vmem>>) dst(%dma_wait3A_2456 : memref<4608x128xf32, #tpu.memory_space<vmem_shared>>)
        tpu.yield
      }) : () -> ()
      %run_scoped3A_2429 = arith.constant 2 : i32
      "tpu.region"() ({
        %run_scoped3A_2442 = tpu.sem_alloc : memref<!tpu.dma_semaphore, #tpu.memory_space<semaphore_mem>>
        %dma_start3A_2443 = arith.constant 0 : i32
        %dma_start3A_2444 = tpu.memref_slice %arg16[%run_scoped3A_2429, %dma_start3A_2443] : memref<4x128xf32, #tpu.memory_space<vmem>> -> memref<1x128xf32, #tpu.memory_space<vmem>>
        %dma_start3A_2445 = tpu.memref_squeeze %dma_start3A_2444 : memref<1x128xf32, #tpu.memory_space<vmem>> -> memref<128xf32, #tpu.memory_space<vmem>>
        %dma_start3A_2446 = arith.constant 0 : i32
        %dma_start3A_2447 = tpu.memref_slice %arg22[%dma_start3A_2446] : memref<4608xf32, #tpu.memory_space<vmem_shared>> -> memref<4608xf32, #tpu.memory_space<vmem_shared>>
        tpu.enqueue_indirect_dma source(%dma_start3A_2445 : memref<128xf32, #tpu.memory_space<vmem>>) target(%dma_start3A_2447 : memref<4608xf32, #tpu.memory_space<vmem_shared>>) offsets(%arg14 : memref<128xi32, #tpu.memory_space<vmem>>) semaphore(%run_scoped3A_2442 : memref<!tpu.dma_semaphore, #tpu.memory_space<semaphore_mem>>) {add = true}
        %dma_wait3A_2448 = arith.constant 0 : i32
        %dma_wait3A_2449 = tpu.memref_slice %arg16[%run_scoped3A_2429, %dma_wait3A_2448] : memref<4x128xf32, #tpu.memory_space<vmem>> -> memref<1x128xf32, #tpu.memory_space<vmem>>
        %dma_wait3A_2450 = tpu.memref_squeeze %dma_wait3A_2449 : memref<1x128xf32, #tpu.memory_space<vmem>> -> memref<128xf32, #tpu.memory_space<vmem>>
        %dma_wait3A_2451 = arith.constant 0 : i32
        %dma_wait3A_2452 = tpu.memref_slice %arg22[%dma_wait3A_2451] : memref<4608xf32, #tpu.memory_space<vmem_shared>> -> memref<4608xf32, #tpu.memory_space<vmem_shared>>
        tpu.wait_indirect_dma semaphore(%run_scoped3A_2442 : memref<!tpu.dma_semaphore, #tpu.memory_space<semaphore_mem>>) src(%dma_wait3A_2450 : memref<128xf32, #tpu.memory_space<vmem>>) dst(%dma_wait3A_2452 : memref<4608xf32, #tpu.memory_space<vmem_shared>>)
        tpu.yield
      }) : () -> ()
      %dma_wait3A_2430 = arith.constant 3 : i32
      %dma_wait3A_2431 = arith.constant 0 : i32
      %dma_wait3A_2432 = arith.constant 0 : i32
      %dma_wait3A_2433 = tpu.memref_slice %arg17[%dma_wait3A_2430, %dma_wait3A_2431, %dma_wait3A_2432] : memref<4x128x128xf32, #tpu.memory_space<vmem>> -> memref<1x128x128xf32, #tpu.memory_space<vmem>>
      %dma_wait3A_2434 = tpu.memref_squeeze %dma_wait3A_2433 : memref<1x128x128xf32, #tpu.memory_space<vmem>> -> memref<128x128xf32, #tpu.memory_space<vmem>>
      %dma_wait3A_2435 = arith.constant 384 : i32
      %dma_wait3A_2436 = tpu.memref_slice %arg9[%dma_wait3A_2435] : memref<512xi32, #tpu.memory_space<vmem>> -> memref<128xi32, #tpu.memory_space<vmem>>
      %dma_wait3A_2437 = arith.constant 0 : i32
      %dma_wait3A_2438 = arith.constant 0 : i32
      %dma_wait3A_2439 = tpu.memref_slice %arg5[%dma_wait3A_2437, %dma_wait3A_2438] : memref<4096x128xf32, #tpu.memory_space<hbm>> -> memref<4096x128xf32, #tpu.memory_space<hbm>>
      tpu.wait_indirect_dma semaphore(%arg24 : memref<!tpu.dma_semaphore, #tpu.memory_space<semaphore_mem>>) src(%dma_wait3A_2439 : memref<4096x128xf32, #tpu.memory_space<hbm>>) dst(%dma_wait3A_2434 : memref<128x128xf32, #tpu.memory_space<vmem>>)
      %run_scoped3A_2440 = arith.constant 3 : i32
      "tpu.region"() ({
        %run_scoped3A_2442 = tpu.sem_alloc : memref<!tpu.dma_semaphore, #tpu.memory_space<semaphore_mem>>
        %dma_start3A_2443 = arith.constant 0 : i32
        %dma_start3A_2444 = arith.constant 0 : i32
        %dma_start3A_2445 = tpu.memref_slice %arg17[%run_scoped3A_2440, %dma_start3A_2443, %dma_start3A_2444] : memref<4x128x128xf32, #tpu.memory_space<vmem>> -> memref<1x128x128xf32, #tpu.memory_space<vmem>>
        %dma_start3A_2446 = tpu.memref_squeeze %dma_start3A_2445 : memref<1x128x128xf32, #tpu.memory_space<vmem>> -> memref<128x128xf32, #tpu.memory_space<vmem>>
        %dma_start3A_2447 = arith.constant 0 : i32
        %dma_start3A_2448 = arith.constant 0 : i32
        %dma_start3A_2449 = tpu.memref_slice %arg21[%dma_start3A_2447, %dma_start3A_2448] : memref<4608x128xf32, #tpu.memory_space<vmem_shared>> -> memref<4608x128xf32, #tpu.memory_space<vmem_shared>>
        tpu.enqueue_indirect_dma source(%dma_start3A_2446 : memref<128x128xf32, #tpu.memory_space<vmem>>) target(%dma_start3A_2449 : memref<4608x128xf32, #tpu.memory_space<vmem_shared>>) offsets(%arg15 : memref<128xi32, #tpu.memory_space<vmem>>) semaphore(%run_scoped3A_2442 : memref<!tpu.dma_semaphore, #tpu.memory_space<semaphore_mem>>) {add = true}
        %dma_wait3A_2450 = arith.constant 0 : i32
        %dma_wait3A_2451 = arith.constant 0 : i32
        %dma_wait3A_2452 = tpu.memref_slice %arg17[%run_scoped3A_2440, %dma_wait3A_2450, %dma_wait3A_2451] : memref<4x128x128xf32, #tpu.memory_space<vmem>> -> memref<1x128x128xf32, #tpu.memory_space<vmem>>
        %dma_wait3A_2453 = tpu.memref_squeeze %dma_wait3A_2452 : memref<1x128x128xf32, #tpu.memory_space<vmem>> -> memref<128x128xf32, #tpu.memory_space<vmem>>
        %dma_wait3A_2454 = arith.constant 0 : i32
        %dma_wait3A_2455 = arith.constant 0 : i32
        %dma_wait3A_2456 = tpu.memref_slice %arg21[%dma_wait3A_2454, %dma_wait3A_2455] : memref<4608x128xf32, #tpu.memory_space<vmem_shared>> -> memref<4608x128xf32, #tpu.memory_space<vmem_shared>>
        tpu.wait_indirect_dma semaphore(%run_scoped3A_2442 : memref<!tpu.dma_semaphore, #tpu.memory_space<semaphore_mem>>) src(%dma_wait3A_2453 : memref<128x128xf32, #tpu.memory_space<vmem>>) dst(%dma_wait3A_2456 : memref<4608x128xf32, #tpu.memory_space<vmem_shared>>)
        tpu.yield
      }) : () -> ()
      %run_scoped3A_2441 = arith.constant 3 : i32
      "tpu.region"() ({
        %run_scoped3A_2442 = tpu.sem_alloc : memref<!tpu.dma_semaphore, #tpu.memory_space<semaphore_mem>>
        %dma_start3A_2443 = arith.constant 0 : i32
        %dma_start3A_2444 = tpu.memref_slice %arg16[%run_scoped3A_2441, %dma_start3A_2443] : memref<4x128xf32, #tpu.memory_space<vmem>> -> memref<1x128xf32, #tpu.memory_space<vmem>>
        %dma_start3A_2445 = tpu.memref_squeeze %dma_start3A_2444 : memref<1x128xf32, #tpu.memory_space<vmem>> -> memref<128xf32, #tpu.memory_space<vmem>>
        %dma_start3A_2446 = arith.constant 0 : i32
        %dma_start3A_2447 = tpu.memref_slice %arg22[%dma_start3A_2446] : memref<4608xf32, #tpu.memory_space<vmem_shared>> -> memref<4608xf32, #tpu.memory_space<vmem_shared>>
        tpu.enqueue_indirect_dma source(%dma_start3A_2445 : memref<128xf32, #tpu.memory_space<vmem>>) target(%dma_start3A_2447 : memref<4608xf32, #tpu.memory_space<vmem_shared>>) offsets(%arg15 : memref<128xi32, #tpu.memory_space<vmem>>) semaphore(%run_scoped3A_2442 : memref<!tpu.dma_semaphore, #tpu.memory_space<semaphore_mem>>) {add = true}
        %dma_wait3A_2448 = arith.constant 0 : i32
        %dma_wait3A_2449 = tpu.memref_slice %arg16[%run_scoped3A_2441, %dma_wait3A_2448] : memref<4x128xf32, #tpu.memory_space<vmem>> -> memref<1x128xf32, #tpu.memory_space<vmem>>
        %dma_wait3A_2450 = tpu.memref_squeeze %dma_wait3A_2449 : memref<1x128xf32, #tpu.memory_space<vmem>> -> memref<128xf32, #tpu.memory_space<vmem>>
        %dma_wait3A_2451 = arith.constant 0 : i32
        %dma_wait3A_2452 = tpu.memref_slice %arg22[%dma_wait3A_2451] : memref<4608xf32, #tpu.memory_space<vmem_shared>> -> memref<4608xf32, #tpu.memory_space<vmem_shared>>
        tpu.wait_indirect_dma semaphore(%run_scoped3A_2442 : memref<!tpu.dma_semaphore, #tpu.memory_space<semaphore_mem>>) src(%dma_wait3A_2450 : memref<128xf32, #tpu.memory_space<vmem>>) dst(%dma_wait3A_2452 : memref<4608xf32, #tpu.memory_space<vmem_shared>>)
        tpu.yield
      }) : () -> ()
    }
    %scan3A_775 = arith.constant 8 : i32
    %barrier3A_776 = arith.constant 0 : index
    tpu.barrier barrier_id(%barrier3A_776)
    %mul3A_777 = arith.constant 288 : i32
    %mul3A_778 = arith.muli %arg1, %mul3A_777 : i32
    %add3A_779 = arith.constant 0 : i32
    %add3A_780 = arith.addi %mul3A_778, %add3A_779 : i32
    "tpu.region"() ({
      %run_scoped3A = tpu.sem_alloc : memref<!tpu.dma_semaphore, #tpu.memory_space<semaphore_mem>>
      %dma_start3A = arith.constant 0 : i32
      %dma_start3A_808 = tpu.memref_slice %arg21[%add3A_780, %dma_start3A] : memref<4608x128xf32, #tpu.memory_space<vmem_shared>> -> memref<96x128xf32, #tpu.memory_space<vmem_shared>>
      %dma_start3A_809 = arith.constant 0 : i32
      %dma_start3A_810 = tpu.memref_slice %arg21[%add3A_780, %dma_start3A_809] : memref<4608x128xf32, #tpu.memory_space<vmem_shared>> -> memref<96x128xf32, #tpu.memory_space<vmem_shared>>
      tpu.enqueue_dma source(%dma_start3A_810 : memref<96x128xf32, #tpu.memory_space<vmem_shared>>) target(%arg20 : memref<96x128xf32, #tpu.memory_space<vmem>>) target_semaphore(%run_scoped3A : memref<!tpu.dma_semaphore, #tpu.memory_space<semaphore_mem>>)
      %dma_wait3A = arith.constant 0 : i32
      %dma_wait3A_811 = tpu.memref_slice %arg21[%add3A_780, %dma_wait3A] : memref<4608x128xf32, #tpu.memory_space<vmem_shared>> -> memref<96x128xf32, #tpu.memory_space<vmem_shared>>
      %dma_wait3A_812 = arith.constant 0 : i32
      %dma_wait3A_813 = tpu.memref_slice %arg21[%add3A_780, %dma_wait3A_812] : memref<4608x128xf32, #tpu.memory_space<vmem_shared>> -> memref<96x128xf32, #tpu.memory_space<vmem_shared>>
      tpu.wait_dma2 semaphore(%run_scoped3A : memref<!tpu.dma_semaphore, #tpu.memory_space<semaphore_mem>>) src(%dma_wait3A_813 : memref<96x128xf32, #tpu.memory_space<vmem_shared>>) dst(%arg20 : memref<96x128xf32, #tpu.memory_space<vmem>>)
      tpu.yield
    }) : () -> ()
    %mul3A_781 = arith.constant 288 : i32
    %mul3A_782 = arith.muli %arg1, %mul3A_781 : i32
    %add3A_783 = arith.constant 0 : i32
    %add3A_784 = arith.addi %mul3A_782, %add3A_783 : i32
    "tpu.region"() ({
      %run_scoped3A = tpu.sem_alloc : memref<!tpu.dma_semaphore, #tpu.memory_space<semaphore_mem>>
      %dma_start3A = arith.constant 0 : i32
      %dma_start3A_808 = tpu.memref_slice %arg6[%arg0, %add3A_784, %dma_start3A] : memref<2x4608x128xf32, #tpu.memory_space<hbm>> -> memref<1x96x128xf32, #tpu.memory_space<hbm>>
      %dma_start3A_809 = tpu.memref_squeeze %dma_start3A_808 : memref<1x96x128xf32, #tpu.memory_space<hbm>> -> memref<96x128xf32, #tpu.memory_space<hbm>>
      %dma_start3A_810 = arith.constant 0 : i32
      %dma_start3A_811 = tpu.memref_slice %arg6[%arg0, %add3A_784, %dma_start3A_810] : memref<2x4608x128xf32, #tpu.memory_space<hbm>> -> memref<1x96x128xf32, #tpu.memory_space<hbm>>
      %dma_start3A_812 = tpu.memref_squeeze %dma_start3A_811 : memref<1x96x128xf32, #tpu.memory_space<hbm>> -> memref<96x128xf32, #tpu.memory_space<hbm>>
      tpu.enqueue_dma source(%arg20 : memref<96x128xf32, #tpu.memory_space<vmem>>) target(%dma_start3A_812 : memref<96x128xf32, #tpu.memory_space<hbm>>) target_semaphore(%run_scoped3A : memref<!tpu.dma_semaphore, #tpu.memory_space<semaphore_mem>>)
      %dma_wait3A = arith.constant 0 : i32
      %dma_wait3A_813 = tpu.memref_slice %arg6[%arg0, %add3A_784, %dma_wait3A] : memref<2x4608x128xf32, #tpu.memory_space<hbm>> -> memref<1x96x128xf32, #tpu.memory_space<hbm>>
      %dma_wait3A_814 = tpu.memref_squeeze %dma_wait3A_813 : memref<1x96x128xf32, #tpu.memory_space<hbm>> -> memref<96x128xf32, #tpu.memory_space<hbm>>
      %dma_wait3A_815 = arith.constant 0 : i32
      %dma_wait3A_816 = tpu.memref_slice %arg6[%arg0, %add3A_784, %dma_wait3A_815] : memref<2x4608x128xf32, #tpu.memory_space<hbm>> -> memref<1x96x128xf32, #tpu.memory_space<hbm>>
      %dma_wait3A_817 = tpu.memref_squeeze %dma_wait3A_816 : memref<1x96x128xf32, #tpu.memory_space<hbm>> -> memref<96x128xf32, #tpu.memory_space<hbm>>
      tpu.wait_dma2 semaphore(%run_scoped3A : memref<!tpu.dma_semaphore, #tpu.memory_space<semaphore_mem>>) src(%arg20 : memref<96x128xf32, #tpu.memory_space<vmem>>) dst(%dma_wait3A_817 : memref<96x128xf32, #tpu.memory_space<hbm>>)
      tpu.yield
    }) : () -> ()
    %mul3A_785 = arith.constant 288 : i32
    %mul3A_786 = arith.muli %arg1, %mul3A_785 : i32
    %add3A_787 = arith.constant 96 : i32
    %add3A_788 = arith.addi %mul3A_786, %add3A_787 : i32
    "tpu.region"() ({
      %run_scoped3A = tpu.sem_alloc : memref<!tpu.dma_semaphore, #tpu.memory_space<semaphore_mem>>
      %dma_start3A = arith.constant 0 : i32
      %dma_start3A_808 = tpu.memref_slice %arg21[%add3A_788, %dma_start3A] : memref<4608x128xf32, #tpu.memory_space<vmem_shared>> -> memref<96x128xf32, #tpu.memory_space<vmem_shared>>
      %dma_start3A_809 = arith.constant 0 : i32
      %dma_start3A_810 = tpu.memref_slice %arg21[%add3A_788, %dma_start3A_809] : memref<4608x128xf32, #tpu.memory_space<vmem_shared>> -> memref<96x128xf32, #tpu.memory_space<vmem_shared>>
      tpu.enqueue_dma source(%dma_start3A_810 : memref<96x128xf32, #tpu.memory_space<vmem_shared>>) target(%arg20 : memref<96x128xf32, #tpu.memory_space<vmem>>) target_semaphore(%run_scoped3A : memref<!tpu.dma_semaphore, #tpu.memory_space<semaphore_mem>>)
      %dma_wait3A = arith.constant 0 : i32
      %dma_wait3A_811 = tpu.memref_slice %arg21[%add3A_788, %dma_wait3A] : memref<4608x128xf32, #tpu.memory_space<vmem_shared>> -> memref<96x128xf32, #tpu.memory_space<vmem_shared>>
      %dma_wait3A_812 = arith.constant 0 : i32
      %dma_wait3A_813 = tpu.memref_slice %arg21[%add3A_788, %dma_wait3A_812] : memref<4608x128xf32, #tpu.memory_space<vmem_shared>> -> memref<96x128xf32, #tpu.memory_space<vmem_shared>>
      tpu.wait_dma2 semaphore(%run_scoped3A : memref<!tpu.dma_semaphore, #tpu.memory_space<semaphore_mem>>) src(%dma_wait3A_813 : memref<96x128xf32, #tpu.memory_space<vmem_shared>>) dst(%arg20 : memref<96x128xf32, #tpu.memory_space<vmem>>)
      tpu.yield
    }) : () -> ()
    %mul3A_789 = arith.constant 288 : i32
    %mul3A_790 = arith.muli %arg1, %mul3A_789 : i32
    %add3A_791 = arith.constant 96 : i32
    %add3A_792 = arith.addi %mul3A_790, %add3A_791 : i32
    "tpu.region"() ({
      %run_scoped3A = tpu.sem_alloc : memref<!tpu.dma_semaphore, #tpu.memory_space<semaphore_mem>>
      %dma_start3A = arith.constant 0 : i32
      %dma_start3A_808 = tpu.memref_slice %arg6[%arg0, %add3A_792, %dma_start3A] : memref<2x4608x128xf32, #tpu.memory_space<hbm>> -> memref<1x96x128xf32, #tpu.memory_space<hbm>>
      %dma_start3A_809 = tpu.memref_squeeze %dma_start3A_808 : memref<1x96x128xf32, #tpu.memory_space<hbm>> -> memref<96x128xf32, #tpu.memory_space<hbm>>
      %dma_start3A_810 = arith.constant 0 : i32
      %dma_start3A_811 = tpu.memref_slice %arg6[%arg0, %add3A_792, %dma_start3A_810] : memref<2x4608x128xf32, #tpu.memory_space<hbm>> -> memref<1x96x128xf32, #tpu.memory_space<hbm>>
      %dma_start3A_812 = tpu.memref_squeeze %dma_start3A_811 : memref<1x96x128xf32, #tpu.memory_space<hbm>> -> memref<96x128xf32, #tpu.memory_space<hbm>>
      tpu.enqueue_dma source(%arg20 : memref<96x128xf32, #tpu.memory_space<vmem>>) target(%dma_start3A_812 : memref<96x128xf32, #tpu.memory_space<hbm>>) target_semaphore(%run_scoped3A : memref<!tpu.dma_semaphore, #tpu.memory_space<semaphore_mem>>)
      %dma_wait3A = arith.constant 0 : i32
      %dma_wait3A_813 = tpu.memref_slice %arg6[%arg0, %add3A_792, %dma_wait3A] : memref<2x4608x128xf32, #tpu.memory_space<hbm>> -> memref<1x96x128xf32, #tpu.memory_space<hbm>>
      %dma_wait3A_814 = tpu.memref_squeeze %dma_wait3A_813 : memref<1x96x128xf32, #tpu.memory_space<hbm>> -> memref<96x128xf32, #tpu.memory_space<hbm>>
      %dma_wait3A_815 = arith.constant 0 : i32
      %dma_wait3A_816 = tpu.memref_slice %arg6[%arg0, %add3A_792, %dma_wait3A_815] : memref<2x4608x128xf32, #tpu.memory_space<hbm>> -> memref<1x96x128xf32, #tpu.memory_space<hbm>>
      %dma_wait3A_817 = tpu.memref_squeeze %dma_wait3A_816 : memref<1x96x128xf32, #tpu.memory_space<hbm>> -> memref<96x128xf32, #tpu.memory_space<hbm>>
      tpu.wait_dma2 semaphore(%run_scoped3A : memref<!tpu.dma_semaphore, #tpu.memory_space<semaphore_mem>>) src(%arg20 : memref<96x128xf32, #tpu.memory_space<vmem>>) dst(%dma_wait3A_817 : memref<96x128xf32, #tpu.memory_space<hbm>>)
      tpu.yield
    }) : () -> ()
    %mul3A_793 = arith.constant 288 : i32
    %mul3A_794 = arith.muli %arg1, %mul3A_793 : i32
    %add3A_795 = arith.constant 192 : i32
    %add3A_796 = arith.addi %mul3A_794, %add3A_795 : i32
    "tpu.region"() ({
      %run_scoped3A = tpu.sem_alloc : memref<!tpu.dma_semaphore, #tpu.memory_space<semaphore_mem>>
      %dma_start3A = arith.constant 0 : i32
      %dma_start3A_808 = tpu.memref_slice %arg21[%add3A_796, %dma_start3A] : memref<4608x128xf32, #tpu.memory_space<vmem_shared>> -> memref<96x128xf32, #tpu.memory_space<vmem_shared>>
      %dma_start3A_809 = arith.constant 0 : i32
      %dma_start3A_810 = tpu.memref_slice %arg21[%add3A_796, %dma_start3A_809] : memref<4608x128xf32, #tpu.memory_space<vmem_shared>> -> memref<96x128xf32, #tpu.memory_space<vmem_shared>>
      tpu.enqueue_dma source(%dma_start3A_810 : memref<96x128xf32, #tpu.memory_space<vmem_shared>>) target(%arg20 : memref<96x128xf32, #tpu.memory_space<vmem>>) target_semaphore(%run_scoped3A : memref<!tpu.dma_semaphore, #tpu.memory_space<semaphore_mem>>)
      %dma_wait3A = arith.constant 0 : i32
      %dma_wait3A_811 = tpu.memref_slice %arg21[%add3A_796, %dma_wait3A] : memref<4608x128xf32, #tpu.memory_space<vmem_shared>> -> memref<96x128xf32, #tpu.memory_space<vmem_shared>>
      %dma_wait3A_812 = arith.constant 0 : i32
      %dma_wait3A_813 = tpu.memref_slice %arg21[%add3A_796, %dma_wait3A_812] : memref<4608x128xf32, #tpu.memory_space<vmem_shared>> -> memref<96x128xf32, #tpu.memory_space<vmem_shared>>
      tpu.wait_dma2 semaphore(%run_scoped3A : memref<!tpu.dma_semaphore, #tpu.memory_space<semaphore_mem>>) src(%dma_wait3A_813 : memref<96x128xf32, #tpu.memory_space<vmem_shared>>) dst(%arg20 : memref<96x128xf32, #tpu.memory_space<vmem>>)
      tpu.yield
    }) : () -> ()
    %mul3A_797 = arith.constant 288 : i32
    %mul3A_798 = arith.muli %arg1, %mul3A_797 : i32
    %add3A_799 = arith.constant 192 : i32
    %add3A_800 = arith.addi %mul3A_798, %add3A_799 : i32
    "tpu.region"() ({
      %run_scoped3A = tpu.sem_alloc : memref<!tpu.dma_semaphore, #tpu.memory_space<semaphore_mem>>
      %dma_start3A = arith.constant 0 : i32
      %dma_start3A_808 = tpu.memref_slice %arg6[%arg0, %add3A_800, %dma_start3A] : memref<2x4608x128xf32, #tpu.memory_space<hbm>> -> memref<1x96x128xf32, #tpu.memory_space<hbm>>
      %dma_start3A_809 = tpu.memref_squeeze %dma_start3A_808 : memref<1x96x128xf32, #tpu.memory_space<hbm>> -> memref<96x128xf32, #tpu.memory_space<hbm>>
      %dma_start3A_810 = arith.constant 0 : i32
      %dma_start3A_811 = tpu.memref_slice %arg6[%arg0, %add3A_800, %dma_start3A_810] : memref<2x4608x128xf32, #tpu.memory_space<hbm>> -> memref<1x96x128xf32, #tpu.memory_space<hbm>>
      %dma_start3A_812 = tpu.memref_squeeze %dma_start3A_811 : memref<1x96x128xf32, #tpu.memory_space<hbm>> -> memref<96x128xf32, #tpu.memory_space<hbm>>
      tpu.enqueue_dma source(%arg20 : memref<96x128xf32, #tpu.memory_space<vmem>>) target(%dma_start3A_812 : memref<96x128xf32, #tpu.memory_space<hbm>>) target_semaphore(%run_scoped3A : memref<!tpu.dma_semaphore, #tpu.memory_space<semaphore_mem>>)
      %dma_wait3A = arith.constant 0 : i32
      %dma_wait3A_813 = tpu.memref_slice %arg6[%arg0, %add3A_800, %dma_wait3A] : memref<2x4608x128xf32, #tpu.memory_space<hbm>> -> memref<1x96x128xf32, #tpu.memory_space<hbm>>
      %dma_wait3A_814 = tpu.memref_squeeze %dma_wait3A_813 : memref<1x96x128xf32, #tpu.memory_space<hbm>> -> memref<96x128xf32, #tpu.memory_space<hbm>>
      %dma_wait3A_815 = arith.constant 0 : i32
      %dma_wait3A_816 = tpu.memref_slice %arg6[%arg0, %add3A_800, %dma_wait3A_815] : memref<2x4608x128xf32, #tpu.memory_space<hbm>> -> memref<1x96x128xf32, #tpu.memory_space<hbm>>
      %dma_wait3A_817 = tpu.memref_squeeze %dma_wait3A_816 : memref<1x96x128xf32, #tpu.memory_space<hbm>> -> memref<96x128xf32, #tpu.memory_space<hbm>>
      tpu.wait_dma2 semaphore(%run_scoped3A : memref<!tpu.dma_semaphore, #tpu.memory_space<semaphore_mem>>) src(%arg20 : memref<96x128xf32, #tpu.memory_space<vmem>>) dst(%dma_wait3A_817 : memref<96x128xf32, #tpu.memory_space<hbm>>)
      tpu.yield
    }) : () -> ()
    %mul3A_801 = arith.constant 288 : i32
    %mul3A_802 = arith.muli %arg1, %mul3A_801 : i32
    "tpu.region"() ({
      %run_scoped3A = tpu.sem_alloc : memref<!tpu.dma_semaphore, #tpu.memory_space<semaphore_mem>>
      %dma_start3A = tpu.memref_slice %arg22[%mul3A_802] : memref<4608xf32, #tpu.memory_space<vmem_shared>> -> memref<288xf32, #tpu.memory_space<vmem_shared>>
      %dma_start3A_808 = tpu.memref_slice %arg22[%mul3A_802] : memref<4608xf32, #tpu.memory_space<vmem_shared>> -> memref<288xf32, #tpu.memory_space<vmem_shared>>
      tpu.enqueue_dma source(%dma_start3A_808 : memref<288xf32, #tpu.memory_space<vmem_shared>>) target(%arg19 : memref<288xf32, #tpu.memory_space<vmem>>) target_semaphore(%run_scoped3A : memref<!tpu.dma_semaphore, #tpu.memory_space<semaphore_mem>>)
      %dma_wait3A = tpu.memref_slice %arg22[%mul3A_802] : memref<4608xf32, #tpu.memory_space<vmem_shared>> -> memref<288xf32, #tpu.memory_space<vmem_shared>>
      %dma_wait3A_809 = tpu.memref_slice %arg22[%mul3A_802] : memref<4608xf32, #tpu.memory_space<vmem_shared>> -> memref<288xf32, #tpu.memory_space<vmem_shared>>
      tpu.wait_dma2 semaphore(%run_scoped3A : memref<!tpu.dma_semaphore, #tpu.memory_space<semaphore_mem>>) src(%dma_wait3A_809 : memref<288xf32, #tpu.memory_space<vmem_shared>>) dst(%arg19 : memref<288xf32, #tpu.memory_space<vmem>>)
      tpu.yield
    }) : () -> ()
    %mul3A_803 = arith.constant 4608 : i32
    %mul3A_804 = arith.muli %arg0, %mul3A_803 : i32
    %mul3A_805 = arith.constant 288 : i32
    %mul3A_806 = arith.muli %arg1, %mul3A_805 : i32
    %add3A_807 = arith.addi %mul3A_804, %mul3A_806 : i32
    "tpu.region"() ({
      %run_scoped3A = tpu.sem_alloc : memref<!tpu.dma_semaphore, #tpu.memory_space<semaphore_mem>>
      %dma_start3A = tpu.memref_slice %arg7[%add3A_807] : memref<9216xf32, #tpu.memory_space<hbm>> -> memref<288xf32, #tpu.memory_space<hbm>>
      %dma_start3A_808 = tpu.memref_slice %arg7[%add3A_807] : memref<9216xf32, #tpu.memory_space<hbm>> -> memref<288xf32, #tpu.memory_space<hbm>>
      tpu.enqueue_dma source(%arg19 : memref<288xf32, #tpu.memory_space<vmem>>) target(%dma_start3A_808 : memref<288xf32, #tpu.memory_space<hbm>>) target_semaphore(%run_scoped3A : memref<!tpu.dma_semaphore, #tpu.memory_space<semaphore_mem>>)
      %dma_wait3A = tpu.memref_slice %arg7[%add3A_807] : memref<9216xf32, #tpu.memory_space<hbm>> -> memref<288xf32, #tpu.memory_space<hbm>>
      %dma_wait3A_809 = tpu.memref_slice %arg7[%add3A_807] : memref<9216xf32, #tpu.memory_space<hbm>> -> memref<288xf32, #tpu.memory_space<hbm>>
      tpu.wait_dma2 semaphore(%run_scoped3A : memref<!tpu.dma_semaphore, #tpu.memory_space<semaphore_mem>>) src(%arg19 : memref<288xf32, #tpu.memory_space<vmem>>) dst(%dma_wait3A_809 : memref<288xf32, #tpu.memory_space<hbm>>)
      tpu.yield
    }) : () -> ()
    return
  }
}

module attributes {stable_mosaic.version = 14 : i64} {
  func.func @_p1b_body(%arg0: i32, %arg1: memref<2x128x1xf32, #tpu.memory_space<vmem>>, %arg2: memref<128x128xf32, #tpu.memory_space<vmem>>, %arg3: memref<128x128xf32, #tpu.memory_space<vmem>>) attributes {dimension_semantics = [#tpu.dimension_semantics<arbitrary>], iteration_bounds = array<i64: 32>, scalar_prefetch = 0 : i64, scratch_operands = 0 : i64, tpu.core_type = #tpu.core_type<tc>, window_params = [{transform_indices = @transform_0, window_bounds = array<i64: 2, 128, 1>}, {transform_indices = @transform_1, window_bounds = array<i64: 128, 128>}, {transform_indices = @transform_2, window_bounds = array<i64: 128, 128>}]} {
    %get3A = arith.constant 0 : index
    %get3A_0 = arith.constant 0 : index
    %get3A_1 = arith.constant 0 : index
    %get3A_2 = vector.load %arg1[%get3A, %get3A_0, %get3A_1] : memref<2x128x1xf32, #tpu.memory_space<vmem>>, vector<1x128x1xf32>
    %get3A_3 = vector.shape_cast %get3A_2 : vector<1x128x1xf32> to vector<128x1xf32>
    %get3A_4 = arith.constant 1 : index
    %get3A_5 = arith.constant 0 : index
    %get3A_6 = arith.constant 0 : index
    %get3A_7 = vector.load %arg1[%get3A_4, %get3A_5, %get3A_6] : memref<2x128x1xf32, #tpu.memory_space<vmem>>, vector<1x128x1xf32>
    %get3A_8 = vector.shape_cast %get3A_7 : vector<1x128x1xf32> to vector<128x1xf32>
    %add3A = arith.addf %get3A_3, %get3A_8 : vector<128x1xf32>
    %gt3A = arith.constant 0.000000e+00 : f32
    %gt3A_9 = vector.broadcast %gt3A : f32 to vector<128x1xf32>
    %gt3A_10 = arith.cmpf ogt, %add3A, %gt3A_9 : vector<128x1xf32>
    %jit3A = arith.constant 1.000000e+00 : f32
    %broadcast_in_dim3A = vector.broadcast %jit3A : f32 to vector<128x1xf32>
    %select_n3A = arith.select %gt3A_10, %add3A, %broadcast_in_dim3A : vector<128x1xi1>, vector<128x1xf32>
    %rsqrt3A = math.rsqrt %select_n3A : vector<128x1xf32>
    %jit3A_11 = arith.constant 0.000000e+00 : f32
    %broadcast_in_dim3A_12 = vector.broadcast %jit3A_11 : f32 to vector<128x1xf32>
    %select_n3A_13 = arith.select %gt3A_10, %rsqrt3A, %broadcast_in_dim3A_12 : vector<128x1xi1>, vector<128x1xf32>
    %get3A_14 = arith.constant 0 : index
    %get3A_15 = arith.constant 0 : index
    %get3A_16 = vector.load %arg2[%get3A_14, %get3A_15] : memref<128x128xf32, #tpu.memory_space<vmem>>, vector<128x128xf32>
    %mul3A = vector.broadcast %select_n3A_13 : vector<128x1xf32> to vector<128x128xf32>
    %mul3A_17 = arith.mulf %mul3A, %get3A_16 : vector<128x128xf32>
    %swap3A = arith.constant 0 : index
    %swap3A_18 = arith.constant 0 : index
    %swap3A_19 = vector.load %arg3[%swap3A, %swap3A_18] : memref<128x128xf32, #tpu.memory_space<vmem>>, vector<128x128xf32>
    tpu.vector_store %arg3[%swap3A, %swap3A_18], %mul3A_17 {strides = array<i32>} : memref<128x128xf32, #tpu.memory_space<vmem>>, vector<128x128xf32>,
    return
  }
  func.func @transform_0(%arg0: i32) -> (i32, i32, i32) {
    %c0_i32 = arith.constant 0 : i32
    %c0_i32_0 = arith.constant 0 : i32
    %c0_i32_1 = arith.constant 0 : i32
    return %c0_i32, %arg0, %c0_i32_0 : i32, i32, i32
  }
  func.func @transform_1(%arg0: i32) -> (i32, i32) {
    %c0_i32 = arith.constant 0 : i32
    %c0_i32_0 = arith.constant 0 : i32
    return %arg0, %c0_i32 : i32, i32
  }
  func.func @transform_2(%arg0: i32) -> (i32, i32) {
    %c0_i32 = arith.constant 0 : i32
    %c0_i32_0 = arith.constant 0 : i32
    return %arg0, %c0_i32 : i32, i32
  }
}

module attributes {stable_mosaic.version = 14 : i64} {
  func.func @_p3_body(%arg0: i32, %arg1: memref<128x128xf32, #tpu.memory_space<vmem>>, %arg2: memref<2x128x1xf32, #tpu.memory_space<vmem>>, %arg3: memref<2x128x128xf32, #tpu.memory_space<vmem>>, %arg4: memref<2x128x1xf32, #tpu.memory_space<vmem>>, %arg5: memref<128x128xf32, #tpu.memory_space<vmem>>, %arg6: memref<128x128xf32, #tpu.memory_space<vmem>>, %arg7: memref<128x128xf32, #tpu.memory_space<vmem>>) attributes {dimension_semantics = [#tpu.dimension_semantics<arbitrary>], iteration_bounds = array<i64: 32>, scalar_prefetch = 0 : i64, scratch_operands = 0 : i64, tpu.core_type = #tpu.core_type<tc>, window_params = [{transform_indices = @transform_0, window_bounds = array<i64: 128, 128>}, {transform_indices = @transform_1, window_bounds = array<i64: 2, 128, 1>}, {transform_indices = @transform_2, window_bounds = array<i64: 2, 128, 128>}, {transform_indices = @transform_3, window_bounds = array<i64: 2, 128, 1>}, {pipeline_mode = #tpu.pipeline_mode<synchronous>, transform_indices = @transform_4, window_bounds = array<i64: 128, 128>}, {transform_indices = @transform_5, window_bounds = array<i64: 128, 128>}, {transform_indices = @transform_6, window_bounds = array<i64: 128, 128>}]} {
    %get3A = arith.constant 0 : index
    %get3A_0 = arith.constant 0 : index
    %get3A_1 = arith.constant 0 : index
    %get3A_2 = vector.load %arg2[%get3A, %get3A_0, %get3A_1] : memref<2x128x1xf32, #tpu.memory_space<vmem>>, vector<1x128x1xf32>
    %get3A_3 = vector.shape_cast %get3A_2 : vector<1x128x1xf32> to vector<128x1xf32>
    %get3A_4 = arith.constant 1 : index
    %get3A_5 = arith.constant 0 : index
    %get3A_6 = arith.constant 0 : index
    %get3A_7 = vector.load %arg2[%get3A_4, %get3A_5, %get3A_6] : memref<2x128x1xf32, #tpu.memory_space<vmem>>, vector<1x128x1xf32>
    %get3A_8 = vector.shape_cast %get3A_7 : vector<1x128x1xf32> to vector<128x1xf32>
    %add3A = arith.addf %get3A_3, %get3A_8 : vector<128x1xf32>
    %gt3A = arith.constant 0.000000e+00 : f32
    %gt3A_9 = vector.broadcast %gt3A : f32 to vector<128x1xf32>
    %gt3A_10 = arith.cmpf ogt, %add3A, %gt3A_9 : vector<128x1xf32>
    %jit3A = arith.constant 1.000000e+00 : f32
    %broadcast_in_dim3A = vector.broadcast %jit3A : f32 to vector<128x1xf32>
    %select_n3A = arith.select %gt3A_10, %add3A, %broadcast_in_dim3A : vector<128x1xi1>, vector<128x1xf32>
    %rsqrt3A = math.rsqrt %select_n3A : vector<128x1xf32>
    %jit3A_11 = arith.constant 0.000000e+00 : f32
    %broadcast_in_dim3A_12 = vector.broadcast %jit3A_11 : f32 to vector<128x1xf32>
    %select_n3A_13 = arith.select %gt3A_10, %rsqrt3A, %broadcast_in_dim3A_12 : vector<128x1xi1>, vector<128x1xf32>
    %get3A_14 = arith.constant 0 : index
    %get3A_15 = arith.constant 0 : index
    %get3A_16 = arith.constant 0 : index
    %get3A_17 = vector.load %arg3[%get3A_14, %get3A_15, %get3A_16] : memref<2x128x128xf32, #tpu.memory_space<vmem>>, vector<1x128x128xf32>
    %get3A_18 = vector.shape_cast %get3A_17 : vector<1x128x128xf32> to vector<128x128xf32>
    %get3A_19 = arith.constant 1 : index
    %get3A_20 = arith.constant 0 : index
    %get3A_21 = arith.constant 0 : index
    %get3A_22 = vector.load %arg3[%get3A_19, %get3A_20, %get3A_21] : memref<2x128x128xf32, #tpu.memory_space<vmem>>, vector<1x128x128xf32>
    %get3A_23 = vector.shape_cast %get3A_22 : vector<1x128x128xf32> to vector<128x128xf32>
    %add3A_24 = arith.addf %get3A_18, %get3A_23 : vector<128x128xf32>
    %get3A_25 = arith.constant 0 : index
    %get3A_26 = arith.constant 0 : index
    %get3A_27 = arith.constant 0 : index
    %get3A_28 = vector.load %arg4[%get3A_25, %get3A_26, %get3A_27] : memref<2x128x1xf32, #tpu.memory_space<vmem>>, vector<1x128x1xf32>
    %get3A_29 = vector.shape_cast %get3A_28 : vector<1x128x1xf32> to vector<128x1xf32>
    %get3A_30 = arith.constant 1 : index
    %get3A_31 = arith.constant 0 : index
    %get3A_32 = arith.constant 0 : index
    %get3A_33 = vector.load %arg4[%get3A_30, %get3A_31, %get3A_32] : memref<2x128x1xf32, #tpu.memory_space<vmem>>, vector<1x128x1xf32>
    %get3A_34 = vector.shape_cast %get3A_33 : vector<1x128x1xf32> to vector<128x1xf32>
    %add3A_35 = arith.addf %get3A_29, %get3A_34 : vector<128x1xf32>
    %get3A_36 = arith.constant 0 : index
    %get3A_37 = arith.constant 0 : index
    %get3A_38 = vector.load %arg1[%get3A_36, %get3A_37] : memref<128x128xf32, #tpu.memory_space<vmem>>, vector<128x128xf32>
    %mul3A = vector.broadcast %select_n3A_13 : vector<128x1xf32> to vector<128x128xf32>
    %mul3A_39 = arith.mulf %mul3A, %add3A_24 : vector<128x128xf32>
    %sub3A = arith.subf %get3A_38, %mul3A_39 : vector<128x128xf32>
    %mul3A_40 = arith.mulf %add3A_35, %select_n3A_13 : vector<128x1xf32>
    %mul3A_41 = arith.mulf %mul3A_40, %select_n3A_13 : vector<128x1xf32>
    %mul3A_42 = vector.broadcast %mul3A_41 : vector<128x1xf32> to vector<128x128xf32>
    %mul3A_43 = arith.mulf %mul3A_42, %get3A_38 : vector<128x128xf32>
    %add3A_44 = arith.addf %sub3A, %mul3A_43 : vector<128x128xf32>
    %get3A_45 = arith.constant 0 : index
    %get3A_46 = arith.constant 0 : index
    %get3A_47 = vector.load %arg5[%get3A_45, %get3A_46] : memref<128x128xf32, #tpu.memory_space<vmem>>, vector<128x128xf32>
    %dot_general3A = arith.constant dense<0.000000e+00> : vector<128x128xf32>
    %dot_general3A_48 = tpu.matmul %add3A_44, %get3A_47, %dot_general3A {dimension_numbers = #tpu.dot_dimension_numbers<[1], [0], [0], [1], [0, 0, 1, 1], [], []>, transpose_lhs_hint = false} : vector<128x128xf32>, vector<128x128xf32>, vector<128x128xf32> -> vector<128x128xf32>
    %max3A = arith.constant 0.000000e+00 : f32
    %max3A_49 = vector.broadcast %max3A : f32 to vector<128x128xf32>
    %max3A_50 = arith.maximumf %dot_general3A_48, %max3A_49 : vector<128x128xf32>
    %swap3A = arith.constant 0 : index
    %swap3A_51 = arith.constant 0 : index
    %swap3A_52 = vector.load %arg6[%swap3A, %swap3A_51] : memref<128x128xf32, #tpu.memory_space<vmem>>, vector<128x128xf32>
    tpu.vector_store %arg6[%swap3A, %swap3A_51], %max3A_50 {strides = array<i32>} : memref<128x128xf32, #tpu.memory_space<vmem>>, vector<128x128xf32>,
    %dot_general3A_53 = arith.constant dense<0.000000e+00> : vector<128x128xf32>
    %dot_general3A_54 = tpu.matmul %mul3A_39, %get3A_47, %dot_general3A_53 {dimension_numbers = #tpu.dot_dimension_numbers<[1], [0], [0], [1], [0, 0, 1, 1], [], []>, transpose_lhs_hint = false} : vector<128x128xf32>, vector<128x128xf32>, vector<128x128xf32> -> vector<128x128xf32>
    %max3A_55 = arith.constant 0.000000e+00 : f32
    %max3A_56 = vector.broadcast %max3A_55 : f32 to vector<128x128xf32>
    %max3A_57 = arith.maximumf %dot_general3A_54, %max3A_56 : vector<128x128xf32>
    %swap3A_58 = arith.constant 0 : index
    %swap3A_59 = arith.constant 0 : index
    %swap3A_60 = vector.load %arg7[%swap3A_58, %swap3A_59] : memref<128x128xf32, #tpu.memory_space<vmem>>, vector<128x128xf32>
    tpu.vector_store %arg7[%swap3A_58, %swap3A_59], %max3A_57 {strides = array<i32>} : memref<128x128xf32, #tpu.memory_space<vmem>>, vector<128x128xf32>,
    return
  }
  func.func @transform_0(%arg0: i32) -> (i32, i32) {
    %c0_i32 = arith.constant 0 : i32
    %c0_i32_0 = arith.constant 0 : i32
    return %arg0, %c0_i32 : i32, i32
  }
  func.func @transform_1(%arg0: i32) -> (i32, i32, i32) {
    %c0_i32 = arith.constant 0 : i32
    %c0_i32_0 = arith.constant 0 : i32
    %c0_i32_1 = arith.constant 0 : i32
    return %c0_i32, %arg0, %c0_i32_0 : i32, i32, i32
  }
  func.func @transform_2(%arg0: i32) -> (i32, i32, i32) {
    %c0_i32 = arith.constant 0 : i32
    %c0_i32_0 = arith.constant 0 : i32
    %c0_i32_1 = arith.constant 0 : i32
    return %c0_i32, %arg0, %c0_i32_0 : i32, i32, i32
  }
  func.func @transform_3(%arg0: i32) -> (i32, i32, i32) {
    %c0_i32 = arith.constant 0 : i32
    %c0_i32_0 = arith.constant 0 : i32
    %c0_i32_1 = arith.constant 0 : i32
    return %c0_i32, %arg0, %c0_i32_0 : i32, i32, i32
  }
  func.func @transform_4(%arg0: i32) -> (i32, i32) {
    %c0_i32 = arith.constant 0 : i32
    %c0_i32_0 = arith.constant 0 : i32
    %c0_i32_1 = arith.constant 0 : i32
    return %c0_i32, %c0_i32_0 : i32, i32
  }
  func.func @transform_5(%arg0: i32) -> (i32, i32) {
    %c0_i32 = arith.constant 0 : i32
    %c0_i32_0 = arith.constant 0 : i32
    return %arg0, %c0_i32 : i32, i32
  }
  func.func @transform_6(%arg0: i32) -> (i32, i32) {
    %c0_i32 = arith.constant 0 : i32
    %c0_i32_0 = arith.constant 0 : i32
    return %arg0, %c0_i32 : i32, i32
  }
}

</mosaic_0001>

<sc_bundles>
// kernel: kernel.6.cloned.1.call-start
scs
__scs_entry_jumppad:
0x0: {  	(pc) =	sbr.rel $0x88, $3  }
0x1: {  	(tag) =	ssettag $0x0;
	lr =	simm.s32 $0x1  }
0x2: {  	[smem:$0x3F9E] =	sst lr;
	_ =	strace $0xD0000000  }
0x3: {  	_ = 	snop  }
0x4: {  	_ = 	snop  }
0x5: {  	_ = 	snop  }
0x6: {  	_ = 	snop  }
0x7: {  	_ = 	snop  }
__scs_overlays_trampoline_lowered:
0x8: {  	[smem:$0x3FAD] =	sst s0  }
0x9: {  	[smem:$0x3FAE] =	sst s1  }
0xa: {  	[smem:$0x3FAF] =	sst s2  }
0xb: {  	[smem:$0x3FB0] =	sst s3  }
0xc: {  	[smem:$0x3FB1] =	sst s4  }
0xd: {  	[smem:$0x3FB2] =	sst s5  }
0xe: {  	[smem:$0x3FB3] =	sst s6  }
0xf: {  	[smem:$0x3FB4] =	sst s7  }
0x10: {  	[smem:$0x3FB5] =	sst s8  }
0x11: {  	[smem:$0x3FB6] =	sst s9;
	s0 =	simm.s32 @!p0 $0x0  }
0x12: {  	s1 =	sld [smem:$0x3F9C];
	s0 =	simm.s32 @p0 $0x1  }
0x13: {  	[smem:$0x3FB7] =	sst s0;
	s0 =	simm.s32 @!p1 $0x0  }
0x14: {  	s2 =	sld [smem:$0x3F9B];
	s0 =	simm.s32 @p1 $0x1  }
0x15: {  	[smem:$0x3FB8] =	sst s0;
	s0 =	simm.s32 @!p2 $0x0  }
0x16: {  	s3 =	sld [smem:$0x3FDB];
	s0 =	simm.s32 @p2 $0x1  }
0x17: {  	s4 =	simm.s32 $0x1BF5;
	[smem:$0x3FBA] =	sst s0  }
0x18: {  	s0 =	sld [smem:$0x3F9D];
	_ =	swait.ge [sflag:s4], $0x0  }
0x19: {  	s7 =	sld [smem:$0x3F9E]  }
0x1a: {  	s8 =	sadd.s32 $0xFFFFE003, lr  }
0x1b: {  	s9 =	sadd.s32 $0xFFFFFEF7, lr;
	s5 =	simm.s32 $0xFFFFFFFF;
	p2 =	slt.u32 s8, $0xFFFFF086  }
0x1c: {  	p1 =	slt.u32 s9, $0xF7A;
	s5 =	simm.s32 @!p2 $0x0  }
0x1d: {  	s5 =	simm.s32 @p1 $0x1;
	p0 =	seq.s32 s7, s2  }
0x1e: {  	s7 =	smul.u32 @!p0 $0xF7A, s2;
	p2 =	seq.s32 @!p0 s5, $0x0  }
0x1f: {  	s9 =	smul.u32 $0xF7A, s1;
	s8 =	simm.s32 @!p0 $0x1BF5;
	p2 =	por !p2, p0  }
0x20: {  	[sflag:s8] =	ssyncset.s32 @!p0 $0xFFFFF086;
	s6 =	sadd.s32 @!p0 s3, s7;
	s7 =	simm.s32 @!p0 $0x108  }
0x21: {  	s3 =	sadd.s32 s3, s9;
	s6 =	sadd.s32 @!p0 $0x88, s6;
	s7 =	simm.s32 @p2 $0x1082  }
0x22: {  	[simem:s7], [sflag:s8] =	dma.local @!p0 [hbm:s6], $0xF7A  }
0x23: {  	s9 =	sor.u32 $0xD0000000, s2;
	s6 =	simm.s32 $0x108;
	_ =	swait.ge @!p0 [sflag:s8], $0x0  }
0x24: {  	s3 =	sadd.s32 $0x88, s3;
	s6 =	simm.s32 @!p1 $0x1082;
	[sflag:s4] =	ssyncset.s32 $0xFFFFF086  }
0x25: {  	[simem:s6], [sflag:s4] =	dma.local [hbm:s3], $0xF7A  }
0x26: {  	[smem:$0x3F9E] =	sst s1;
	(tag) =	ssettag s2;
	_ =	strace s9  }
0x27: {  	s1 =	sld [smem:$0x3FAE]  }
0x28: {  	s2 =	sld [smem:$0x3FAF]  }
0x29: {  	s4 =	sld [smem:$0x3FB1]  }
0x2a: {  	p0 =	seq.s32 s5, $0x0;
	s5 =	sld [smem:$0x3FB2]  }
0x2b: {  	s6 =	sld [smem:$0x3FB3]  }
0x2c: {  	s7 =	sld [smem:$0x3FB4]  }
0x2d: {  	s3 =	simm.s32 $0x108;
	s8 =	sld [smem:$0x3FB5]  }
0x2e: {  	s3 =	simm.s32 @!p0 $0x1082;
	s9 =	sld [smem:$0x3FB6]  }
0x2f: {  	lr =	sadd.s32 s0, s3;
	s0 =	sld [smem:$0x3FAD]  }
0x30: {  	s3 =	sld [smem:$0x3FB0]  }
0x31: {  	[smem:$0x3FB9] =	sst s10  }
0x32: {  	s10 =	sld [smem:$0x3FB7];
	_ =	sdelay $0x3  }
0x33: {  	p0 =	seq.s32 s10, $0x1;
	s10 =	sld [smem:$0x3FB9];
	_ =	sdelay $0x3  }
0x34: {  	[smem:$0x3FB9] =	sst s10  }
0x35: {  	s10 =	sld [smem:$0x3FB8];
	_ =	sdelay $0x3  }
0x36: {  	p1 =	seq.s32 s10, $0x1;
	s10 =	sld [smem:$0x3FB9];
	_ =	sdelay $0x3  }
0x37: {  	[smem:$0x3FB9] =	sst s10  }
0x38: {  	s10 =	sld [smem:$0x3FBA]  }
0x39: {  	_ = 	snop;
	(pc) =	sbr.ind lr, $3  }
0x3a: {  	_ = 	snop  }
0x3b: {  	_ = 	snop  }
0x3c: {  	p2 =	seq.s32 s10, $0x1;
	s10 =	sld [smem:$0x3FB9]  }
0x3d: {  	_ =	shalt  }
0x3e: {  	_ =	shalt  }
0x3f: {  	_ =	shalt  }
0x40: {  	_ =	shalt  }
0x41: {  	_ =	shalt  }
0x42: {  	_ =	shalt  }
0x43: {  	_ =	shalt  }
0x44: {  	_ =	shalt  }
0x45: {  	_ =	shalt  }
0x46: {  	_ =	shalt  }
0x47: {  	_ =	shalt  }
0x48: {  	_ =	shalt  }
0x49: {  	_ =	shalt  }
0x4a: {  	_ =	shalt  }
0x4b: {  	_ =	shalt  }
0x4c: {  	_ =	shalt  }
0x4d: {  	_ =	shalt  }
0x4e: {  	_ =	shalt  }
0x4f: {  	_ =	shalt  }
0x50: {  	_ =	shalt  }
0x51: {  	_ =	shalt  }
0x52: {  	_ =	shalt  }
0x53: {  	_ =	shalt  }
0x54: {  	_ =	shalt  }
0x55: {  	_ =	shalt  }
0x56: {  	_ =	shalt  }
0x57: {  	_ =	shalt  }
0x58: {  	_ =	shalt  }
0x59: {  	_ =	shalt  }
0x5a: {  	_ =	shalt  }
0x5b: {  	_ =	shalt  }
0x5c: {  	_ =	shalt  }
0x5d: {  	_ =	shalt  }
0x5e: {  	_ =	shalt  }
0x5f: {  	_ =	shalt  }
0x60: {  	_ =	shalt  }
0x61: {  	_ =	shalt  }
0x62: {  	_ =	shalt  }
0x63: {  	_ =	shalt  }
0x64: {  	_ =	shalt  }
0x65: {  	_ =	shalt  }
0x66: {  	_ =	shalt  }
0x67: {  	_ =	shalt  }
0x68: {  	_ =	shalt  }
0x69: {  	_ =	shalt  }
0x6a: {  	_ =	shalt  }
0x6b: {  	_ =	shalt  }
0x6c: {  	_ =	shalt  }
0x6d: {  	_ =	shalt  }
0x6e: {  	_ =	shalt  }
0x6f: {  	_ =	shalt  }
0x70: {  	_ =	shalt  }
0x71: {  	_ =	shalt  }
0x72: {  	_ =	shalt  }
0x73: {  	_ =	shalt  }
0x74: {  	_ =	shalt  }
0x75: {  	_ =	shalt  }
0x76: {  	_ =	shalt  }
0x77: {  	_ =	shalt  }
0x78: {  	_ =	shalt  }
0x79: {  	_ =	shalt  }
0x7a: {  	_ =	shalt  }
0x7b: {  	_ =	shalt  }
0x7c: {  	_ =	shalt  }
0x7d: {  	_ =	shalt  }
0x7e: {  	_ =	shalt  }
0x7f: {  	_ =	shalt  }
0x80: {  	_ =	shalt  }
0x81: {  	_ =	shalt  }
0x82: {  	_ =	shalt  }
0x83: {  	_ =	shalt  }
0x84: {  	_ =	shalt  }
0x85: {  	_ =	shalt  }
0x86: {  	_ =	shalt  }
0x87: {  	_ =	shalt  }
.Lfunc_end0:
.L_simem_size_0:
called_computation_lowered:
.L_overlay_start_0:
0x88: {  	s2 =	sld [smem:$0x3FD9]  }
0x89: {  	s3 =	sld [smem:$0x3FFE];
	_ =	sdelay $0x1  }
0x8a: {  	s1 =	srdreg.scid  }
0x8b: {  	s0 =	sand.u32 $0x1, s1  }
0x8c: {  	s14 =	sshll.u32 s0, $0xA;
	s2 =	sadd.s32 s3, s2  }
0x8d: {  	s2 =	sadd.s32 s2, s14  }
0x8e: {  	[smem:$0x3FC5] =	sst s2  }
0x8f: {  	_ = 	snop  }
0x90: {  	s2 =	sld [smem:$0x3FD0];
	_ =	sdelay $0x2  }
0x91: {  	s15 =	simm.s32 $0xA;
	s4 =	simm.s32 $0x10  }
0x92: {  	[smem:s4], [sflag:s15] =	dma.local [hbm:s2], $0x1  }
0x93: {  	_ =	swait.eq [sflag:s15], $0x1  }
0x94: {  	s16 =	sld [smem:$0x10];
	[sflag:s15] =	ssyncset.done $0x0  }
0x95: {  	s17 =	sld [smem:$0x11];
	[sflag:s15] =	ssyncadd.s32 $0xFFFFFFFF  }
0x96: {  	s18 =	sld [smem:$0x12];
	(tm) =	ssettm $0x1  }
0x97: {  	s5 =	sld [smem:$0x3FFB];
	_ =	sdelay $0x3  }
0x98: {  	_ =	strace s5  }
0x99: {  	s5 =	sld [smem:$0x3FFC];
	_ =	sdelay $0x3  }
0x9a: {  	_ =	strace s5  }
0x9b: {  	s5 =	sld [smem:$0x3FFD];
	_ =	sdelay $0x3  }
0x9c: {  	_ =	strace s5  }
0x9d: {  	_ =	strace $0x8FFFFFFF  }
0x9e: {  	s19 =	sld [smem:$0x3FDB];
	_ =	sdelay $0x1  }
0x9f: {  	s6 =	simm.s32 $_scs_section_size  }
0xa0: {  	s7 =	simm.s32 $_size__tile_overlayer_lowered;
	s8 =	simm.s32 $_tile_overlayer_lowered  }
0xa1: {  	s22 =	simm.s32 $0x1BFF;
	s21 =	sshll.u32 s8, $0x1;
	s5 =	sadd.s32 s6, s19  }
0xa2: {  	s9 =	simm.s32 $0x0;
	s20 =	sshll.u32 s7, $0x1;
	s7 =	sadd.s32 s21, s5  }
0xa3: {  	[timem:s9], [sflag:s22] =	dma.local [hbm:s7], s20  }
0xa4: {  	_ =	swait.ge [sflag:s22], s20  }
0xa5: {  	s6 =	ssub.s32 $0x0, s20;
	[sflag:s22] =	ssyncset.done $0x0  }
0xa6: {  	[sflag:s22] =	ssyncadd.s32 s6;
	_ =	sdelay $0x1  }
0xa7: {  	s23 =	simm.s32 $0x1B8B  }
0xa8: {  	_ =	swait.ge [sflag:s23], $0x1  }
0xa9: {  	[sflag:s23] =	ssyncset.done $0x0  }
0xaa: {  	s25 =	simm.s32 $0x1B8E;
	s24 =	sld [smem:$0x3FFE];
	[sflag:s23] =	ssyncadd.s32 $0xFFFFFFFF  }
0xab: {  	s26 =	simm.s32 $execute0_lowered;
	[smem:$0x3FD2] =	sst s25  }
0xac: {  	s7 =	sshll.u32 s26, $0x1;
	_ =	strace $0x80000046;
	[dreg:$0x1] =	wrdreg $0xFFFFFFFF  }
0xad: {  	s28 =	simm.s32 $_size_execute0_lowered;
	s5 =	sadd.s32 s5, s7;
	[dreg:$0x0] =	wrdreg $0x0  }
0xae: {  	s7 =	sshll.u32 s28, $0x1;
	[dreg:$0x2] =	wrdreg s5  }
0xaf: {  	[dreg:$0x3] =	wrdreg s7  }
0xb0: {  	[dreg:$0x4] =	wrdreg $0xC0  }
0xb1: {  	_ =	task [dreg:s9], $0x5FFFF  }
0xb2: {  	[dreg:$0x1] =	wrdreg $0xFFFFFFFF  }
0xb3: {  	[dreg:$0x0] =	wrdreg $0x60  }
0xb4: {  	[dreg:$0x2] =	wrdreg s17  }
0xb5: {  	[dreg:$0x3] =	wrdreg s16  }
0xb6: {  	[dreg:$0x4] =	wrdreg s18  }
0xb7: {  	[dreg:$0x5] =	wrdreg s24  }
0xb8: {  	[dreg:$0x6] =	wrdreg $0x9800  }
0xb9: {  	[dreg:$0x7] =	wrdreg $0x9  }
0xba: {  	_ =	task.clear_ibuf [dreg:s9], $0x8FFFF;
	_ =	strace $0x90000046  }
0xbb: {  	s29 =	simm.s32 $0x9;
	_ =	strace $0x80000048  }
0xbc: {  	_ =	swait.ge [sflag:s29], $0x1  }
0xbd: {  	[sflag:s29] =	ssyncadd.s32 $0xFFFFFFFF  }
0xbe: {  	_ =	strace $0x90000048  }
0xbf: {  	_ =	sfence  }
0xc0: {  	s30 =	sld [smem:$0x0];
	_ =	sdelay $0x2  }
0xc1: {  	s31 =	sshll.u32 s1, $0xD;
	s1 =	sshrl.u32 s1, $0x2  }
0xc2: {  	s3 =	sand.u32 $0x4000, s31;
	s1 =	sadd.s32 s1, s30  }
0xc3: {  	s0 =	sor.u32 s3, s0;
	s1 =	sshll.u32 s1, $0x11  }
0xc4: {  	s0 =	sor.u32 s1, s0  }
0xc5: {  	s0 =	sadd.s32 $0x8F2B, s0  }
0xc6: {  	[sflag:s0] =	ssyncadd.remote.s32 $0x1  }
0xc7: {  	_ =	sfence.sel $0xFFFF  }
0xc8: {  	[dreg:$0x0] =	wrdreg $0xFFFFFFFF;
	(pc) =	sbr.abs _section_cstart, $3  }
0xc9: {  	[dreg:$0x1] =	wrdreg $0xFFFFFFFF  }
0xca: {  	_ =	task.clear_ibuf [dreg:s9], $0x2FFFF;
	_ =	strace $0x9FFFFFFF  }
0xcb: {  	(tm) =	ssettm $0x7FFFFFFF  }
tec
execute0_lowered:
.L_overlay_start_1:
0x0: {  	(tag) =	ssettag $0x1  }
0x1: {  	s13 =	rddreg [dreg:$0x0]  }
0x2: {  	s12 =	rddreg [dreg:$0x1]  }
0x3: {  	s6 =	rddreg [dreg:$0x2]  }
0x4: {  	s4 =	rddreg [dreg:$0x3]  }
0x5: {  	s1 =	rddreg [dreg:$0x4];
	s3 =	simm.s32 $0x0  }
0x6: {  	s5 =	srdreg.scid;
	s0 =	stileid.u32;
	s15 =	simm.s32 $0x400  }
0x7: {  	s30 =	simm.s32 $0x600;
	s31 =	simm.s32 $0x480;
	s16 =	simm.s32 $0x680  }
0x8: {  	s17 =	simm.s32 $0x500;
	s18 =	simm.s32 $0x700;
	s19 =	simm.s32 $0x580  }
0x9: {  	s21 =	simm.s32 $0x780;
	s20 =	simm.s32 $0x80;
	[smem:$0x7FF] =	sst s3  }
0xa: {  	s22 =	simm.s32 $0x1;
	_ =	strace $0x80000047;
	[dreg:$0x6] =	wrdreg s15  }
0xb: {  	s23 =	simm.s32 $0x0;
	s5 =	sand.u32 $0x1, s5;
	[dreg:$0x7] =	wrdreg s30  }
0xc: {  	s8 =	sshll.u32 s0, $0x8;
	s4 =	sadd.s32 $0x1C00, s4;
	[dreg:$0x8] =	wrdreg s31  }
0xd: {  	s25 =	sshll.u32 s0, $0xD;
	s7 =	ssub.s32 $0x2, s5;
	[dreg:$0x9] =	wrdreg s16  }
0xe: {  	s9 =	sshll.u32 s5, $0xC;
	s5 =	sadd.s32 s8, s1;
	[dreg:$0xa] =	wrdreg s17  }
0xf: {  	s15 =	simm.s32 $0x2;
	s16 =	simm.s32 $0x200;
	[dreg:$0xb] =	wrdreg s18  }
0x10: {  	s17 =	simm.s32 $0x280;
	s18 =	simm.s32 $0x300;
	[dreg:$0xc] =	wrdreg s19  }
0x11: {  	s19 =	simm.s32 $0x380;
	[dreg:$0xd] =	wrdreg s21;
	s10 =	sor.u32 s8, s9  }
0x12: {  	s21 =	simm.s32 $0x800;
	s24 =	sshrl.u32 s7, $0x1;
	s10 =	sshrl.u32 s10, $0x3  }
0x13: {  	s11 =	ssub.s32 s7, s24;
	s7 =	sor.u32 s9, s25;
	s26 =	sadd.s32 s6, s10  }
0x14: {  	s8 =	smax.u32 s11, $0x1;
	s9 =	sor.u32 $0x180, s7;
	s28 =	sor.u32 $0x100, s7  }
0x15: {  	s29 =	sor.u32 $0x80, s7;
	s14 =	sshrl.u32 s7, $0x3;
	[dreg:$0xe] =	wrdreg s26  }
0x16: {  	s9 =	sshrl.u32 s9, $0x3;
	s10 =	sshrl.u32 s28, $0x3;
	s11 =	sshrl.u32 s29, $0x3  }
0x17: {  	s13 =	sadd.s32 s14, s13;
	s9 =	sadd.s32 s9, s12;
	s10 =	sadd.s32 s10, s12  }
0x18: {  	v0 =	vimm.f32 $1.000000000e+00;
	v1 =	vimm.f32 $0.0e+00;
	v2 =	vlaneseq.u32;
	s11 =	sadd.s32 s11, s12;
	s12 =	sadd.s32 s14, s12;
	s14 =	simm.s32 $0x880  }
.LBB2_1:
0x19: {  	[tilespmem:$0x800] =	vst v0  }
0x1a: {  	[tilespmem:$0x810] =	vst v0  }
0x1b: {  	[tilespmem:$0x820] =	vst v0  }
0x1c: {  	[tilespmem:$0x830] =	vst v0  }
0x1d: {  	[tilespmem:$0x840] =	vst v0  }
0x1e: {  	[tilespmem:$0x850] =	vst v0  }
0x1f: {  	[tilespmem:$0x860] =	vst v0  }
0x20: {  	[tilespmem:$0x870] =	vst v0  }
0x21: {  	[tilespmem:$0x880] =	vst v1  }
0x22: {  	[tilespmem:$0x890] =	vst v1  }
0x23: {  	[tilespmem:$0x8A0] =	vst v1  }
0x24: {  	[tilespmem:$0x8B0] =	vst v1  }
0x25: {  	[tilespmem:$0x8C0] =	vst v1  }
0x26: {  	[tilespmem:$0x8D0] =	vst v1  }
0x27: {  	[tilespmem:$0x8E0] =	vst v1  }
0x28: {  	[tilespmem:$0x8F0] =	vst v1  }
0x29: {  	[tilespmem:$0x900] =	vst v1  }
0x2a: {  	[tilespmem:$0x910] =	vst v1  }
0x2b: {  	[tilespmem:$0x920] =	vst v1  }
0x2c: {  	[tilespmem:$0x930] =	vst v1  }
0x2d: {  	[tilespmem:$0x940] =	vst v1  }
0x2e: {  	[tilespmem:$0x950] =	vst v1  }
0x2f: {  	[tilespmem:$0x960] =	vst v1  }
0x30: {  	[tilespmem:$0x970] =	vst v1  }
0x31: {  	[spmem:s5] =	stream.linear.scatter [tilespmem:s14], [sflag:$0x2], $0x100, $0x38;
	[tilespmem:$0xA80] =	vst v63  }
0x32: {  	_ =	swait.ge [sflag:s15], $0x100  }
0x33: {  	s24 =	smov.u32 s13;
	s25 =	smov.u32 s12;
	[sflag:s15] =	ssyncset.done $0x0  }
0x34: {  	s26 =	smov.u32 s11;
	s28 =	smov.u32 s10;
	[sflag:s15] =	ssyncadd.s32 $0xFFFFFF00  }
0x35: {  	s29 =	smov.u32 s9;
	s30 =	simm.s32 $0x0;
	[bflag:$0x0] =	sbarrier.arrive $0xFFFF  }
.LBB2_2:
0x36: {  	[tilespmem:s3], [sflag:$0x2] =	stream.linear.gather [hbm4b:s24+s3], $0x200, $0x38;
	[tilespmem:$0xA80] =	vst v63  }
0x37: {  	_ =	swait.ge [sflag:s15], $0x200  }
0x38: {  	[sflag:s15] =	ssyncset.done $0x0  }
0x39: {  	[sflag:s15] =	ssyncadd.s32 $0xFFFFFE00  }
0x3a: {  	[tilespmem:s16], [sflag:$0x2] =	stream.linear.gather [hbm4b:s25+s3], $0x80, $0x38;
	[tilespmem:$0xA80] =	vst v63  }
0x3b: {  	_ =	swait.ge [sflag:s15], $0x80  }
0x3c: {  	[sflag:s15] =	ssyncset.done $0x0  }
0x3d: {  	[sflag:s15] =	ssyncadd.s32 $0xFFFFFF80  }
0x3e: {  	[tilespmem:s17], [sflag:$0x2] =	stream.linear.gather [hbm4b:s26+s3], $0x80, $0x38;
	[tilespmem:$0xA80] =	vst v63  }
0x3f: {  	_ =	swait.ge [sflag:s15], $0x80  }
0x40: {  	[sflag:s15] =	ssyncset.done $0x0  }
0x41: {  	[sflag:s15] =	ssyncadd.s32 $0xFFFFFF80  }
0x42: {  	[tilespmem:s18], [sflag:$0x2] =	stream.linear.gather [hbm4b:s28+s3], $0x80, $0x38;
	[tilespmem:$0xA80] =	vst v63  }
0x43: {  	_ =	swait.ge [sflag:s15], $0x80  }
0x44: {  	[sflag:s15] =	ssyncset.done $0x0  }
0x45: {  	[sflag:s15] =	ssyncadd.s32 $0xFFFFFF80  }
0x46: {  	[tilespmem:s19], [sflag:$0x2] =	stream.linear.gather [hbm4b:s29+s3], $0x80, $0x38;
	[tilespmem:$0xA80] =	vst v63  }
0x47: {  	_ =	swait.ge [sflag:s15], $0x80  }
0x48: {  	[sflag:s15] =	ssyncset.done $0x0  }
0x49: {  	[sflag:s15] =	ssyncadd.s32 $0xFFFFFF80  }
0x4a: {  	v3 =	vld [tilespmem:$0x0]  }
0x4b: {  	v4 =	vld [tilespmem:$0x200]  }
0x4c: {  	v5 =	vld [tilespmem:$0x10]  }
0x4d: {  	v6 =	vld [tilespmem:$0x210]  }
0x4e: {  	v7 =	vld [tilespmem:$0x20]  }
0x4f: {  	v8 =	vld [tilespmem:$0x220];
	v3 =	vshll.u32 v3, $0xC  }
0x50: {  	s31 =	sadd.s32 s30, s7;
	v57 =	vld [tilespmem:$0x30];
	v3 =	vor.u32 v4, v3  }
0x51: {  	v9 =	vld [tilespmem:$0x230];
	v5 =	vshll.u32 v5, $0xC;
	[tilespmem:$0x400] =	vst v3;
	v3 =	vor.u32 s31, v2  }
0x52: {  	s0 =	sadd.s32 $0x10, s31;
	v58 =	vld [tilespmem:$0x40];
	[tilespmem:$0x600] =	vst v3;
	v3 =	vor.u32 v6, v5  }
0x53: {  	v60 =	vld [tilespmem:$0x240];
	v59 =	vshll.u32 v7, $0xC;
	[tilespmem:$0x410] =	vst v3;
	v3 =	vor.u32 s0, v2  }
0x54: {  	s6 =	sadd.s32 $0x20, s31;
	v61 =	vld [tilespmem:$0x50];
	[tilespmem:$0x610] =	vst v3;
	v3 =	vor.u32 v8, v59  }
0x55: {  	v62 =	vld [tilespmem:$0x250];
	v4 =	vshll.u32 v57, $0xC;
	[tilespmem:$0x420] =	vst v3;
	v3 =	vor.u32 s6, v2  }
0x56: {  	s2 =	sadd.s32 $0x30, s31;
	v63 =	vld [tilespmem:$0x60];
	[tilespmem:$0x620] =	vst v3;
	v3 =	vor.u32 v9, v4  }
0x57: {  	v12 =	vld [tilespmem:$0x260];
	v5 =	vshll.u32 v58, $0xC;
	[tilespmem:$0x430] =	vst v3;
	v3 =	vor.u32 s2, v2  }
0x58: {  	v13 =	vld [tilespmem:$0x70];
	s6 =	sadd.s32 $0x40, s31;
	[tilespmem:$0x630] =	vst v3;
	v3 =	vor.u32 v60, v5  }
0x59: {  	v14 =	vld [tilespmem:$0x270];
	v6 =	vshll.u32 v61, $0xC;
	[tilespmem:$0x440] =	vst v3;
	v3 =	vor.u32 s6, v2  }
0x5a: {  	v15 =	vld [tilespmem:$0x80];
	s2 =	sadd.s32 $0x50, s31;
	[tilespmem:$0x640] =	vst v3;
	v3 =	vor.u32 v62, v6  }
0x5b: {  	v16 =	vld [tilespmem:$0x280];
	v4 =	vshll.u32 v63, $0xC;
	[tilespmem:$0x450] =	vst v3;
	v3 =	vor.u32 s2, v2  }
0x5c: {  	v17 =	vld [tilespmem:$0x90];
	s6 =	sadd.s32 $0x60, s31;
	[tilespmem:$0x650] =	vst v3;
	v3 =	vor.u32 v12, v4  }
0x5d: {  	v18 =	vld [tilespmem:$0x290];
	v5 =	vshll.u32 v13, $0xC;
	[tilespmem:$0x460] =	vst v3;
	v3 =	vor.u32 s6, v2  }
0x5e: {  	v19 =	vld [tilespmem:$0xA0];
	s2 =	sadd.s32 $0x70, s31;
	[tilespmem:$0x660] =	vst v3;
	v3 =	vor.u32 v14, v5  }
0x5f: {  	v20 =	vld [tilespmem:$0x2A0];
	v6 =	vshll.u32 v15, $0xC;
	[tilespmem:$0x470] =	vst v3;
	v3 =	vor.u32 s2, v2  }
0x60: {  	v21 =	vld [tilespmem:$0xB0];
	s6 =	sadd.s32 $0x80, s31;
	[tilespmem:$0x670] =	vst v3;
	v3 =	vor.u32 v16, v6  }
0x61: {  	v22 =	vld [tilespmem:$0x2B0];
	v4 =	vshll.u32 v17, $0xC;
	[tilespmem:$0x480] =	vst v3;
	v3 =	vor.u32 s6, v2  }
0x62: {  	v23 =	vld [tilespmem:$0xC0];
	s2 =	sadd.s32 $0x90, s31;
	[tilespmem:$0x680] =	vst v3;
	v3 =	vor.u32 v18, v4  }
0x63: {  	v24 =	vld [tilespmem:$0x2C0];
	v5 =	vshll.u32 v19, $0xC;
	[tilespmem:$0x490] =	vst v3;
	v3 =	vor.u32 s2, v2  }
0x64: {  	v25 =	vld [tilespmem:$0xD0];
	s6 =	sadd.s32 $0xA0, s31;
	[tilespmem:$0x690] =	vst v3;
	v3 =	vor.u32 v20, v5  }
0x65: {  	v26 =	vld [tilespmem:$0x2D0];
	v6 =	vshll.u32 v21, $0xC;
	[tilespmem:$0x4A0] =	vst v3;
	v3 =	vor.u32 s6, v2  }
0x66: {  	v27 =	vld [tilespmem:$0xE0];
	s2 =	sadd.s32 $0xB0, s31;
	[tilespmem:$0x6A0] =	vst v3;
	v3 =	vor.u32 v22, v6  }
0x67: {  	v28 =	vld [tilespmem:$0x2E0];
	v4 =	vshll.u32 v23, $0xC;
	[tilespmem:$0x4B0] =	vst v3;
	v3 =	vor.u32 s2, v2  }
0x68: {  	v29 =	vld [tilespmem:$0xF0];
	s6 =	sadd.s32 $0xC0, s31;
	[tilespmem:$0x6B0] =	vst v3;
	v3 =	vor.u32 v24, v4  }
0x69: {  	v30 =	vld [tilespmem:$0x2F0];
	v5 =	vshll.u32 v25, $0xC;
	[tilespmem:$0x4C0] =	vst v3;
	v3 =	vor.u32 s6, v2  }
0x6a: {  	v31 =	vld [tilespmem:$0x100];
	s2 =	sadd.s32 $0xD0, s31;
	[tilespmem:$0x6C0] =	vst v3;
	v3 =	vor.u32 v26, v5  }
0x6b: {  	v32 =	vld [tilespmem:$0x300];
	v6 =	vshll.u32 v27, $0xC;
	[tilespmem:$0x4D0] =	vst v3;
	v3 =	vor.u32 s2, v2  }
0x6c: {  	v33 =	vld [tilespmem:$0x110];
	s6 =	sadd.s32 $0xE0, s31;
	[tilespmem:$0x6D0] =	vst v3;
	v3 =	vor.u32 v28, v6  }
0x6d: {  	v34 =	vld [tilespmem:$0x310];
	v4 =	vshll.u32 v29, $0xC;
	[tilespmem:$0x4E0] =	vst v3;
	v3 =	vor.u32 s6, v2  }
0x6e: {  	v35 =	vld [tilespmem:$0x120];
	s2 =	sadd.s32 $0xF0, s31;
	[tilespmem:$0x6E0] =	vst v3;
	v3 =	vor.u32 v30, v4  }
0x6f: {  	v36 =	vld [tilespmem:$0x320];
	v5 =	vshll.u32 v31, $0xC;
	[tilespmem:$0x4F0] =	vst v3;
	v3 =	vor.u32 s2, v2  }
0x70: {  	v37 =	vld [tilespmem:$0x130];
	s6 =	sadd.s32 $0x100, s31;
	[tilespmem:$0x6F0] =	vst v3;
	v3 =	vor.u32 v32, v5  }
0x71: {  	v38 =	vld [tilespmem:$0x330];
	v6 =	vshll.u32 v33, $0xC;
	[tilespmem:$0x500] =	vst v3;
	v3 =	vor.u32 s6, v2  }
0x72: {  	v39 =	vld [tilespmem:$0x140];
	s2 =	sadd.s32 $0x110, s31;
	[tilespmem:$0x700] =	vst v3;
	v3 =	vor.u32 v34, v6  }
0x73: {  	v40 =	vld [tilespmem:$0x340];
	v4 =	vshll.u32 v35, $0xC;
	[tilespmem:$0x510] =	vst v3;
	v3 =	vor.u32 s2, v2  }
0x74: {  	v41 =	vld [tilespmem:$0x150];
	s6 =	sadd.s32 $0x120, s31;
	[tilespmem:$0x710] =	vst v3;
	v3 =	vor.u32 v36, v4  }
0x75: {  	v42 =	vld [tilespmem:$0x350];
	v5 =	vshll.u32 v37, $0xC;
	[tilespmem:$0x520] =	vst v3;
	v3 =	vor.u32 s6, v2  }
0x76: {  	v43 =	vld [tilespmem:$0x160];
	s2 =	sadd.s32 $0x130, s31;
	[tilespmem:$0x720] =	vst v3;
	v3 =	vor.u32 v38, v5  }
0x77: {  	v44 =	vld [tilespmem:$0x360];
	v6 =	vshll.u32 v39, $0xC;
	[tilespmem:$0x530] =	vst v3;
	v3 =	vor.u32 s2, v2  }
0x78: {  	v45 =	vld [tilespmem:$0x170];
	s6 =	sadd.s32 $0x140, s31;
	[tilespmem:$0x730] =	vst v3;
	v3 =	vor.u32 v40, v6  }
0x79: {  	v46 =	vld [tilespmem:$0x370];
	v4 =	vshll.u32 v41, $0xC;
	[tilespmem:$0x540] =	vst v3;
	v3 =	vor.u32 s6, v2  }
0x7a: {  	v47 =	vld [tilespmem:$0x180];
	s2 =	sadd.s32 $0x150, s31;
	[tilespmem:$0x740] =	vst v3;
	v3 =	vor.u32 v42, v4  }
0x7b: {  	v48 =	vld [tilespmem:$0x380];
	v5 =	vshll.u32 v43, $0xC;
	[tilespmem:$0x550] =	vst v3;
	v3 =	vor.u32 s2, v2  }
0x7c: {  	v49 =	vld [tilespmem:$0x190];
	s6 =	sadd.s32 $0x160, s31;
	[tilespmem:$0x750] =	vst v3;
	v3 =	vor.u32 v44, v5  }
0x7d: {  	v50 =	vld [tilespmem:$0x390];
	v6 =	vshll.u32 v45, $0xC;
	[tilespmem:$0x560] =	vst v3;
	v3 =	vor.u32 s6, v2  }
0x7e: {  	v51 =	vld [tilespmem:$0x1A0];
	s2 =	sadd.s32 $0x170, s31;
	[tilespmem:$0x760] =	vst v3;
	v3 =	vor.u32 v46, v6  }
0x7f: {  	v52 =	vld [tilespmem:$0x3A0];
	v4 =	vshll.u32 v47, $0xC;
	[tilespmem:$0x570] =	vst v3;
	v3 =	vor.u32 s2, v2  }
0x80: {  	v53 =	vld [tilespmem:$0x1B0];
	s6 =	sadd.s32 $0x180, s31;
	[tilespmem:$0x770] =	vst v3;
	v3 =	vor.u32 v48, v4  }
0x81: {  	v54 =	vld [tilespmem:$0x3B0];
	v5 =	vshll.u32 v49, $0xC;
	[tilespmem:$0x580] =	vst v3;
	v3 =	vor.u32 s6, v2  }
0x82: {  	v55 =	vld [tilespmem:$0x1C0];
	s2 =	sadd.s32 $0x190, s31;
	[tilespmem:$0x780] =	vst v3;
	v3 =	vor.u32 v50, v5  }
0x83: {  	v56 =	vld [tilespmem:$0x3C0];
	v6 =	vshll.u32 v51, $0xC;
	[tilespmem:$0x590] =	vst v3;
	v3 =	vor.u32 s2, v2  }
0x84: {  	v57 =	vld [tilespmem:$0x1D0];
	s6 =	sadd.s32 $0x1A0, s31;
	[tilespmem:$0x790] =	vst v3;
	v3 =	vor.u32 v52, v6  }
0x85: {  	v58 =	vld [tilespmem:$0x3D0];
	v4 =	vshll.u32 v53, $0xC;
	[tilespmem:$0x5A0] =	vst v3;
	v3 =	vor.u32 s6, v2  }
0x86: {  	v59 =	vld [tilespmem:$0x1E0];
	s2 =	sadd.s32 $0x1B0, s31;
	[tilespmem:$0x7A0] =	vst v3;
	v3 =	vor.u32 v54, v4  }
0x87: {  	v60 =	vld [tilespmem:$0x3E0];
	v5 =	vshll.u32 v55, $0xC;
	[tilespmem:$0x5B0] =	vst v3;
	v3 =	vor.u32 s2, v2  }
0x88: {  	v61 =	vld [tilespmem:$0x1F0];
	s6 =	sadd.s32 $0x1C0, s31;
	[tilespmem:$0x7B0] =	vst v3;
	v3 =	vor.u32 v56, v5  }
0x89: {  	v62 =	vld [tilespmem:$0x3F0];
	v6 =	vshll.u32 v57, $0xC;
	[tilespmem:$0x5C0] =	vst v3;
	v3 =	vor.u32 s6, v2  }
0x8a: {  	s2 =	sadd.s32 $0x1D0, s31;
	[tilespmem:$0x7C0] =	vst v3;
	v3 =	vor.u32 v58, v6  }
0x8b: {  	v4 =	vshll.u32 v59, $0xC;
	[tilespmem:$0x5D0] =	vst v3;
	v3 =	vor.u32 s2, v2  }
0x8c: {  	s6 =	sadd.s32 $0x1E0, s31;
	[tilespmem:$0x7D0] =	vst v3;
	v3 =	vor.u32 v60, v4  }
0x8d: {  	s0 =	rddreg [dreg:$0x6];
	v63 =	vshll.u32 v61, $0xC;
	[tilespmem:$0x5E0] =	vst v3;
	v3 =	vor.u32 s6, v2  }
0x8e: {  	s31 =	sadd.s32 $0x1F0, s31;
	s2 =	rddreg [dreg:$0x7];
	[tilespmem:$0x7E0] =	vst v3;
	v3 =	vor.u32 v62, v63  }
0x8f: {  	s6 =	rddreg [dreg:$0x9];
	[tilespmem:$0x5F0] =	vst v3;
	v3 =	vor.u32 s31, v2  }
0x90: {  	s31 =	rddreg [dreg:$0x8];
	[tilespmem:$0x7F0] =	vst v3  }
0x91: {  	[hbm4b:s4+s20] =	stream.indirect.scatter [tilespmem:s2], [sflag:$0x1], $0x1, s0, s20, $0xb8;
	[tilespmem:$0xA80] =	vst v63  }
0x92: {  	s0 =	rddreg [dreg:$0xa]  }
0x93: {  	s2 =	rddreg [dreg:$0xb]  }
0x94: {  	[hbm4b:s4+s20] =	stream.indirect.scatter [tilespmem:s6], [sflag:$0x1], $0x1, s31, s20, $0xb8;
	[tilespmem:$0xA80] =	vst v63  }
0x95: {  	s6 =	rddreg [dreg:$0xc]  }
0x96: {  	[hbm4b:s4+s20] =	stream.indirect.scatter [tilespmem:s2], [sflag:$0x1], $0x1, s0, s20, $0xb8;
	[tilespmem:$0xA80] =	vst v63  }
0x97: {  	s31 =	rddreg [dreg:$0xd]  }
0x98: {  	[hbm4b:s4+s20] =	stream.indirect.scatter [tilespmem:s31], [sflag:$0x1], $0x1, s6, s20, $0xb8;
	[tilespmem:$0xA80] =	vst v63  }
0x99: {  	_ = 	snop  }
0x9a: {  	[spmem:s1] =	stream.indirect.scatter.add.f32 [tilespmem:s21], [sflag:$0x2], $0x1, s16, s20, $0xb8;
	[tilespmem:$0xA80] =	vst v63  }
0x9b: {  	_ =	swait.ge [sflag:s15], $0x80  }
0x9c: {  	[sflag:s15] =	ssyncset.done $0x0  }
0x9d: {  	[sflag:s15] =	ssyncadd.s32 $0xFFFFFF80  }
0x9e: {  	[spmem:s1] =	stream.indirect.scatter.add.f32 [tilespmem:s21], [sflag:$0x2], $0x1, s17, s20, $0xb8;
	[tilespmem:$0xA80] =	vst v63  }
0x9f: {  	_ =	swait.ge [sflag:s15], $0x80  }
0xa0: {  	[sflag:s15] =	ssyncset.done $0x0  }
0xa1: {  	[sflag:s15] =	ssyncadd.s32 $0xFFFFFF80  }
0xa2: {  	[spmem:s1] =	stream.indirect.scatter.add.f32 [tilespmem:s21], [sflag:$0x2], $0x1, s18, s20, $0xb8;
	[tilespmem:$0xA80] =	vst v63  }
0xa3: {  	_ =	swait.ge [sflag:s15], $0x80  }
0xa4: {  	[sflag:s15] =	ssyncset.done $0x0  }
0xa5: {  	[sflag:s15] =	ssyncadd.s32 $0xFFFFFF80  }
0xa6: {  	[spmem:s1] =	stream.indirect.scatter.add.f32 [tilespmem:s21], [sflag:$0x2], $0x1, s19, s20, $0xb8;
	[tilespmem:$0xA80] =	vst v63  }
0xa7: {  	_ =	swait.ge [sflag:s15], $0x80  }
0xa8: {  	[sflag:s15] =	ssyncset.done $0x0  }
0xa9: {  	[sflag:s15] =	ssyncadd.s32 $0xFFFFFF80  }
0xaa: {  	_ =	swait.ge [sflag:s22], $0x80  }
0xab: {  	[sflag:s22] =	ssyncset.done $0x0  }
0xac: {  	[sflag:s22] =	ssyncadd.s32 $0xFFFFFF80  }
0xad: {  	_ =	swait.ge [sflag:s22], $0x80  }
0xae: {  	[sflag:s22] =	ssyncset.done $0x0  }
0xaf: {  	[sflag:s22] =	ssyncadd.s32 $0xFFFFFF80  }
0xb0: {  	p0 =	sne.s32 s30, $0xE00;
	_ =	swait.ge [sflag:s22], $0x80  }
.Ltmp0:
0xb1: {  	[sflag:s22] =	ssyncset.done $0x0;
	(pc) =	sbr.rel @p0 .LBB2_2-.Ltmp0, $4  }
0xb2: {  	[sflag:s22] =	ssyncadd.s32 $0xFFFFFF80  }
0xb3: {  	s24 =	sadd.s32 $0x40, s24;
	s30 =	sadd.s32 $0x200, s30;
	_ =	swait.ge [sflag:s22], $0x80  }
0xb4: {  	s25 =	sadd.s32 $0x40, s25;
	s26 =	sadd.s32 $0x40, s26;
	[sflag:s22] =	ssyncset.done $0x0  }
0xb5: {  	s28 =	sadd.s32 $0x40, s28;
	s29 =	sadd.s32 $0x40, s29;
	[sflag:s22] =	ssyncadd.s32 $0xFFFFFF80  }
0xb6: {  	[bflag:$0x0] =	sbarrier.arrive $0xFFFF  }
0xb7: {  	[tilespmem:s14], [sflag:$0x2] =	stream.linear.gather [spmem:s5], $0x100, $0x38;
	[tilespmem:$0xA80] =	vst v63  }
0xb8: {  	s23 =	sadd.s32 $0x1, s23;
	_ =	swait.ge [sflag:s15], $0x100  }
0xb9: {  	p0 =	sne.s32 s23, s8;
	[sflag:s15] =	ssyncset.done $0x0  }
.Ltmp1:
0xba: {  	s0 =	rddreg [dreg:$0xe];
	[sflag:s15] =	ssyncadd.s32 $0xFFFFFF00;
	(pc) =	sbr.rel @p0 .LBB2_1-.Ltmp1, $4  }
0xbb: {  	[hbm4b:s0+s3] =	stream.linear.scatter [tilespmem:s14], [sflag:$0x2], $0x100, $0x38;
	[tilespmem:$0xA80] =	vst v63  }
0xbc: {  	_ =	swait.ge [sflag:s15], $0x100  }
0xbd: {  	[sflag:s15] =	ssyncset.done $0x0  }
0xbe: {  	[sflag:s15] =	ssyncadd.s32 $0xFFFFFF00  }
0xbf: {  	_ =	sfence.sel $0x180000  }
0xc0: {  	[bflag:$0x0] =	sbarrier.arrive $0xFFFF  }
0xc1: {  	_ =	strace $0x90000047  }
0xc2: {  	s0 =	stileid.u32;
	[bflag:$0x2] =	sbarrier.arrive $0xFFFF  }
0xc3: {  	p0 =	sne.s32 s0, $0x0;
	s0 =	rddreg [dreg:$0x5]  }
0xc4: {  	s0 =	sadd.s32 @!p0 $0x100000, s0  }
0xc5: {  	[sflag:s0] =	ssyncadd.tile.s32 @!p0 $0x1;
	_ =	shalt  }
.Lfunc_end2:
_tile_overlayer_lowered:
.L_overlay_start_2:
0xc6: {  	(tag) =	ssettag $0x2  }
0xc7: {  	s0 =	rddreg [dreg:$0x0];
	s2 =	stileid.u32  }
0xc8: {  	s1 =	rddreg [dreg:$0x1];
	p0 =	sne.s32 s2, $0x0  }
0xc9: {  	s3 =	rddreg [dreg:$0x2];
	[bflag:$0x3] =	sbarrier.arrive $0xFFFF;
	s2 =	simm.s32 @!p0 $0x1C02  }
0xca: {  	[timem:s3], [sflag:s2] =	dma.local @!p0 [hbm:s0], s1  }
0xcb: {  	s0 =	simm.s32 @!p0 $0x2  }
0xcc: {  	_ =	swait.ge @!p0 [sflag:s0], s1  }
0xcd: {  	s1 =	ssub.s32 @!p0 $0x0, s1;
	[sflag:s0] =	ssyncset.done @!p0 $0x0  }
0xce: {  	[sflag:s0] =	ssyncadd.s32 @!p0 s1  }
0xcf: {  	[bflag:$0x3] =	sbarrier.arrive $0xFFFF  }
0xd0: {  	_ =	shalt  }

// kernel: kernel.9.cloned.1.call-start
scs
__scs_entry_jumppad:
0x0: {  	(pc) =	sbr.rel $0x88, $3  }
0x1: {  	(tag) =	ssettag $0x0;
	lr =	simm.s32 $0x1  }
0x2: {  	[smem:$0x3F9E] =	sst lr;
	_ =	strace $0xD0000000  }
0x3: {  	_ = 	snop  }
0x4: {  	_ = 	snop  }
0x5: {  	_ = 	snop  }
0x6: {  	_ = 	snop  }
0x7: {  	_ = 	snop  }
__scs_overlays_trampoline_lowered:
0x8: {  	[smem:$0x3FAD] =	sst s0  }
0x9: {  	[smem:$0x3FAE] =	sst s1  }
0xa: {  	[smem:$0x3FAF] =	sst s2  }
0xb: {  	[smem:$0x3FB0] =	sst s3  }
0xc: {  	[smem:$0x3FB1] =	sst s4  }
0xd: {  	[smem:$0x3FB2] =	sst s5  }
0xe: {  	[smem:$0x3FB3] =	sst s6  }
0xf: {  	[smem:$0x3FB4] =	sst s7  }
0x10: {  	[smem:$0x3FB5] =	sst s8  }
0x11: {  	[smem:$0x3FB6] =	sst s9;
	s0 =	simm.s32 @!p0 $0x0  }
0x12: {  	s1 =	sld [smem:$0x3F9C];
	s0 =	simm.s32 @p0 $0x1  }
0x13: {  	[smem:$0x3FB7] =	sst s0;
	s0 =	simm.s32 @!p1 $0x0  }
0x14: {  	s2 =	sld [smem:$0x3F9B];
	s0 =	simm.s32 @p1 $0x1  }
0x15: {  	[smem:$0x3FB8] =	sst s0;
	s0 =	simm.s32 @!p2 $0x0  }
0x16: {  	s3 =	sld [smem:$0x3FDB];
	s0 =	simm.s32 @p2 $0x1  }
0x17: {  	s4 =	simm.s32 $0x1BF5;
	[smem:$0x3FBA] =	sst s0  }
0x18: {  	s0 =	sld [smem:$0x3F9D];
	_ =	swait.ge [sflag:s4], $0x0  }
0x19: {  	s7 =	sld [smem:$0x3F9E]  }
0x1a: {  	s8 =	sadd.s32 $0xFFFFE003, lr  }
0x1b: {  	s9 =	sadd.s32 $0xFFFFFEF7, lr;
	s5 =	simm.s32 $0xFFFFFFFF;
	p2 =	slt.u32 s8, $0xFFFFF086  }
0x1c: {  	p1 =	slt.u32 s9, $0xF7A;
	s5 =	simm.s32 @!p2 $0x0  }
0x1d: {  	s5 =	simm.s32 @p1 $0x1;
	p0 =	seq.s32 s7, s2  }
0x1e: {  	s7 =	smul.u32 @!p0 $0xF7A, s2;
	p2 =	seq.s32 @!p0 s5, $0x0  }
0x1f: {  	s9 =	smul.u32 $0xF7A, s1;
	s8 =	simm.s32 @!p0 $0x1BF5;
	p2 =	por !p2, p0  }
0x20: {  	[sflag:s8] =	ssyncset.s32 @!p0 $0xFFFFF086;
	s6 =	sadd.s32 @!p0 s3, s7;
	s7 =	simm.s32 @!p0 $0x108  }
0x21: {  	s3 =	sadd.s32 s3, s9;
	s6 =	sadd.s32 @!p0 $0x88, s6;
	s7 =	simm.s32 @p2 $0x1082  }
0x22: {  	[simem:s7], [sflag:s8] =	dma.local @!p0 [hbm:s6], $0xF7A  }
0x23: {  	s9 =	sor.u32 $0xD0000000, s2;
	s6 =	simm.s32 $0x108;
	_ =	swait.ge @!p0 [sflag:s8], $0x0  }
0x24: {  	s3 =	sadd.s32 $0x88, s3;
	s6 =	simm.s32 @!p1 $0x1082;
	[sflag:s4] =	ssyncset.s32 $0xFFFFF086  }
0x25: {  	[simem:s6], [sflag:s4] =	dma.local [hbm:s3], $0xF7A  }
0x26: {  	[smem:$0x3F9E] =	sst s1;
	(tag) =	ssettag s2;
	_ =	strace s9  }
0x27: {  	s1 =	sld [smem:$0x3FAE]  }
0x28: {  	s2 =	sld [smem:$0x3FAF]  }
0x29: {  	s4 =	sld [smem:$0x3FB1]  }
0x2a: {  	p0 =	seq.s32 s5, $0x0;
	s5 =	sld [smem:$0x3FB2]  }
0x2b: {  	s6 =	sld [smem:$0x3FB3]  }
0x2c: {  	s7 =	sld [smem:$0x3FB4]  }
0x2d: {  	s3 =	simm.s32 $0x108;
	s8 =	sld [smem:$0x3FB5]  }
0x2e: {  	s3 =	simm.s32 @!p0 $0x1082;
	s9 =	sld [smem:$0x3FB6]  }
0x2f: {  	lr =	sadd.s32 s0, s3;
	s0 =	sld [smem:$0x3FAD]  }
0x30: {  	s3 =	sld [smem:$0x3FB0]  }
0x31: {  	[smem:$0x3FB9] =	sst s10  }
0x32: {  	s10 =	sld [smem:$0x3FB7];
	_ =	sdelay $0x3  }
0x33: {  	p0 =	seq.s32 s10, $0x1;
	s10 =	sld [smem:$0x3FB9];
	_ =	sdelay $0x3  }
0x34: {  	[smem:$0x3FB9] =	sst s10  }
0x35: {  	s10 =	sld [smem:$0x3FB8];
	_ =	sdelay $0x3  }
0x36: {  	p1 =	seq.s32 s10, $0x1;
	s10 =	sld [smem:$0x3FB9];
	_ =	sdelay $0x3  }
0x37: {  	[smem:$0x3FB9] =	sst s10  }
0x38: {  	s10 =	sld [smem:$0x3FBA]  }
0x39: {  	_ = 	snop;
	(pc) =	sbr.ind lr, $3  }
0x3a: {  	_ = 	snop  }
0x3b: {  	_ = 	snop  }
0x3c: {  	p2 =	seq.s32 s10, $0x1;
	s10 =	sld [smem:$0x3FB9]  }
0x3d: {  	_ =	shalt  }
0x3e: {  	_ =	shalt  }
0x3f: {  	_ =	shalt  }
0x40: {  	_ =	shalt  }
0x41: {  	_ =	shalt  }
0x42: {  	_ =	shalt  }
0x43: {  	_ =	shalt  }
0x44: {  	_ =	shalt  }
0x45: {  	_ =	shalt  }
0x46: {  	_ =	shalt  }
0x47: {  	_ =	shalt  }
0x48: {  	_ =	shalt  }
0x49: {  	_ =	shalt  }
0x4a: {  	_ =	shalt  }
0x4b: {  	_ =	shalt  }
0x4c: {  	_ =	shalt  }
0x4d: {  	_ =	shalt  }
0x4e: {  	_ =	shalt  }
0x4f: {  	_ =	shalt  }
0x50: {  	_ =	shalt  }
0x51: {  	_ =	shalt  }
0x52: {  	_ =	shalt  }
0x53: {  	_ =	shalt  }
0x54: {  	_ =	shalt  }
0x55: {  	_ =	shalt  }
0x56: {  	_ =	shalt  }
0x57: {  	_ =	shalt  }
0x58: {  	_ =	shalt  }
0x59: {  	_ =	shalt  }
0x5a: {  	_ =	shalt  }
0x5b: {  	_ =	shalt  }
0x5c: {  	_ =	shalt  }
0x5d: {  	_ =	shalt  }
0x5e: {  	_ =	shalt  }
0x5f: {  	_ =	shalt  }
0x60: {  	_ =	shalt  }
0x61: {  	_ =	shalt  }
0x62: {  	_ =	shalt  }
0x63: {  	_ =	shalt  }
0x64: {  	_ =	shalt  }
0x65: {  	_ =	shalt  }
0x66: {  	_ =	shalt  }
0x67: {  	_ =	shalt  }
0x68: {  	_ =	shalt  }
0x69: {  	_ =	shalt  }
0x6a: {  	_ =	shalt  }
0x6b: {  	_ =	shalt  }
0x6c: {  	_ =	shalt  }
0x6d: {  	_ =	shalt  }
0x6e: {  	_ =	shalt  }
0x6f: {  	_ =	shalt  }
0x70: {  	_ =	shalt  }
0x71: {  	_ =	shalt  }
0x72: {  	_ =	shalt  }
0x73: {  	_ =	shalt  }
0x74: {  	_ =	shalt  }
0x75: {  	_ =	shalt  }
0x76: {  	_ =	shalt  }
0x77: {  	_ =	shalt  }
0x78: {  	_ =	shalt  }
0x79: {  	_ =	shalt  }
0x7a: {  	_ =	shalt  }
0x7b: {  	_ =	shalt  }
0x7c: {  	_ =	shalt  }
0x7d: {  	_ =	shalt  }
0x7e: {  	_ =	shalt  }
0x7f: {  	_ =	shalt  }
0x80: {  	_ =	shalt  }
0x81: {  	_ =	shalt  }
0x82: {  	_ =	shalt  }
0x83: {  	_ =	shalt  }
0x84: {  	_ =	shalt  }
0x85: {  	_ =	shalt  }
0x86: {  	_ =	shalt  }
0x87: {  	_ =	shalt  }
.Lfunc_end0:
.L_simem_size_0:
called_computation.1_lowered:
.L_overlay_start_0:
0x88: {  	s2 =	sld [smem:$0x3FD9]  }
0x89: {  	s3 =	sld [smem:$0x3FFE];
	_ =	sdelay $0x1  }
0x8a: {  	s1 =	srdreg.scid  }
0x8b: {  	s0 =	sand.u32 $0x1, s1  }
0x8c: {  	s14 =	sshll.u32 s0, $0xA;
	s2 =	sadd.s32 s3, s2  }
0x8d: {  	s2 =	sadd.s32 s2, s14  }
0x8e: {  	[smem:$0x3FC5] =	sst s2  }
0x8f: {  	_ = 	snop  }
0x90: {  	s2 =	sld [smem:$0x3FD0];
	_ =	sdelay $0x2  }
0x91: {  	s15 =	simm.s32 $0xA;
	s4 =	simm.s32 $0x10  }
0x92: {  	[smem:s4], [sflag:s15] =	dma.local [hbm:s2], $0x1  }
0x93: {  	_ =	swait.eq [sflag:s15], $0x1  }
0x94: {  	s16 =	sld [smem:$0x10];
	[sflag:s15] =	ssyncset.done $0x0  }
0x95: {  	s17 =	sld [smem:$0x11];
	[sflag:s15] =	ssyncadd.s32 $0xFFFFFFFF  }
0x96: {  	s18 =	sld [smem:$0x12];
	(tm) =	ssettm $0x1  }
0x97: {  	s5 =	sld [smem:$0x3FFB];
	_ =	sdelay $0x3  }
0x98: {  	_ =	strace s5  }
0x99: {  	s5 =	sld [smem:$0x3FFC];
	_ =	sdelay $0x3  }
0x9a: {  	_ =	strace s5  }
0x9b: {  	s5 =	sld [smem:$0x3FFD];
	_ =	sdelay $0x3  }
0x9c: {  	_ =	strace s5  }
0x9d: {  	_ =	strace $0x8FFFFFFF  }
0x9e: {  	s19 =	sld [smem:$0x3FDB];
	_ =	sdelay $0x1  }
0x9f: {  	s6 =	simm.s32 $_scs_section_size  }
0xa0: {  	s7 =	simm.s32 $_size__tile_overlayer_lowered;
	s8 =	simm.s32 $_tile_overlayer_lowered  }
0xa1: {  	s22 =	simm.s32 $0x1BFF;
	s21 =	sshll.u32 s8, $0x1;
	s5 =	sadd.s32 s6, s19  }
0xa2: {  	s9 =	simm.s32 $0x0;
	s20 =	sshll.u32 s7, $0x1;
	s7 =	sadd.s32 s21, s5  }
0xa3: {  	[timem:s9], [sflag:s22] =	dma.local [hbm:s7], s20  }
0xa4: {  	_ =	swait.ge [sflag:s22], s20  }
0xa5: {  	s6 =	ssub.s32 $0x0, s20;
	[sflag:s22] =	ssyncset.done $0x0  }
0xa6: {  	[sflag:s22] =	ssyncadd.s32 s6;
	_ =	sdelay $0x1  }
0xa7: {  	s23 =	simm.s32 $0x1B8B  }
0xa8: {  	_ =	swait.ge [sflag:s23], $0x1  }
0xa9: {  	[sflag:s23] =	ssyncset.done $0x0  }
0xaa: {  	s25 =	simm.s32 $0x1B8E;
	s24 =	sld [smem:$0x3FFE];
	[sflag:s23] =	ssyncadd.s32 $0xFFFFFFFF  }
0xab: {  	s26 =	simm.s32 $execute0_lowered;
	[smem:$0x3FD2] =	sst s25  }
0xac: {  	s7 =	sshll.u32 s26, $0x1;
	_ =	strace $0x80000049;
	[dreg:$0x1] =	wrdreg $0xFFFFFFFF  }
0xad: {  	s28 =	simm.s32 $_size_execute0_lowered;
	s5 =	sadd.s32 s5, s7;
	[dreg:$0x0] =	wrdreg $0x0  }
0xae: {  	s7 =	sshll.u32 s28, $0x1;
	[dreg:$0x2] =	wrdreg s5  }
0xaf: {  	[dreg:$0x3] =	wrdreg s7  }
0xb0: {  	[dreg:$0x4] =	wrdreg $0xC0  }
0xb1: {  	_ =	task [dreg:s9], $0x5FFFF  }
0xb2: {  	[dreg:$0x1] =	wrdreg $0xFFFFFFFF  }
0xb3: {  	[dreg:$0x0] =	wrdreg $0x60  }
0xb4: {  	[dreg:$0x2] =	wrdreg s17  }
0xb5: {  	[dreg:$0x3] =	wrdreg s16  }
0xb6: {  	[dreg:$0x4] =	wrdreg s24  }
0xb7: {  	[dreg:$0x5] =	wrdreg s18  }
0xb8: {  	[dreg:$0x6] =	wrdreg $0x141800  }
0xb9: {  	[dreg:$0x7] =	wrdreg $0x1D1800  }
0xba: {  	[dreg:$0x8] =	wrdreg $0x9  }
0xbb: {  	_ =	task.clear_ibuf [dreg:s9], $0x9FFFF;
	_ =	strace $0x90000049  }
0xbc: {  	s29 =	simm.s32 $0x9;
	_ =	strace $0x8000004B  }
0xbd: {  	_ =	swait.ge [sflag:s29], $0x1  }
0xbe: {  	[sflag:s29] =	ssyncadd.s32 $0xFFFFFFFF  }
0xbf: {  	_ =	strace $0x9000004B  }
0xc0: {  	_ =	sfence  }
0xc1: {  	s30 =	sld [smem:$0x0];
	_ =	sdelay $0x2  }
0xc2: {  	s31 =	sshll.u32 s1, $0xD;
	s1 =	sshrl.u32 s1, $0x2  }
0xc3: {  	s3 =	sand.u32 $0x4000, s31;
	s1 =	sadd.s32 s1, s30  }
0xc4: {  	s0 =	sor.u32 s3, s0;
	s1 =	sshll.u32 s1, $0x11  }
0xc5: {  	s0 =	sor.u32 s1, s0  }
0xc6: {  	s0 =	sadd.s32 $0x8F2B, s0  }
0xc7: {  	[sflag:s0] =	ssyncadd.remote.s32 $0x1  }
0xc8: {  	_ =	sfence.sel $0xFFFF  }
0xc9: {  	[dreg:$0x0] =	wrdreg $0xFFFFFFFF;
	(pc) =	sbr.abs _section_cstart, $3  }
0xca: {  	[dreg:$0x1] =	wrdreg $0xFFFFFFFF  }
0xcb: {  	_ =	task.clear_ibuf [dreg:s9], $0x2FFFF;
	_ =	strace $0x9FFFFFFF  }
0xcc: {  	(tm) =	ssettm $0x7FFFFFFF  }
0xcd: {  	_ =	shalt  }
tec
execute0_lowered:
.L_overlay_start_1:
0x0: {  	(tag) =	ssettag $0x1  }
0x1: {  	s2 =	rddreg [dreg:$0x0]  }
0x2: {  	s8 =	rddreg [dreg:$0x1]  }
0x3: {  	s7 =	rddreg [dreg:$0x2]  }
0x4: {  	s1 =	rddreg [dreg:$0x3]  }
0x5: {  	s3 =	rddreg [dreg:$0x4];
	s0 =	srdreg.scid  }
0x6: {  	s18 =	stileid.u32;
	s4 =	rddreg [dreg:$0x5]  }
0x7: {  	s5 =	simm.s32 $0x0;
	s21 =	simm.s32 $0x400;
	s23 =	simm.s32 $0x600  }
0x8: {  	s24 =	simm.s32 $0x480;
	s11 =	sand.u32 $0x1, s0;
	[smem:$0x7FF] =	sst s5  }
0x9: {  	s0 =	smul.u32 $0x120, s18;
	_ =	strace $0x8000004A;
	[dreg:$0x7] =	wrdreg s21  }
0xa: {  	s25 =	simm.s32 $0x680;
	s10 =	smul.u32 $0x24000, s18;
	[dreg:$0x8] =	wrdreg s23  }
0xb: {  	s12 =	sadd.s32 $0x202200, s7;
	s31 =	smul.u32 $0x9000, s18;
	[dreg:$0x9] =	wrdreg s24  }
0xc: {  	s6 =	smul.u32 $0x1200, s11;
	[dreg:$0xa] =	wrdreg s25;
	s21 =	simm.s32 $0x580  }
0xd: {  	s26 =	ssub.s32 $0x2, s11;
	s24 =	simm.s32 $0x380;
	[dreg:$0xf] =	wrdreg s21  }
0xe: {  	s15 =	smul.u32 $0x90000, s11;
	s25 =	simm.s32 $0xA00;
	[dreg:$0x11] =	wrdreg s24  }
0xf: {  	s13 =	sshrl.u32 s26, $0x1;
	s14 =	sshrl.u32 s10, $0x2;
	[dreg:$0x12] =	wrdreg s25  }
0x10: {  	s9 =	sadd.s32 s0, s6;
	s6 =	sadd.s32 $0x1C00, s7;
	s10 =	ssub.s32 s26, s13  }
0x11: {  	s13 =	sadd.s32 s31, s15;
	s26 =	simm.s32 $0x280;
	s31 =	simm.s32 $0x500  }
0x12: {  	s9 =	sshrl.u32 s9, $0x3;
	s13 =	sshrl.u32 s13, $0x3;
	[dreg:$0xb] =	wrdreg s26  }
0x13: {  	[dreg:$0xc] =	wrdreg s31;
	s26 =	simm.s32 $0xA80;
	s9 =	sadd.s32 s9, s7  }
0x14: {  	s7 =	sadd.s32 s14, s3;
	s13 =	sadd.s32 s12, s13;
	[dreg:$0x13] =	wrdreg s26  }
0x15: {  	s14 =	sadd.s32 $0x400, s7;
	[dreg:$0x1b] =	wrdreg s13  }
0x16: {  	s16 =	sadd.s32 $0x800, s7;
	[dreg:$0x16] =	wrdreg s14  }
0x17: {  	s17 =	sadd.s32 $0xC00, s7;
	[dreg:$0x17] =	wrdreg s16  }
0x18: {  	s19 =	sadd.s32 $0x1000, s7;
	[dreg:$0x18] =	wrdreg s17  }
0x19: {  	s31 =	sadd.s32 $0x1800, s7;
	[dreg:$0x19] =	wrdreg s19  }
0x1a: {  	s21 =	sadd.s32 $0x2800, s7;
	[smem:$0x7DF] =	sst s31  }
0x1b: {  	s20 =	sshll.u32 s0, $0x7;
	s25 =	sadd.s32 $0x3800, s7;
	[smem:$0x7E5] =	sst s21  }
0x1c: {  	s13 =	sshll.u32 s18, $0x4;
	s26 =	sadd.s32 $0x3C00, s7;
	[smem:$0x7E8] =	sst s25  }
0x1d: {  	s16 =	sadd.s32 $0x1400, s7;
	s17 =	sadd.s32 $0x3000, s20;
	[smem:$0x7E9] =	sst s26  }
0x1e: {  	s14 =	sadd.s32 $0x6000, s20;
	s20 =	simm.s32 $0x300;
	[dreg:$0x1a] =	wrdreg s16  }
0x1f: {  	s19 =	sshll.u32 s18, $0xD;
	s18 =	sadd.s32 $0x2000, s7;
	[dreg:$0xe] =	wrdreg s20  }
0x20: {  	s31 =	sadd.s32 $0x4000, s7;
	[smem:$0x7E3] =	sst s18  }
0x21: {  	s24 =	sor.u32 $0x1000, s13;
	s13 =	sadd.s32 $0x5C00, s7;
	[smem:$0x7EA] =	sst s31  }
0x22: {  	s21 =	sadd.s32 $0x7800, s7;
	[smem:$0x7F1] =	sst s13  }
0x23: {  	s25 =	sadd.s32 $0x8400, s7;
	s26 =	sadd.s32 $0x8800, s7;
	[smem:$0x7F7] =	sst s21  }
0x24: {  	s22 =	sadd.s32 s15, s17;
	s15 =	sadd.s32 s15, s14;
	[smem:$0x7FA] =	sst s25  }
0x25: {  	s28 =	sadd.s32 s14, s3;
	s14 =	sadd.s32 $0x201C00, s9;
	[smem:$0x7FB] =	sst s26  }
0x26: {  	s20 =	sadd.s32 s17, s3;
	s17 =	sadd.s32 $0x1C00, s7;
	[smem:$0x7E0] =	sst s14  }
0x27: {  	s9 =	sadd.s32 $0x4C00, s7;
	[smem:$0x7E2] =	sst s17  }
0x28: {  	s18 =	sadd.s32 $0x7000, s7;
	[smem:$0x7ED] =	sst s9  }
0x29: {  	s31 =	sadd.s32 $0x8C00, s7;
	[smem:$0x7F5] =	sst s18  }
0x2a: {  	[smem:$0x7FC] =	sst s31  }
0x2b: {  	s16 =	sshrl.u32 s22, $0x3;
	s22 =	simm.s32 $0x780;
	[smem:$0x7FD] =	sst s20  }
0x2c: {  	s14 =	sadd.s32 $0x6400, s7;
	[dreg:$0x10] =	wrdreg s22  }
0x2d: {  	s17 =	sadd.s32 $0x6C00, s7;
	[smem:$0x7F2] =	sst s14  }
0x2e: {  	s15 =	sshrl.u32 s15, $0x3;
	s16 =	sadd.s32 s12, s16;
	[smem:$0x7F4] =	sst s17  }
0x2f: {  	s30 =	simm.s32 $0x11000;
	s12 =	sadd.s32 s12, s15;
	[dreg:$0x1c] =	wrdreg s16  }
0x30: {  	s11 =	sshll.u32 s11, $0xC;
	s15 =	smax.u32 s10, $0x1;
	[dreg:$0x1d] =	wrdreg s12  }
0x31: {  	s29 =	sadd.s32 s0, s4;
	s22 =	sadd.s32 $0x2C00, s7;
	[smem:$0x7E1] =	sst s15  }
0x32: {  	s0 =	simm.s32 $0x3;
	s10 =	sadd.s32 $0x5000, s7;
	[smem:$0x7E6] =	sst s22  }
0x33: {  	s13 =	simm.s32 $0x8C00;
	s16 =	simm.s32 $0x700;
	[smem:$0x7EE] =	sst s10  }
0x34: {  	v0 =	vmov s24;
	s24 =	simm.s32 $0x980;
	s12 =	simm.s32 $0xB80;
	[dreg:$0xd] =	wrdreg s16  }
0x35: {  	s25 =	simm.s32 $0x11180;
	s15 =	sadd.s32 $0x6800, s7;
	[dreg:$0x15] =	wrdreg s12  }
0x36: {  	s26 =	simm.s32 $0x0;
	s22 =	sadd.s32 $0x7C00, s7;
	[smem:$0x7F3] =	sst s15  }
0x37: {  	s16 =	sor.u32 s11, s19;
	s11 =	simm.s32 $0xB00;
	[smem:$0x7F8] =	sst s22  }
0x38: {  	s9 =	simm.s32 $0x200;
	s19 =	sadd.s32 $0x2400, s7;
	[dreg:$0x14] =	wrdreg s11  }
0x39: {  	s18 =	simm.s32 $0x880;
	s12 =	sadd.s32 $0x5800, s7;
	[smem:$0x7E4] =	sst s19  }
0x3a: {  	s14 =	simm.s32 $0xCC00;
	s11 =	sadd.s32 $0x5400, s7;
	[smem:$0x7F0] =	sst s12  }
0x3b: {  	s23 =	sshrl.u32 s16, $0x3;
	s19 =	sadd.s32 $0x7400, s7;
	[smem:$0x7EF] =	sst s11  }
0x3c: {  	s17 =	simm.s32 $0x800;
	s8 =	sadd.s32 s23, s8;
	[smem:$0x7F6] =	sst s19  }
0x3d: {  	s10 =	simm.s32 $0x80;
	s2 =	sadd.s32 s23, s2;
	[dreg:$0x1e] =	wrdreg s8  }
0x3e: {  	s15 =	simm.s32 $0x1;
	s23 =	sadd.s32 $0x3400, s7;
	[dreg:$0x1f] =	wrdreg s2  }
0x3f: {  	s12 =	simm.s32 $0x4C00;
	[smem:$0x7E7] =	sst s23;
	s2 =	sadd.s32 $0x4400, s7  }
0x40: {  	s11 =	simm.s32 $0xC00;
	s8 =	sadd.s32 $0x4800, s7;
	[smem:$0x7EB] =	sst s2  }
0x41: {  	s19 =	simm.s32 $0x2;
	s23 =	sadd.s32 $0x8000, s7;
	[smem:$0x7EC] =	sst s8  }
0x42: {  	v1 =	vimm.f32 $0.0e+00;
	v2 =	vlaneseq.u32;
	[smem:$0x7F9] =	sst s23;
	s2 =	simm.s32 $0x10C00;
	s23 =	simm.s32 $0x900  }
.LBB2_1:
0x43: {  	[tilespmem:$0x10C00] =	vst v1  }
0x44: {  	[tilespmem:$0x10C10] =	vst v1  }
0x45: {  	[tilespmem:$0x10C20] =	vst v1  }
0x46: {  	[tilespmem:$0x10C30] =	vst v1  }
0x47: {  	[tilespmem:$0x10C40] =	vst v1  }
0x48: {  	[tilespmem:$0x10C50] =	vst v1  }
0x49: {  	[tilespmem:$0x10C60] =	vst v1  }
0x4a: {  	[tilespmem:$0x10C70] =	vst v1  }
0x4b: {  	[tilespmem:$0x10C80] =	vst v1  }
0x4c: {  	[tilespmem:$0x10C90] =	vst v1  }
0x4d: {  	[tilespmem:$0x10CA0] =	vst v1  }
0x4e: {  	[tilespmem:$0x10CB0] =	vst v1  }
0x4f: {  	[tilespmem:$0x10CC0] =	vst v1  }
0x50: {  	[tilespmem:$0x10CD0] =	vst v1  }
0x51: {  	[tilespmem:$0x10CE0] =	vst v1  }
0x52: {  	[tilespmem:$0x10CF0] =	vst v1  }
0x53: {  	[tilespmem:$0x10D00] =	vst v1  }
0x54: {  	[tilespmem:$0x10D10] =	vst v1  }
0x55: {  	[tilespmem:$0x10D20] =	vst v1  }
0x56: {  	[tilespmem:$0x10D30] =	vst v1  }
0x57: {  	[tilespmem:$0x10D40] =	vst v1  }
0x58: {  	[tilespmem:$0x10D50] =	vst v1  }
0x59: {  	[tilespmem:$0x10D60] =	vst v1  }
0x5a: {  	[tilespmem:$0x10D70] =	vst v1  }
0x5b: {  	[tilespmem:$0x10D80] =	vst v1  }
0x5c: {  	[tilespmem:$0x10D90] =	vst v1  }
0x5d: {  	[tilespmem:$0x10DA0] =	vst v1  }
0x5e: {  	[tilespmem:$0x10DB0] =	vst v1  }
0x5f: {  	[tilespmem:$0x10DC0] =	vst v1  }
0x60: {  	[tilespmem:$0x10DD0] =	vst v1  }
0x61: {  	[tilespmem:$0x10DE0] =	vst v1  }
0x62: {  	[tilespmem:$0x10DF0] =	vst v1  }
0x63: {  	[tilespmem:$0x10E00] =	vst v1  }
0x64: {  	[tilespmem:$0x10E10] =	vst v1  }
0x65: {  	[tilespmem:$0x10E20] =	vst v1  }
0x66: {  	[tilespmem:$0x10E30] =	vst v1  }
0x67: {  	[tilespmem:$0x10E40] =	vst v1  }
0x68: {  	[tilespmem:$0x10E50] =	vst v1  }
0x69: {  	[tilespmem:$0x10E60] =	vst v1  }
0x6a: {  	[tilespmem:$0x10E70] =	vst v1  }
0x6b: {  	[tilespmem:$0x10E80] =	vst v1  }
0x6c: {  	[tilespmem:$0x10E90] =	vst v1  }
0x6d: {  	[tilespmem:$0x10EA0] =	vst v1  }
0x6e: {  	[tilespmem:$0x10EB0] =	vst v1  }
0x6f: {  	[tilespmem:$0x10EC0] =	vst v1  }
0x70: {  	[tilespmem:$0x10ED0] =	vst v1  }
0x71: {  	[tilespmem:$0x10EE0] =	vst v1  }
0x72: {  	[tilespmem:$0x10EF0] =	vst v1  }
0x73: {  	[tilespmem:$0x10F00] =	vst v1  }
0x74: {  	[tilespmem:$0x10F10] =	vst v1  }
0x75: {  	[tilespmem:$0x10F20] =	vst v1  }
0x76: {  	[tilespmem:$0x10F30] =	vst v1  }
0x77: {  	[tilespmem:$0x10F40] =	vst v1  }
0x78: {  	[tilespmem:$0x10F50] =	vst v1  }
0x79: {  	[tilespmem:$0x10F60] =	vst v1  }
0x7a: {  	[tilespmem:$0x10F70] =	vst v1  }
0x7b: {  	[tilespmem:$0x10F80] =	vst v1  }
0x7c: {  	[tilespmem:$0x10F90] =	vst v1  }
0x7d: {  	[tilespmem:$0x10FA0] =	vst v1  }
0x7e: {  	[tilespmem:$0x10FB0] =	vst v1  }
0x7f: {  	[tilespmem:$0x10FC0] =	vst v1  }
0x80: {  	[tilespmem:$0x10FD0] =	vst v1  }
0x81: {  	[tilespmem:$0x10FE0] =	vst v1  }
0x82: {  	[tilespmem:$0x10FF0] =	vst v1  }
0x83: {  	[tilespmem:$0x11000] =	vst v1  }
0x84: {  	[tilespmem:$0x11010] =	vst v1  }
0x85: {  	[tilespmem:$0x11020] =	vst v1  }
0x86: {  	[tilespmem:$0x11030] =	vst v1  }
0x87: {  	[tilespmem:$0x11040] =	vst v1  }
0x88: {  	[tilespmem:$0x11050] =	vst v1  }
0x89: {  	[tilespmem:$0x11060] =	vst v1  }
0x8a: {  	[tilespmem:$0x11070] =	vst v1  }
0x8b: {  	[tilespmem:$0x11080] =	vst v1  }
0x8c: {  	[tilespmem:$0x11090] =	vst v1  }
0x8d: {  	[tilespmem:$0x110A0] =	vst v1  }
0x8e: {  	[tilespmem:$0x110B0] =	vst v1  }
0x8f: {  	[tilespmem:$0x110C0] =	vst v1  }
0x90: {  	[tilespmem:$0x110D0] =	vst v1  }
0x91: {  	[tilespmem:$0x110E0] =	vst v1  }
0x92: {  	[tilespmem:$0x110F0] =	vst v1  }
0x93: {  	[tilespmem:$0x11100] =	vst v1  }
0x94: {  	[tilespmem:$0x11110] =	vst v1  }
0x95: {  	[spmem:s7] =	stream.linear.scatter [tilespmem:s2], [sflag:$0x3], $0x400, $0x38;
	[tilespmem:$0x1D2A0] =	vst v63  }
0x96: {  	_ =	swait.ge [sflag:s0], $0x400  }
0x97: {  	[sflag:s0] =	ssyncset.done $0x0  }
0x98: {  	s8 =	rddreg [dreg:$0x16];
	[sflag:s0] =	ssyncadd.s32 $0xFFFFFC00  }
0x99: {  	[spmem:s8] =	stream.linear.scatter [tilespmem:s2], [sflag:$0x3], $0x400, $0x38;
	[tilespmem:$0x1D2A0] =	vst v63  }
0x9a: {  	_ =	swait.ge [sflag:s0], $0x400  }
0x9b: {  	[sflag:s0] =	ssyncset.done $0x0  }
0x9c: {  	s21 =	rddreg [dreg:$0x17];
	[sflag:s0] =	ssyncadd.s32 $0xFFFFFC00  }
0x9d: {  	[spmem:s21] =	stream.linear.scatter [tilespmem:s2], [sflag:$0x3], $0x400, $0x38;
	[tilespmem:$0x1D2A0] =	vst v63  }
0x9e: {  	_ =	swait.ge [sflag:s0], $0x400  }
0x9f: {  	[sflag:s0] =	ssyncset.done $0x0  }
0xa0: {  	s22 =	rddreg [dreg:$0x18];
	[sflag:s0] =	ssyncadd.s32 $0xFFFFFC00  }
0xa1: {  	[spmem:s22] =	stream.linear.scatter [tilespmem:s2], [sflag:$0x3], $0x400, $0x38;
	[tilespmem:$0x1D2A0] =	vst v63  }
0xa2: {  	_ =	swait.ge [sflag:s0], $0x400  }
0xa3: {  	[sflag:s0] =	ssyncset.done $0x0  }
0xa4: {  	s31 =	rddreg [dreg:$0x19];
	[sflag:s0] =	ssyncadd.s32 $0xFFFFFC00  }
0xa5: {  	[spmem:s31] =	stream.linear.scatter [tilespmem:s2], [sflag:$0x3], $0x400, $0x38;
	[tilespmem:$0x1D2A0] =	vst v63  }
0xa6: {  	_ =	swait.ge [sflag:s0], $0x400  }
0xa7: {  	[sflag:s0] =	ssyncset.done $0x0  }
0xa8: {  	s21 =	rddreg [dreg:$0x1a];
	[sflag:s0] =	ssyncadd.s32 $0xFFFFFC00  }
0xa9: {  	[spmem:s21] =	stream.linear.scatter [tilespmem:s2], [sflag:$0x3], $0x400, $0x38;
	[tilespmem:$0x1D2A0] =	vst v63  }
0xaa: {  	_ =	swait.ge [sflag:s0], $0x400  }
0xab: {  	s22 =	sld [smem:$0x7DF]  }
0xac: {  	[sflag:s0] =	ssyncset.done $0x0  }
0xad: {  	[sflag:s0] =	ssyncadd.s32 $0xFFFFFC00  }
0xae: {  	[spmem:s22] =	stream.linear.scatter [tilespmem:s2], [sflag:$0x3], $0x400, $0x38;
	[tilespmem:$0x1D2A0] =	vst v63  }
0xaf: {  	_ =	swait.ge [sflag:s0], $0x400  }
0xb0: {  	s31 =	sld [smem:$0x7E2]  }
0xb1: {  	[sflag:s0] =	ssyncset.done $0x0  }
0xb2: {  	[sflag:s0] =	ssyncadd.s32 $0xFFFFFC00  }
0xb3: {  	[spmem:s31] =	stream.linear.scatter [tilespmem:s2], [sflag:$0x3], $0x400, $0x38;
	[tilespmem:$0x1D2A0] =	vst v63  }
0xb4: {  	_ =	swait.ge [sflag:s0], $0x400  }
0xb5: {  	s21 =	sld [smem:$0x7E3]  }
0xb6: {  	[sflag:s0] =	ssyncset.done $0x0  }
0xb7: {  	[sflag:s0] =	ssyncadd.s32 $0xFFFFFC00  }
0xb8: {  	[spmem:s21] =	stream.linear.scatter [tilespmem:s2], [sflag:$0x3], $0x400, $0x38;
	[tilespmem:$0x1D2A0] =	vst v63  }
0xb9: {  	_ =	swait.ge [sflag:s0], $0x400  }
0xba: {  	s22 =	sld [smem:$0x7E4]  }
0xbb: {  	[sflag:s0] =	ssyncset.done $0x0  }
0xbc: {  	[sflag:s0] =	ssyncadd.s32 $0xFFFFFC00  }
0xbd: {  	[spmem:s22] =	stream.linear.scatter [tilespmem:s2], [sflag:$0x3], $0x400, $0x38;
	[tilespmem:$0x1D2A0] =	vst v63  }
0xbe: {  	_ =	swait.ge [sflag:s0], $0x400  }
0xbf: {  	s31 =	sld [smem:$0x7E5]  }
0xc0: {  	[sflag:s0] =	ssyncset.done $0x0  }
0xc1: {  	[sflag:s0] =	ssyncadd.s32 $0xFFFFFC00  }
0xc2: {  	[spmem:s31] =	stream.linear.scatter [tilespmem:s2], [sflag:$0x3], $0x400, $0x38;
	[tilespmem:$0x1D2A0] =	vst v63  }
0xc3: {  	_ =	swait.ge [sflag:s0], $0x400  }
0xc4: {  	s21 =	sld [smem:$0x7E6]  }
0xc5: {  	[sflag:s0] =	ssyncset.done $0x0  }
0xc6: {  	[sflag:s0] =	ssyncadd.s32 $0xFFFFFC00  }
0xc7: {  	[spmem:s21] =	stream.linear.scatter [tilespmem:s2], [sflag:$0x3], $0x400, $0x38;
	[tilespmem:$0x1D2A0] =	vst v63  }
0xc8: {  	_ =	swait.ge [sflag:s0], $0x400  }
0xc9: {  	[sflag:s0] =	ssyncset.done $0x0  }
0xca: {  	[sflag:s0] =	ssyncadd.s32 $0xFFFFFC00  }
0xcb: {  	[spmem:s20] =	stream.linear.scatter [tilespmem:s2], [sflag:$0x3], $0x400, $0x38;
	[tilespmem:$0x1D2A0] =	vst v63  }
0xcc: {  	_ =	swait.ge [sflag:s0], $0x400  }
0xcd: {  	s22 =	sld [smem:$0x7E7]  }
0xce: {  	[sflag:s0] =	ssyncset.done $0x0  }
0xcf: {  	[sflag:s0] =	ssyncadd.s32 $0xFFFFFC00  }
0xd0: {  	[spmem:s22] =	stream.linear.scatter [tilespmem:s2], [sflag:$0x3], $0x400, $0x38;
	[tilespmem:$0x1D2A0] =	vst v63  }
0xd1: {  	_ =	swait.ge [sflag:s0], $0x400  }
0xd2: {  	s31 =	sld [smem:$0x7E8]  }
0xd3: {  	[sflag:s0] =	ssyncset.done $0x0  }
0xd4: {  	[sflag:s0] =	ssyncadd.s32 $0xFFFFFC00  }
0xd5: {  	[spmem:s31] =	stream.linear.scatter [tilespmem:s2], [sflag:$0x3], $0x400, $0x38;
	[tilespmem:$0x1D2A0] =	vst v63  }
0xd6: {  	_ =	swait.ge [sflag:s0], $0x400  }
0xd7: {  	s20 =	sld [smem:$0x7E9]  }
0xd8: {  	[sflag:s0] =	ssyncset.done $0x0  }
0xd9: {  	[sflag:s0] =	ssyncadd.s32 $0xFFFFFC00  }
0xda: {  	[spmem:s20] =	stream.linear.scatter [tilespmem:s2], [sflag:$0x3], $0x400, $0x38;
	[tilespmem:$0x1D2A0] =	vst v63  }
0xdb: {  	_ =	swait.ge [sflag:s0], $0x400  }
0xdc: {  	s21 =	sld [smem:$0x7EA]  }
0xdd: {  	[sflag:s0] =	ssyncset.done $0x0  }
0xde: {  	[sflag:s0] =	ssyncadd.s32 $0xFFFFFC00  }
0xdf: {  	[spmem:s21] =	stream.linear.scatter [tilespmem:s2], [sflag:$0x3], $0x400, $0x38;
	[tilespmem:$0x1D2A0] =	vst v63  }
0xe0: {  	_ =	swait.ge [sflag:s0], $0x400  }
0xe1: {  	s22 =	sld [smem:$0x7EB]  }
0xe2: {  	[sflag:s0] =	ssyncset.done $0x0  }
0xe3: {  	[sflag:s0] =	ssyncadd.s32 $0xFFFFFC00  }
0xe4: {  	[spmem:s22] =	stream.linear.scatter [tilespmem:s2], [sflag:$0x3], $0x400, $0x38;
	[tilespmem:$0x1D2A0] =	vst v63  }
0xe5: {  	_ =	swait.ge [sflag:s0], $0x400  }
0xe6: {  	s31 =	sld [smem:$0x7EC]  }
0xe7: {  	[sflag:s0] =	ssyncset.done $0x0  }
0xe8: {  	[sflag:s0] =	ssyncadd.s32 $0xFFFFFC00  }
0xe9: {  	[spmem:s31] =	stream.linear.scatter [tilespmem:s2], [sflag:$0x3], $0x400, $0x38;
	[tilespmem:$0x1D2A0] =	vst v63  }
0xea: {  	_ =	swait.ge [sflag:s0], $0x400  }
0xeb: {  	s20 =	sld [smem:$0x7ED]  }
0xec: {  	[sflag:s0] =	ssyncset.done $0x0  }
0xed: {  	[sflag:s0] =	ssyncadd.s32 $0xFFFFFC00  }
0xee: {  	[spmem:s20] =	stream.linear.scatter [tilespmem:s2], [sflag:$0x3], $0x400, $0x38;
	[tilespmem:$0x1D2A0] =	vst v63  }
0xef: {  	_ =	swait.ge [sflag:s0], $0x400  }
0xf0: {  	s21 =	sld [smem:$0x7EE]  }
0xf1: {  	[sflag:s0] =	ssyncset.done $0x0  }
0xf2: {  	[sflag:s0] =	ssyncadd.s32 $0xFFFFFC00  }
0xf3: {  	[spmem:s21] =	stream.linear.scatter [tilespmem:s2], [sflag:$0x3], $0x400, $0x38;
	[tilespmem:$0x1D2A0] =	vst v63  }
0xf4: {  	_ =	swait.ge [sflag:s0], $0x400  }
0xf5: {  	s22 =	sld [smem:$0x7EF]  }
0xf6: {  	[sflag:s0] =	ssyncset.done $0x0  }
0xf7: {  	[sflag:s0] =	ssyncadd.s32 $0xFFFFFC00  }
0xf8: {  	[spmem:s22] =	stream.linear.scatter [tilespmem:s2], [sflag:$0x3], $0x400, $0x38;
	[tilespmem:$0x1D2A0] =	vst v63  }
0xf9: {  	_ =	swait.ge [sflag:s0], $0x400  }
0xfa: {  	s31 =	sld [smem:$0x7F0]  }
0xfb: {  	[sflag:s0] =	ssyncset.done $0x0  }
0xfc: {  	[sflag:s0] =	ssyncadd.s32 $0xFFFFFC00  }
0xfd: {  	[spmem:s31] =	stream.linear.scatter [tilespmem:s2], [sflag:$0x3], $0x400, $0x38;
	[tilespmem:$0x1D2A0] =	vst v63  }
0xfe: {  	_ =	swait.ge [sflag:s0], $0x400  }
0xff: {  	s20 =	sld [smem:$0x7F1]  }
0x100: {  	[sflag:s0] =	ssyncset.done $0x0  }
0x101: {  	[sflag:s0] =	ssyncadd.s32 $0xFFFFFC00  }
0x102: {  	[spmem:s20] =	stream.linear.scatter [tilespmem:s2], [sflag:$0x3], $0x400, $0x38;
	[tilespmem:$0x1D2A0] =	vst v63  }
0x103: {  	_ =	swait.ge [sflag:s0], $0x400  }
0x104: {  	[sflag:s0] =	ssyncset.done $0x0  }
0x105: {  	[sflag:s0] =	ssyncadd.s32 $0xFFFFFC00  }
0x106: {  	[spmem:s28] =	stream.linear.scatter [tilespmem:s2], [sflag:$0x3], $0x400, $0x38;
	[tilespmem:$0x1D2A0] =	vst v63  }
0x107: {  	_ =	swait.ge [sflag:s0], $0x400  }
0x108: {  	s21 =	sld [smem:$0x7F2]  }
0x109: {  	[sflag:s0] =	ssyncset.done $0x0  }
0x10a: {  	[sflag:s0] =	ssyncadd.s32 $0xFFFFFC00  }
0x10b: {  	[spmem:s21] =	stream.linear.scatter [tilespmem:s2], [sflag:$0x3], $0x400, $0x38;
	[tilespmem:$0x1D2A0] =	vst v63  }
0x10c: {  	_ =	swait.ge [sflag:s0], $0x400  }
0x10d: {  	s31 =	sld [smem:$0x7F3]  }
0x10e: {  	[sflag:s0] =	ssyncset.done $0x0  }
0x10f: {  	[sflag:s0] =	ssyncadd.s32 $0xFFFFFC00  }
0x110: {  	[spmem:s31] =	stream.linear.scatter [tilespmem:s2], [sflag:$0x3], $0x400, $0x38;
	[tilespmem:$0x1D2A0] =	vst v63  }
0x111: {  	_ =	swait.ge [sflag:s0], $0x400  }
0x112: {  	s20 =	sld [smem:$0x7F4]  }
0x113: {  	[sflag:s0] =	ssyncset.done $0x0  }
0x114: {  	[sflag:s0] =	ssyncadd.s32 $0xFFFFFC00  }
0x115: {  	[spmem:s20] =	stream.linear.scatter [tilespmem:s2], [sflag:$0x3], $0x400, $0x38;
	[tilespmem:$0x1D2A0] =	vst v63  }
0x116: {  	_ =	swait.ge [sflag:s0], $0x400  }
0x117: {  	s21 =	sld [smem:$0x7F5]  }
0x118: {  	[sflag:s0] =	ssyncset.done $0x0  }
0x119: {  	[sflag:s0] =	ssyncadd.s32 $0xFFFFFC00  }
0x11a: {  	[spmem:s21] =	stream.linear.scatter [tilespmem:s2], [sflag:$0x3], $0x400, $0x38;
	[tilespmem:$0x1D2A0] =	vst v63  }
0x11b: {  	_ =	swait.ge [sflag:s0], $0x400  }
0x11c: {  	s31 =	sld [smem:$0x7F6]  }
0x11d: {  	[sflag:s0] =	ssyncset.done $0x0  }
0x11e: {  	[sflag:s0] =	ssyncadd.s32 $0xFFFFFC00  }
0x11f: {  	[spmem:s31] =	stream.linear.scatter [tilespmem:s2], [sflag:$0x3], $0x400, $0x38;
	[tilespmem:$0x1D2A0] =	vst v63  }
0x120: {  	_ =	swait.ge [sflag:s0], $0x400  }
0x121: {  	s20 =	sld [smem:$0x7F7]  }
0x122: {  	[sflag:s0] =	ssyncset.done $0x0  }
0x123: {  	[sflag:s0] =	ssyncadd.s32 $0xFFFFFC00  }
0x124: {  	[spmem:s20] =	stream.linear.scatter [tilespmem:s2], [sflag:$0x3], $0x400, $0x38;
	[tilespmem:$0x1D2A0] =	vst v63  }
0x125: {  	_ =	swait.ge [sflag:s0], $0x400  }
0x126: {  	s21 =	sld [smem:$0x7F8]  }
0x127: {  	[sflag:s0] =	ssyncset.done $0x0  }
0x128: {  	[sflag:s0] =	ssyncadd.s32 $0xFFFFFC00  }
0x129: {  	[spmem:s21] =	stream.linear.scatter [tilespmem:s2], [sflag:$0x3], $0x400, $0x38;
	[tilespmem:$0x1D2A0] =	vst v63  }
0x12a: {  	_ =	swait.ge [sflag:s0], $0x400  }
0x12b: {  	s31 =	sld [smem:$0x7F9]  }
0x12c: {  	[sflag:s0] =	ssyncset.done $0x0  }
0x12d: {  	[sflag:s0] =	ssyncadd.s32 $0xFFFFFC00  }
0x12e: {  	[spmem:s31] =	stream.linear.scatter [tilespmem:s2], [sflag:$0x3], $0x400, $0x38;
	[tilespmem:$0x1D2A0] =	vst v63  }
0x12f: {  	_ =	swait.ge [sflag:s0], $0x400  }
0x130: {  	s20 =	sld [smem:$0x7FA]  }
0x131: {  	[sflag:s0] =	ssyncset.done $0x0  }
0x132: {  	[sflag:s0] =	ssyncadd.s32 $0xFFFFFC00  }
0x133: {  	[spmem:s20] =	stream.linear.scatter [tilespmem:s2], [sflag:$0x3], $0x400, $0x38;
	[tilespmem:$0x1D2A0] =	vst v63  }
0x134: {  	_ =	swait.ge [sflag:s0], $0x400  }
0x135: {  	s21 =	sld [smem:$0x7FB]  }
0x136: {  	[sflag:s0] =	ssyncset.done $0x0  }
0x137: {  	[sflag:s0] =	ssyncadd.s32 $0xFFFFFC00  }
0x138: {  	[spmem:s21] =	stream.linear.scatter [tilespmem:s2], [sflag:$0x3], $0x400, $0x38;
	[tilespmem:$0x1D2A0] =	vst v63  }
0x139: {  	_ =	swait.ge [sflag:s0], $0x400  }
0x13a: {  	s31 =	sld [smem:$0x7FC]  }
0x13b: {  	[sflag:s0] =	ssyncset.done $0x0  }
0x13c: {  	[sflag:s0] =	ssyncadd.s32 $0xFFFFFC00  }
0x13d: {  	[spmem:s31] =	stream.linear.scatter [tilespmem:s2], [sflag:$0x3], $0x400, $0x38;
	[tilespmem:$0x1D2A0] =	vst v63  }
0x13e: {  	_ =	swait.ge [sflag:s0], $0x400  }
0x13f: {  	[sflag:s0] =	ssyncset.done $0x0  }
0x140: {  	[sflag:s0] =	ssyncadd.s32 $0xFFFFFC00  }
0x141: {  	[spmem:s29] =	stream.linear.scatter [tilespmem:s30], [sflag:$0x3], $0x120, $0x38;
	[tilespmem:$0x1D2A0] =	vst v63  }
0x142: {  	_ =	swait.ge [sflag:s0], $0x120  }
0x143: {  	[sflag:s0] =	ssyncset.done $0x0  }
0x144: {  	[sflag:s0] =	ssyncadd.s32 $0xFFFFFEE0  }
0x145: {  	[bflag:$0x0] =	sbarrier.arrive $0xFFFF  }
0x146: {  	s22 =	smov.u32 s28;
	s28 =	rddreg [dreg:$0x1f]  }
0x147: {  	s21 =	smov.u32 s29;
	s30 =	simm.s32 $0x0;
	s29 =	rddreg [dreg:$0x1e]  }
.LBB2_2:
0x148: {  	[tilespmem:s5], [sflag:$0x3] =	stream.linear.gather [hbm4b:s28+s5], $0x200, $0x38;
	[tilespmem:$0x1D2A0] =	vst v63  }
0x149: {  	_ =	swait.ge [sflag:s0], $0x200  }
0x14a: {  	[sflag:s0] =	ssyncset.done $0x0  }
0x14b: {  	[sflag:s0] =	ssyncadd.s32 $0xFFFFFE00  }
0x14c: {  	[tilespmem:s9], [sflag:$0x3] =	stream.linear.gather [hbm4b:s29+s5], $0x200, $0x38;
	[tilespmem:$0x1D2A0] =	vst v63  }
0x14d: {  	_ =	swait.ge [sflag:s0], $0x200  }
0x14e: {  	[sflag:s0] =	ssyncset.done $0x0  }
0x14f: {  	[sflag:s0] =	ssyncadd.s32 $0xFFFFFE00  }
0x150: {  	v3 =	vld [tilespmem:$0x0]  }
0x151: {  	v4 =	vld [tilespmem:$0x200]  }
0x152: {  	v5 =	vld [tilespmem:$0x10]  }
0x153: {  	v6 =	vld [tilespmem:$0x210]  }
0x154: {  	v7 =	vld [tilespmem:$0x20]  }
0x155: {  	v8 =	vld [tilespmem:$0x220]  }
0x156: {  	v9 =	vld [tilespmem:$0x30]  }
0x157: {  	v10 =	vld [tilespmem:$0x230]  }
0x158: {  	v11 =	vld [tilespmem:$0x40]  }
0x159: {  	v12 =	vld [tilespmem:$0x240]  }
0x15a: {  	v13 =	vld [tilespmem:$0x50]  }
0x15b: {  	v14 =	vld [tilespmem:$0x250]  }
0x15c: {  	v15 =	vld [tilespmem:$0x60]  }
0x15d: {  	v16 =	vld [tilespmem:$0x260]  }
0x15e: {  	v17 =	vld [tilespmem:$0x70]  }
0x15f: {  	v18 =	vld [tilespmem:$0x270]  }
0x160: {  	v19 =	vld [tilespmem:$0x80]  }
0x161: {  	v20 =	vld [tilespmem:$0x280]  }
0x162: {  	v21 =	vld [tilespmem:$0x90]  }
0x163: {  	v22 =	vld [tilespmem:$0x290]  }
0x164: {  	v23 =	vld [tilespmem:$0xA0]  }
0x165: {  	v24 =	vld [tilespmem:$0x2A0]  }
0x166: {  	v25 =	vld [tilespmem:$0xB0]  }
0x167: {  	v26 =	vld [tilespmem:$0x2B0]  }
0x168: {  	v27 =	vld [tilespmem:$0xC0]  }
0x169: {  	v28 =	vld [tilespmem:$0x2C0]  }
0x16a: {  	v29 =	vld [tilespmem:$0xD0]  }
0x16b: {  	v30 =	vld [tilespmem:$0x2D0]  }
0x16c: {  	v31 =	vld [tilespmem:$0xE0]  }
0x16d: {  	v32 =	vld [tilespmem:$0x2E0]  }
0x16e: {  	v33 =	vld [tilespmem:$0xF0]  }
0x16f: {  	v34 =	vld [tilespmem:$0x2F0]  }
0x170: {  	v35 =	vld [tilespmem:$0x100]  }
0x171: {  	v36 =	vld [tilespmem:$0x300]  }
0x172: {  	v37 =	vld [tilespmem:$0x110]  }
0x173: {  	v38 =	vld [tilespmem:$0x310]  }
0x174: {  	v39 =	vld [tilespmem:$0x120];
	v3 =	vshll.u32 v3, $0xC  }
0x175: {  	v60 =	vld [tilespmem:$0x150];
	v54 =	vshll.u32 v5, $0xC;
	v3 =	vor.u32 v4, v3  }
0x176: {  	v63 =	vld [tilespmem:$0x160];
	v55 =	vshll.u32 v7, $0xC;
	[tilespmem:$0x400] =	vst v3;
	v3 =	vor.u32 v6, v54  }
0x177: {  	v41 =	vld [tilespmem:$0x370];
	v56 =	vshll.u32 v9, $0xC;
	[tilespmem:$0x410] =	vst v3;
	v3 =	vor.u32 v8, v55  }
0x178: {  	v43 =	vld [tilespmem:$0x180];
	v57 =	vshll.u32 v11, $0xC;
	[tilespmem:$0x420] =	vst v3;
	v3 =	vor.u32 v10, v56  }
0x179: {  	v45 =	vld [tilespmem:$0x380];
	v58 =	vshll.u32 v13, $0xC;
	[tilespmem:$0x430] =	vst v3;
	v3 =	vor.u32 v12, v57  }
0x17a: {  	v47 =	vld [tilespmem:$0x190];
	v59 =	vshll.u32 v15, $0xC;
	[tilespmem:$0x440] =	vst v3;
	v3 =	vor.u32 v14, v58  }
0x17b: {  	v49 =	vld [tilespmem:$0x390];
	v61 =	vshll.u32 v17, $0xC;
	[tilespmem:$0x450] =	vst v3;
	v3 =	vor.u32 v16, v59  }
0x17c: {  	v51 =	vld [tilespmem:$0x1A0];
	v62 =	vshll.u32 v19, $0xC;
	[tilespmem:$0x460] =	vst v3;
	v3 =	vor.u32 v18, v61  }
0x17d: {  	v53 =	vld [tilespmem:$0x3A0];
	v21 =	vshll.u32 v21, $0xC;
	[tilespmem:$0x470] =	vst v3;
	v3 =	vor.u32 v20, v62  }
0x17e: {  	v5 =	vld [tilespmem:$0x320];
	v23 =	vshll.u32 v23, $0xC;
	[tilespmem:$0x480] =	vst v3;
	v3 =	vor.u32 v22, v21  }
0x17f: {  	v7 =	vld [tilespmem:$0x330];
	v40 =	vshll.u32 v25, $0xC;
	[tilespmem:$0x490] =	vst v3;
	v3 =	vor.u32 v24, v23  }
0x180: {  	v9 =	vld [tilespmem:$0x340];
	v42 =	vshll.u32 v27, $0xC;
	[tilespmem:$0x4A0] =	vst v3;
	v3 =	vor.u32 v26, v40  }
0x181: {  	v11 =	vld [tilespmem:$0x350];
	v44 =	vshll.u32 v29, $0xC;
	[tilespmem:$0x4B0] =	vst v3;
	v3 =	vor.u32 v28, v42  }
0x182: {  	v46 =	vshll.u32 v31, $0xC;
	v6 =	vld [tilespmem:$0x130];
	[tilespmem:$0x4C0] =	vst v3;
	v3 =	vor.u32 v30, v44  }
0x183: {  	v48 =	vshll.u32 v33, $0xC;
	v8 =	vld [tilespmem:$0x140];
	[tilespmem:$0x4D0] =	vst v3;
	v3 =	vor.u32 v32, v46  }
0x184: {  	v13 =	vld [tilespmem:$0x360];
	v50 =	vshll.u32 v35, $0xC;
	[tilespmem:$0x4E0] =	vst v3;
	v3 =	vor.u32 v34, v48  }
0x185: {  	v52 =	vshll.u32 v37, $0xC;
	v55 =	vld [tilespmem:$0x1B0];
	[tilespmem:$0x4F0] =	vst v3;
	v3 =	vor.u32 v36, v50  }
0x186: {  	v54 =	vshll.u32 v39, $0xC;
	v14 =	vld [tilespmem:$0x170];
	[tilespmem:$0x500] =	vst v3;
	v3 =	vor.u32 v38, v52  }
0x187: {  	v57 =	vld [tilespmem:$0x3B0];
	v56 =	vshll.u32 v6, $0xC;
	[tilespmem:$0x510] =	vst v3;
	v3 =	vor.u32 v5, v54  }
0x188: {  	v59 =	vld [tilespmem:$0x1C0];
	v58 =	vshll.u32 v8, $0xC;
	[tilespmem:$0x520] =	vst v3;
	v3 =	vor.u32 v7, v56  }
0x189: {  	v60 =	vshll.u32 v60, $0xC;
	v61 =	vld [tilespmem:$0x3C0];
	[tilespmem:$0x530] =	vst v3;
	v3 =	vor.u32 v9, v58  }
0x18a: {  	v62 =	vshll.u32 v63, $0xC;
	v63 =	vld [tilespmem:$0x1D0];
	[tilespmem:$0x540] =	vst v3;
	v3 =	vor.u32 v11, v60  }
0x18b: {  	v23 =	vshll.u32 v14, $0xC;
	v24 =	vld [tilespmem:$0x3D0];
	[tilespmem:$0x550] =	vst v3;
	v3 =	vor.u32 v13, v62  }
0x18c: {  	v25 =	vshll.u32 v43, $0xC;
	v26 =	vld [tilespmem:$0x1E0];
	[tilespmem:$0x560] =	vst v3;
	v3 =	vor.u32 v41, v23  }
0x18d: {  	v27 =	vshll.u32 v47, $0xC;
	v28 =	vld [tilespmem:$0x3E0];
	[tilespmem:$0x570] =	vst v3;
	v3 =	vor.u32 v45, v25  }
0x18e: {  	v29 =	vshll.u32 v51, $0xC;
	v30 =	vld [tilespmem:$0x1F0];
	[tilespmem:$0x580] =	vst v3;
	v3 =	vor.u32 v49, v27  }
0x18f: {  	v31 =	vshll.u32 v55, $0xC;
	v32 =	vld [tilespmem:$0x3F0];
	[tilespmem:$0x590] =	vst v3;
	v3 =	vor.u32 v53, v29  }
0x190: {  	v33 =	vshll.u32 v59, $0xC;
	[tilespmem:$0x5A0] =	vst v3;
	v3 =	vor.u32 v57, v31  }
0x191: {  	v34 =	vshll.u32 v63, $0xC;
	[tilespmem:$0x5B0] =	vst v3;
	v3 =	vor.u32 v61, v33  }
0x192: {  	v35 =	vshll.u32 v26, $0xC;
	[tilespmem:$0x5C0] =	vst v3;
	v3 =	vor.u32 v24, v34  }
0x193: {  	s31 =	rddreg [dreg:$0x7];
	v36 =	vshll.u32 v30, $0xC;
	[tilespmem:$0x5D0] =	vst v3;
	v3 =	vor.u32 v28, v35  }
0x194: {  	s8 =	rddreg [dreg:$0x8];
	[tilespmem:$0x5E0] =	vst v3;
	v3 =	vor.u32 v32, v36  }
0x195: {  	s20 =	rddreg [dreg:$0xa];
	[tilespmem:$0x5F0] =	vst v3  }
0x196: {  	[tilespmem:s8], [sflag:$0x1] =	stream.indirect.gather [hbm4b:s6+s10], $0x1, s31, s10, $0xb8;
	[tilespmem:$0x1D2A0] =	vst v63  }
0x197: {  	s8 =	rddreg [dreg:$0x9]  }
0x198: {  	[tilespmem:s11], [sflag:$0x2] =	stream.indirect.gather [hbm4b:s1+s10], $0x80, s9, s10, $0xb8;
	[tilespmem:$0x1D2A0] =	vst v63  }
0x199: {  	s31 =	rddreg [dreg:$0xc]  }
0x19a: {  	[tilespmem:s20], [sflag:$0x1] =	stream.indirect.gather [hbm4b:s6+s10], $0x1, s8, s10, $0xb8;
	[tilespmem:$0x1D2A0] =	vst v63  }
0x19b: {  	s8 =	rddreg [dreg:$0xb]  }
0x19c: {  	s20 =	rddreg [dreg:$0xd]  }
0x19d: {  	[tilespmem:s12], [sflag:$0x2] =	stream.indirect.gather [hbm4b:s1+s10], $0x80, s8, s10, $0xb8;
	[tilespmem:$0x1D2A0] =	vst v63  }
0x19e: {  	s8 =	rddreg [dreg:$0xe]  }
0x19f: {  	[tilespmem:s20], [sflag:$0x1] =	stream.indirect.gather [hbm4b:s6+s10], $0x1, s31, s10, $0xb8;
	[tilespmem:$0x1D2A0] =	vst v63  }
0x1a0: {  	s20 =	rddreg [dreg:$0xf]  }
0x1a1: {  	[tilespmem:s13], [sflag:$0x2] =	stream.indirect.gather [hbm4b:s1+s10], $0x80, s8, s10, $0xb8;
	[tilespmem:$0x1D2A0] =	vst v63  }
0x1a2: {  	s31 =	rddreg [dreg:$0x10]  }
0x1a3: {  	[tilespmem:s31], [sflag:$0x1] =	stream.indirect.gather [hbm4b:s6+s10], $0x1, s20, s10, $0xb8;
	[tilespmem:$0x1D2A0] =	vst v63  }
0x1a4: {  	s8 =	rddreg [dreg:$0x11]  }
0x1a5: {  	[tilespmem:s14], [sflag:$0x2] =	stream.indirect.gather [hbm4b:s1+s10], $0x80, s8, s10, $0xb8;
	[tilespmem:$0x1D2A0] =	vst v63  }
0x1a6: {  	_ =	swait.ge [sflag:s15], $0x80  }
0x1a7: {  	[sflag:s15] =	ssyncset.done $0x0  }
0x1a8: {  	[sflag:s15] =	ssyncadd.s32 $0xFFFFFF80  }
0x1a9: {  	v3 =	vld [tilespmem:$0x600]  }
0x1aa: {  	v37 =	vld [tilespmem:$0x0]  }
0x1ab: {  	v38 =	vld [tilespmem:$0x200]  }
0x1ac: {  	v39 =	vld [tilespmem:$0x610]  }
0x1ad: {  	v40 =	vld [tilespmem:$0x10]  }
0x1ae: {  	v41 =	vld [tilespmem:$0x210]  }
0x1af: {  	v42 =	vld [tilespmem:$0x620]  }
0x1b0: {  	v43 =	vld [tilespmem:$0x20]  }
0x1b1: {  	v44 =	vld [tilespmem:$0x220]  }
0x1b2: {  	v45 =	vld [tilespmem:$0x630]  }
0x1b3: {  	v46 =	vld [tilespmem:$0x30]  }
0x1b4: {  	s31 =	sadd.s32 s30, s16;
	v48 =	vld [tilespmem:$0x640]  }
0x1b5: {  	s20 =	sadd.s32 $0x10, s31;
	v50 =	vld [tilespmem:$0x40]  }
0x1b6: {  	v49 =	vor.u32 s31, v2;
	v51 =	vor.u32 s20, v2;
	s20 =	sadd.s32 $0x20, s31;
	v52 =	vld [tilespmem:$0x650]  }
0x1b7: {  	v56 =	vor.u32 s20, v2;
	s20 =	sadd.s32 $0x30, s31;
	v54 =	vld [tilespmem:$0x50];
	vm0 =	veq.s32 v3, v49  }
0x1b8: {  	v61 =	vor.u32 s20, v2;
	s20 =	sadd.s32 $0x40, s31;
	v59 =	vld [tilespmem:$0x660];
	vm14 =	veq.s32 v39, v51;
	v4 =	vsel vm0, v37, v0  }
0x1b9: {  	v20 =	vor.u32 s20, v2;
	s20 =	sadd.s32 $0x50, s31;
	v62 =	vld [tilespmem:$0x60];
	vm4 =	veq.s32 v42, v56;
	v55 =	vsel vm14, v40, v0;
	[tilespmem:$0x800] =	vst v4  }
0x1ba: {  	v47 =	vld [tilespmem:$0x230];
	v24 =	vor.u32 s20, v2;
	s20 =	sadd.s32 $0x60, s31;
	vm6 =	veq.s32 v45, v61;
	v60 =	vsel vm4, v43, v0;
	[tilespmem:$0x810] =	vst v55  }
0x1bb: {  	v28 =	vor.u32 s20, v2;
	v3 =	vld [tilespmem:$0x240];
	vm8 =	veq.s32 v48, v20;
	v19 =	vsel vm6, v46, v0;
	[tilespmem:$0x820] =	vst v60  }
0x1bc: {  	v57 =	vld [tilespmem:$0x250];
	vm1 =	veq.s32 v37, v38;
	vm10 =	veq.s32 v52, v24;
	v23 =	vsel vm8, v50, v0;
	[tilespmem:$0x830] =	vst v19  }
0x1bd: {  	v18 =	vld [tilespmem:$0x260];
	vm15 =	veq.s32 v40, v41;
	vm12 =	veq.s32 v59, v28;
	v27 =	vsel vm10, v54, v0;
	[tilespmem:$0x840] =	vst v23  }
0x1be: {  	v21 =	vld [tilespmem:$0x670];
	vm5 =	veq.s32 v43, v44;
	vm0 =	vmand vm0, vm1;
	v30 =	vsel vm12, v62, v0;
	[tilespmem:$0x850] =	vst v27  }
0x1bf: {  	v25 =	vld [tilespmem:$0x270];
	vm7 =	veq.s32 v46, v47;
	v53 =	vsel vm0, $0x3F800000, v1;
	vm0 =	vmand vm14, vm15;
	[tilespmem:$0x860] =	vst v30  }
0x1c0: {  	[tilespmem:$0xA00] =	vst v53;
	v58 =	vsel vm0, $0x3F800000, v1;
	vm0 =	vmand vm4, vm5;
	vm9 =	veq.s32 v50, v3;
	v3 =	vld [tilespmem:$0x70]  }
0x1c1: {  	[tilespmem:$0xA10] =	vst v58;
	v63 =	vsel vm0, $0x3F800000, v1;
	vm0 =	vmand vm6, vm7  }
0x1c2: {  	vm11 =	veq.s32 v54, v57;
	[tilespmem:$0xA20] =	vst v63;
	v22 =	vsel vm0, $0x3F800000, v1;
	vm0 =	vmand vm8, vm9  }
0x1c3: {  	s20 =	sadd.s32 $0x70, s31;
	vm13 =	veq.s32 v62, v18;
	[tilespmem:$0xA30] =	vst v22;
	v26 =	vsel vm0, $0x3F800000, v1;
	vm0 =	vmand vm10, vm11  }
0x1c4: {  	v31 =	vor.u32 s20, v2;
	[tilespmem:$0xA40] =	vst v26;
	v29 =	vsel vm0, $0x3F800000, v1;
	vm0 =	vmand vm12, vm13  }
0x1c5: {  	vm14 =	veq.s32 v21, v31;
	[tilespmem:$0xA50] =	vst v29;
	v32 =	vsel vm0, $0x3F800000, v1;
	vm15 =	veq.s32 v3, v25  }
0x1c6: {  	[tilespmem:$0xA60] =	vst v32;
	v3 =	vsel vm14, v3, v0;
	vm0 =	vmand vm14, vm15  }
0x1c7: {  	[tilespmem:$0x870] =	vst v3;
	v3 =	vsel vm0, $0x3F800000, v1  }
0x1c8: {  	[tilespmem:$0xA70] =	vst v3  }
0x1c9: {  	_ =	swait.ge [sflag:s15], $0x80  }
0x1ca: {  	[sflag:s15] =	ssyncset.done $0x0  }
0x1cb: {  	[sflag:s15] =	ssyncadd.s32 $0xFFFFFF80  }
0x1cc: {  	v3 =	vld [tilespmem:$0x680]  }
0x1cd: {  	v33 =	vld [tilespmem:$0x80]  }
0x1ce: {  	v34 =	vld [tilespmem:$0x280]  }
0x1cf: {  	v35 =	vld [tilespmem:$0x690]  }
0x1d0: {  	v36 =	vld [tilespmem:$0x90]  }
0x1d1: {  	v37 =	vld [tilespmem:$0x290]  }
0x1d2: {  	v38 =	vld [tilespmem:$0x6A0]  }
0x1d3: {  	v39 =	vld [tilespmem:$0xA0]  }
0x1d4: {  	v40 =	vld [tilespmem:$0x2A0]  }
0x1d5: {  	v41 =	vld [tilespmem:$0x6B0]  }
0x1d6: {  	v42 =	vld [tilespmem:$0xB0]  }
0x1d7: {  	s20 =	sadd.s32 $0x80, s31;
	v43 =	vld [tilespmem:$0x2B0]  }
0x1d8: {  	v45 =	vor.u32 s20, v2;
	s20 =	sadd.s32 $0x90, s31;
	v44 =	vld [tilespmem:$0x6C0]  }
0x1d9: {  	v47 =	vor.u32 s20, v2;
	s20 =	sadd.s32 $0xA0, s31;
	v46 =	vld [tilespmem:$0xC0]  }
0x1da: {  	v52 =	vor.u32 s20, v2;
	s20 =	sadd.s32 $0xB0, s31;
	v48 =	vld [tilespmem:$0x6D0];
	vm4 =	veq.s32 v3, v45  }
0x1db: {  	v57 =	vor.u32 s20, v2;
	s20 =	sadd.s32 $0xC0, s31;
	v50 =	vld [tilespmem:$0xD0];
	vm6 =	veq.s32 v35, v47;
	v4 =	vsel vm4, v33, v0  }
0x1dc: {  	v62 =	vor.u32 s20, v2;
	s20 =	sadd.s32 $0xD0, s31;
	v55 =	vld [tilespmem:$0x6E0];
	vm8 =	veq.s32 v38, v52;
	v51 =	vsel vm6, v36, v0;
	[tilespmem:$0x880] =	vst v4  }
0x1dd: {  	v20 =	vor.u32 s20, v2;
	s20 =	sadd.s32 $0xE0, s31;
	v58 =	vld [tilespmem:$0xE0];
	vm10 =	veq.s32 v41, v57;
	v56 =	vsel vm8, v39, v0;
	[tilespmem:$0x890] =	vst v51  }
0x1de: {  	v24 =	vor.u32 s20, v2;
	v3 =	vld [tilespmem:$0x2C0];
	vm12 =	veq.s32 v44, v62;
	v61 =	vsel vm10, v42, v0;
	[tilespmem:$0x8A0] =	vst v56  }
0x1df: {  	v53 =	vld [tilespmem:$0x2D0];
	vm5 =	veq.s32 v33, v34;
	vm14 =	veq.s32 v48, v20;
	v19 =	vsel vm12, v46, v0;
	[tilespmem:$0x8B0] =	vst v61  }
0x1e0: {  	v60 =	vld [tilespmem:$0x2E0];
	vm7 =	veq.s32 v36, v37;
	vm0 =	vmand vm4, vm5;
	v23 =	vsel vm14, v50, v0;
	[tilespmem:$0x8C0] =	vst v19  }
0x1e1: {  	v63 =	vld [tilespmem:$0x6F0];
	vm9 =	veq.s32 v39, v40;
	vm4 =	veq.s32 v55, v24;
	v49 =	vsel vm0, $0x3F800000, v1;
	[tilespmem:$0x8D0] =	vst v23  }
0x1e2: {  	v21 =	vld [tilespmem:$0x2F0];
	vm11 =	veq.s32 v42, v43;
	vm0 =	vmand vm6, vm7;
	v26 =	vsel vm4, v58, v0;
	[tilespmem:$0xA80] =	vst v49  }
0x1e3: {  	v54 =	vsel vm0, $0x3F800000, v1;
	vm0 =	vmand vm8, vm9;
	[tilespmem:$0x8E0] =	vst v26;
	vm13 =	veq.s32 v46, v3;
	v3 =	vld [tilespmem:$0xF0]  }
0x1e4: {  	[tilespmem:$0xA90] =	vst v54;
	v59 =	vsel vm0, $0x3F800000, v1;
	vm0 =	vmand vm10, vm11  }
0x1e5: {  	vm15 =	veq.s32 v50, v53;
	[tilespmem:$0xAA0] =	vst v59;
	v18 =	vsel vm0, $0x3F800000, v1;
	vm0 =	vmand vm12, vm13  }
0x1e6: {  	s20 =	sadd.s32 $0xF0, s31;
	vm5 =	veq.s32 v58, v60;
	[tilespmem:$0xAB0] =	vst v18;
	v22 =	vsel vm0, $0x3F800000, v1;
	vm0 =	vmand vm14, vm15  }
0x1e7: {  	v27 =	vor.u32 s20, v2;
	[tilespmem:$0xAC0] =	vst v22;
	v25 =	vsel vm0, $0x3F800000, v1;
	vm0 =	vmand vm4, vm5  }
0x1e8: {  	vm6 =	veq.s32 v63, v27;
	[tilespmem:$0xAD0] =	vst v25;
	v28 =	vsel vm0, $0x3F800000, v1;
	vm7 =	veq.s32 v3, v21  }
0x1e9: {  	[tilespmem:$0xAE0] =	vst v28;
	v3 =	vsel vm6, v3, v0;
	vm0 =	vmand vm6, vm7  }
0x1ea: {  	[tilespmem:$0x8F0] =	vst v3;
	v3 =	vsel vm0, $0x3F800000, v1  }
0x1eb: {  	[tilespmem:$0xAF0] =	vst v3  }
0x1ec: {  	_ =	swait.ge [sflag:s15], $0x80  }
0x1ed: {  	[sflag:s15] =	ssyncset.done $0x0  }
0x1ee: {  	[sflag:s15] =	ssyncadd.s32 $0xFFFFFF80  }
0x1ef: {  	v3 =	vld [tilespmem:$0x700]  }
0x1f0: {  	v29 =	vld [tilespmem:$0x100]  }
0x1f1: {  	v30 =	vld [tilespmem:$0x300]  }
0x1f2: {  	v31 =	vld [tilespmem:$0x710]  }
0x1f3: {  	v32 =	vld [tilespmem:$0x110]  }
0x1f4: {  	v33 =	vld [tilespmem:$0x310]  }
0x1f5: {  	v34 =	vld [tilespmem:$0x720]  }
0x1f6: {  	v35 =	vld [tilespmem:$0x120]  }
0x1f7: {  	v36 =	vld [tilespmem:$0x320]  }
0x1f8: {  	v37 =	vld [tilespmem:$0x730]  }
0x1f9: {  	v38 =	vld [tilespmem:$0x130]  }
0x1fa: {  	s20 =	sadd.s32 $0x100, s31;
	v39 =	vld [tilespmem:$0x330]  }
0x1fb: {  	v41 =	vor.u32 s20, v2;
	s20 =	sadd.s32 $0x110, s31;
	v40 =	vld [tilespmem:$0x740]  }
0x1fc: {  	v43 =	vor.u32 s20, v2;
	s20 =	sadd.s32 $0x120, s31;
	v42 =	vld [tilespmem:$0x140]  }
0x1fd: {  	v48 =	vor.u32 s20, v2;
	s20 =	sadd.s32 $0x130, s31;
	v44 =	vld [tilespmem:$0x750];
	vm8 =	veq.s32 v3, v41  }
0x1fe: {  	v53 =	vor.u32 s20, v2;
	s20 =	sadd.s32 $0x140, s31;
	v46 =	vld [tilespmem:$0x150];
	vm10 =	veq.s32 v31, v43;
	v4 =	vsel vm8, v29, v0  }
0x1ff: {  	v58 =	vor.u32 s20, v2;
	s20 =	sadd.s32 $0x150, s31;
	v51 =	vld [tilespmem:$0x760];
	vm12 =	veq.s32 v34, v48;
	v47 =	vsel vm10, v32, v0;
	[tilespmem:$0x900] =	vst v4  }
0x200: {  	v62 =	vor.u32 s20, v2;
	s20 =	sadd.s32 $0x160, s31;
	v54 =	vld [tilespmem:$0x160];
	vm14 =	veq.s32 v37, v53;
	v52 =	vsel vm12, v35, v0;
	[tilespmem:$0x910] =	vst v47  }
0x201: {  	v17 =	vor.u32 s20, v2;
	v3 =	vld [tilespmem:$0x340];
	vm4 =	veq.s32 v40, v58;
	v57 =	vsel vm14, v38, v0;
	[tilespmem:$0x920] =	vst v52  }
0x202: {  	v49 =	vld [tilespmem:$0x350];
	vm9 =	veq.s32 v29, v30;
	vm6 =	veq.s32 v44, v62;
	v61 =	vsel vm4, v42, v0;
	[tilespmem:$0x930] =	vst v57  }
0x203: {  	v56 =	vld [tilespmem:$0x360];
	vm11 =	veq.s32 v32, v33;
	vm0 =	vmand vm8, vm9;
	v16 =	vsel vm6, v46, v0;
	[tilespmem:$0x940] =	vst v61  }
0x204: {  	v59 =	vld [tilespmem:$0x770];
	vm13 =	veq.s32 v35, v36;
	vm8 =	veq.s32 v51, v17;
	v45 =	vsel vm0, $0x3F800000, v1;
	[tilespmem:$0x950] =	vst v16  }
0x205: {  	v63 =	vld [tilespmem:$0x370];
	vm15 =	veq.s32 v38, v39;
	vm0 =	vmand vm10, vm11;
	v19 =	vsel vm8, v54, v0;
	[tilespmem:$0xB00] =	vst v45  }
0x206: {  	v50 =	vsel vm0, $0x3F800000, v1;
	vm0 =	vmand vm12, vm13;
	[tilespmem:$0x960] =	vst v19;
	vm5 =	veq.s32 v42, v3;
	v3 =	vld [tilespmem:$0x170]  }
0x207: {  	[tilespmem:$0xB10] =	vst v50;
	v55 =	vsel vm0, $0x3F800000, v1;
	vm0 =	vmand vm14, vm15  }
0x208: {  	vm7 =	veq.s32 v46, v49;
	[tilespmem:$0xB20] =	vst v55;
	v60 =	vsel vm0, $0x3F800000, v1;
	vm0 =	vmand vm4, vm5  }
0x209: {  	s20 =	sadd.s32 $0x170, s31;
	vm9 =	veq.s32 v54, v56;
	[tilespmem:$0xB30] =	vst v60;
	v15 =	vsel vm0, $0x3F800000, v1;
	vm0 =	vmand vm6, vm7  }
0x20a: {  	v20 =	vor.u32 s20, v2;
	[tilespmem:$0xB40] =	vst v15;
	v18 =	vsel vm0, $0x3F800000, v1;
	vm0 =	vmand vm8, vm9  }
0x20b: {  	vm10 =	veq.s32 v59, v20;
	[tilespmem:$0xB50] =	vst v18;
	v21 =	vsel vm0, $0x3F800000, v1;
	vm11 =	veq.s32 v3, v63  }
0x20c: {  	[tilespmem:$0xB60] =	vst v21;
	v3 =	vsel vm10, v3, v0;
	vm0 =	vmand vm10, vm11  }
0x20d: {  	[tilespmem:$0x970] =	vst v3;
	v3 =	vsel vm0, $0x3F800000, v1  }
0x20e: {  	[tilespmem:$0xB70] =	vst v3  }
0x20f: {  	_ =	swait.ge [sflag:s15], $0x80  }
0x210: {  	[sflag:s15] =	ssyncset.done $0x0  }
0x211: {  	[sflag:s15] =	ssyncadd.s32 $0xFFFFFF80  }
0x212: {  	v3 =	vld [tilespmem:$0x780]  }
0x213: {  	v22 =	vld [tilespmem:$0x180]  }
0x214: {  	v23 =	vld [tilespmem:$0x380]  }
0x215: {  	v24 =	vld [tilespmem:$0x790]  }
0x216: {  	v25 =	vld [tilespmem:$0x190]  }
0x217: {  	v26 =	vld [tilespmem:$0x390]  }
0x218: {  	v27 =	vld [tilespmem:$0x7A0]  }
0x219: {  	v28 =	vld [tilespmem:$0x1A0]  }
0x21a: {  	v29 =	vld [tilespmem:$0x3A0]  }
0x21b: {  	v30 =	vld [tilespmem:$0x7B0]  }
0x21c: {  	v31 =	vld [tilespmem:$0x1B0]  }
0x21d: {  	s20 =	sadd.s32 $0x180, s31;
	v32 =	vld [tilespmem:$0x3B0]  }
0x21e: {  	v34 =	vor.u32 s20, v2;
	s20 =	sadd.s32 $0x190, s31;
	v33 =	vld [tilespmem:$0x7C0]  }
0x21f: {  	v36 =	vor.u32 s20, v2;
	s20 =	sadd.s32 $0x1A0, s31;
	v35 =	vld [tilespmem:$0x1C0]  }
0x220: {  	v41 =	vor.u32 s20, v2;
	s20 =	sadd.s32 $0x1B0, s31;
	v37 =	vld [tilespmem:$0x7D0];
	vm12 =	veq.s32 v3, v34  }
0x221: {  	v46 =	vor.u32 s20, v2;
	s20 =	sadd.s32 $0x1C0, s31;
	v39 =	vld [tilespmem:$0x1D0];
	vm14 =	veq.s32 v24, v36;
	v4 =	vsel vm12, v22, v0  }
0x222: {  	v51 =	vor.u32 s20, v2;
	s20 =	sadd.s32 $0x1D0, s31;
	v44 =	vld [tilespmem:$0x7E0];
	vm4 =	veq.s32 v27, v41;
	v40 =	vsel vm14, v25, v0;
	[tilespmem:$0x980] =	vst v4  }
0x223: {  	v55 =	vor.u32 s20, v2;
	s20 =	sadd.s32 $0x1E0, s31;
	v47 =	vld [tilespmem:$0x1E0];
	vm6 =	veq.s32 v30, v46;
	v45 =	vsel vm4, v28, v0;
	[tilespmem:$0x990] =	vst v40  }
0x224: {  	v59 =	vor.u32 s20, v2;
	v3 =	vld [tilespmem:$0x3C0];
	vm8 =	veq.s32 v33, v51;
	v50 =	vsel vm6, v31, v0;
	[tilespmem:$0x9A0] =	vst v45  }
0x225: {  	v42 =	vld [tilespmem:$0x3D0];
	vm13 =	veq.s32 v22, v23;
	vm10 =	veq.s32 v37, v55;
	v54 =	vsel vm8, v35, v0;
	[tilespmem:$0x9B0] =	vst v50  }
0x226: {  	v49 =	vld [tilespmem:$0x3E0];
	vm15 =	veq.s32 v25, v26;
	vm0 =	vmand vm12, vm13;
	v58 =	vsel vm10, v39, v0;
	[tilespmem:$0x9C0] =	vst v54  }
0x227: {  	v52 =	vld [tilespmem:$0x7F0];
	vm5 =	veq.s32 v28, v29;
	vm12 =	veq.s32 v44, v59;
	v38 =	vsel vm0, $0x3F800000, v1;
	[tilespmem:$0x9D0] =	vst v58  }
0x228: {  	v56 =	vld [tilespmem:$0x3F0];
	vm7 =	veq.s32 v31, v32;
	vm0 =	vmand vm14, vm15;
	v61 =	vsel vm12, v47, v0;
	[tilespmem:$0xB80] =	vst v38  }
0x229: {  	v43 =	vsel vm0, $0x3F800000, v1;
	vm0 =	vmand vm4, vm5;
	[tilespmem:$0x9E0] =	vst v61;
	vm9 =	veq.s32 v35, v3;
	v3 =	vld [tilespmem:$0x1F0]  }
0x22a: {  	[tilespmem:$0xB90] =	vst v43;
	v48 =	vsel vm0, $0x3F800000, v1;
	vm0 =	vmand vm6, vm7  }
0x22b: {  	vm11 =	veq.s32 v39, v42;
	[tilespmem:$0xBA0] =	vst v48;
	v53 =	vsel vm0, $0x3F800000, v1;
	vm0 =	vmand vm8, vm9  }
0x22c: {  	s31 =	sadd.s32 $0x1F0, s31;
	vm13 =	veq.s32 v47, v49;
	[tilespmem:$0xBB0] =	vst v53;
	v57 =	vsel vm0, $0x3F800000, v1;
	vm0 =	vmand vm10, vm11  }
0x22d: {  	v62 =	vor.u32 s31, v2;
	[tilespmem:$0xBC0] =	vst v57;
	v60 =	vsel vm0, $0x3F800000, v1;
	vm0 =	vmand vm12, vm13  }
0x22e: {  	vm14 =	veq.s32 v52, v62;
	[tilespmem:$0xBD0] =	vst v60;
	v63 =	vsel vm0, $0x3F800000, v1;
	vm15 =	veq.s32 v3, v56  }
0x22f: {  	[tilespmem:$0xBE0] =	vst v63;
	v3 =	vsel vm14, v3, v0;
	vm0 =	vmand vm14, vm15  }
0x230: {  	[tilespmem:$0x9F0] =	vst v3;
	v3 =	vsel vm0, $0x3F800000, v1  }
0x231: {  	[tilespmem:$0xBF0] =	vst v3  }
0x232: {  	_ =	swait.ge [sflag:s19], $0x4000  }
0x233: {  	[sflag:s19] =	ssyncset.done $0x0  }
0x234: {  	[sflag:s19] =	ssyncadd.s32 $0xFFFFC000  }
0x235: {  	[spmem:s3] =	stream.indirect.scatter.add.f32 [tilespmem:s11], [sflag:$0x3], $0x80, s17, s10, $0xb8;
	[tilespmem:$0x1D2A0] =	vst v63  }
0x236: {  	_ =	swait.ge [sflag:s0], $0x4000  }
0x237: {  	[sflag:s0] =	ssyncset.done $0x0  }
0x238: {  	s20 =	rddreg [dreg:$0x12];
	[sflag:s0] =	ssyncadd.s32 $0xFFFFC000  }
0x239: {  	[spmem:s4] =	stream.indirect.scatter.add.f32 [tilespmem:s20], [sflag:$0x3], $0x1, s17, s10, $0xb8;
	[tilespmem:$0x1D2A0] =	vst v63  }
0x23a: {  	_ =	swait.ge [sflag:s0], $0x80  }
0x23b: {  	[sflag:s0] =	ssyncset.done $0x0  }
0x23c: {  	[sflag:s0] =	ssyncadd.s32 $0xFFFFFF80  }
0x23d: {  	_ =	swait.ge [sflag:s19], $0x4000  }
0x23e: {  	[sflag:s19] =	ssyncset.done $0x0  }
0x23f: {  	[sflag:s19] =	ssyncadd.s32 $0xFFFFC000  }
0x240: {  	[spmem:s3] =	stream.indirect.scatter.add.f32 [tilespmem:s12], [sflag:$0x3], $0x80, s18, s10, $0xb8;
	[tilespmem:$0x1D2A0] =	vst v63  }
0x241: {  	_ =	swait.ge [sflag:s0], $0x4000  }
0x242: {  	[sflag:s0] =	ssyncset.done $0x0  }
0x243: {  	s31 =	rddreg [dreg:$0x13];
	[sflag:s0] =	ssyncadd.s32 $0xFFFFC000  }
0x244: {  	[spmem:s4] =	stream.indirect.scatter.add.f32 [tilespmem:s31], [sflag:$0x3], $0x1, s18, s10, $0xb8;
	[tilespmem:$0x1D2A0] =	vst v63  }
0x245: {  	_ =	swait.ge [sflag:s0], $0x80  }
0x246: {  	[sflag:s0] =	ssyncset.done $0x0  }
0x247: {  	[sflag:s0] =	ssyncadd.s32 $0xFFFFFF80  }
0x248: {  	_ =	swait.ge [sflag:s19], $0x4000  }
0x249: {  	[sflag:s19] =	ssyncset.done $0x0  }
0x24a: {  	[sflag:s19] =	ssyncadd.s32 $0xFFFFC000  }
0x24b: {  	[spmem:s3] =	stream.indirect.scatter.add.f32 [tilespmem:s13], [sflag:$0x3], $0x80, s23, s10, $0xb8;
	[tilespmem:$0x1D2A0] =	vst v63  }
0x24c: {  	_ =	swait.ge [sflag:s0], $0x4000  }
0x24d: {  	[sflag:s0] =	ssyncset.done $0x0  }
0x24e: {  	s20 =	rddreg [dreg:$0x14];
	[sflag:s0] =	ssyncadd.s32 $0xFFFFC000  }
0x24f: {  	[spmem:s4] =	stream.indirect.scatter.add.f32 [tilespmem:s20], [sflag:$0x3], $0x1, s23, s10, $0xb8;
	[tilespmem:$0x1D2A0] =	vst v63  }
0x250: {  	_ =	swait.ge [sflag:s0], $0x80  }
0x251: {  	[sflag:s0] =	ssyncset.done $0x0  }
0x252: {  	[sflag:s0] =	ssyncadd.s32 $0xFFFFFF80  }
0x253: {  	_ =	swait.ge [sflag:s19], $0x4000  }
0x254: {  	[sflag:s19] =	ssyncset.done $0x0  }
0x255: {  	[sflag:s19] =	ssyncadd.s32 $0xFFFFC000  }
0x256: {  	[spmem:s3] =	stream.indirect.scatter.add.f32 [tilespmem:s14], [sflag:$0x3], $0x80, s24, s10, $0xb8;
	[tilespmem:$0x1D2A0] =	vst v63  }
0x257: {  	_ =	swait.ge [sflag:s0], $0x4000  }
0x258: {  	p0 =	sne.s32 s30, $0xE00;
	[sflag:s0] =	ssyncset.done $0x0  }
.Ltmp0:
0x259: {  	s31 =	rddreg [dreg:$0x15];
	[sflag:s0] =	ssyncadd.s32 $0xFFFFC000;
	(pc) =	sbr.rel @p0 .LBB2_2-.Ltmp0, $4  }
0x25a: {  	[spmem:s4] =	stream.indirect.scatter.add.f32 [tilespmem:s31], [sflag:$0x3], $0x1, s24, s10, $0xb8;
	[tilespmem:$0x1D2A0] =	vst v63  }
0x25b: {  	_ =	swait.ge [sflag:s0], $0x80  }
0x25c: {  	s28 =	sadd.s32 $0x40, s28;
	[sflag:s0] =	ssyncset.done $0x0  }
0x25d: {  	s29 =	sadd.s32 $0x40, s29;
	s30 =	sadd.s32 $0x200, s30;
	[sflag:s0] =	ssyncadd.s32 $0xFFFFFF80  }
0x25e: {  	[bflag:$0x0] =	sbarrier.arrive $0xFFFF  }
0x25f: {  	[tilespmem:s25], [sflag:$0x3] =	stream.linear.gather [spmem:s7], $0x3000, $0x38;
	[tilespmem:$0x1D2A0] =	vst v63  }
0x260: {  	_ =	swait.ge [sflag:s0], $0x3000  }
0x261: {  	[sflag:s0] =	ssyncset.done $0x0  }
0x262: {  	s8 =	rddreg [dreg:$0x1b];
	[sflag:s0] =	ssyncadd.s32 $0xFFFFD000  }
0x263: {  	[hbm4b:s8+s5] =	stream.linear.scatter [tilespmem:s25], [sflag:$0x3], $0x3000, $0x38;
	[tilespmem:$0x1D2A0] =	vst v63  }
0x264: {  	_ =	swait.ge [sflag:s0], $0x3000  }
0x265: {  	s20 =	sld [smem:$0x7FD]  }
0x266: {  	[sflag:s0] =	ssyncset.done $0x0  }
0x267: {  	[sflag:s0] =	ssyncadd.s32 $0xFFFFD000  }
0x268: {  	[tilespmem:s25], [sflag:$0x3] =	stream.linear.gather [spmem:s20], $0x3000, $0x38;
	[tilespmem:$0x1D2A0] =	vst v63  }
0x269: {  	_ =	swait.ge [sflag:s0], $0x3000  }
0x26a: {  	[sflag:s0] =	ssyncset.done $0x0  }
0x26b: {  	s31 =	rddreg [dreg:$0x1c];
	[sflag:s0] =	ssyncadd.s32 $0xFFFFD000  }
0x26c: {  	[hbm4b:s31+s5] =	stream.linear.scatter [tilespmem:s25], [sflag:$0x3], $0x3000, $0x38;
	[tilespmem:$0x1D2A0] =	vst v63  }
0x26d: {  	_ =	swait.ge [sflag:s0], $0x3000  }
0x26e: {  	[sflag:s0] =	ssyncset.done $0x0  }
0x26f: {  	[sflag:s0] =	ssyncadd.s32 $0xFFFFD000  }
0x270: {  	[tilespmem:s25], [sflag:$0x3] =	stream.linear.gather [spmem:s22], $0x3000, $0x38;
	[tilespmem:$0x1D2A0] =	vst v63  }
0x271: {  	_ =	swait.ge [sflag:s0], $0x3000  }
0x272: {  	[sflag:s0] =	ssyncset.done $0x0  }
0x273: {  	s31 =	rddreg [dreg:$0x1d];
	[sflag:s0] =	ssyncadd.s32 $0xFFFFD000  }
0x274: {  	[hbm4b:s31+s5] =	stream.linear.scatter [tilespmem:s25], [sflag:$0x3], $0x3000, $0x38;
	[tilespmem:$0x1D2A0] =	vst v63  }
0x275: {  	_ =	swait.ge [sflag:s0], $0x3000  }
0x276: {  	[sflag:s0] =	ssyncset.done $0x0  }
0x277: {  	s30 =	simm.s32 $0x11000;
	[sflag:s0] =	ssyncadd.s32 $0xFFFFD000  }
0x278: {  	[tilespmem:s30], [sflag:$0x3] =	stream.linear.gather [spmem:s21], $0x120, $0x38;
	[tilespmem:$0x1D2A0] =	vst v63  }
0x279: {  	_ =	swait.ge [sflag:s0], $0x120  }
0x27a: {  	s28 =	smov.u32 s22;
	s22 =	sld [smem:$0x7E0]  }
0x27b: {  	[sflag:s0] =	ssyncset.done $0x0  }
0x27c: {  	[sflag:s0] =	ssyncadd.s32 $0xFFFFFEE0  }
0x27d: {  	[hbm4b:s22+s5] =	stream.linear.scatter [tilespmem:s30], [sflag:$0x3], $0x120, $0x38;
	[tilespmem:$0x1D2A0] =	vst v63  }
0x27e: {  	_ =	swait.ge [sflag:s0], $0x120  }
0x27f: {  	s31 =	sld [smem:$0x7E1];
	_ =	sdelay $0x1  }
0x280: {  	s26 =	sadd.s32 $0x1, s26  }
0x281: {  	p0 =	sne.s32 s26, s31  }
.Ltmp1:
0x282: {  	_ = 	snop;
	(pc) =	sbr.rel @p0 .LBB2_1-.Ltmp1, $3  }
0x283: {  	_ =	sdelay $0x1  }
0x284: {  	[sflag:s0] =	ssyncset.done $0x0  }
0x285: {  	s29 =	smov.u32 s21;
	[sflag:s0] =	ssyncadd.s32 $0xFFFFFEE0  }
0x286: {  	_ =	sfence.sel $0x180000  }
0x287: {  	[bflag:$0x0] =	sbarrier.arrive $0xFFFF  }
0x288: {  	_ =	strace $0x9000004A  }
0x289: {  	s0 =	stileid.u32;
	[bflag:$0x2] =	sbarrier.arrive $0xFFFF  }
0x28a: {  	p0 =	sne.s32 s0, $0x0;
	s0 =	rddreg [dreg:$0x6]  }
0x28b: {  	s0 =	sadd.s32 @!p0 $0x100000, s0  }
0x28c: {  	[sflag:s0] =	ssyncadd.tile.s32 @!p0 $0x1;
	_ =	shalt  }
.Lfunc_end2:
_tile_overlayer_lowered:
.L_overlay_start_2:
0x28d: {  	(tag) =	ssettag $0x2  }
0x28e: {  	s0 =	rddreg [dreg:$0x0];
	s2 =	stileid.u32  }
0x28f: {  	s1 =	rddreg [dreg:$0x1];
	p0 =	sne.s32 s2, $0x0  }
0x290: {  	s3 =	rddreg [dreg:$0x2];
	[bflag:$0x3] =	sbarrier.arrive $0xFFFF;
	s2 =	simm.s32 @!p0 $0x1C03  }
0x291: {  	[timem:s3], [sflag:s2] =	dma.local @!p0 [hbm:s0], s1  }
0x292: {  	s0 =	simm.s32 @!p0 $0x3  }
0x293: {  	_ =	swait.ge @!p0 [sflag:s0], s1  }
0x294: {  	s1 =	ssub.s32 @!p0 $0x0, s1;
	[sflag:s0] =	ssyncset.done @!p0 $0x0  }
0x295: {  	[sflag:s0] =	ssyncadd.s32 @!p0 s1  }
0x296: {  	[bflag:$0x3] =	sbarrier.arrive $0xFFFF  }
0x297: {  	_ =	shalt  }

</sc_bundles>
